<compile_context>
chip_gen: v7x
topology: tpu7x:2x2x1
jax: 0.10.2.dev20260603
libtpu: 0.0.44.dev20260713+nightly
codegen_flags: <defaults>
</compile_context>

<pallas_src>
import functools

import jax
import jax.numpy as jnp
from jax import lax
from jax.experimental import pallas as pl
from jax.experimental.pallas import tpu as pltpu
from jax.experimental.pallas import tpu_sc as plsc

_NC = 2
_NS = 16
_LANES = 16
_CH_ROWS = 4
_NODE_BLK = 1024


def _nrsqrt(x):
    k = lax.bitcast_convert_type(x, jnp.int32)
    y = lax.bitcast_convert_type(jnp.int32(0x5F3759DF) - (k >> 1), jnp.float32)
    for _ in range(3):
        y = y * (1.5 - 0.5 * x * y * y)
    return y


def _node_body(at_ref, rf_ref, pf_ref, bt_ref, pos_ref, pi_ref, tab_ref,
               wf0_ref, wf1_ref, wf2_ref, wf3_ref, t_ref, wt1_ref, wt2_ref,
               wtt_ref, packI_ref, packJ_ref):
    f32 = jnp.float32
    B = at_ref.shape[0]
    NT = tab_ref.shape[0]
    G = t_ref.shape[0]
    aoh = (at_ref[...] == lax.broadcasted_iota(jnp.int32, (B, NT), 1)).astype(f32)
    ae = jnp.dot(aoh, tab_ref[...], preferred_element_type=f32)
    wfs = (wf0_ref, wf1_ref, wf2_ref, wf3_ref)

    def featsum(ref):
        acc = None
        for f in range(4):
            oh = (ref[:, f:f + 1] == lax.broadcasted_iota(jnp.int32, (B, 10), 1)).astype(f32)
            v = jnp.dot(oh, wfs[f][...], preferred_element_type=f32)
            acc = v if acc is None else acc + v
        return acc

    rW = featsum(rf_ref)
    pW = featsum(pf_ref)
    boh = (bt_ref[...] == lax.broadcasted_iota(jnp.int32, (B, G), 1)).astype(f32)
    tn = jnp.dot(boh, t_ref[...], preferred_element_type=f32)
    abcd = (jnp.dot(ae * rW, wt1_ref[...], preferred_element_type=f32)
            + jnp.dot(ae * pW, wt2_ref[...], preferred_element_type=f32)
            + tn * wtt_ref[...])
    packI_ref[...] = jnp.concatenate([pos_ref[...], pi_ref[...]], axis=1)
    packJ_ref[...] = jnp.concatenate(
        [pos_ref[...], pi_ref[...], abcd, jnp.zeros((B, 4), f32)], axis=1)


def _node_tables(atom_type, r_feat, p_feat, batch, pos4, pi4, table, W_feat,
                 t, Wt1, Wt2, wtt, Npad):
    nblk = Npad // _NODE_BLK
    row = lambda b: (b, 0)
    rep = lambda b: (0, 0)
    blk = lambda c: pl.BlockSpec((_NODE_BLK, c), row)
    full = lambda a: pl.BlockSpec(a.shape, rep)
    wf = [W_feat[10 * f:10 * (f + 1)] for f in range(4)]
    return pl.pallas_call(
        _node_body,
        grid=(nblk,),
        in_specs=[blk(1), blk(4), blk(4), blk(1), blk(4), blk(4),
                  full(table), full(wf[0]), full(wf[1]), full(wf[2]),
                  full(wf[3]), full(t), full(Wt1), full(Wt2), full(wtt)],
        out_specs=[blk(8), blk(32)],
        out_shape=[jax.ShapeDtypeStruct((Npad, 8), jnp.float32),
                   jax.ShapeDtypeStruct((Npad, 32), jnp.float32)],
    )(atom_type, r_feat, p_feat, batch, pos4, pi4, table, wf[0], wf[1],
      wf[2], wf[3], t, Wt1, Wt2, wtt)


_SC_MESH = dict(core_axis_name="c", subcore_axis_name="s",
                num_cores=_NC, num_subcores=_NS)
_SC_PARAMS = dict(
    compiler_params=pltpu.CompilerParams(needs_layout_passes=False,
                                         use_tc_tiling_on_sc=False))


def _make_edge_kernel(Npad, Epad, NCH):
    NW = _NC * _NS
    R = _CH_ROWS
    CH = R * 128
    edges_w = NCH * CH
    A4 = Npad * 4

    @functools.partial(
        pl.kernel,
        out_type=jax.ShapeDtypeStruct((NW, A4), jnp.float32),
        mesh=plsc.VectorSubcoreMesh(**_SC_MESH),
        **_SC_PARAMS,
        scratch_types=[
            *[pltpu.VMEM((CH,), jnp.int32) for _ in range(8)],
            *[pltpu.VMEM((128, 8), jnp.float32) for _ in range(2 * R)],
            *[pltpu.VMEM((128, 32), jnp.float32) for _ in range(2 * R)],
            pltpu.VMEM((A4,), jnp.float32),
            pltpu.SemaphoreType.DMA,
            pltpu.SemaphoreType.DMA,
            pltpu.SemaphoreType.DMA,
            pltpu.SemaphoreType.DMA,
        ],
    )
    def edge_kernel(ei_hbm, ej_hbm, etr_hbm, etp_hbm, packI_hbm, packJ_hbm,
                    out_hbm, *rest):
        idxb = [rest[0:4], rest[4:8]]
        bufI = [rest[8:8 + R], rest[8 + R:8 + 2 * R]]
        bufJ = [rest[8 + 2 * R:8 + 3 * R], rest[8 + 3 * R:8 + 4 * R]]
        acc = rest[8 + 4 * R]
        semi = [rest[8 + 4 * R + 1], rest[8 + 4 * R + 2]]
        semg = [rest[8 + 4 * R + 3], rest[8 + 4 * R + 4]]
        cid = lax.axis_index("c")
        sid = lax.axis_index("s")
        wid = cid * _NS + sid
        lanes = lax.iota(jnp.int32, _LANES)
        cc = lambda c: jnp.full((_LANES,), c, jnp.int32)

        def zero_body(k, c):
            plsc.store_scatter(acc, [k * _LANES + lanes],
                               jnp.zeros((_LANES,), jnp.float32))
            return c
        lax.fori_loop(0, A4 // _LANES, zero_body, 0)

        base = wid * edges_w
        ehbm = [ei_hbm, ej_hbm, etr_hbm, etp_hbm]

        def fire_idx(ch, p):
            e0 = base + ch * CH
            for a in range(4):
                pltpu.async_copy(ehbm[a].at[pl.ds(e0, CH)], idxb[p][a],
                                 semi[p])

        def wait_idx(p):
            for a in range(4):
                pltpu.make_async_copy(ehbm[a].at[pl.ds(0, CH)], idxb[p][a],
                                      semi[p]).wait()

        def fire_gather(p):
            iv, jv = idxb[p][0], idxb[p][1]
            for r in range(R):
                pltpu.async_copy(packI_hbm.at[iv.at[pl.ds(r * 128, 128)]],
                                 bufI[p][r], semg[p])
                pltpu.async_copy(packJ_hbm.at[jv.at[pl.ds(r * 128, 128)]],
                                 bufJ[p][r], semg[p])

        def wait_gather(p):
            iv, jv = idxb[p][0], idxb[p][1]
            for r in range(R):
                pltpu.make_async_copy(
                    packI_hbm.at[iv.at[pl.ds(r * 128, 128)]],
                    bufI[p][r], semg[p]).wait()
                pltpu.make_async_copy(
                    packJ_hbm.at[jv.at[pl.ds(r * 128, 128)]],
                    bufJ[p][r], semg[p]).wait()

        def compute(p):
            iv, erv, epv = idxb[p][0], idxb[p][2], idxb[p][3]
            for r in range(R):
                def rs_body(s, c2, r=r):
                    li = s * _LANES + lanes
                    e_l = r * 128 + s * _LANES

                    def colI(c):
                        return plsc.load_gather(bufI[p][r], [li, cc(c)])

                    def colJ(cv):
                        return plsc.load_gather(bufJ[p][r], [li, cv])

                    pix, piy, piz = colI(0), colI(1), colI(2)
                    qix, qiy, qiz = colI(4), colI(5), colI(6)
                    pjx, pjy, pjz = colJ(cc(0)), colJ(cc(1)), colJ(cc(2))
                    qjx, qjy, qjz = colJ(cc(4)), colJ(cc(5)), colJ(cc(6))
                    etr = erv[pl.ds(e_l, _LANES)]
                    etp = epv[pl.ds(e_l, _LANES)]
                    Av = colJ(8 + etr)
                    Bv = colJ(13 + etr)
                    Cv = colJ(18 + etp)
                    Dv = colJ(23 + etp)
                    ival = iv[pl.ds(e_l, _LANES)]
                    dx = pix - pjx
                    dy = piy - pjy
                    dz = piz - pjz
                    dd = dx * dx + dy * dy + dz * dz + 1e-8
                    y = _nrsqrt(dd)
                    tx = qix - qjx
                    ty = qiy - qjy
                    tz = qiz - qjz
                    ddT = tx * tx + ty * ty + tz * tz + 1e-8
                    yT = _nrsqrt(ddT)
                    coef = (dd * y) * (Av + Cv) + (ddT * yT) * (Bv + Dv)
                    sc = coef * y
                    i4 = ival * 4
                    plsc.addupdate_scatter(acc, [i4], sc * dx)
                    plsc.addupdate_scatter(acc, [i4 + 1], sc * dy)
                    plsc.addupdate_scatter(acc, [i4 + 2], sc * dz)
                    return c2

                lax.fori_loop(0, 8, rs_body, 0)

        fire_idx(0, 0)
        fire_idx(1, 1)
        wait_idx(0)
        fire_gather(0)

        def pair_body(k, carry):
            a = 2 * k
            wait_idx(1)
            fire_gather(1)
            wait_gather(0)
            compute(0)
            fire_idx(a + 2, 0)
            wait_gather(1)
            wait_idx(0)
            fire_gather(0)
            compute(1)
            fire_idx(a + 3, 1)
            return carry

        lax.fori_loop(0, NCH // 2, pair_body, 0)
        wait_gather(0)
        wait_idx(1)
        drain = A4 // 8
        for k in range(8):
            pltpu.sync_copy(acc.at[pl.ds(k * drain, drain)],
                            out_hbm.at[wid, pl.ds(k * drain, drain)])

    return edge_kernel


def _make_reduce_kernel(Npad):
    NW = _NC * _NS
    A4 = Npad * 4
    SL = A4 // NW

    @functools.partial(
        pl.kernel,
        out_type=jax.ShapeDtypeStruct((A4,), jnp.float32),
        mesh=plsc.VectorSubcoreMesh(**_SC_MESH),
        **_SC_PARAMS,
        scratch_types=[
            pltpu.VMEM((NW, SL), jnp.float32),
            pltpu.VMEM((SL,), jnp.float32),
            pltpu.SemaphoreType.DMA,
        ],
    )
    def reduce_kernel(parts_hbm, out_hbm, tmp, outv, sem):
        cid = lax.axis_index("c")
        sid = lax.axis_index("s")
        wid = cid * _NS + sid
        o0 = wid * SL
        lanes = lax.iota(jnp.int32, _LANES)
        cps = [pltpu.async_copy(parts_hbm.at[k, pl.ds(o0, SL)],
                                tmp.at[k], sem) for k in range(NW)]
        for cp in cps:
            cp.wait()

        def body(g, c):
            li = g * _LANES + lanes
            s = plsc.load_gather(tmp, [jnp.full((_LANES,), 0, jnp.int32), li])
            for k in range(1, NW):
                s = s + plsc.load_gather(
                    tmp, [jnp.full((_LANES,), k, jnp.int32), li])
            plsc.store_scatter(outv, [li], s)
            return c
        lax.fori_loop(0, SL // _LANES, body, 0)
        pltpu.sync_copy(outv, out_hbm.at[pl.ds(o0, SL)])

    return reduce_kernel


def kernel(atom_type, r_feat, p_feat, pos, pos_init, t, batch, edge_index,
           edge_type_r, edge_type_p, atom_emb_table, W_feat, W_node,
           edge_type_emb, W_dist, W_cat, W_msg, W_scalar):
    N = atom_type.shape[0]
    E = edge_index.shape[1]
    H = W_node.shape[1]

    ws = W_scalar[:, 0]
    Wc1, Wc2 = W_cat[:H], W_cat[H:]
    M0 = edge_type_emb * W_dist[0][None, :]
    M1 = edge_type_emb * W_dist[1][None, :]
    G = jnp.concatenate([M0 @ Wc1, M1 @ Wc1, M0 @ Wc2, M1 @ Wc2], axis=0)
    Wtot = W_node @ (W_msg * ws[None, :]) @ G.T
    Wt1, Wt2, wtt = Wtot[:H // 2], Wtot[H // 2:H], Wtot[H:]

    Npad = -(-N // (_NODE_BLK * 2)) * (_NODE_BLK * 2)
    pad_n = Npad - N
    i32 = jnp.int32
    at2 = jnp.pad(atom_type.astype(i32), (0, pad_n)).reshape(Npad, 1)
    bt2 = jnp.pad(batch.astype(i32), (0, pad_n)).reshape(Npad, 1)
    rf2 = jnp.pad(r_feat.astype(i32), ((0, pad_n), (0, 0)))
    pf2 = jnp.pad(p_feat.astype(i32), ((0, pad_n), (0, 0)))
    pos4 = jnp.pad(pos, ((0, pad_n), (0, 1)))
    pi4 = jnp.pad(pos_init, ((0, pad_n), (0, 1)))

    packI, packJ = _node_tables(at2, rf2, pf2, bt2, pos4, pi4,
                                atom_emb_table, W_feat, t.reshape(-1, 1),
                                Wt1, Wt2, wtt, Npad)

    CH = _CH_ROWS * 128
    chunk = _NC * _NS * CH
    NCH = -(-E // chunk)
    NCH = NCH + (NCH % 2)
    Epad = NCH * chunk
    pad_e = Epad - E + 2 * CH
    ei = jnp.pad(edge_index[0].astype(i32), (0, pad_e))
    ej = jnp.pad(edge_index[1].astype(i32), (0, pad_e))
    er = jnp.pad(edge_type_r.astype(i32), (0, pad_e))
    ep = jnp.pad(edge_type_p.astype(i32), (0, pad_e))

    ek = _make_edge_kernel(Npad, Epad, NCH)
    parts = ek(ei, ej, er, ep, packI, packJ)
    eps = _make_reduce_kernel(Npad)(parts)
    return eps.reshape(Npad, 4)[:N, :3]

# --- scband reference (transcript-rebuilt; emitter-appended) ---
"""Pipeline reference for scband-equivariant-encoder-eps-network-76295799046770 (READ-ONLY COPY).

The authoritative reference and input builder live on the scoring server;
editing this copy changes nothing except your own understanding.
"""

import jax, jax.numpy as jnp
import numpy as np


def setup_inputs(seed: int = 0) -> dict:
    key = jax.random.key(seed)
    ks = jax.random.split(key, 18)
    N = 10000; E = 320000; H = 128; NT = 100; NF = 4; NE = 5; G = 64
    s = 0.05
    inp = {}
    inp['atom_type'] = jax.random.randint(ks[0], (N,), 0, NT)
    inp['r_feat'] = jax.random.randint(ks[1], (N, NF), 0, 10)
    inp['p_feat'] = jax.random.randint(ks[2], (N, NF), 0, 10)
    inp['pos'] = jax.random.normal(ks[3], (N, 3), dtype=jnp.float32)
    inp['pos_init'] = jax.random.normal(ks[4], (N, 3), dtype=jnp.float32)
    inp['t'] = jax.random.uniform(ks[5], (G,), dtype=jnp.float32)
    inp['batch'] = jnp.sort(jax.random.randint(ks[6], (N,), 0, G))
    inp['edge_index'] = jax.random.randint(ks[7], (2, E), 0, N)
    inp['edge_type_r'] = jax.random.randint(ks[8], (E,), 0, NE)
    inp['edge_type_p'] = jax.random.randint(ks[9], (E,), 0, NE)
    # learned parameters sized per init_kwargs
    inp['atom_emb_table'] = jax.random.normal(ks[10], (NT, H // 2), dtype=jnp.float32) * s
    inp['W_feat'] = jax.random.normal(ks[11], (NF * 10, H // 2), dtype=jnp.float32) * s
    inp['W_node'] = jax.random.normal(ks[12], (H + 1, H), dtype=jnp.float32) * s
    inp['edge_type_emb'] = jax.random.normal(ks[13], (NE, H), dtype=jnp.float32) * s
    inp['W_dist'] = jax.random.normal(ks[14], (2, H), dtype=jnp.float32) * s
    inp['W_cat'] = jax.random.normal(ks[15], (2 * H, H), dtype=jnp.float32) * s
    inp['W_msg'] = jax.random.normal(ks[16], (H, H), dtype=jnp.float32) * s
    inp['W_scalar'] = jax.random.normal(ks[17], (H, 1), dtype=jnp.float32) * s
    return inp


def reference(atom_type, r_feat, p_feat, pos, pos_init, t, batch, edge_index,
              edge_type_r, edge_type_p, atom_emb_table, W_feat, W_node,
              edge_type_emb, W_dist, W_cat, W_msg, W_scalar):
    N = atom_type.shape[0]
    # AtomEncoder: embedding lookup + one-hot feature linear, elementwise product
    atom_emb = atom_emb_table[atom_type]
    r_oh = jax.nn.one_hot(r_feat, 10, dtype=jnp.float32).reshape(N, -1)
    p_oh = jax.nn.one_hot(p_feat, 10, dtype=jnp.float32).reshape(N, -1)
    h1 = atom_emb * (r_oh @ W_feat)
    h2 = atom_emb * (p_oh @ W_feat)
    h = jnp.concatenate([h1, h2], axis=-1)
    # append per-node diffusion time t (gathered by graph batch id)
    t_node = t[batch][:, None]
    h = jnp.concatenate([h, t_node], axis=-1)
    z = h @ W_node
    # bond embedding from current and initial geometry distances
    i, j = edge_index[0], edge_index[1]
    dvec = pos[i] - pos[j]
    dist = jnp.sqrt(jnp.sum(dvec * dvec, axis=-1) + 1e-8)
    dvec_T = pos_init[i] - pos_init[j]
    dist_T = jnp.sqrt(jnp.sum(dvec_T * dvec_T, axis=-1) + 1e-8)
    dfeat = jnp.stack([dist, dist_T], axis=-1) @ W_dist
    attr_r = edge_type_emb[edge_type_r] * dfeat
    attr_p = edge_type_emb[edge_type_p] * dfeat
    edge_attr = jnp.concatenate([attr_r, attr_p], axis=-1) @ W_cat
    # equivariant message passing: scalar message modulates relative direction
    m = edge_attr * (z[j] @ W_msg)
    coef = m @ W_scalar
    eps_pos = jax.ops.segment_sum(coef * (dvec / dist[:, None]), i, num_segments=N)
    return eps_pos

if __name__ == "__main__":
    import jax
    _d = setup_inputs()
    print(jax.jit(kernel)(*tuple(_d.values())))

</pallas_src>

<mosaic_0001>
#map = affine_map<(d0, d1) -> (0)>
#map1 = affine_map<(d0, d1) -> (0, 0)>
module attributes {stable_mosaic.version = 14 : i64} {
  func.func @edge_kernel(%arg0: i32, %arg1: i32, %arg2: memref<328704xi32, #tpu.memory_space<hbm>>, %arg3: memref<328704xi32, #tpu.memory_space<hbm>>, %arg4: memref<328704xi32, #tpu.memory_space<hbm>>, %arg5: memref<328704xi32, #tpu.memory_space<hbm>>, %arg6: memref<10240x8xf32, #tpu.memory_space<hbm>>, %arg7: memref<10240x32xf32, #tpu.memory_space<hbm>>, %arg8: memref<32x40960xf32, #tpu.memory_space<hbm>>, %arg9: memref<512xi32, #tpu.memory_space<vmem>>, %arg10: memref<512xi32, #tpu.memory_space<vmem>>, %arg11: memref<512xi32, #tpu.memory_space<vmem>>, %arg12: memref<512xi32, #tpu.memory_space<vmem>>, %arg13: memref<512xi32, #tpu.memory_space<vmem>>, %arg14: memref<512xi32, #tpu.memory_space<vmem>>, %arg15: memref<512xi32, #tpu.memory_space<vmem>>, %arg16: memref<512xi32, #tpu.memory_space<vmem>>, %arg17: memref<128x8xf32, #tpu.memory_space<vmem>>, %arg18: memref<128x8xf32, #tpu.memory_space<vmem>>, %arg19: memref<128x8xf32, #tpu.memory_space<vmem>>, %arg20: memref<128x8xf32, #tpu.memory_space<vmem>>, %arg21: memref<128x8xf32, #tpu.memory_space<vmem>>, %arg22: memref<128x8xf32, #tpu.memory_space<vmem>>, %arg23: memref<128x8xf32, #tpu.memory_space<vmem>>, %arg24: memref<128x8xf32, #tpu.memory_space<vmem>>, %arg25: memref<128x32xf32, #tpu.memory_space<vmem>>, %arg26: memref<128x32xf32, #tpu.memory_space<vmem>>, %arg27: memref<128x32xf32, #tpu.memory_space<vmem>>, %arg28: memref<128x32xf32, #tpu.memory_space<vmem>>, %arg29: memref<128x32xf32, #tpu.memory_space<vmem>>, %arg30: memref<128x32xf32, #tpu.memory_space<vmem>>, %arg31: memref<128x32xf32, #tpu.memory_space<vmem>>, %arg32: memref<128x32xf32, #tpu.memory_space<vmem>>, %arg33: memref<40960xf32, #tpu.memory_space<vmem>>, %arg34: memref<!tpu.dma_semaphore, #tpu.memory_space<semaphore_mem>>, %arg35: memref<!tpu.dma_semaphore, #tpu.memory_space<semaphore_mem>>, %arg36: memref<!tpu.dma_semaphore, #tpu.memory_space<semaphore_mem>>, %arg37: memref<!tpu.dma_semaphore, #tpu.memory_space<semaphore_mem>>) attributes {dimension_semantics = [#tpu.dimension_semantics<core_parallel>, #tpu.dimension_semantics<subcore_parallel>], iteration_bounds = array<i64: 2, 16>, scalar_prefetch = 0 : i64, scratch_operands = 29 : i64, tpu.core_type = #tpu.core_type<sc_vector_subcore>, window_params = [{transform_indices = #map}, {transform_indices = #map}, {transform_indices = #map}, {transform_indices = #map}, {transform_indices = #map1}, {transform_indices = #map1}, {transform_indices = #map1}]} {
    %mul3A = arith.constant 16 : i32
    %mul3A_0 = arith.muli %arg0, %mul3A : i32
    %add3A = arith.addi %mul3A_0, %arg1 : i32
    %iota3A = tpu.iota {dimensions = array<i32: 0>} : vector<16xi32>
    %scan3A = arith.constant 0 : i32
    %scan3A_1 = arith.constant 0 : i32
    %scan3A_2 = arith.constant 2560 : i32
    %scan3A_3 = arith.addi %scan3A_1, %scan3A_2 : i32
    %scan3A_4 = arith.constant 1 : i32
    scf.for %scan3A_144 = %scan3A_1 to %scan3A_3 step %scan3A_4  : i32 {
      %mul3A_145 = arith.constant 16 : i32
      %mul3A_146 = arith.muli %scan3A_144, %mul3A_145 : i32
      %add3A_147 = vector.broadcast %mul3A_146 : i32 to vector<16xi32>
      %add3A_148 = arith.addi %add3A_147, %iota3A : vector<16xi32>
      %broadcast_in_dim3A = arith.constant 0.000000e+00 : f32
      %broadcast_in_dim3A_149 = vector.broadcast %broadcast_in_dim3A : f32 to vector<16xf32>
      tpu.vector_store_idx %arg33[%add3A_148], %broadcast_in_dim3A_149 : memref<40960xf32, #tpu.memory_space<vmem>>[vector<16xi32>], vector<16xf32>,
    }
    %scan3A_5 = arith.constant 2560 : i32
    %mul3A_6 = arith.constant 10240 : i32
    %mul3A_7 = arith.muli %add3A, %mul3A_6 : i32
    %add3A_8 = arith.constant 0 : i32
    %add3A_9 = arith.addi %mul3A_7, %add3A_8 : i32
    %dma_start3A = tpu.memref_slice %arg2[%add3A_9] : memref<328704xi32, #tpu.memory_space<hbm>> -> memref<512xi32, #tpu.memory_space<hbm>>
    %dma_start3A_10 = tpu.memref_slice %arg2[%add3A_9] : memref<328704xi32, #tpu.memory_space<hbm>> -> memref<512xi32, #tpu.memory_space<hbm>>
    tpu.enqueue_dma source(%dma_start3A_10 : memref<512xi32, #tpu.memory_space<hbm>>) target(%arg9 : memref<512xi32, #tpu.memory_space<vmem>>) target_semaphore(%arg34 : memref<!tpu.dma_semaphore, #tpu.memory_space<semaphore_mem>>)
    %dma_start3A_11 = tpu.memref_slice %arg3[%add3A_9] : memref<328704xi32, #tpu.memory_space<hbm>> -> memref<512xi32, #tpu.memory_space<hbm>>
    %dma_start3A_12 = tpu.memref_slice %arg3[%add3A_9] : memref<328704xi32, #tpu.memory_space<hbm>> -> memref<512xi32, #tpu.memory_space<hbm>>
    tpu.enqueue_dma source(%dma_start3A_12 : memref<512xi32, #tpu.memory_space<hbm>>) target(%arg10 : memref<512xi32, #tpu.memory_space<vmem>>) target_semaphore(%arg34 : memref<!tpu.dma_semaphore, #tpu.memory_space<semaphore_mem>>)
    %dma_start3A_13 = tpu.memref_slice %arg4[%add3A_9] : memref<328704xi32, #tpu.memory_space<hbm>> -> memref<512xi32, #tpu.memory_space<hbm>>
    %dma_start3A_14 = tpu.memref_slice %arg4[%add3A_9] : memref<328704xi32, #tpu.memory_space<hbm>> -> memref<512xi32, #tpu.memory_space<hbm>>
    tpu.enqueue_dma source(%dma_start3A_14 : memref<512xi32, #tpu.memory_space<hbm>>) target(%arg11 : memref<512xi32, #tpu.memory_space<vmem>>) target_semaphore(%arg34 : memref<!tpu.dma_semaphore, #tpu.memory_space<semaphore_mem>>)
    %dma_start3A_15 = tpu.memref_slice %arg5[%add3A_9] : memref<328704xi32, #tpu.memory_space<hbm>> -> memref<512xi32, #tpu.memory_space<hbm>>
    %dma_start3A_16 = tpu.memref_slice %arg5[%add3A_9] : memref<328704xi32, #tpu.memory_space<hbm>> -> memref<512xi32, #tpu.memory_space<hbm>>
    tpu.enqueue_dma source(%dma_start3A_16 : memref<512xi32, #tpu.memory_space<hbm>>) target(%arg12 : memref<512xi32, #tpu.memory_space<vmem>>) target_semaphore(%arg34 : memref<!tpu.dma_semaphore, #tpu.memory_space<semaphore_mem>>)
    %add3A_17 = arith.constant 512 : i32
    %add3A_18 = arith.addi %mul3A_7, %add3A_17 : i32
    %dma_start3A_19 = tpu.memref_slice %arg2[%add3A_18] : memref<328704xi32, #tpu.memory_space<hbm>> -> memref<512xi32, #tpu.memory_space<hbm>>
    %dma_start3A_20 = tpu.memref_slice %arg2[%add3A_18] : memref<328704xi32, #tpu.memory_space<hbm>> -> memref<512xi32, #tpu.memory_space<hbm>>
    tpu.enqueue_dma source(%dma_start3A_20 : memref<512xi32, #tpu.memory_space<hbm>>) target(%arg13 : memref<512xi32, #tpu.memory_space<vmem>>) target_semaphore(%arg35 : memref<!tpu.dma_semaphore, #tpu.memory_space<semaphore_mem>>)
    %dma_start3A_21 = tpu.memref_slice %arg3[%add3A_18] : memref<328704xi32, #tpu.memory_space<hbm>> -> memref<512xi32, #tpu.memory_space<hbm>>
    %dma_start3A_22 = tpu.memref_slice %arg3[%add3A_18] : memref<328704xi32, #tpu.memory_space<hbm>> -> memref<512xi32, #tpu.memory_space<hbm>>
    tpu.enqueue_dma source(%dma_start3A_22 : memref<512xi32, #tpu.memory_space<hbm>>) target(%arg14 : memref<512xi32, #tpu.memory_space<vmem>>) target_semaphore(%arg35 : memref<!tpu.dma_semaphore, #tpu.memory_space<semaphore_mem>>)
    %dma_start3A_23 = tpu.memref_slice %arg4[%add3A_18] : memref<328704xi32, #tpu.memory_space<hbm>> -> memref<512xi32, #tpu.memory_space<hbm>>
    %dma_start3A_24 = tpu.memref_slice %arg4[%add3A_18] : memref<328704xi32, #tpu.memory_space<hbm>> -> memref<512xi32, #tpu.memory_space<hbm>>
    tpu.enqueue_dma source(%dma_start3A_24 : memref<512xi32, #tpu.memory_space<hbm>>) target(%arg15 : memref<512xi32, #tpu.memory_space<vmem>>) target_semaphore(%arg35 : memref<!tpu.dma_semaphore, #tpu.memory_space<semaphore_mem>>)
    %dma_start3A_25 = tpu.memref_slice %arg5[%add3A_18] : memref<328704xi32, #tpu.memory_space<hbm>> -> memref<512xi32, #tpu.memory_space<hbm>>
    %dma_start3A_26 = tpu.memref_slice %arg5[%add3A_18] : memref<328704xi32, #tpu.memory_space<hbm>> -> memref<512xi32, #tpu.memory_space<hbm>>
    tpu.enqueue_dma source(%dma_start3A_26 : memref<512xi32, #tpu.memory_space<hbm>>) target(%arg16 : memref<512xi32, #tpu.memory_space<vmem>>) target_semaphore(%arg35 : memref<!tpu.dma_semaphore, #tpu.memory_space<semaphore_mem>>)
    %dma_wait3A = arith.constant 0 : i32
    %dma_wait3A_27 = tpu.memref_slice %arg2[%dma_wait3A] : memref<328704xi32, #tpu.memory_space<hbm>> -> memref<512xi32, #tpu.memory_space<hbm>>
    %dma_wait3A_28 = arith.constant 0 : i32
    %dma_wait3A_29 = tpu.memref_slice %arg2[%dma_wait3A_28] : memref<328704xi32, #tpu.memory_space<hbm>> -> memref<512xi32, #tpu.memory_space<hbm>>
    tpu.wait_dma2 semaphore(%arg34 : memref<!tpu.dma_semaphore, #tpu.memory_space<semaphore_mem>>) src(%dma_wait3A_29 : memref<512xi32, #tpu.memory_space<hbm>>) dst(%arg9 : memref<512xi32, #tpu.memory_space<vmem>>)
    %dma_wait3A_30 = arith.constant 0 : i32
    %dma_wait3A_31 = tpu.memref_slice %arg3[%dma_wait3A_30] : memref<328704xi32, #tpu.memory_space<hbm>> -> memref<512xi32, #tpu.memory_space<hbm>>
    %dma_wait3A_32 = arith.constant 0 : i32
    %dma_wait3A_33 = tpu.memref_slice %arg3[%dma_wait3A_32] : memref<328704xi32, #tpu.memory_space<hbm>> -> memref<512xi32, #tpu.memory_space<hbm>>
    tpu.wait_dma2 semaphore(%arg34 : memref<!tpu.dma_semaphore, #tpu.memory_space<semaphore_mem>>) src(%dma_wait3A_33 : memref<512xi32, #tpu.memory_space<hbm>>) dst(%arg10 : memref<512xi32, #tpu.memory_space<vmem>>)
    %dma_wait3A_34 = arith.constant 0 : i32
    %dma_wait3A_35 = tpu.memref_slice %arg4[%dma_wait3A_34] : memref<328704xi32, #tpu.memory_space<hbm>> -> memref<512xi32, #tpu.memory_space<hbm>>
    %dma_wait3A_36 = arith.constant 0 : i32
    %dma_wait3A_37 = tpu.memref_slice %arg4[%dma_wait3A_36] : memref<328704xi32, #tpu.memory_space<hbm>> -> memref<512xi32, #tpu.memory_space<hbm>>
    tpu.wait_dma2 semaphore(%arg34 : memref<!tpu.dma_semaphore, #tpu.memory_space<semaphore_mem>>) src(%dma_wait3A_37 : memref<512xi32, #tpu.memory_space<hbm>>) dst(%arg11 : memref<512xi32, #tpu.memory_space<vmem>>)
    %dma_wait3A_38 = arith.constant 0 : i32
    %dma_wait3A_39 = tpu.memref_slice %arg5[%dma_wait3A_38] : memref<328704xi32, #tpu.memory_space<hbm>> -> memref<512xi32, #tpu.memory_space<hbm>>
    %dma_wait3A_40 = arith.constant 0 : i32
    %dma_wait3A_41 = tpu.memref_slice %arg5[%dma_wait3A_40] : memref<328704xi32, #tpu.memory_space<hbm>> -> memref<512xi32, #tpu.memory_space<hbm>>
    tpu.wait_dma2 semaphore(%arg34 : memref<!tpu.dma_semaphore, #tpu.memory_space<semaphore_mem>>) src(%dma_wait3A_41 : memref<512xi32, #tpu.memory_space<hbm>>) dst(%arg12 : memref<512xi32, #tpu.memory_space<vmem>>)
    %dma_start3A_42 = arith.constant 0 : i32
    %dma_start3A_43 = tpu.memref_slice %arg9[%dma_start3A_42] : memref<512xi32, #tpu.memory_space<vmem>> -> memref<128xi32, #tpu.memory_space<vmem>>
    %dma_start3A_44 = arith.constant 0 : i32
    %dma_start3A_45 = arith.constant 0 : i32
    %dma_start3A_46 = tpu.memref_slice %arg6[%dma_start3A_44, %dma_start3A_45] : memref<10240x8xf32, #tpu.memory_space<hbm>> -> memref<10240x8xf32, #tpu.memory_space<hbm>>
    tpu.enqueue_indirect_dma source(%dma_start3A_46 : memref<10240x8xf32, #tpu.memory_space<hbm>>) target(%arg17 : memref<128x8xf32, #tpu.memory_space<vmem>>) offsets(%dma_start3A_43 : memref<128xi32, #tpu.memory_space<vmem>>) semaphore(%arg36 : memref<!tpu.dma_semaphore, #tpu.memory_space<semaphore_mem>>)
    %dma_start3A_47 = arith.constant 0 : i32
    %dma_start3A_48 = tpu.memref_slice %arg10[%dma_start3A_47] : memref<512xi32, #tpu.memory_space<vmem>> -> memref<128xi32, #tpu.memory_space<vmem>>
    %dma_start3A_49 = arith.constant 0 : i32
    %dma_start3A_50 = arith.constant 0 : i32
    %dma_start3A_51 = tpu.memref_slice %arg7[%dma_start3A_49, %dma_start3A_50] : memref<10240x32xf32, #tpu.memory_space<hbm>> -> memref<10240x32xf32, #tpu.memory_space<hbm>>
    tpu.enqueue_indirect_dma source(%dma_start3A_51 : memref<10240x32xf32, #tpu.memory_space<hbm>>) target(%arg25 : memref<128x32xf32, #tpu.memory_space<vmem>>) offsets(%dma_start3A_48 : memref<128xi32, #tpu.memory_space<vmem>>) semaphore(%arg36 : memref<!tpu.dma_semaphore, #tpu.memory_space<semaphore_mem>>)
    %dma_start3A_52 = arith.constant 128 : i32
    %dma_start3A_53 = tpu.memref_slice %arg9[%dma_start3A_52] : memref<512xi32, #tpu.memory_space<vmem>> -> memref<128xi32, #tpu.memory_space<vmem>>
    %dma_start3A_54 = arith.constant 0 : i32
    %dma_start3A_55 = arith.constant 0 : i32
    %dma_start3A_56 = tpu.memref_slice %arg6[%dma_start3A_54, %dma_start3A_55] : memref<10240x8xf32, #tpu.memory_space<hbm>> -> memref<10240x8xf32, #tpu.memory_space<hbm>>
    tpu.enqueue_indirect_dma source(%dma_start3A_56 : memref<10240x8xf32, #tpu.memory_space<hbm>>) target(%arg18 : memref<128x8xf32, #tpu.memory_space<vmem>>) offsets(%dma_start3A_53 : memref<128xi32, #tpu.memory_space<vmem>>) semaphore(%arg36 : memref<!tpu.dma_semaphore, #tpu.memory_space<semaphore_mem>>)
    %dma_start3A_57 = arith.constant 128 : i32
    %dma_start3A_58 = tpu.memref_slice %arg10[%dma_start3A_57] : memref<512xi32, #tpu.memory_space<vmem>> -> memref<128xi32, #tpu.memory_space<vmem>>
    %dma_start3A_59 = arith.constant 0 : i32
    %dma_start3A_60 = arith.constant 0 : i32
    %dma_start3A_61 = tpu.memref_slice %arg7[%dma_start3A_59, %dma_start3A_60] : memref<10240x32xf32, #tpu.memory_space<hbm>> -> memref<10240x32xf32, #tpu.memory_space<hbm>>
    tpu.enqueue_indirect_dma source(%dma_start3A_61 : memref<10240x32xf32, #tpu.memory_space<hbm>>) target(%arg26 : memref<128x32xf32, #tpu.memory_space<vmem>>) offsets(%dma_start3A_58 : memref<128xi32, #tpu.memory_space<vmem>>) semaphore(%arg36 : memref<!tpu.dma_semaphore, #tpu.memory_space<semaphore_mem>>)
    %dma_start3A_62 = arith.constant 256 : i32
    %dma_start3A_63 = tpu.memref_slice %arg9[%dma_start3A_62] : memref<512xi32, #tpu.memory_space<vmem>> -> memref<128xi32, #tpu.memory_space<vmem>>
    %dma_start3A_64 = arith.constant 0 : i32
    %dma_start3A_65 = arith.constant 0 : i32
    %dma_start3A_66 = tpu.memref_slice %arg6[%dma_start3A_64, %dma_start3A_65] : memref<10240x8xf32, #tpu.memory_space<hbm>> -> memref<10240x8xf32, #tpu.memory_space<hbm>>
    tpu.enqueue_indirect_dma source(%dma_start3A_66 : memref<10240x8xf32, #tpu.memory_space<hbm>>) target(%arg19 : memref<128x8xf32, #tpu.memory_space<vmem>>) offsets(%dma_start3A_63 : memref<128xi32, #tpu.memory_space<vmem>>) semaphore(%arg36 : memref<!tpu.dma_semaphore, #tpu.memory_space<semaphore_mem>>)
    %dma_start3A_67 = arith.constant 256 : i32
    %dma_start3A_68 = tpu.memref_slice %arg10[%dma_start3A_67] : memref<512xi32, #tpu.memory_space<vmem>> -> memref<128xi32, #tpu.memory_space<vmem>>
    %dma_start3A_69 = arith.constant 0 : i32
    %dma_start3A_70 = arith.constant 0 : i32
    %dma_start3A_71 = tpu.memref_slice %arg7[%dma_start3A_69, %dma_start3A_70] : memref<10240x32xf32, #tpu.memory_space<hbm>> -> memref<10240x32xf32, #tpu.memory_space<hbm>>
    tpu.enqueue_indirect_dma source(%dma_start3A_71 : memref<10240x32xf32, #tpu.memory_space<hbm>>) target(%arg27 : memref<128x32xf32, #tpu.memory_space<vmem>>) offsets(%dma_start3A_68 : memref<128xi32, #tpu.memory_space<vmem>>) semaphore(%arg36 : memref<!tpu.dma_semaphore, #tpu.memory_space<semaphore_mem>>)
    %dma_start3A_72 = arith.constant 384 : i32
    %dma_start3A_73 = tpu.memref_slice %arg9[%dma_start3A_72] : memref<512xi32, #tpu.memory_space<vmem>> -> memref<128xi32, #tpu.memory_space<vmem>>
    %dma_start3A_74 = arith.constant 0 : i32
    %dma_start3A_75 = arith.constant 0 : i32
    %dma_start3A_76 = tpu.memref_slice %arg6[%dma_start3A_74, %dma_start3A_75] : memref<10240x8xf32, #tpu.memory_space<hbm>> -> memref<10240x8xf32, #tpu.memory_space<hbm>>
    tpu.enqueue_indirect_dma source(%dma_start3A_76 : memref<10240x8xf32, #tpu.memory_space<hbm>>) target(%arg20 : memref<128x8xf32, #tpu.memory_space<vmem>>) offsets(%dma_start3A_73 : memref<128xi32, #tpu.memory_space<vmem>>) semaphore(%arg36 : memref<!tpu.dma_semaphore, #tpu.memory_space<semaphore_mem>>)
    %dma_start3A_77 = arith.constant 384 : i32
    %dma_start3A_78 = tpu.memref_slice %arg10[%dma_start3A_77] : memref<512xi32, #tpu.memory_space<vmem>> -> memref<128xi32, #tpu.memory_space<vmem>>
    %dma_start3A_79 = arith.constant 0 : i32
    %dma_start3A_80 = arith.constant 0 : i32
    %dma_start3A_81 = tpu.memref_slice %arg7[%dma_start3A_79, %dma_start3A_80] : memref<10240x32xf32, #tpu.memory_space<hbm>> -> memref<10240x32xf32, #tpu.memory_space<hbm>>
    tpu.enqueue_indirect_dma source(%dma_start3A_81 : memref<10240x32xf32, #tpu.memory_space<hbm>>) target(%arg28 : memref<128x32xf32, #tpu.memory_space<vmem>>) offsets(%dma_start3A_78 : memref<128xi32, #tpu.memory_space<vmem>>) semaphore(%arg36 : memref<!tpu.dma_semaphore, #tpu.memory_space<semaphore_mem>>)
    %scan3A_82 = arith.constant 0 : i32
    %scan3A_83 = arith.constant 0 : i32
    %scan3A_84 = arith.constant 10 : i32
    %scan3A_85 = arith.addi %scan3A_83, %scan3A_84 : i32
    %scan3A_86 = arith.constant 1 : i32
    scf.for %scan3A_144 = %scan3A_83 to %scan3A_85 step %scan3A_86  : i32 {
      %mul3A_145 = arith.constant 2 : i32
      %mul3A_146 = arith.muli %mul3A_145, %scan3A_144 : i32
      %dma_wait3A_147 = arith.constant 0 : i32
      %dma_wait3A_148 = tpu.memref_slice %arg2[%dma_wait3A_147] : memref<328704xi32, #tpu.memory_space<hbm>> -> memref<512xi32, #tpu.memory_space<hbm>>
      %dma_wait3A_149 = arith.constant 0 : i32
      %dma_wait3A_150 = tpu.memref_slice %arg2[%dma_wait3A_149] : memref<328704xi32, #tpu.memory_space<hbm>> -> memref<512xi32, #tpu.memory_space<hbm>>
      tpu.wait_dma2 semaphore(%arg35 : memref<!tpu.dma_semaphore, #tpu.memory_space<semaphore_mem>>) src(%dma_wait3A_150 : memref<512xi32, #tpu.memory_space<hbm>>) dst(%arg13 : memref<512xi32, #tpu.memory_space<vmem>>)
      %dma_wait3A_151 = arith.constant 0 : i32
      %dma_wait3A_152 = tpu.memref_slice %arg3[%dma_wait3A_151] : memref<328704xi32, #tpu.memory_space<hbm>> -> memref<512xi32, #tpu.memory_space<hbm>>
      %dma_wait3A_153 = arith.constant 0 : i32
      %dma_wait3A_154 = tpu.memref_slice %arg3[%dma_wait3A_153] : memref<328704xi32, #tpu.memory_space<hbm>> -> memref<512xi32, #tpu.memory_space<hbm>>
      tpu.wait_dma2 semaphore(%arg35 : memref<!tpu.dma_semaphore, #tpu.memory_space<semaphore_mem>>) src(%dma_wait3A_154 : memref<512xi32, #tpu.memory_space<hbm>>) dst(%arg14 : memref<512xi32, #tpu.memory_space<vmem>>)
      %dma_wait3A_155 = arith.constant 0 : i32
      %dma_wait3A_156 = tpu.memref_slice %arg4[%dma_wait3A_155] : memref<328704xi32, #tpu.memory_space<hbm>> -> memref<512xi32, #tpu.memory_space<hbm>>
      %dma_wait3A_157 = arith.constant 0 : i32
      %dma_wait3A_158 = tpu.memref_slice %arg4[%dma_wait3A_157] : memref<328704xi32, #tpu.memory_space<hbm>> -> memref<512xi32, #tpu.memory_space<hbm>>
      tpu.wait_dma2 semaphore(%arg35 : memref<!tpu.dma_semaphore, #tpu.memory_space<semaphore_mem>>) src(%dma_wait3A_158 : memref<512xi32, #tpu.memory_space<hbm>>) dst(%arg15 : memref<512xi32, #tpu.memory_space<vmem>>)
      %dma_wait3A_159 = arith.constant 0 : i32
      %dma_wait3A_160 = tpu.memref_slice %arg5[%dma_wait3A_159] : memref<328704xi32, #tpu.memory_space<hbm>> -> memref<512xi32, #tpu.memory_space<hbm>>
      %dma_wait3A_161 = arith.constant 0 : i32
      %dma_wait3A_162 = tpu.memref_slice %arg5[%dma_wait3A_161] : memref<328704xi32, #tpu.memory_space<hbm>> -> memref<512xi32, #tpu.memory_space<hbm>>
      tpu.wait_dma2 semaphore(%arg35 : memref<!tpu.dma_semaphore, #tpu.memory_space<semaphore_mem>>) src(%dma_wait3A_162 : memref<512xi32, #tpu.memory_space<hbm>>) dst(%arg16 : memref<512xi32, #tpu.memory_space<vmem>>)
      %dma_start3A_163 = arith.constant 0 : i32
      %dma_start3A_164 = tpu.memref_slice %arg13[%dma_start3A_163] : memref<512xi32, #tpu.memory_space<vmem>> -> memref<128xi32, #tpu.memory_space<vmem>>
      %dma_start3A_165 = arith.constant 0 : i32
      %dma_start3A_166 = arith.constant 0 : i32
      %dma_start3A_167 = tpu.memref_slice %arg6[%dma_start3A_165, %dma_start3A_166] : memref<10240x8xf32, #tpu.memory_space<hbm>> -> memref<10240x8xf32, #tpu.memory_space<hbm>>
      tpu.enqueue_indirect_dma source(%dma_start3A_167 : memref<10240x8xf32, #tpu.memory_space<hbm>>) target(%arg21 : memref<128x8xf32, #tpu.memory_space<vmem>>) offsets(%dma_start3A_164 : memref<128xi32, #tpu.memory_space<vmem>>) semaphore(%arg37 : memref<!tpu.dma_semaphore, #tpu.memory_space<semaphore_mem>>)
      %dma_start3A_168 = arith.constant 0 : i32
      %dma_start3A_169 = tpu.memref_slice %arg14[%dma_start3A_168] : memref<512xi32, #tpu.memory_space<vmem>> -> memref<128xi32, #tpu.memory_space<vmem>>
      %dma_start3A_170 = arith.constant 0 : i32
      %dma_start3A_171 = arith.constant 0 : i32
      %dma_start3A_172 = tpu.memref_slice %arg7[%dma_start3A_170, %dma_start3A_171] : memref<10240x32xf32, #tpu.memory_space<hbm>> -> memref<10240x32xf32, #tpu.memory_space<hbm>>
      tpu.enqueue_indirect_dma source(%dma_start3A_172 : memref<10240x32xf32, #tpu.memory_space<hbm>>) target(%arg29 : memref<128x32xf32, #tpu.memory_space<vmem>>) offsets(%dma_start3A_169 : memref<128xi32, #tpu.memory_space<vmem>>) semaphore(%arg37 : memref<!tpu.dma_semaphore, #tpu.memory_space<semaphore_mem>>)
      %dma_start3A_173 = arith.constant 128 : i32
      %dma_start3A_174 = tpu.memref_slice %arg13[%dma_start3A_173] : memref<512xi32, #tpu.memory_space<vmem>> -> memref<128xi32, #tpu.memory_space<vmem>>
      %dma_start3A_175 = arith.constant 0 : i32
      %dma_start3A_176 = arith.constant 0 : i32
      %dma_start3A_177 = tpu.memref_slice %arg6[%dma_start3A_175, %dma_start3A_176] : memref<10240x8xf32, #tpu.memory_space<hbm>> -> memref<10240x8xf32, #tpu.memory_space<hbm>>
      tpu.enqueue_indirect_dma source(%dma_start3A_177 : memref<10240x8xf32, #tpu.memory_space<hbm>>) target(%arg22 : memref<128x8xf32, #tpu.memory_space<vmem>>) offsets(%dma_start3A_174 : memref<128xi32, #tpu.memory_space<vmem>>) semaphore(%arg37 : memref<!tpu.dma_semaphore, #tpu.memory_space<semaphore_mem>>)
      %dma_start3A_178 = arith.constant 128 : i32
      %dma_start3A_179 = tpu.memref_slice %arg14[%dma_start3A_178] : memref<512xi32, #tpu.memory_space<vmem>> -> memref<128xi32, #tpu.memory_space<vmem>>
      %dma_start3A_180 = arith.constant 0 : i32
      %dma_start3A_181 = arith.constant 0 : i32
      %dma_start3A_182 = tpu.memref_slice %arg7[%dma_start3A_180, %dma_start3A_181] : memref<10240x32xf32, #tpu.memory_space<hbm>> -> memref<10240x32xf32, #tpu.memory_space<hbm>>
      tpu.enqueue_indirect_dma source(%dma_start3A_182 : memref<10240x32xf32, #tpu.memory_space<hbm>>) target(%arg30 : memref<128x32xf32, #tpu.memory_space<vmem>>) offsets(%dma_start3A_179 : memref<128xi32, #tpu.memory_space<vmem>>) semaphore(%arg37 : memref<!tpu.dma_semaphore, #tpu.memory_space<semaphore_mem>>)
      %dma_start3A_183 = arith.constant 256 : i32
      %dma_start3A_184 = tpu.memref_slice %arg13[%dma_start3A_183] : memref<512xi32, #tpu.memory_space<vmem>> -> memref<128xi32, #tpu.memory_space<vmem>>
      %dma_start3A_185 = arith.constant 0 : i32
      %dma_start3A_186 = arith.constant 0 : i32
      %dma_start3A_187 = tpu.memref_slice %arg6[%dma_start3A_185, %dma_start3A_186] : memref<10240x8xf32, #tpu.memory_space<hbm>> -> memref<10240x8xf32, #tpu.memory_space<hbm>>
      tpu.enqueue_indirect_dma source(%dma_start3A_187 : memref<10240x8xf32, #tpu.memory_space<hbm>>) target(%arg23 : memref<128x8xf32, #tpu.memory_space<vmem>>) offsets(%dma_start3A_184 : memref<128xi32, #tpu.memory_space<vmem>>) semaphore(%arg37 : memref<!tpu.dma_semaphore, #tpu.memory_space<semaphore_mem>>)
      %dma_start3A_188 = arith.constant 256 : i32
      %dma_start3A_189 = tpu.memref_slice %arg14[%dma_start3A_188] : memref<512xi32, #tpu.memory_space<vmem>> -> memref<128xi32, #tpu.memory_space<vmem>>
      %dma_start3A_190 = arith.constant 0 : i32
      %dma_start3A_191 = arith.constant 0 : i32
      %dma_start3A_192 = tpu.memref_slice %arg7[%dma_start3A_190, %dma_start3A_191] : memref<10240x32xf32, #tpu.memory_space<hbm>> -> memref<10240x32xf32, #tpu.memory_space<hbm>>
      tpu.enqueue_indirect_dma source(%dma_start3A_192 : memref<10240x32xf32, #tpu.memory_space<hbm>>) target(%arg31 : memref<128x32xf32, #tpu.memory_space<vmem>>) offsets(%dma_start3A_189 : memref<128xi32, #tpu.memory_space<vmem>>) semaphore(%arg37 : memref<!tpu.dma_semaphore, #tpu.memory_space<semaphore_mem>>)
      %dma_start3A_193 = arith.constant 384 : i32
      %dma_start3A_194 = tpu.memref_slice %arg13[%dma_start3A_193] : memref<512xi32, #tpu.memory_space<vmem>> -> memref<128xi32, #tpu.memory_space<vmem>>
      %dma_start3A_195 = arith.constant 0 : i32
      %dma_start3A_196 = arith.constant 0 : i32
      %dma_start3A_197 = tpu.memref_slice %arg6[%dma_start3A_195, %dma_start3A_196] : memref<10240x8xf32, #tpu.memory_space<hbm>> -> memref<10240x8xf32, #tpu.memory_space<hbm>>
      tpu.enqueue_indirect_dma source(%dma_start3A_197 : memref<10240x8xf32, #tpu.memory_space<hbm>>) target(%arg24 : memref<128x8xf32, #tpu.memory_space<vmem>>) offsets(%dma_start3A_194 : memref<128xi32, #tpu.memory_space<vmem>>) semaphore(%arg37 : memref<!tpu.dma_semaphore, #tpu.memory_space<semaphore_mem>>)
      %dma_start3A_198 = arith.constant 384 : i32
      %dma_start3A_199 = tpu.memref_slice %arg14[%dma_start3A_198] : memref<512xi32, #tpu.memory_space<vmem>> -> memref<128xi32, #tpu.memory_space<vmem>>
      %dma_start3A_200 = arith.constant 0 : i32
      %dma_start3A_201 = arith.constant 0 : i32
      %dma_start3A_202 = tpu.memref_slice %arg7[%dma_start3A_200, %dma_start3A_201] : memref<10240x32xf32, #tpu.memory_space<hbm>> -> memref<10240x32xf32, #tpu.memory_space<hbm>>
      tpu.enqueue_indirect_dma source(%dma_start3A_202 : memref<10240x32xf32, #tpu.memory_space<hbm>>) target(%arg32 : memref<128x32xf32, #tpu.memory_space<vmem>>) offsets(%dma_start3A_199 : memref<128xi32, #tpu.memory_space<vmem>>) semaphore(%arg37 : memref<!tpu.dma_semaphore, #tpu.memory_space<semaphore_mem>>)
      %dma_wait3A_203 = arith.constant 0 : i32
      %dma_wait3A_204 = tpu.memref_slice %arg9[%dma_wait3A_203] : memref<512xi32, #tpu.memory_space<vmem>> -> memref<128xi32, #tpu.memory_space<vmem>>
      %dma_wait3A_205 = arith.constant 0 : i32
      %dma_wait3A_206 = arith.constant 0 : i32
      %dma_wait3A_207 = tpu.memref_slice %arg6[%dma_wait3A_205, %dma_wait3A_206] : memref<10240x8xf32, #tpu.memory_space<hbm>> -> memref<10240x8xf32, #tpu.memory_space<hbm>>
      tpu.wait_indirect_dma semaphore(%arg36 : memref<!tpu.dma_semaphore, #tpu.memory_space<semaphore_mem>>) src(%dma_wait3A_207 : memref<10240x8xf32, #tpu.memory_space<hbm>>) dst(%arg17 : memref<128x8xf32, #tpu.memory_space<vmem>>)
      %dma_wait3A_208 = arith.constant 0 : i32
      %dma_wait3A_209 = tpu.memref_slice %arg10[%dma_wait3A_208] : memref<512xi32, #tpu.memory_space<vmem>> -> memref<128xi32, #tpu.memory_space<vmem>>
      %dma_wait3A_210 = arith.constant 0 : i32
      %dma_wait3A_211 = arith.constant 0 : i32
      %dma_wait3A_212 = tpu.memref_slice %arg7[%dma_wait3A_210, %dma_wait3A_211] : memref<10240x32xf32, #tpu.memory_space<hbm>> -> memref<10240x32xf32, #tpu.memory_space<hbm>>
      tpu.wait_indirect_dma semaphore(%arg36 : memref<!tpu.dma_semaphore, #tpu.memory_space<semaphore_mem>>) src(%dma_wait3A_212 : memref<10240x32xf32, #tpu.memory_space<hbm>>) dst(%arg25 : memref<128x32xf32, #tpu.memory_space<vmem>>)
      %dma_wait3A_213 = arith.constant 128 : i32
      %dma_wait3A_214 = tpu.memref_slice %arg9[%dma_wait3A_213] : memref<512xi32, #tpu.memory_space<vmem>> -> memref<128xi32, #tpu.memory_space<vmem>>
      %dma_wait3A_215 = arith.constant 0 : i32
      %dma_wait3A_216 = arith.constant 0 : i32
      %dma_wait3A_217 = tpu.memref_slice %arg6[%dma_wait3A_215, %dma_wait3A_216] : memref<10240x8xf32, #tpu.memory_space<hbm>> -> memref<10240x8xf32, #tpu.memory_space<hbm>>
      tpu.wait_indirect_dma semaphore(%arg36 : memref<!tpu.dma_semaphore, #tpu.memory_space<semaphore_mem>>) src(%dma_wait3A_217 : memref<10240x8xf32, #tpu.memory_space<hbm>>) dst(%arg18 : memref<128x8xf32, #tpu.memory_space<vmem>>)
      %dma_wait3A_218 = arith.constant 128 : i32
      %dma_wait3A_219 = tpu.memref_slice %arg10[%dma_wait3A_218] : memref<512xi32, #tpu.memory_space<vmem>> -> memref<128xi32, #tpu.memory_space<vmem>>
      %dma_wait3A_220 = arith.constant 0 : i32
      %dma_wait3A_221 = arith.constant 0 : i32
      %dma_wait3A_222 = tpu.memref_slice %arg7[%dma_wait3A_220, %dma_wait3A_221] : memref<10240x32xf32, #tpu.memory_space<hbm>> -> memref<10240x32xf32, #tpu.memory_space<hbm>>
      tpu.wait_indirect_dma semaphore(%arg36 : memref<!tpu.dma_semaphore, #tpu.memory_space<semaphore_mem>>) src(%dma_wait3A_222 : memref<10240x32xf32, #tpu.memory_space<hbm>>) dst(%arg26 : memref<128x32xf32, #tpu.memory_space<vmem>>)
      %dma_wait3A_223 = arith.constant 256 : i32
      %dma_wait3A_224 = tpu.memref_slice %arg9[%dma_wait3A_223] : memref<512xi32, #tpu.memory_space<vmem>> -> memref<128xi32, #tpu.memory_space<vmem>>
      %dma_wait3A_225 = arith.constant 0 : i32
      %dma_wait3A_226 = arith.constant 0 : i32
      %dma_wait3A_227 = tpu.memref_slice %arg6[%dma_wait3A_225, %dma_wait3A_226] : memref<10240x8xf32, #tpu.memory_space<hbm>> -> memref<10240x8xf32, #tpu.memory_space<hbm>>
      tpu.wait_indirect_dma semaphore(%arg36 : memref<!tpu.dma_semaphore, #tpu.memory_space<semaphore_mem>>) src(%dma_wait3A_227 : memref<10240x8xf32, #tpu.memory_space<hbm>>) dst(%arg19 : memref<128x8xf32, #tpu.memory_space<vmem>>)
      %dma_wait3A_228 = arith.constant 256 : i32
      %dma_wait3A_229 = tpu.memref_slice %arg10[%dma_wait3A_228] : memref<512xi32, #tpu.memory_space<vmem>> -> memref<128xi32, #tpu.memory_space<vmem>>
      %dma_wait3A_230 = arith.constant 0 : i32
      %dma_wait3A_231 = arith.constant 0 : i32
      %dma_wait3A_232 = tpu.memref_slice %arg7[%dma_wait3A_230, %dma_wait3A_231] : memref<10240x32xf32, #tpu.memory_space<hbm>> -> memref<10240x32xf32, #tpu.memory_space<hbm>>
      tpu.wait_indirect_dma semaphore(%arg36 : memref<!tpu.dma_semaphore, #tpu.memory_space<semaphore_mem>>) src(%dma_wait3A_232 : memref<10240x32xf32, #tpu.memory_space<hbm>>) dst(%arg27 : memref<128x32xf32, #tpu.memory_space<vmem>>)
      %dma_wait3A_233 = arith.constant 384 : i32
      %dma_wait3A_234 = tpu.memref_slice %arg9[%dma_wait3A_233] : memref<512xi32, #tpu.memory_space<vmem>> -> memref<128xi32, #tpu.memory_space<vmem>>
      %dma_wait3A_235 = arith.constant 0 : i32
      %dma_wait3A_236 = arith.constant 0 : i32
      %dma_wait3A_237 = tpu.memref_slice %arg6[%dma_wait3A_235, %dma_wait3A_236] : memref<10240x8xf32, #tpu.memory_space<hbm>> -> memref<10240x8xf32, #tpu.memory_space<hbm>>
      tpu.wait_indirect_dma semaphore(%arg36 : memref<!tpu.dma_semaphore, #tpu.memory_space<semaphore_mem>>) src(%dma_wait3A_237 : memref<10240x8xf32, #tpu.memory_space<hbm>>) dst(%arg20 : memref<128x8xf32, #tpu.memory_space<vmem>>)
      %dma_wait3A_238 = arith.constant 384 : i32
      %dma_wait3A_239 = tpu.memref_slice %arg10[%dma_wait3A_238] : memref<512xi32, #tpu.memory_space<vmem>> -> memref<128xi32, #tpu.memory_space<vmem>>
      %dma_wait3A_240 = arith.constant 0 : i32
      %dma_wait3A_241 = arith.constant 0 : i32
      %dma_wait3A_242 = tpu.memref_slice %arg7[%dma_wait3A_240, %dma_wait3A_241] : memref<10240x32xf32, #tpu.memory_space<hbm>> -> memref<10240x32xf32, #tpu.memory_space<hbm>>
      tpu.wait_indirect_dma semaphore(%arg36 : memref<!tpu.dma_semaphore, #tpu.memory_space<semaphore_mem>>) src(%dma_wait3A_242 : memref<10240x32xf32, #tpu.memory_space<hbm>>) dst(%arg28 : memref<128x32xf32, #tpu.memory_space<vmem>>)
      %scan3A_243 = arith.constant 0 : i32
      %scan3A_244 = arith.constant 0 : i32
      %scan3A_245 = arith.constant 8 : i32
      %scan3A_246 = arith.addi %scan3A_244, %scan3A_245 : i32
      %scan3A_247 = arith.constant 1 : i32
      scf.for %scan3A_413 = %scan3A_244 to %scan3A_246 step %scan3A_247  : i32 {
        %mul3A_414 = arith.constant 16 : i32
        %mul3A_415 = arith.muli %scan3A_413, %mul3A_414 : i32
        %add3A_416 = vector.broadcast %mul3A_415 : i32 to vector<16xi32>
        %add3A_417 = arith.addi %add3A_416, %iota3A : vector<16xi32>
        %mul3A_418 = arith.constant 16 : i32
        %mul3A_419 = arith.muli %scan3A_413, %mul3A_418 : i32
        %add3A_420 = arith.constant 0 : i32
        %add3A_421 = arith.addi %add3A_420, %mul3A_419 : i32
        %broadcast_in_dim3A = arith.constant 0 : i32
        %broadcast_in_dim3A_422 = vector.broadcast %broadcast_in_dim3A : i32 to vector<16xi32>
        %gather3A = tpu.vector_load_idx %arg17[%add3A_417, %broadcast_in_dim3A_422] : memref<128x8xf32, #tpu.memory_space<vmem>>[vector<16xi32>, vector<16xi32>], vector<16xf32>,
        %broadcast_in_dim3A_423 = arith.constant 1 : i32
        %broadcast_in_dim3A_424 = vector.broadcast %broadcast_in_dim3A_423 : i32 to vector<16xi32>
        %gather3A_425 = tpu.vector_load_idx %arg17[%add3A_417, %broadcast_in_dim3A_424] : memref<128x8xf32, #tpu.memory_space<vmem>>[vector<16xi32>, vector<16xi32>], vector<16xf32>,
        %broadcast_in_dim3A_426 = arith.constant 2 : i32
        %broadcast_in_dim3A_427 = vector.broadcast %broadcast_in_dim3A_426 : i32 to vector<16xi32>
        %gather3A_428 = tpu.vector_load_idx %arg17[%add3A_417, %broadcast_in_dim3A_427] : memref<128x8xf32, #tpu.memory_space<vmem>>[vector<16xi32>, vector<16xi32>], vector<16xf32>,
        %broadcast_in_dim3A_429 = arith.constant 4 : i32
        %broadcast_in_dim3A_430 = vector.broadcast %broadcast_in_dim3A_429 : i32 to vector<16xi32>
        %gather3A_431 = tpu.vector_load_idx %arg17[%add3A_417, %broadcast_in_dim3A_430] : memref<128x8xf32, #tpu.memory_space<vmem>>[vector<16xi32>, vector<16xi32>], vector<16xf32>,
        %broadcast_in_dim3A_432 = arith.constant 5 : i32
        %broadcast_in_dim3A_433 = vector.broadcast %broadcast_in_dim3A_432 : i32 to vector<16xi32>
        %gather3A_434 = tpu.vector_load_idx %arg17[%add3A_417, %broadcast_in_dim3A_433] : memref<128x8xf32, #tpu.memory_space<vmem>>[vector<16xi32>, vector<16xi32>], vector<16xf32>,
        %broadcast_in_dim3A_435 = arith.constant 6 : i32
        %broadcast_in_dim3A_436 = vector.broadcast %broadcast_in_dim3A_435 : i32 to vector<16xi32>
        %gather3A_437 = tpu.vector_load_idx %arg17[%add3A_417, %broadcast_in_dim3A_436] : memref<128x8xf32, #tpu.memory_space<vmem>>[vector<16xi32>, vector<16xi32>], vector<16xf32>,
        %broadcast_in_dim3A_438 = arith.constant 0 : i32
        %broadcast_in_dim3A_439 = vector.broadcast %broadcast_in_dim3A_438 : i32 to vector<16xi32>
        %gather3A_440 = tpu.vector_load_idx %arg25[%add3A_417, %broadcast_in_dim3A_439] : memref<128x32xf32, #tpu.memory_space<vmem>>[vector<16xi32>, vector<16xi32>], vector<16xf32>,
        %broadcast_in_dim3A_441 = arith.constant 1 : i32
        %broadcast_in_dim3A_442 = vector.broadcast %broadcast_in_dim3A_441 : i32 to vector<16xi32>
        %gather3A_443 = tpu.vector_load_idx %arg25[%add3A_417, %broadcast_in_dim3A_442] : memref<128x32xf32, #tpu.memory_space<vmem>>[vector<16xi32>, vector<16xi32>], vector<16xf32>,
        %broadcast_in_dim3A_444 = arith.constant 2 : i32
        %broadcast_in_dim3A_445 = vector.broadcast %broadcast_in_dim3A_444 : i32 to vector<16xi32>
        %gather3A_446 = tpu.vector_load_idx %arg25[%add3A_417, %broadcast_in_dim3A_445] : memref<128x32xf32, #tpu.memory_space<vmem>>[vector<16xi32>, vector<16xi32>], vector<16xf32>,
        %broadcast_in_dim3A_447 = arith.constant 4 : i32
        %broadcast_in_dim3A_448 = vector.broadcast %broadcast_in_dim3A_447 : i32 to vector<16xi32>
        %gather3A_449 = tpu.vector_load_idx %arg25[%add3A_417, %broadcast_in_dim3A_448] : memref<128x32xf32, #tpu.memory_space<vmem>>[vector<16xi32>, vector<16xi32>], vector<16xf32>,
        %broadcast_in_dim3A_450 = arith.constant 5 : i32
        %broadcast_in_dim3A_451 = vector.broadcast %broadcast_in_dim3A_450 : i32 to vector<16xi32>
        %gather3A_452 = tpu.vector_load_idx %arg25[%add3A_417, %broadcast_in_dim3A_451] : memref<128x32xf32, #tpu.memory_space<vmem>>[vector<16xi32>, vector<16xi32>], vector<16xf32>,
        %broadcast_in_dim3A_453 = arith.constant 6 : i32
        %broadcast_in_dim3A_454 = vector.broadcast %broadcast_in_dim3A_453 : i32 to vector<16xi32>
        %gather3A_455 = tpu.vector_load_idx %arg25[%add3A_417, %broadcast_in_dim3A_454] : memref<128x32xf32, #tpu.memory_space<vmem>>[vector<16xi32>, vector<16xi32>], vector<16xf32>,
        %get3A = arith.index_cast %add3A_421 : i32 to index
        %get3A_456 = tpu.vector_load %arg11[%get3A] {strides = array<i32>} : memref<512xi32, #tpu.memory_space<vmem>>, vector<16xi32>,
        %get3A_457 = arith.index_cast %add3A_421 : i32 to index
        %get3A_458 = tpu.vector_load %arg12[%get3A_457] {strides = array<i32>} : memref<512xi32, #tpu.memory_space<vmem>>, vector<16xi32>,
        %add3A_459 = arith.constant 8 : i32
        %add3A_460 = vector.broadcast %add3A_459 : i32 to vector<16xi32>
        %add3A_461 = arith.addi %add3A_460, %get3A_456 : vector<16xi32>
        %gather3A_462 = tpu.vector_load_idx %arg25[%add3A_417, %add3A_461] : memref<128x32xf32, #tpu.memory_space<vmem>>[vector<16xi32>, vector<16xi32>], vector<16xf32>,
        %add3A_463 = arith.constant 13 : i32
        %add3A_464 = vector.broadcast %add3A_463 : i32 to vector<16xi32>
        %add3A_465 = arith.addi %add3A_464, %get3A_456 : vector<16xi32>
        %gather3A_466 = tpu.vector_load_idx %arg25[%add3A_417, %add3A_465] : memref<128x32xf32, #tpu.memory_space<vmem>>[vector<16xi32>, vector<16xi32>], vector<16xf32>,
        %add3A_467 = arith.constant 18 : i32
        %add3A_468 = vector.broadcast %add3A_467 : i32 to vector<16xi32>
        %add3A_469 = arith.addi %add3A_468, %get3A_458 : vector<16xi32>
        %gather3A_470 = tpu.vector_load_idx %arg25[%add3A_417, %add3A_469] : memref<128x32xf32, #tpu.memory_space<vmem>>[vector<16xi32>, vector<16xi32>], vector<16xf32>,
        %add3A_471 = arith.constant 23 : i32
        %add3A_472 = vector.broadcast %add3A_471 : i32 to vector<16xi32>
        %add3A_473 = arith.addi %add3A_472, %get3A_458 : vector<16xi32>
        %gather3A_474 = tpu.vector_load_idx %arg25[%add3A_417, %add3A_473] : memref<128x32xf32, #tpu.memory_space<vmem>>[vector<16xi32>, vector<16xi32>], vector<16xf32>,
        %get3A_475 = arith.index_cast %add3A_421 : i32 to index
        %get3A_476 = tpu.vector_load %arg9[%get3A_475] {strides = array<i32>} : memref<512xi32, #tpu.memory_space<vmem>>, vector<16xi32>,
        %sub3A = arith.subf %gather3A, %gather3A_440 : vector<16xf32>
        %sub3A_477 = arith.subf %gather3A_425, %gather3A_443 : vector<16xf32>
        %sub3A_478 = arith.subf %gather3A_428, %gather3A_446 : vector<16xf32>
        %mul3A_479 = arith.mulf %sub3A, %sub3A : vector<16xf32>
        %mul3A_480 = arith.mulf %sub3A_477, %sub3A_477 : vector<16xf32>
        %add3A_481 = arith.addf %mul3A_479, %mul3A_480 : vector<16xf32>
        %mul3A_482 = arith.mulf %sub3A_478, %sub3A_478 : vector<16xf32>
        %add3A_483 = arith.addf %add3A_481, %mul3A_482 : vector<16xf32>
        %add3A_484 = arith.constant 9.99999993E-9 : f32
        %add3A_485 = vector.broadcast %add3A_484 : f32 to vector<16xf32>
        %add3A_486 = arith.addf %add3A_483, %add3A_485 : vector<16xf32>
        %bitcast_convert_type3A = tpu.bitcast %add3A_486 : vector<16xf32> -> vector<16xi32>
        %shift_right_arithmetic3A = arith.constant 1 : i32
        %shift_right_arithmetic3A_487 = vector.broadcast %shift_right_arithmetic3A : i32 to vector<16xi32>
        %shift_right_arithmetic3A_488 = arith.shrsi %bitcast_convert_type3A, %shift_right_arithmetic3A_487 : vector<16xi32>
        %sub3A_489 = arith.constant 1597463007 : i32
        %sub3A_490 = vector.broadcast %sub3A_489 : i32 to vector<16xi32>
        %sub3A_491 = arith.subi %sub3A_490, %shift_right_arithmetic3A_488 : vector<16xi32>
        %bitcast_convert_type3A_492 = tpu.bitcast %sub3A_491 : vector<16xi32> -> vector<16xf32>
        %mul3A_493 = arith.constant 5.000000e-01 : f32
        %mul3A_494 = vector.broadcast %mul3A_493 : f32 to vector<16xf32>
        %mul3A_495 = arith.mulf %mul3A_494, %add3A_486 : vector<16xf32>
        %mul3A_496 = arith.mulf %mul3A_495, %bitcast_convert_type3A_492 : vector<16xf32>
        %mul3A_497 = arith.mulf %mul3A_496, %bitcast_convert_type3A_492 : vector<16xf32>
        %sub3A_498 = arith.constant 1.500000e+00 : f32
        %sub3A_499 = vector.broadcast %sub3A_498 : f32 to vector<16xf32>
        %sub3A_500 = arith.subf %sub3A_499, %mul3A_497 : vector<16xf32>
        %mul3A_501 = arith.mulf %bitcast_convert_type3A_492, %sub3A_500 : vector<16xf32>
        %mul3A_502 = arith.constant 5.000000e-01 : f32
        %mul3A_503 = vector.broadcast %mul3A_502 : f32 to vector<16xf32>
        %mul3A_504 = arith.mulf %mul3A_503, %add3A_486 : vector<16xf32>
        %mul3A_505 = arith.mulf %mul3A_504, %mul3A_501 : vector<16xf32>
        %mul3A_506 = arith.mulf %mul3A_505, %mul3A_501 : vector<16xf32>
        %sub3A_507 = arith.constant 1.500000e+00 : f32
        %sub3A_508 = vector.broadcast %sub3A_507 : f32 to vector<16xf32>
        %sub3A_509 = arith.subf %sub3A_508, %mul3A_506 : vector<16xf32>
        %mul3A_510 = arith.mulf %mul3A_501, %sub3A_509 : vector<16xf32>
        %mul3A_511 = arith.constant 5.000000e-01 : f32
        %mul3A_512 = vector.broadcast %mul3A_511 : f32 to vector<16xf32>
        %mul3A_513 = arith.mulf %mul3A_512, %add3A_486 : vector<16xf32>
        %mul3A_514 = arith.mulf %mul3A_513, %mul3A_510 : vector<16xf32>
        %mul3A_515 = arith.mulf %mul3A_514, %mul3A_510 : vector<16xf32>
        %sub3A_516 = arith.constant 1.500000e+00 : f32
        %sub3A_517 = vector.broadcast %sub3A_516 : f32 to vector<16xf32>
        %sub3A_518 = arith.subf %sub3A_517, %mul3A_515 : vector<16xf32>
        %mul3A_519 = arith.mulf %mul3A_510, %sub3A_518 : vector<16xf32>
        %sub3A_520 = arith.subf %gather3A_431, %gather3A_449 : vector<16xf32>
        %sub3A_521 = arith.subf %gather3A_434, %gather3A_452 : vector<16xf32>
        %sub3A_522 = arith.subf %gather3A_437, %gather3A_455 : vector<16xf32>
        %mul3A_523 = arith.mulf %sub3A_520, %sub3A_520 : vector<16xf32>
        %mul3A_524 = arith.mulf %sub3A_521, %sub3A_521 : vector<16xf32>
        %add3A_525 = arith.addf %mul3A_523, %mul3A_524 : vector<16xf32>
        %mul3A_526 = arith.mulf %sub3A_522, %sub3A_522 : vector<16xf32>
        %add3A_527 = arith.addf %add3A_525, %mul3A_526 : vector<16xf32>
        %add3A_528 = arith.constant 9.99999993E-9 : f32
        %add3A_529 = vector.broadcast %add3A_528 : f32 to vector<16xf32>
        %add3A_530 = arith.addf %add3A_527, %add3A_529 : vector<16xf32>
        %bitcast_convert_type3A_531 = tpu.bitcast %add3A_530 : vector<16xf32> -> vector<16xi32>
        %shift_right_arithmetic3A_532 = arith.constant 1 : i32
        %shift_right_arithmetic3A_533 = vector.broadcast %shift_right_arithmetic3A_532 : i32 to vector<16xi32>
        %shift_right_arithmetic3A_534 = arith.shrsi %bitcast_convert_type3A_531, %shift_right_arithmetic3A_533 : vector<16xi32>
        %sub3A_535 = arith.constant 1597463007 : i32
        %sub3A_536 = vector.broadcast %sub3A_535 : i32 to vector<16xi32>
        %sub3A_537 = arith.subi %sub3A_536, %shift_right_arithmetic3A_534 : vector<16xi32>
        %bitcast_convert_type3A_538 = tpu.bitcast %sub3A_537 : vector<16xi32> -> vector<16xf32>
        %mul3A_539 = arith.constant 5.000000e-01 : f32
        %mul3A_540 = vector.broadcast %mul3A_539 : f32 to vector<16xf32>
        %mul3A_541 = arith.mulf %mul3A_540, %add3A_530 : vector<16xf32>
        %mul3A_542 = arith.mulf %mul3A_541, %bitcast_convert_type3A_538 : vector<16xf32>
        %mul3A_543 = arith.mulf %mul3A_542, %bitcast_convert_type3A_538 : vector<16xf32>
        %sub3A_544 = arith.constant 1.500000e+00 : f32
        %sub3A_545 = vector.broadcast %sub3A_544 : f32 to vector<16xf32>
        %sub3A_546 = arith.subf %sub3A_545, %mul3A_543 : vector<16xf32>
        %mul3A_547 = arith.mulf %bitcast_convert_type3A_538, %sub3A_546 : vector<16xf32>
        %mul3A_548 = arith.constant 5.000000e-01 : f32
        %mul3A_549 = vector.broadcast %mul3A_548 : f32 to vector<16xf32>
        %mul3A_550 = arith.mulf %mul3A_549, %add3A_530 : vector<16xf32>
        %mul3A_551 = arith.mulf %mul3A_550, %mul3A_547 : vector<16xf32>
        %mul3A_552 = arith.mulf %mul3A_551, %mul3A_547 : vector<16xf32>
        %sub3A_553 = arith.constant 1.500000e+00 : f32
        %sub3A_554 = vector.broadcast %sub3A_553 : f32 to vector<16xf32>
        %sub3A_555 = arith.subf %sub3A_554, %mul3A_552 : vector<16xf32>
        %mul3A_556 = arith.mulf %mul3A_547, %sub3A_555 : vector<16xf32>
        %mul3A_557 = arith.constant 5.000000e-01 : f32
        %mul3A_558 = vector.broadcast %mul3A_557 : f32 to vector<16xf32>
        %mul3A_559 = arith.mulf %mul3A_558, %add3A_530 : vector<16xf32>
        %mul3A_560 = arith.mulf %mul3A_559, %mul3A_556 : vector<16xf32>
        %mul3A_561 = arith.mulf %mul3A_560, %mul3A_556 : vector<16xf32>
        %sub3A_562 = arith.constant 1.500000e+00 : f32
        %sub3A_563 = vector.broadcast %sub3A_562 : f32 to vector<16xf32>
        %sub3A_564 = arith.subf %sub3A_563, %mul3A_561 : vector<16xf32>
        %mul3A_565 = arith.mulf %mul3A_556, %sub3A_564 : vector<16xf32>
        %mul3A_566 = arith.mulf %add3A_486, %mul3A_519 : vector<16xf32>
        %add3A_567 = arith.addf %gather3A_462, %gather3A_470 : vector<16xf32>
        %mul3A_568 = arith.mulf %mul3A_566, %add3A_567 : vector<16xf32>
        %mul3A_569 = arith.mulf %add3A_530, %mul3A_565 : vector<16xf32>
        %add3A_570 = arith.addf %gather3A_466, %gather3A_474 : vector<16xf32>
        %mul3A_571 = arith.mulf %mul3A_569, %add3A_570 : vector<16xf32>
        %add3A_572 = arith.addf %mul3A_568, %mul3A_571 : vector<16xf32>
        %mul3A_573 = arith.mulf %add3A_572, %mul3A_519 : vector<16xf32>
        %mul3A_574 = arith.constant 4 : i32
        %mul3A_575 = vector.broadcast %mul3A_574 : i32 to vector<16xi32>
        %mul3A_576 = arith.muli %get3A_476, %mul3A_575 : vector<16xi32>
        %mul3A_577 = arith.mulf %mul3A_573, %sub3A : vector<16xf32>
        tpu.vector_store_idx %arg33[%mul3A_576], %mul3A_577 {add = true} : memref<40960xf32, #tpu.memory_space<vmem>>[vector<16xi32>], vector<16xf32>,
        %add3A_578 = arith.constant 1 : i32
        %add3A_579 = vector.broadcast %add3A_578 : i32 to vector<16xi32>
        %add3A_580 = arith.addi %mul3A_576, %add3A_579 : vector<16xi32>
        %mul3A_581 = arith.mulf %mul3A_573, %sub3A_477 : vector<16xf32>
        tpu.vector_store_idx %arg33[%add3A_580], %mul3A_581 {add = true} : memref<40960xf32, #tpu.memory_space<vmem>>[vector<16xi32>], vector<16xf32>,
        %add3A_582 = arith.constant 2 : i32
        %add3A_583 = vector.broadcast %add3A_582 : i32 to vector<16xi32>
        %add3A_584 = arith.addi %mul3A_576, %add3A_583 : vector<16xi32>
        %mul3A_585 = arith.mulf %mul3A_573, %sub3A_478 : vector<16xf32>
        tpu.vector_store_idx %arg33[%add3A_584], %mul3A_585 {add = true} : memref<40960xf32, #tpu.memory_space<vmem>>[vector<16xi32>], vector<16xf32>,
      }
      %scan3A_248 = arith.constant 8 : i32
      %scan3A_249 = arith.constant 0 : i32
      %scan3A_250 = arith.constant 0 : i32
      %scan3A_251 = arith.constant 8 : i32
      %scan3A_252 = arith.addi %scan3A_250, %scan3A_251 : i32
      %scan3A_253 = arith.constant 1 : i32
      scf.for %scan3A_413 = %scan3A_250 to %scan3A_252 step %scan3A_253  : i32 {
        %mul3A_414 = arith.constant 16 : i32
        %mul3A_415 = arith.muli %scan3A_413, %mul3A_414 : i32
        %add3A_416 = vector.broadcast %mul3A_415 : i32 to vector<16xi32>
        %add3A_417 = arith.addi %add3A_416, %iota3A : vector<16xi32>
        %mul3A_418 = arith.constant 16 : i32
        %mul3A_419 = arith.muli %scan3A_413, %mul3A_418 : i32
        %add3A_420 = arith.constant 128 : i32
        %add3A_421 = arith.addi %add3A_420, %mul3A_419 : i32
        %broadcast_in_dim3A = arith.constant 0 : i32
        %broadcast_in_dim3A_422 = vector.broadcast %broadcast_in_dim3A : i32 to vector<16xi32>
        %gather3A = tpu.vector_load_idx %arg18[%add3A_417, %broadcast_in_dim3A_422] : memref<128x8xf32, #tpu.memory_space<vmem>>[vector<16xi32>, vector<16xi32>], vector<16xf32>,
        %broadcast_in_dim3A_423 = arith.constant 1 : i32
        %broadcast_in_dim3A_424 = vector.broadcast %broadcast_in_dim3A_423 : i32 to vector<16xi32>
        %gather3A_425 = tpu.vector_load_idx %arg18[%add3A_417, %broadcast_in_dim3A_424] : memref<128x8xf32, #tpu.memory_space<vmem>>[vector<16xi32>, vector<16xi32>], vector<16xf32>,
        %broadcast_in_dim3A_426 = arith.constant 2 : i32
        %broadcast_in_dim3A_427 = vector.broadcast %broadcast_in_dim3A_426 : i32 to vector<16xi32>
        %gather3A_428 = tpu.vector_load_idx %arg18[%add3A_417, %broadcast_in_dim3A_427] : memref<128x8xf32, #tpu.memory_space<vmem>>[vector<16xi32>, vector<16xi32>], vector<16xf32>,
        %broadcast_in_dim3A_429 = arith.constant 4 : i32
        %broadcast_in_dim3A_430 = vector.broadcast %broadcast_in_dim3A_429 : i32 to vector<16xi32>
        %gather3A_431 = tpu.vector_load_idx %arg18[%add3A_417, %broadcast_in_dim3A_430] : memref<128x8xf32, #tpu.memory_space<vmem>>[vector<16xi32>, vector<16xi32>], vector<16xf32>,
        %broadcast_in_dim3A_432 = arith.constant 5 : i32
        %broadcast_in_dim3A_433 = vector.broadcast %broadcast_in_dim3A_432 : i32 to vector<16xi32>
        %gather3A_434 = tpu.vector_load_idx %arg18[%add3A_417, %broadcast_in_dim3A_433] : memref<128x8xf32, #tpu.memory_space<vmem>>[vector<16xi32>, vector<16xi32>], vector<16xf32>,
        %broadcast_in_dim3A_435 = arith.constant 6 : i32
        %broadcast_in_dim3A_436 = vector.broadcast %broadcast_in_dim3A_435 : i32 to vector<16xi32>
        %gather3A_437 = tpu.vector_load_idx %arg18[%add3A_417, %broadcast_in_dim3A_436] : memref<128x8xf32, #tpu.memory_space<vmem>>[vector<16xi32>, vector<16xi32>], vector<16xf32>,
        %broadcast_in_dim3A_438 = arith.constant 0 : i32
        %broadcast_in_dim3A_439 = vector.broadcast %broadcast_in_dim3A_438 : i32 to vector<16xi32>
        %gather3A_440 = tpu.vector_load_idx %arg26[%add3A_417, %broadcast_in_dim3A_439] : memref<128x32xf32, #tpu.memory_space<vmem>>[vector<16xi32>, vector<16xi32>], vector<16xf32>,
        %broadcast_in_dim3A_441 = arith.constant 1 : i32
        %broadcast_in_dim3A_442 = vector.broadcast %broadcast_in_dim3A_441 : i32 to vector<16xi32>
        %gather3A_443 = tpu.vector_load_idx %arg26[%add3A_417, %broadcast_in_dim3A_442] : memref<128x32xf32, #tpu.memory_space<vmem>>[vector<16xi32>, vector<16xi32>], vector<16xf32>,
        %broadcast_in_dim3A_444 = arith.constant 2 : i32
        %broadcast_in_dim3A_445 = vector.broadcast %broadcast_in_dim3A_444 : i32 to vector<16xi32>
        %gather3A_446 = tpu.vector_load_idx %arg26[%add3A_417, %broadcast_in_dim3A_445] : memref<128x32xf32, #tpu.memory_space<vmem>>[vector<16xi32>, vector<16xi32>], vector<16xf32>,
        %broadcast_in_dim3A_447 = arith.constant 4 : i32
        %broadcast_in_dim3A_448 = vector.broadcast %broadcast_in_dim3A_447 : i32 to vector<16xi32>
        %gather3A_449 = tpu.vector_load_idx %arg26[%add3A_417, %broadcast_in_dim3A_448] : memref<128x32xf32, #tpu.memory_space<vmem>>[vector<16xi32>, vector<16xi32>], vector<16xf32>,
        %broadcast_in_dim3A_450 = arith.constant 5 : i32
        %broadcast_in_dim3A_451 = vector.broadcast %broadcast_in_dim3A_450 : i32 to vector<16xi32>
        %gather3A_452 = tpu.vector_load_idx %arg26[%add3A_417, %broadcast_in_dim3A_451] : memref<128x32xf32, #tpu.memory_space<vmem>>[vector<16xi32>, vector<16xi32>], vector<16xf32>,
        %broadcast_in_dim3A_453 = arith.constant 6 : i32
        %broadcast_in_dim3A_454 = vector.broadcast %broadcast_in_dim3A_453 : i32 to vector<16xi32>
        %gather3A_455 = tpu.vector_load_idx %arg26[%add3A_417, %broadcast_in_dim3A_454] : memref<128x32xf32, #tpu.memory_space<vmem>>[vector<16xi32>, vector<16xi32>], vector<16xf32>,
        %get3A = arith.index_cast %add3A_421 : i32 to index
        %get3A_456 = tpu.vector_load %arg11[%get3A] {strides = array<i32>} : memref<512xi32, #tpu.memory_space<vmem>>, vector<16xi32>,
        %get3A_457 = arith.index_cast %add3A_421 : i32 to index
        %get3A_458 = tpu.vector_load %arg12[%get3A_457] {strides = array<i32>} : memref<512xi32, #tpu.memory_space<vmem>>, vector<16xi32>,
        %add3A_459 = arith.constant 8 : i32
        %add3A_460 = vector.broadcast %add3A_459 : i32 to vector<16xi32>
        %add3A_461 = arith.addi %add3A_460, %get3A_456 : vector<16xi32>
        %gather3A_462 = tpu.vector_load_idx %arg26[%add3A_417, %add3A_461] : memref<128x32xf32, #tpu.memory_space<vmem>>[vector<16xi32>, vector<16xi32>], vector<16xf32>,
        %add3A_463 = arith.constant 13 : i32
        %add3A_464 = vector.broadcast %add3A_463 : i32 to vector<16xi32>
        %add3A_465 = arith.addi %add3A_464, %get3A_456 : vector<16xi32>
        %gather3A_466 = tpu.vector_load_idx %arg26[%add3A_417, %add3A_465] : memref<128x32xf32, #tpu.memory_space<vmem>>[vector<16xi32>, vector<16xi32>], vector<16xf32>,
        %add3A_467 = arith.constant 18 : i32
        %add3A_468 = vector.broadcast %add3A_467 : i32 to vector<16xi32>
        %add3A_469 = arith.addi %add3A_468, %get3A_458 : vector<16xi32>
        %gather3A_470 = tpu.vector_load_idx %arg26[%add3A_417, %add3A_469] : memref<128x32xf32, #tpu.memory_space<vmem>>[vector<16xi32>, vector<16xi32>], vector<16xf32>,
        %add3A_471 = arith.constant 23 : i32
        %add3A_472 = vector.broadcast %add3A_471 : i32 to vector<16xi32>
        %add3A_473 = arith.addi %add3A_472, %get3A_458 : vector<16xi32>
        %gather3A_474 = tpu.vector_load_idx %arg26[%add3A_417, %add3A_473] : memref<128x32xf32, #tpu.memory_space<vmem>>[vector<16xi32>, vector<16xi32>], vector<16xf32>,
        %get3A_475 = arith.index_cast %add3A_421 : i32 to index
        %get3A_476 = tpu.vector_load %arg9[%get3A_475] {strides = array<i32>} : memref<512xi32, #tpu.memory_space<vmem>>, vector<16xi32>,
        %sub3A = arith.subf %gather3A, %gather3A_440 : vector<16xf32>
        %sub3A_477 = arith.subf %gather3A_425, %gather3A_443 : vector<16xf32>
        %sub3A_478 = arith.subf %gather3A_428, %gather3A_446 : vector<16xf32>
        %mul3A_479 = arith.mulf %sub3A, %sub3A : vector<16xf32>
        %mul3A_480 = arith.mulf %sub3A_477, %sub3A_477 : vector<16xf32>
        %add3A_481 = arith.addf %mul3A_479, %mul3A_480 : vector<16xf32>
        %mul3A_482 = arith.mulf %sub3A_478, %sub3A_478 : vector<16xf32>
        %add3A_483 = arith.addf %add3A_481, %mul3A_482 : vector<16xf32>
        %add3A_484 = arith.constant 9.99999993E-9 : f32
        %add3A_485 = vector.broadcast %add3A_484 : f32 to vector<16xf32>
        %add3A_486 = arith.addf %add3A_483, %add3A_485 : vector<16xf32>
        %bitcast_convert_type3A = tpu.bitcast %add3A_486 : vector<16xf32> -> vector<16xi32>
        %shift_right_arithmetic3A = arith.constant 1 : i32
        %shift_right_arithmetic3A_487 = vector.broadcast %shift_right_arithmetic3A : i32 to vector<16xi32>
        %shift_right_arithmetic3A_488 = arith.shrsi %bitcast_convert_type3A, %shift_right_arithmetic3A_487 : vector<16xi32>
        %sub3A_489 = arith.constant 1597463007 : i32
        %sub3A_490 = vector.broadcast %sub3A_489 : i32 to vector<16xi32>
        %sub3A_491 = arith.subi %sub3A_490, %shift_right_arithmetic3A_488 : vector<16xi32>
        %bitcast_convert_type3A_492 = tpu.bitcast %sub3A_491 : vector<16xi32> -> vector<16xf32>
        %mul3A_493 = arith.constant 5.000000e-01 : f32
        %mul3A_494 = vector.broadcast %mul3A_493 : f32 to vector<16xf32>
        %mul3A_495 = arith.mulf %mul3A_494, %add3A_486 : vector<16xf32>
        %mul3A_496 = arith.mulf %mul3A_495, %bitcast_convert_type3A_492 : vector<16xf32>
        %mul3A_497 = arith.mulf %mul3A_496, %bitcast_convert_type3A_492 : vector<16xf32>
        %sub3A_498 = arith.constant 1.500000e+00 : f32
        %sub3A_499 = vector.broadcast %sub3A_498 : f32 to vector<16xf32>
        %sub3A_500 = arith.subf %sub3A_499, %mul3A_497 : vector<16xf32>
        %mul3A_501 = arith.mulf %bitcast_convert_type3A_492, %sub3A_500 : vector<16xf32>
        %mul3A_502 = arith.constant 5.000000e-01 : f32
        %mul3A_503 = vector.broadcast %mul3A_502 : f32 to vector<16xf32>
        %mul3A_504 = arith.mulf %mul3A_503, %add3A_486 : vector<16xf32>
        %mul3A_505 = arith.mulf %mul3A_504, %mul3A_501 : vector<16xf32>
        %mul3A_506 = arith.mulf %mul3A_505, %mul3A_501 : vector<16xf32>
        %sub3A_507 = arith.constant 1.500000e+00 : f32
        %sub3A_508 = vector.broadcast %sub3A_507 : f32 to vector<16xf32>
        %sub3A_509 = arith.subf %sub3A_508, %mul3A_506 : vector<16xf32>
        %mul3A_510 = arith.mulf %mul3A_501, %sub3A_509 : vector<16xf32>
        %mul3A_511 = arith.constant 5.000000e-01 : f32
        %mul3A_512 = vector.broadcast %mul3A_511 : f32 to vector<16xf32>
        %mul3A_513 = arith.mulf %mul3A_512, %add3A_486 : vector<16xf32>
        %mul3A_514 = arith.mulf %mul3A_513, %mul3A_510 : vector<16xf32>
        %mul3A_515 = arith.mulf %mul3A_514, %mul3A_510 : vector<16xf32>
        %sub3A_516 = arith.constant 1.500000e+00 : f32
        %sub3A_517 = vector.broadcast %sub3A_516 : f32 to vector<16xf32>
        %sub3A_518 = arith.subf %sub3A_517, %mul3A_515 : vector<16xf32>
        %mul3A_519 = arith.mulf %mul3A_510, %sub3A_518 : vector<16xf32>
        %sub3A_520 = arith.subf %gather3A_431, %gather3A_449 : vector<16xf32>
        %sub3A_521 = arith.subf %gather3A_434, %gather3A_452 : vector<16xf32>
        %sub3A_522 = arith.subf %gather3A_437, %gather3A_455 : vector<16xf32>
        %mul3A_523 = arith.mulf %sub3A_520, %sub3A_520 : vector<16xf32>
        %mul3A_524 = arith.mulf %sub3A_521, %sub3A_521 : vector<16xf32>
        %add3A_525 = arith.addf %mul3A_523, %mul3A_524 : vector<16xf32>
        %mul3A_526 = arith.mulf %sub3A_522, %sub3A_522 : vector<16xf32>
        %add3A_527 = arith.addf %add3A_525, %mul3A_526 : vector<16xf32>
        %add3A_528 = arith.constant 9.99999993E-9 : f32
        %add3A_529 = vector.broadcast %add3A_528 : f32 to vector<16xf32>
        %add3A_530 = arith.addf %add3A_527, %add3A_529 : vector<16xf32>
        %bitcast_convert_type3A_531 = tpu.bitcast %add3A_530 : vector<16xf32> -> vector<16xi32>
        %shift_right_arithmetic3A_532 = arith.constant 1 : i32
        %shift_right_arithmetic3A_533 = vector.broadcast %shift_right_arithmetic3A_532 : i32 to vector<16xi32>
        %shift_right_arithmetic3A_534 = arith.shrsi %bitcast_convert_type3A_531, %shift_right_arithmetic3A_533 : vector<16xi32>
        %sub3A_535 = arith.constant 1597463007 : i32
        %sub3A_536 = vector.broadcast %sub3A_535 : i32 to vector<16xi32>
        %sub3A_537 = arith.subi %sub3A_536, %shift_right_arithmetic3A_534 : vector<16xi32>
        %bitcast_convert_type3A_538 = tpu.bitcast %sub3A_537 : vector<16xi32> -> vector<16xf32>
        %mul3A_539 = arith.constant 5.000000e-01 : f32
        %mul3A_540 = vector.broadcast %mul3A_539 : f32 to vector<16xf32>
        %mul3A_541 = arith.mulf %mul3A_540, %add3A_530 : vector<16xf32>
        %mul3A_542 = arith.mulf %mul3A_541, %bitcast_convert_type3A_538 : vector<16xf32>
        %mul3A_543 = arith.mulf %mul3A_542, %bitcast_convert_type3A_538 : vector<16xf32>
        %sub3A_544 = arith.constant 1.500000e+00 : f32
        %sub3A_545 = vector.broadcast %sub3A_544 : f32 to vector<16xf32>
        %sub3A_546 = arith.subf %sub3A_545, %mul3A_543 : vector<16xf32>
        %mul3A_547 = arith.mulf %bitcast_convert_type3A_538, %sub3A_546 : vector<16xf32>
        %mul3A_548 = arith.constant 5.000000e-01 : f32
        %mul3A_549 = vector.broadcast %mul3A_548 : f32 to vector<16xf32>
        %mul3A_550 = arith.mulf %mul3A_549, %add3A_530 : vector<16xf32>
        %mul3A_551 = arith.mulf %mul3A_550, %mul3A_547 : vector<16xf32>
        %mul3A_552 = arith.mulf %mul3A_551, %mul3A_547 : vector<16xf32>
        %sub3A_553 = arith.constant 1.500000e+00 : f32
        %sub3A_554 = vector.broadcast %sub3A_553 : f32 to vector<16xf32>
        %sub3A_555 = arith.subf %sub3A_554, %mul3A_552 : vector<16xf32>
        %mul3A_556 = arith.mulf %mul3A_547, %sub3A_555 : vector<16xf32>
        %mul3A_557 = arith.constant 5.000000e-01 : f32
        %mul3A_558 = vector.broadcast %mul3A_557 : f32 to vector<16xf32>
        %mul3A_559 = arith.mulf %mul3A_558, %add3A_530 : vector<16xf32>
        %mul3A_560 = arith.mulf %mul3A_559, %mul3A_556 : vector<16xf32>
        %mul3A_561 = arith.mulf %mul3A_560, %mul3A_556 : vector<16xf32>
        %sub3A_562 = arith.constant 1.500000e+00 : f32
        %sub3A_563 = vector.broadcast %sub3A_562 : f32 to vector<16xf32>
        %sub3A_564 = arith.subf %sub3A_563, %mul3A_561 : vector<16xf32>
        %mul3A_565 = arith.mulf %mul3A_556, %sub3A_564 : vector<16xf32>
        %mul3A_566 = arith.mulf %add3A_486, %mul3A_519 : vector<16xf32>
        %add3A_567 = arith.addf %gather3A_462, %gather3A_470 : vector<16xf32>
        %mul3A_568 = arith.mulf %mul3A_566, %add3A_567 : vector<16xf32>
        %mul3A_569 = arith.mulf %add3A_530, %mul3A_565 : vector<16xf32>
        %add3A_570 = arith.addf %gather3A_466, %gather3A_474 : vector<16xf32>
        %mul3A_571 = arith.mulf %mul3A_569, %add3A_570 : vector<16xf32>
        %add3A_572 = arith.addf %mul3A_568, %mul3A_571 : vector<16xf32>
        %mul3A_573 = arith.mulf %add3A_572, %mul3A_519 : vector<16xf32>
        %mul3A_574 = arith.constant 4 : i32
        %mul3A_575 = vector.broadcast %mul3A_574 : i32 to vector<16xi32>
        %mul3A_576 = arith.muli %get3A_476, %mul3A_575 : vector<16xi32>
        %mul3A_577 = arith.mulf %mul3A_573, %sub3A : vector<16xf32>
        tpu.vector_store_idx %arg33[%mul3A_576], %mul3A_577 {add = true} : memref<40960xf32, #tpu.memory_space<vmem>>[vector<16xi32>], vector<16xf32>,
        %add3A_578 = arith.constant 1 : i32
        %add3A_579 = vector.broadcast %add3A_578 : i32 to vector<16xi32>
        %add3A_580 = arith.addi %mul3A_576, %add3A_579 : vector<16xi32>
        %mul3A_581 = arith.mulf %mul3A_573, %sub3A_477 : vector<16xf32>
        tpu.vector_store_idx %arg33[%add3A_580], %mul3A_581 {add = true} : memref<40960xf32, #tpu.memory_space<vmem>>[vector<16xi32>], vector<16xf32>,
        %add3A_582 = arith.constant 2 : i32
        %add3A_583 = vector.broadcast %add3A_582 : i32 to vector<16xi32>
        %add3A_584 = arith.addi %mul3A_576, %add3A_583 : vector<16xi32>
        %mul3A_585 = arith.mulf %mul3A_573, %sub3A_478 : vector<16xf32>
        tpu.vector_store_idx %arg33[%add3A_584], %mul3A_585 {add = true} : memref<40960xf32, #tpu.memory_space<vmem>>[vector<16xi32>], vector<16xf32>,
      }
      %scan3A_254 = arith.constant 8 : i32
      %scan3A_255 = arith.constant 0 : i32
      %scan3A_256 = arith.constant 0 : i32
      %scan3A_257 = arith.constant 8 : i32
      %scan3A_258 = arith.addi %scan3A_256, %scan3A_257 : i32
      %scan3A_259 = arith.constant 1 : i32
      scf.for %scan3A_413 = %scan3A_256 to %scan3A_258 step %scan3A_259  : i32 {
        %mul3A_414 = arith.constant 16 : i32
        %mul3A_415 = arith.muli %scan3A_413, %mul3A_414 : i32
        %add3A_416 = vector.broadcast %mul3A_415 : i32 to vector<16xi32>
        %add3A_417 = arith.addi %add3A_416, %iota3A : vector<16xi32>
        %mul3A_418 = arith.constant 16 : i32
        %mul3A_419 = arith.muli %scan3A_413, %mul3A_418 : i32
        %add3A_420 = arith.constant 256 : i32
        %add3A_421 = arith.addi %add3A_420, %mul3A_419 : i32
        %broadcast_in_dim3A = arith.constant 0 : i32
        %broadcast_in_dim3A_422 = vector.broadcast %broadcast_in_dim3A : i32 to vector<16xi32>
        %gather3A = tpu.vector_load_idx %arg19[%add3A_417, %broadcast_in_dim3A_422] : memref<128x8xf32, #tpu.memory_space<vmem>>[vector<16xi32>, vector<16xi32>], vector<16xf32>,
        %broadcast_in_dim3A_423 = arith.constant 1 : i32
        %broadcast_in_dim3A_424 = vector.broadcast %broadcast_in_dim3A_423 : i32 to vector<16xi32>
        %gather3A_425 = tpu.vector_load_idx %arg19[%add3A_417, %broadcast_in_dim3A_424] : memref<128x8xf32, #tpu.memory_space<vmem>>[vector<16xi32>, vector<16xi32>], vector<16xf32>,
        %broadcast_in_dim3A_426 = arith.constant 2 : i32
        %broadcast_in_dim3A_427 = vector.broadcast %broadcast_in_dim3A_426 : i32 to vector<16xi32>
        %gather3A_428 = tpu.vector_load_idx %arg19[%add3A_417, %broadcast_in_dim3A_427] : memref<128x8xf32, #tpu.memory_space<vmem>>[vector<16xi32>, vector<16xi32>], vector<16xf32>,
        %broadcast_in_dim3A_429 = arith.constant 4 : i32
        %broadcast_in_dim3A_430 = vector.broadcast %broadcast_in_dim3A_429 : i32 to vector<16xi32>
        %gather3A_431 = tpu.vector_load_idx %arg19[%add3A_417, %broadcast_in_dim3A_430] : memref<128x8xf32, #tpu.memory_space<vmem>>[vector<16xi32>, vector<16xi32>], vector<16xf32>,
        %broadcast_in_dim3A_432 = arith.constant 5 : i32
        %broadcast_in_dim3A_433 = vector.broadcast %broadcast_in_dim3A_432 : i32 to vector<16xi32>
        %gather3A_434 = tpu.vector_load_idx %arg19[%add3A_417, %broadcast_in_dim3A_433] : memref<128x8xf32, #tpu.memory_space<vmem>>[vector<16xi32>, vector<16xi32>], vector<16xf32>,
        %broadcast_in_dim3A_435 = arith.constant 6 : i32
        %broadcast_in_dim3A_436 = vector.broadcast %broadcast_in_dim3A_435 : i32 to vector<16xi32>
        %gather3A_437 = tpu.vector_load_idx %arg19[%add3A_417, %broadcast_in_dim3A_436] : memref<128x8xf32, #tpu.memory_space<vmem>>[vector<16xi32>, vector<16xi32>], vector<16xf32>,
        %broadcast_in_dim3A_438 = arith.constant 0 : i32
        %broadcast_in_dim3A_439 = vector.broadcast %broadcast_in_dim3A_438 : i32 to vector<16xi32>
        %gather3A_440 = tpu.vector_load_idx %arg27[%add3A_417, %broadcast_in_dim3A_439] : memref<128x32xf32, #tpu.memory_space<vmem>>[vector<16xi32>, vector<16xi32>], vector<16xf32>,
        %broadcast_in_dim3A_441 = arith.constant 1 : i32
        %broadcast_in_dim3A_442 = vector.broadcast %broadcast_in_dim3A_441 : i32 to vector<16xi32>
        %gather3A_443 = tpu.vector_load_idx %arg27[%add3A_417, %broadcast_in_dim3A_442] : memref<128x32xf32, #tpu.memory_space<vmem>>[vector<16xi32>, vector<16xi32>], vector<16xf32>,
        %broadcast_in_dim3A_444 = arith.constant 2 : i32
        %broadcast_in_dim3A_445 = vector.broadcast %broadcast_in_dim3A_444 : i32 to vector<16xi32>
        %gather3A_446 = tpu.vector_load_idx %arg27[%add3A_417, %broadcast_in_dim3A_445] : memref<128x32xf32, #tpu.memory_space<vmem>>[vector<16xi32>, vector<16xi32>], vector<16xf32>,
        %broadcast_in_dim3A_447 = arith.constant 4 : i32
        %broadcast_in_dim3A_448 = vector.broadcast %broadcast_in_dim3A_447 : i32 to vector<16xi32>
        %gather3A_449 = tpu.vector_load_idx %arg27[%add3A_417, %broadcast_in_dim3A_448] : memref<128x32xf32, #tpu.memory_space<vmem>>[vector<16xi32>, vector<16xi32>], vector<16xf32>,
        %broadcast_in_dim3A_450 = arith.constant 5 : i32
        %broadcast_in_dim3A_451 = vector.broadcast %broadcast_in_dim3A_450 : i32 to vector<16xi32>
        %gather3A_452 = tpu.vector_load_idx %arg27[%add3A_417, %broadcast_in_dim3A_451] : memref<128x32xf32, #tpu.memory_space<vmem>>[vector<16xi32>, vector<16xi32>], vector<16xf32>,
        %broadcast_in_dim3A_453 = arith.constant 6 : i32
        %broadcast_in_dim3A_454 = vector.broadcast %broadcast_in_dim3A_453 : i32 to vector<16xi32>
        %gather3A_455 = tpu.vector_load_idx %arg27[%add3A_417, %broadcast_in_dim3A_454] : memref<128x32xf32, #tpu.memory_space<vmem>>[vector<16xi32>, vector<16xi32>], vector<16xf32>,
        %get3A = arith.index_cast %add3A_421 : i32 to index
        %get3A_456 = tpu.vector_load %arg11[%get3A] {strides = array<i32>} : memref<512xi32, #tpu.memory_space<vmem>>, vector<16xi32>,
        %get3A_457 = arith.index_cast %add3A_421 : i32 to index
        %get3A_458 = tpu.vector_load %arg12[%get3A_457] {strides = array<i32>} : memref<512xi32, #tpu.memory_space<vmem>>, vector<16xi32>,
        %add3A_459 = arith.constant 8 : i32
        %add3A_460 = vector.broadcast %add3A_459 : i32 to vector<16xi32>
        %add3A_461 = arith.addi %add3A_460, %get3A_456 : vector<16xi32>
        %gather3A_462 = tpu.vector_load_idx %arg27[%add3A_417, %add3A_461] : memref<128x32xf32, #tpu.memory_space<vmem>>[vector<16xi32>, vector<16xi32>], vector<16xf32>,
        %add3A_463 = arith.constant 13 : i32
        %add3A_464 = vector.broadcast %add3A_463 : i32 to vector<16xi32>
        %add3A_465 = arith.addi %add3A_464, %get3A_456 : vector<16xi32>
        %gather3A_466 = tpu.vector_load_idx %arg27[%add3A_417, %add3A_465] : memref<128x32xf32, #tpu.memory_space<vmem>>[vector<16xi32>, vector<16xi32>], vector<16xf32>,
        %add3A_467 = arith.constant 18 : i32
        %add3A_468 = vector.broadcast %add3A_467 : i32 to vector<16xi32>
        %add3A_469 = arith.addi %add3A_468, %get3A_458 : vector<16xi32>
        %gather3A_470 = tpu.vector_load_idx %arg27[%add3A_417, %add3A_469] : memref<128x32xf32, #tpu.memory_space<vmem>>[vector<16xi32>, vector<16xi32>], vector<16xf32>,
        %add3A_471 = arith.constant 23 : i32
        %add3A_472 = vector.broadcast %add3A_471 : i32 to vector<16xi32>
        %add3A_473 = arith.addi %add3A_472, %get3A_458 : vector<16xi32>
        %gather3A_474 = tpu.vector_load_idx %arg27[%add3A_417, %add3A_473] : memref<128x32xf32, #tpu.memory_space<vmem>>[vector<16xi32>, vector<16xi32>], vector<16xf32>,
        %get3A_475 = arith.index_cast %add3A_421 : i32 to index
        %get3A_476 = tpu.vector_load %arg9[%get3A_475] {strides = array<i32>} : memref<512xi32, #tpu.memory_space<vmem>>, vector<16xi32>,
        %sub3A = arith.subf %gather3A, %gather3A_440 : vector<16xf32>
        %sub3A_477 = arith.subf %gather3A_425, %gather3A_443 : vector<16xf32>
        %sub3A_478 = arith.subf %gather3A_428, %gather3A_446 : vector<16xf32>
        %mul3A_479 = arith.mulf %sub3A, %sub3A : vector<16xf32>
        %mul3A_480 = arith.mulf %sub3A_477, %sub3A_477 : vector<16xf32>
        %add3A_481 = arith.addf %mul3A_479, %mul3A_480 : vector<16xf32>
        %mul3A_482 = arith.mulf %sub3A_478, %sub3A_478 : vector<16xf32>
        %add3A_483 = arith.addf %add3A_481, %mul3A_482 : vector<16xf32>
        %add3A_484 = arith.constant 9.99999993E-9 : f32
        %add3A_485 = vector.broadcast %add3A_484 : f32 to vector<16xf32>
        %add3A_486 = arith.addf %add3A_483, %add3A_485 : vector<16xf32>
        %bitcast_convert_type3A = tpu.bitcast %add3A_486 : vector<16xf32> -> vector<16xi32>
        %shift_right_arithmetic3A = arith.constant 1 : i32
        %shift_right_arithmetic3A_487 = vector.broadcast %shift_right_arithmetic3A : i32 to vector<16xi32>
        %shift_right_arithmetic3A_488 = arith.shrsi %bitcast_convert_type3A, %shift_right_arithmetic3A_487 : vector<16xi32>
        %sub3A_489 = arith.constant 1597463007 : i32
        %sub3A_490 = vector.broadcast %sub3A_489 : i32 to vector<16xi32>
        %sub3A_491 = arith.subi %sub3A_490, %shift_right_arithmetic3A_488 : vector<16xi32>
        %bitcast_convert_type3A_492 = tpu.bitcast %sub3A_491 : vector<16xi32> -> vector<16xf32>
        %mul3A_493 = arith.constant 5.000000e-01 : f32
        %mul3A_494 = vector.broadcast %mul3A_493 : f32 to vector<16xf32>
        %mul3A_495 = arith.mulf %mul3A_494, %add3A_486 : vector<16xf32>
        %mul3A_496 = arith.mulf %mul3A_495, %bitcast_convert_type3A_492 : vector<16xf32>
        %mul3A_497 = arith.mulf %mul3A_496, %bitcast_convert_type3A_492 : vector<16xf32>
        %sub3A_498 = arith.constant 1.500000e+00 : f32
        %sub3A_499 = vector.broadcast %sub3A_498 : f32 to vector<16xf32>
        %sub3A_500 = arith.subf %sub3A_499, %mul3A_497 : vector<16xf32>
        %mul3A_501 = arith.mulf %bitcast_convert_type3A_492, %sub3A_500 : vector<16xf32>
        %mul3A_502 = arith.constant 5.000000e-01 : f32
        %mul3A_503 = vector.broadcast %mul3A_502 : f32 to vector<16xf32>
        %mul3A_504 = arith.mulf %mul3A_503, %add3A_486 : vector<16xf32>
        %mul3A_505 = arith.mulf %mul3A_504, %mul3A_501 : vector<16xf32>
        %mul3A_506 = arith.mulf %mul3A_505, %mul3A_501 : vector<16xf32>
        %sub3A_507 = arith.constant 1.500000e+00 : f32
        %sub3A_508 = vector.broadcast %sub3A_507 : f32 to vector<16xf32>
        %sub3A_509 = arith.subf %sub3A_508, %mul3A_506 : vector<16xf32>
        %mul3A_510 = arith.mulf %mul3A_501, %sub3A_509 : vector<16xf32>
        %mul3A_511 = arith.constant 5.000000e-01 : f32
        %mul3A_512 = vector.broadcast %mul3A_511 : f32 to vector<16xf32>
        %mul3A_513 = arith.mulf %mul3A_512, %add3A_486 : vector<16xf32>
        %mul3A_514 = arith.mulf %mul3A_513, %mul3A_510 : vector<16xf32>
        %mul3A_515 = arith.mulf %mul3A_514, %mul3A_510 : vector<16xf32>
        %sub3A_516 = arith.constant 1.500000e+00 : f32
        %sub3A_517 = vector.broadcast %sub3A_516 : f32 to vector<16xf32>
        %sub3A_518 = arith.subf %sub3A_517, %mul3A_515 : vector<16xf32>
        %mul3A_519 = arith.mulf %mul3A_510, %sub3A_518 : vector<16xf32>
        %sub3A_520 = arith.subf %gather3A_431, %gather3A_449 : vector<16xf32>
        %sub3A_521 = arith.subf %gather3A_434, %gather3A_452 : vector<16xf32>
        %sub3A_522 = arith.subf %gather3A_437, %gather3A_455 : vector<16xf32>
        %mul3A_523 = arith.mulf %sub3A_520, %sub3A_520 : vector<16xf32>
        %mul3A_524 = arith.mulf %sub3A_521, %sub3A_521 : vector<16xf32>
        %add3A_525 = arith.addf %mul3A_523, %mul3A_524 : vector<16xf32>
        %mul3A_526 = arith.mulf %sub3A_522, %sub3A_522 : vector<16xf32>
        %add3A_527 = arith.addf %add3A_525, %mul3A_526 : vector<16xf32>
        %add3A_528 = arith.constant 9.99999993E-9 : f32
        %add3A_529 = vector.broadcast %add3A_528 : f32 to vector<16xf32>
        %add3A_530 = arith.addf %add3A_527, %add3A_529 : vector<16xf32>
        %bitcast_convert_type3A_531 = tpu.bitcast %add3A_530 : vector<16xf32> -> vector<16xi32>
        %shift_right_arithmetic3A_532 = arith.constant 1 : i32
        %shift_right_arithmetic3A_533 = vector.broadcast %shift_right_arithmetic3A_532 : i32 to vector<16xi32>
        %shift_right_arithmetic3A_534 = arith.shrsi %bitcast_convert_type3A_531, %shift_right_arithmetic3A_533 : vector<16xi32>
        %sub3A_535 = arith.constant 1597463007 : i32
        %sub3A_536 = vector.broadcast %sub3A_535 : i32 to vector<16xi32>
        %sub3A_537 = arith.subi %sub3A_536, %shift_right_arithmetic3A_534 : vector<16xi32>
        %bitcast_convert_type3A_538 = tpu.bitcast %sub3A_537 : vector<16xi32> -> vector<16xf32>
        %mul3A_539 = arith.constant 5.000000e-01 : f32
        %mul3A_540 = vector.broadcast %mul3A_539 : f32 to vector<16xf32>
        %mul3A_541 = arith.mulf %mul3A_540, %add3A_530 : vector<16xf32>
        %mul3A_542 = arith.mulf %mul3A_541, %bitcast_convert_type3A_538 : vector<16xf32>
        %mul3A_543 = arith.mulf %mul3A_542, %bitcast_convert_type3A_538 : vector<16xf32>
        %sub3A_544 = arith.constant 1.500000e+00 : f32
        %sub3A_545 = vector.broadcast %sub3A_544 : f32 to vector<16xf32>
        %sub3A_546 = arith.subf %sub3A_545, %mul3A_543 : vector<16xf32>
        %mul3A_547 = arith.mulf %bitcast_convert_type3A_538, %sub3A_546 : vector<16xf32>
        %mul3A_548 = arith.constant 5.000000e-01 : f32
        %mul3A_549 = vector.broadcast %mul3A_548 : f32 to vector<16xf32>
        %mul3A_550 = arith.mulf %mul3A_549, %add3A_530 : vector<16xf32>
        %mul3A_551 = arith.mulf %mul3A_550, %mul3A_547 : vector<16xf32>
        %mul3A_552 = arith.mulf %mul3A_551, %mul3A_547 : vector<16xf32>
        %sub3A_553 = arith.constant 1.500000e+00 : f32
        %sub3A_554 = vector.broadcast %sub3A_553 : f32 to vector<16xf32>
        %sub3A_555 = arith.subf %sub3A_554, %mul3A_552 : vector<16xf32>
        %mul3A_556 = arith.mulf %mul3A_547, %sub3A_555 : vector<16xf32>
        %mul3A_557 = arith.constant 5.000000e-01 : f32
        %mul3A_558 = vector.broadcast %mul3A_557 : f32 to vector<16xf32>
        %mul3A_559 = arith.mulf %mul3A_558, %add3A_530 : vector<16xf32>
        %mul3A_560 = arith.mulf %mul3A_559, %mul3A_556 : vector<16xf32>
        %mul3A_561 = arith.mulf %mul3A_560, %mul3A_556 : vector<16xf32>
        %sub3A_562 = arith.constant 1.500000e+00 : f32
        %sub3A_563 = vector.broadcast %sub3A_562 : f32 to vector<16xf32>
        %sub3A_564 = arith.subf %sub3A_563, %mul3A_561 : vector<16xf32>
        %mul3A_565 = arith.mulf %mul3A_556, %sub3A_564 : vector<16xf32>
        %mul3A_566 = arith.mulf %add3A_486, %mul3A_519 : vector<16xf32>
        %add3A_567 = arith.addf %gather3A_462, %gather3A_470 : vector<16xf32>
        %mul3A_568 = arith.mulf %mul3A_566, %add3A_567 : vector<16xf32>
        %mul3A_569 = arith.mulf %add3A_530, %mul3A_565 : vector<16xf32>
        %add3A_570 = arith.addf %gather3A_466, %gather3A_474 : vector<16xf32>
        %mul3A_571 = arith.mulf %mul3A_569, %add3A_570 : vector<16xf32>
        %add3A_572 = arith.addf %mul3A_568, %mul3A_571 : vector<16xf32>
        %mul3A_573 = arith.mulf %add3A_572, %mul3A_519 : vector<16xf32>
        %mul3A_574 = arith.constant 4 : i32
        %mul3A_575 = vector.broadcast %mul3A_574 : i32 to vector<16xi32>
        %mul3A_576 = arith.muli %get3A_476, %mul3A_575 : vector<16xi32>
        %mul3A_577 = arith.mulf %mul3A_573, %sub3A : vector<16xf32>
        tpu.vector_store_idx %arg33[%mul3A_576], %mul3A_577 {add = true} : memref<40960xf32, #tpu.memory_space<vmem>>[vector<16xi32>], vector<16xf32>,
        %add3A_578 = arith.constant 1 : i32
        %add3A_579 = vector.broadcast %add3A_578 : i32 to vector<16xi32>
        %add3A_580 = arith.addi %mul3A_576, %add3A_579 : vector<16xi32>
        %mul3A_581 = arith.mulf %mul3A_573, %sub3A_477 : vector<16xf32>
        tpu.vector_store_idx %arg33[%add3A_580], %mul3A_581 {add = true} : memref<40960xf32, #tpu.memory_space<vmem>>[vector<16xi32>], vector<16xf32>,
        %add3A_582 = arith.constant 2 : i32
        %add3A_583 = vector.broadcast %add3A_582 : i32 to vector<16xi32>
        %add3A_584 = arith.addi %mul3A_576, %add3A_583 : vector<16xi32>
        %mul3A_585 = arith.mulf %mul3A_573, %sub3A_478 : vector<16xf32>
        tpu.vector_store_idx %arg33[%add3A_584], %mul3A_585 {add = true} : memref<40960xf32, #tpu.memory_space<vmem>>[vector<16xi32>], vector<16xf32>,
      }
      %scan3A_260 = arith.constant 8 : i32
      %scan3A_261 = arith.constant 0 : i32
      %scan3A_262 = arith.constant 0 : i32
      %scan3A_263 = arith.constant 8 : i32
      %scan3A_264 = arith.addi %scan3A_262, %scan3A_263 : i32
      %scan3A_265 = arith.constant 1 : i32
      scf.for %scan3A_413 = %scan3A_262 to %scan3A_264 step %scan3A_265  : i32 {
        %mul3A_414 = arith.constant 16 : i32
        %mul3A_415 = arith.muli %scan3A_413, %mul3A_414 : i32
        %add3A_416 = vector.broadcast %mul3A_415 : i32 to vector<16xi32>
        %add3A_417 = arith.addi %add3A_416, %iota3A : vector<16xi32>
        %mul3A_418 = arith.constant 16 : i32
        %mul3A_419 = arith.muli %scan3A_413, %mul3A_418 : i32
        %add3A_420 = arith.constant 384 : i32
        %add3A_421 = arith.addi %add3A_420, %mul3A_419 : i32
        %broadcast_in_dim3A = arith.constant 0 : i32
        %broadcast_in_dim3A_422 = vector.broadcast %broadcast_in_dim3A : i32 to vector<16xi32>
        %gather3A = tpu.vector_load_idx %arg20[%add3A_417, %broadcast_in_dim3A_422] : memref<128x8xf32, #tpu.memory_space<vmem>>[vector<16xi32>, vector<16xi32>], vector<16xf32>,
        %broadcast_in_dim3A_423 = arith.constant 1 : i32
        %broadcast_in_dim3A_424 = vector.broadcast %broadcast_in_dim3A_423 : i32 to vector<16xi32>
        %gather3A_425 = tpu.vector_load_idx %arg20[%add3A_417, %broadcast_in_dim3A_424] : memref<128x8xf32, #tpu.memory_space<vmem>>[vector<16xi32>, vector<16xi32>], vector<16xf32>,
        %broadcast_in_dim3A_426 = arith.constant 2 : i32
        %broadcast_in_dim3A_427 = vector.broadcast %broadcast_in_dim3A_426 : i32 to vector<16xi32>
        %gather3A_428 = tpu.vector_load_idx %arg20[%add3A_417, %broadcast_in_dim3A_427] : memref<128x8xf32, #tpu.memory_space<vmem>>[vector<16xi32>, vector<16xi32>], vector<16xf32>,
        %broadcast_in_dim3A_429 = arith.constant 4 : i32
        %broadcast_in_dim3A_430 = vector.broadcast %broadcast_in_dim3A_429 : i32 to vector<16xi32>
        %gather3A_431 = tpu.vector_load_idx %arg20[%add3A_417, %broadcast_in_dim3A_430] : memref<128x8xf32, #tpu.memory_space<vmem>>[vector<16xi32>, vector<16xi32>], vector<16xf32>,
        %broadcast_in_dim3A_432 = arith.constant 5 : i32
        %broadcast_in_dim3A_433 = vector.broadcast %broadcast_in_dim3A_432 : i32 to vector<16xi32>
        %gather3A_434 = tpu.vector_load_idx %arg20[%add3A_417, %broadcast_in_dim3A_433] : memref<128x8xf32, #tpu.memory_space<vmem>>[vector<16xi32>, vector<16xi32>], vector<16xf32>,
        %broadcast_in_dim3A_435 = arith.constant 6 : i32
        %broadcast_in_dim3A_436 = vector.broadcast %broadcast_in_dim3A_435 : i32 to vector<16xi32>
        %gather3A_437 = tpu.vector_load_idx %arg20[%add3A_417, %broadcast_in_dim3A_436] : memref<128x8xf32, #tpu.memory_space<vmem>>[vector<16xi32>, vector<16xi32>], vector<16xf32>,
        %broadcast_in_dim3A_438 = arith.constant 0 : i32
        %broadcast_in_dim3A_439 = vector.broadcast %broadcast_in_dim3A_438 : i32 to vector<16xi32>
        %gather3A_440 = tpu.vector_load_idx %arg28[%add3A_417, %broadcast_in_dim3A_439] : memref<128x32xf32, #tpu.memory_space<vmem>>[vector<16xi32>, vector<16xi32>], vector<16xf32>,
        %broadcast_in_dim3A_441 = arith.constant 1 : i32
        %broadcast_in_dim3A_442 = vector.broadcast %broadcast_in_dim3A_441 : i32 to vector<16xi32>
        %gather3A_443 = tpu.vector_load_idx %arg28[%add3A_417, %broadcast_in_dim3A_442] : memref<128x32xf32, #tpu.memory_space<vmem>>[vector<16xi32>, vector<16xi32>], vector<16xf32>,
        %broadcast_in_dim3A_444 = arith.constant 2 : i32
        %broadcast_in_dim3A_445 = vector.broadcast %broadcast_in_dim3A_444 : i32 to vector<16xi32>
        %gather3A_446 = tpu.vector_load_idx %arg28[%add3A_417, %broadcast_in_dim3A_445] : memref<128x32xf32, #tpu.memory_space<vmem>>[vector<16xi32>, vector<16xi32>], vector<16xf32>,
        %broadcast_in_dim3A_447 = arith.constant 4 : i32
        %broadcast_in_dim3A_448 = vector.broadcast %broadcast_in_dim3A_447 : i32 to vector<16xi32>
        %gather3A_449 = tpu.vector_load_idx %arg28[%add3A_417, %broadcast_in_dim3A_448] : memref<128x32xf32, #tpu.memory_space<vmem>>[vector<16xi32>, vector<16xi32>], vector<16xf32>,
        %broadcast_in_dim3A_450 = arith.constant 5 : i32
        %broadcast_in_dim3A_451 = vector.broadcast %broadcast_in_dim3A_450 : i32 to vector<16xi32>
        %gather3A_452 = tpu.vector_load_idx %arg28[%add3A_417, %broadcast_in_dim3A_451] : memref<128x32xf32, #tpu.memory_space<vmem>>[vector<16xi32>, vector<16xi32>], vector<16xf32>,
        %broadcast_in_dim3A_453 = arith.constant 6 : i32
        %broadcast_in_dim3A_454 = vector.broadcast %broadcast_in_dim3A_453 : i32 to vector<16xi32>
        %gather3A_455 = tpu.vector_load_idx %arg28[%add3A_417, %broadcast_in_dim3A_454] : memref<128x32xf32, #tpu.memory_space<vmem>>[vector<16xi32>, vector<16xi32>], vector<16xf32>,
        %get3A = arith.index_cast %add3A_421 : i32 to index
        %get3A_456 = tpu.vector_load %arg11[%get3A] {strides = array<i32>} : memref<512xi32, #tpu.memory_space<vmem>>, vector<16xi32>,
        %get3A_457 = arith.index_cast %add3A_421 : i32 to index
        %get3A_458 = tpu.vector_load %arg12[%get3A_457] {strides = array<i32>} : memref<512xi32, #tpu.memory_space<vmem>>, vector<16xi32>,
        %add3A_459 = arith.constant 8 : i32
        %add3A_460 = vector.broadcast %add3A_459 : i32 to vector<16xi32>
        %add3A_461 = arith.addi %add3A_460, %get3A_456 : vector<16xi32>
        %gather3A_462 = tpu.vector_load_idx %arg28[%add3A_417, %add3A_461] : memref<128x32xf32, #tpu.memory_space<vmem>>[vector<16xi32>, vector<16xi32>], vector<16xf32>,
        %add3A_463 = arith.constant 13 : i32
        %add3A_464 = vector.broadcast %add3A_463 : i32 to vector<16xi32>
        %add3A_465 = arith.addi %add3A_464, %get3A_456 : vector<16xi32>
        %gather3A_466 = tpu.vector_load_idx %arg28[%add3A_417, %add3A_465] : memref<128x32xf32, #tpu.memory_space<vmem>>[vector<16xi32>, vector<16xi32>], vector<16xf32>,
        %add3A_467 = arith.constant 18 : i32
        %add3A_468 = vector.broadcast %add3A_467 : i32 to vector<16xi32>
        %add3A_469 = arith.addi %add3A_468, %get3A_458 : vector<16xi32>
        %gather3A_470 = tpu.vector_load_idx %arg28[%add3A_417, %add3A_469] : memref<128x32xf32, #tpu.memory_space<vmem>>[vector<16xi32>, vector<16xi32>], vector<16xf32>,
        %add3A_471 = arith.constant 23 : i32
        %add3A_472 = vector.broadcast %add3A_471 : i32 to vector<16xi32>
        %add3A_473 = arith.addi %add3A_472, %get3A_458 : vector<16xi32>
        %gather3A_474 = tpu.vector_load_idx %arg28[%add3A_417, %add3A_473] : memref<128x32xf32, #tpu.memory_space<vmem>>[vector<16xi32>, vector<16xi32>], vector<16xf32>,
        %get3A_475 = arith.index_cast %add3A_421 : i32 to index
        %get3A_476 = tpu.vector_load %arg9[%get3A_475] {strides = array<i32>} : memref<512xi32, #tpu.memory_space<vmem>>, vector<16xi32>,
        %sub3A = arith.subf %gather3A, %gather3A_440 : vector<16xf32>
        %sub3A_477 = arith.subf %gather3A_425, %gather3A_443 : vector<16xf32>
        %sub3A_478 = arith.subf %gather3A_428, %gather3A_446 : vector<16xf32>
        %mul3A_479 = arith.mulf %sub3A, %sub3A : vector<16xf32>
        %mul3A_480 = arith.mulf %sub3A_477, %sub3A_477 : vector<16xf32>
        %add3A_481 = arith.addf %mul3A_479, %mul3A_480 : vector<16xf32>
        %mul3A_482 = arith.mulf %sub3A_478, %sub3A_478 : vector<16xf32>
        %add3A_483 = arith.addf %add3A_481, %mul3A_482 : vector<16xf32>
        %add3A_484 = arith.constant 9.99999993E-9 : f32
        %add3A_485 = vector.broadcast %add3A_484 : f32 to vector<16xf32>
        %add3A_486 = arith.addf %add3A_483, %add3A_485 : vector<16xf32>
        %bitcast_convert_type3A = tpu.bitcast %add3A_486 : vector<16xf32> -> vector<16xi32>
        %shift_right_arithmetic3A = arith.constant 1 : i32
        %shift_right_arithmetic3A_487 = vector.broadcast %shift_right_arithmetic3A : i32 to vector<16xi32>
        %shift_right_arithmetic3A_488 = arith.shrsi %bitcast_convert_type3A, %shift_right_arithmetic3A_487 : vector<16xi32>
        %sub3A_489 = arith.constant 1597463007 : i32
        %sub3A_490 = vector.broadcast %sub3A_489 : i32 to vector<16xi32>
        %sub3A_491 = arith.subi %sub3A_490, %shift_right_arithmetic3A_488 : vector<16xi32>
        %bitcast_convert_type3A_492 = tpu.bitcast %sub3A_491 : vector<16xi32> -> vector<16xf32>
        %mul3A_493 = arith.constant 5.000000e-01 : f32
        %mul3A_494 = vector.broadcast %mul3A_493 : f32 to vector<16xf32>
        %mul3A_495 = arith.mulf %mul3A_494, %add3A_486 : vector<16xf32>
        %mul3A_496 = arith.mulf %mul3A_495, %bitcast_convert_type3A_492 : vector<16xf32>
        %mul3A_497 = arith.mulf %mul3A_496, %bitcast_convert_type3A_492 : vector<16xf32>
        %sub3A_498 = arith.constant 1.500000e+00 : f32
        %sub3A_499 = vector.broadcast %sub3A_498 : f32 to vector<16xf32>
        %sub3A_500 = arith.subf %sub3A_499, %mul3A_497 : vector<16xf32>
        %mul3A_501 = arith.mulf %bitcast_convert_type3A_492, %sub3A_500 : vector<16xf32>
        %mul3A_502 = arith.constant 5.000000e-01 : f32
        %mul3A_503 = vector.broadcast %mul3A_502 : f32 to vector<16xf32>
        %mul3A_504 = arith.mulf %mul3A_503, %add3A_486 : vector<16xf32>
        %mul3A_505 = arith.mulf %mul3A_504, %mul3A_501 : vector<16xf32>
        %mul3A_506 = arith.mulf %mul3A_505, %mul3A_501 : vector<16xf32>
        %sub3A_507 = arith.constant 1.500000e+00 : f32
        %sub3A_508 = vector.broadcast %sub3A_507 : f32 to vector<16xf32>
        %sub3A_509 = arith.subf %sub3A_508, %mul3A_506 : vector<16xf32>
        %mul3A_510 = arith.mulf %mul3A_501, %sub3A_509 : vector<16xf32>
        %mul3A_511 = arith.constant 5.000000e-01 : f32
        %mul3A_512 = vector.broadcast %mul3A_511 : f32 to vector<16xf32>
        %mul3A_513 = arith.mulf %mul3A_512, %add3A_486 : vector<16xf32>
        %mul3A_514 = arith.mulf %mul3A_513, %mul3A_510 : vector<16xf32>
        %mul3A_515 = arith.mulf %mul3A_514, %mul3A_510 : vector<16xf32>
        %sub3A_516 = arith.constant 1.500000e+00 : f32
        %sub3A_517 = vector.broadcast %sub3A_516 : f32 to vector<16xf32>
        %sub3A_518 = arith.subf %sub3A_517, %mul3A_515 : vector<16xf32>
        %mul3A_519 = arith.mulf %mul3A_510, %sub3A_518 : vector<16xf32>
        %sub3A_520 = arith.subf %gather3A_431, %gather3A_449 : vector<16xf32>
        %sub3A_521 = arith.subf %gather3A_434, %gather3A_452 : vector<16xf32>
        %sub3A_522 = arith.subf %gather3A_437, %gather3A_455 : vector<16xf32>
        %mul3A_523 = arith.mulf %sub3A_520, %sub3A_520 : vector<16xf32>
        %mul3A_524 = arith.mulf %sub3A_521, %sub3A_521 : vector<16xf32>
        %add3A_525 = arith.addf %mul3A_523, %mul3A_524 : vector<16xf32>
        %mul3A_526 = arith.mulf %sub3A_522, %sub3A_522 : vector<16xf32>
        %add3A_527 = arith.addf %add3A_525, %mul3A_526 : vector<16xf32>
        %add3A_528 = arith.constant 9.99999993E-9 : f32
        %add3A_529 = vector.broadcast %add3A_528 : f32 to vector<16xf32>
        %add3A_530 = arith.addf %add3A_527, %add3A_529 : vector<16xf32>
        %bitcast_convert_type3A_531 = tpu.bitcast %add3A_530 : vector<16xf32> -> vector<16xi32>
        %shift_right_arithmetic3A_532 = arith.constant 1 : i32
        %shift_right_arithmetic3A_533 = vector.broadcast %shift_right_arithmetic3A_532 : i32 to vector<16xi32>
        %shift_right_arithmetic3A_534 = arith.shrsi %bitcast_convert_type3A_531, %shift_right_arithmetic3A_533 : vector<16xi32>
        %sub3A_535 = arith.constant 1597463007 : i32
        %sub3A_536 = vector.broadcast %sub3A_535 : i32 to vector<16xi32>
        %sub3A_537 = arith.subi %sub3A_536, %shift_right_arithmetic3A_534 : vector<16xi32>
        %bitcast_convert_type3A_538 = tpu.bitcast %sub3A_537 : vector<16xi32> -> vector<16xf32>
        %mul3A_539 = arith.constant 5.000000e-01 : f32
        %mul3A_540 = vector.broadcast %mul3A_539 : f32 to vector<16xf32>
        %mul3A_541 = arith.mulf %mul3A_540, %add3A_530 : vector<16xf32>
        %mul3A_542 = arith.mulf %mul3A_541, %bitcast_convert_type3A_538 : vector<16xf32>
        %mul3A_543 = arith.mulf %mul3A_542, %bitcast_convert_type3A_538 : vector<16xf32>
        %sub3A_544 = arith.constant 1.500000e+00 : f32
        %sub3A_545 = vector.broadcast %sub3A_544 : f32 to vector<16xf32>
        %sub3A_546 = arith.subf %sub3A_545, %mul3A_543 : vector<16xf32>
        %mul3A_547 = arith.mulf %bitcast_convert_type3A_538, %sub3A_546 : vector<16xf32>
        %mul3A_548 = arith.constant 5.000000e-01 : f32
        %mul3A_549 = vector.broadcast %mul3A_548 : f32 to vector<16xf32>
        %mul3A_550 = arith.mulf %mul3A_549, %add3A_530 : vector<16xf32>
        %mul3A_551 = arith.mulf %mul3A_550, %mul3A_547 : vector<16xf32>
        %mul3A_552 = arith.mulf %mul3A_551, %mul3A_547 : vector<16xf32>
        %sub3A_553 = arith.constant 1.500000e+00 : f32
        %sub3A_554 = vector.broadcast %sub3A_553 : f32 to vector<16xf32>
        %sub3A_555 = arith.subf %sub3A_554, %mul3A_552 : vector<16xf32>
        %mul3A_556 = arith.mulf %mul3A_547, %sub3A_555 : vector<16xf32>
        %mul3A_557 = arith.constant 5.000000e-01 : f32
        %mul3A_558 = vector.broadcast %mul3A_557 : f32 to vector<16xf32>
        %mul3A_559 = arith.mulf %mul3A_558, %add3A_530 : vector<16xf32>
        %mul3A_560 = arith.mulf %mul3A_559, %mul3A_556 : vector<16xf32>
        %mul3A_561 = arith.mulf %mul3A_560, %mul3A_556 : vector<16xf32>
        %sub3A_562 = arith.constant 1.500000e+00 : f32
        %sub3A_563 = vector.broadcast %sub3A_562 : f32 to vector<16xf32>
        %sub3A_564 = arith.subf %sub3A_563, %mul3A_561 : vector<16xf32>
        %mul3A_565 = arith.mulf %mul3A_556, %sub3A_564 : vector<16xf32>
        %mul3A_566 = arith.mulf %add3A_486, %mul3A_519 : vector<16xf32>
        %add3A_567 = arith.addf %gather3A_462, %gather3A_470 : vector<16xf32>
        %mul3A_568 = arith.mulf %mul3A_566, %add3A_567 : vector<16xf32>
        %mul3A_569 = arith.mulf %add3A_530, %mul3A_565 : vector<16xf32>
        %add3A_570 = arith.addf %gather3A_466, %gather3A_474 : vector<16xf32>
        %mul3A_571 = arith.mulf %mul3A_569, %add3A_570 : vector<16xf32>
        %add3A_572 = arith.addf %mul3A_568, %mul3A_571 : vector<16xf32>
        %mul3A_573 = arith.mulf %add3A_572, %mul3A_519 : vector<16xf32>
        %mul3A_574 = arith.constant 4 : i32
        %mul3A_575 = vector.broadcast %mul3A_574 : i32 to vector<16xi32>
        %mul3A_576 = arith.muli %get3A_476, %mul3A_575 : vector<16xi32>
        %mul3A_577 = arith.mulf %mul3A_573, %sub3A : vector<16xf32>
        tpu.vector_store_idx %arg33[%mul3A_576], %mul3A_577 {add = true} : memref<40960xf32, #tpu.memory_space<vmem>>[vector<16xi32>], vector<16xf32>,
        %add3A_578 = arith.constant 1 : i32
        %add3A_579 = vector.broadcast %add3A_578 : i32 to vector<16xi32>
        %add3A_580 = arith.addi %mul3A_576, %add3A_579 : vector<16xi32>
        %mul3A_581 = arith.mulf %mul3A_573, %sub3A_477 : vector<16xf32>
        tpu.vector_store_idx %arg33[%add3A_580], %mul3A_581 {add = true} : memref<40960xf32, #tpu.memory_space<vmem>>[vector<16xi32>], vector<16xf32>,
        %add3A_582 = arith.constant 2 : i32
        %add3A_583 = vector.broadcast %add3A_582 : i32 to vector<16xi32>
        %add3A_584 = arith.addi %mul3A_576, %add3A_583 : vector<16xi32>
        %mul3A_585 = arith.mulf %mul3A_573, %sub3A_478 : vector<16xf32>
        tpu.vector_store_idx %arg33[%add3A_584], %mul3A_585 {add = true} : memref<40960xf32, #tpu.memory_space<vmem>>[vector<16xi32>], vector<16xf32>,
      }
      %scan3A_266 = arith.constant 8 : i32
      %add3A_267 = arith.constant 2 : i32
      %add3A_268 = arith.addi %mul3A_146, %add3A_267 : i32
      %mul3A_269 = arith.constant 512 : i32
      %mul3A_270 = arith.muli %add3A_268, %mul3A_269 : i32
      %add3A_271 = arith.addi %mul3A_7, %mul3A_270 : i32
      %dma_start3A_272 = tpu.memref_slice %arg2[%add3A_271] : memref<328704xi32, #tpu.memory_space<hbm>> -> memref<512xi32, #tpu.memory_space<hbm>>
      %dma_start3A_273 = tpu.memref_slice %arg2[%add3A_271] : memref<328704xi32, #tpu.memory_space<hbm>> -> memref<512xi32, #tpu.memory_space<hbm>>
      tpu.enqueue_dma source(%dma_start3A_273 : memref<512xi32, #tpu.memory_space<hbm>>) target(%arg9 : memref<512xi32, #tpu.memory_space<vmem>>) target_semaphore(%arg34 : memref<!tpu.dma_semaphore, #tpu.memory_space<semaphore_mem>>)
      %dma_start3A_274 = tpu.memref_slice %arg3[%add3A_271] : memref<328704xi32, #tpu.memory_space<hbm>> -> memref<512xi32, #tpu.memory_space<hbm>>
      %dma_start3A_275 = tpu.memref_slice %arg3[%add3A_271] : memref<328704xi32, #tpu.memory_space<hbm>> -> memref<512xi32, #tpu.memory_space<hbm>>
      tpu.enqueue_dma source(%dma_start3A_275 : memref<512xi32, #tpu.memory_space<hbm>>) target(%arg10 : memref<512xi32, #tpu.memory_space<vmem>>) target_semaphore(%arg34 : memref<!tpu.dma_semaphore, #tpu.memory_space<semaphore_mem>>)
      %dma_start3A_276 = tpu.memref_slice %arg4[%add3A_271] : memref<328704xi32, #tpu.memory_space<hbm>> -> memref<512xi32, #tpu.memory_space<hbm>>
      %dma_start3A_277 = tpu.memref_slice %arg4[%add3A_271] : memref<328704xi32, #tpu.memory_space<hbm>> -> memref<512xi32, #tpu.memory_space<hbm>>
      tpu.enqueue_dma source(%dma_start3A_277 : memref<512xi32, #tpu.memory_space<hbm>>) target(%arg11 : memref<512xi32, #tpu.memory_space<vmem>>) target_semaphore(%arg34 : memref<!tpu.dma_semaphore, #tpu.memory_space<semaphore_mem>>)
      %dma_start3A_278 = tpu.memref_slice %arg5[%add3A_271] : memref<328704xi32, #tpu.memory_space<hbm>> -> memref<512xi32, #tpu.memory_space<hbm>>
      %dma_start3A_279 = tpu.memref_slice %arg5[%add3A_271] : memref<328704xi32, #tpu.memory_space<hbm>> -> memref<512xi32, #tpu.memory_space<hbm>>
      tpu.enqueue_dma source(%dma_start3A_279 : memref<512xi32, #tpu.memory_space<hbm>>) target(%arg12 : memref<512xi32, #tpu.memory_space<vmem>>) target_semaphore(%arg34 : memref<!tpu.dma_semaphore, #tpu.memory_space<semaphore_mem>>)
      %dma_wait3A_280 = arith.constant 0 : i32
      %dma_wait3A_281 = tpu.memref_slice %arg13[%dma_wait3A_280] : memref<512xi32, #tpu.memory_space<vmem>> -> memref<128xi32, #tpu.memory_space<vmem>>
      %dma_wait3A_282 = arith.constant 0 : i32
      %dma_wait3A_283 = arith.constant 0 : i32
      %dma_wait3A_284 = tpu.memref_slice %arg6[%dma_wait3A_282, %dma_wait3A_283] : memref<10240x8xf32, #tpu.memory_space<hbm>> -> memref<10240x8xf32, #tpu.memory_space<hbm>>
      tpu.wait_indirect_dma semaphore(%arg37 : memref<!tpu.dma_semaphore, #tpu.memory_space<semaphore_mem>>) src(%dma_wait3A_284 : memref<10240x8xf32, #tpu.memory_space<hbm>>) dst(%arg21 : memref<128x8xf32, #tpu.memory_space<vmem>>)
      %dma_wait3A_285 = arith.constant 0 : i32
      %dma_wait3A_286 = tpu.memref_slice %arg14[%dma_wait3A_285] : memref<512xi32, #tpu.memory_space<vmem>> -> memref<128xi32, #tpu.memory_space<vmem>>
      %dma_wait3A_287 = arith.constant 0 : i32
      %dma_wait3A_288 = arith.constant 0 : i32
      %dma_wait3A_289 = tpu.memref_slice %arg7[%dma_wait3A_287, %dma_wait3A_288] : memref<10240x32xf32, #tpu.memory_space<hbm>> -> memref<10240x32xf32, #tpu.memory_space<hbm>>
      tpu.wait_indirect_dma semaphore(%arg37 : memref<!tpu.dma_semaphore, #tpu.memory_space<semaphore_mem>>) src(%dma_wait3A_289 : memref<10240x32xf32, #tpu.memory_space<hbm>>) dst(%arg29 : memref<128x32xf32, #tpu.memory_space<vmem>>)
      %dma_wait3A_290 = arith.constant 128 : i32
      %dma_wait3A_291 = tpu.memref_slice %arg13[%dma_wait3A_290] : memref<512xi32, #tpu.memory_space<vmem>> -> memref<128xi32, #tpu.memory_space<vmem>>
      %dma_wait3A_292 = arith.constant 0 : i32
      %dma_wait3A_293 = arith.constant 0 : i32
      %dma_wait3A_294 = tpu.memref_slice %arg6[%dma_wait3A_292, %dma_wait3A_293] : memref<10240x8xf32, #tpu.memory_space<hbm>> -> memref<10240x8xf32, #tpu.memory_space<hbm>>
      tpu.wait_indirect_dma semaphore(%arg37 : memref<!tpu.dma_semaphore, #tpu.memory_space<semaphore_mem>>) src(%dma_wait3A_294 : memref<10240x8xf32, #tpu.memory_space<hbm>>) dst(%arg22 : memref<128x8xf32, #tpu.memory_space<vmem>>)
      %dma_wait3A_295 = arith.constant 128 : i32
      %dma_wait3A_296 = tpu.memref_slice %arg14[%dma_wait3A_295] : memref<512xi32, #tpu.memory_space<vmem>> -> memref<128xi32, #tpu.memory_space<vmem>>
      %dma_wait3A_297 = arith.constant 0 : i32
      %dma_wait3A_298 = arith.constant 0 : i32
      %dma_wait3A_299 = tpu.memref_slice %arg7[%dma_wait3A_297, %dma_wait3A_298] : memref<10240x32xf32, #tpu.memory_space<hbm>> -> memref<10240x32xf32, #tpu.memory_space<hbm>>
      tpu.wait_indirect_dma semaphore(%arg37 : memref<!tpu.dma_semaphore, #tpu.memory_space<semaphore_mem>>) src(%dma_wait3A_299 : memref<10240x32xf32, #tpu.memory_space<hbm>>) dst(%arg30 : memref<128x32xf32, #tpu.memory_space<vmem>>)
      %dma_wait3A_300 = arith.constant 256 : i32
      %dma_wait3A_301 = tpu.memref_slice %arg13[%dma_wait3A_300] : memref<512xi32, #tpu.memory_space<vmem>> -> memref<128xi32, #tpu.memory_space<vmem>>
      %dma_wait3A_302 = arith.constant 0 : i32
      %dma_wait3A_303 = arith.constant 0 : i32
      %dma_wait3A_304 = tpu.memref_slice %arg6[%dma_wait3A_302, %dma_wait3A_303] : memref<10240x8xf32, #tpu.memory_space<hbm>> -> memref<10240x8xf32, #tpu.memory_space<hbm>>
      tpu.wait_indirect_dma semaphore(%arg37 : memref<!tpu.dma_semaphore, #tpu.memory_space<semaphore_mem>>) src(%dma_wait3A_304 : memref<10240x8xf32, #tpu.memory_space<hbm>>) dst(%arg23 : memref<128x8xf32, #tpu.memory_space<vmem>>)
      %dma_wait3A_305 = arith.constant 256 : i32
      %dma_wait3A_306 = tpu.memref_slice %arg14[%dma_wait3A_305] : memref<512xi32, #tpu.memory_space<vmem>> -> memref<128xi32, #tpu.memory_space<vmem>>
      %dma_wait3A_307 = arith.constant 0 : i32
      %dma_wait3A_308 = arith.constant 0 : i32
      %dma_wait3A_309 = tpu.memref_slice %arg7[%dma_wait3A_307, %dma_wait3A_308] : memref<10240x32xf32, #tpu.memory_space<hbm>> -> memref<10240x32xf32, #tpu.memory_space<hbm>>
      tpu.wait_indirect_dma semaphore(%arg37 : memref<!tpu.dma_semaphore, #tpu.memory_space<semaphore_mem>>) src(%dma_wait3A_309 : memref<10240x32xf32, #tpu.memory_space<hbm>>) dst(%arg31 : memref<128x32xf32, #tpu.memory_space<vmem>>)
      %dma_wait3A_310 = arith.constant 384 : i32
      %dma_wait3A_311 = tpu.memref_slice %arg13[%dma_wait3A_310] : memref<512xi32, #tpu.memory_space<vmem>> -> memref<128xi32, #tpu.memory_space<vmem>>
      %dma_wait3A_312 = arith.constant 0 : i32
      %dma_wait3A_313 = arith.constant 0 : i32
      %dma_wait3A_314 = tpu.memref_slice %arg6[%dma_wait3A_312, %dma_wait3A_313] : memref<10240x8xf32, #tpu.memory_space<hbm>> -> memref<10240x8xf32, #tpu.memory_space<hbm>>
      tpu.wait_indirect_dma semaphore(%arg37 : memref<!tpu.dma_semaphore, #tpu.memory_space<semaphore_mem>>) src(%dma_wait3A_314 : memref<10240x8xf32, #tpu.memory_space<hbm>>) dst(%arg24 : memref<128x8xf32, #tpu.memory_space<vmem>>)
      %dma_wait3A_315 = arith.constant 384 : i32
      %dma_wait3A_316 = tpu.memref_slice %arg14[%dma_wait3A_315] : memref<512xi32, #tpu.memory_space<vmem>> -> memref<128xi32, #tpu.memory_space<vmem>>
      %dma_wait3A_317 = arith.constant 0 : i32
      %dma_wait3A_318 = arith.constant 0 : i32
      %dma_wait3A_319 = tpu.memref_slice %arg7[%dma_wait3A_317, %dma_wait3A_318] : memref<10240x32xf32, #tpu.memory_space<hbm>> -> memref<10240x32xf32, #tpu.memory_space<hbm>>
      tpu.wait_indirect_dma semaphore(%arg37 : memref<!tpu.dma_semaphore, #tpu.memory_space<semaphore_mem>>) src(%dma_wait3A_319 : memref<10240x32xf32, #tpu.memory_space<hbm>>) dst(%arg32 : memref<128x32xf32, #tpu.memory_space<vmem>>)
      %dma_wait3A_320 = arith.constant 0 : i32
      %dma_wait3A_321 = tpu.memref_slice %arg2[%dma_wait3A_320] : memref<328704xi32, #tpu.memory_space<hbm>> -> memref<512xi32, #tpu.memory_space<hbm>>
      %dma_wait3A_322 = arith.constant 0 : i32
      %dma_wait3A_323 = tpu.memref_slice %arg2[%dma_wait3A_322] : memref<328704xi32, #tpu.memory_space<hbm>> -> memref<512xi32, #tpu.memory_space<hbm>>
      tpu.wait_dma2 semaphore(%arg34 : memref<!tpu.dma_semaphore, #tpu.memory_space<semaphore_mem>>) src(%dma_wait3A_323 : memref<512xi32, #tpu.memory_space<hbm>>) dst(%arg9 : memref<512xi32, #tpu.memory_space<vmem>>)
      %dma_wait3A_324 = arith.constant 0 : i32
      %dma_wait3A_325 = tpu.memref_slice %arg3[%dma_wait3A_324] : memref<328704xi32, #tpu.memory_space<hbm>> -> memref<512xi32, #tpu.memory_space<hbm>>
      %dma_wait3A_326 = arith.constant 0 : i32
      %dma_wait3A_327 = tpu.memref_slice %arg3[%dma_wait3A_326] : memref<328704xi32, #tpu.memory_space<hbm>> -> memref<512xi32, #tpu.memory_space<hbm>>
      tpu.wait_dma2 semaphore(%arg34 : memref<!tpu.dma_semaphore, #tpu.memory_space<semaphore_mem>>) src(%dma_wait3A_327 : memref<512xi32, #tpu.memory_space<hbm>>) dst(%arg10 : memref<512xi32, #tpu.memory_space<vmem>>)
      %dma_wait3A_328 = arith.constant 0 : i32
      %dma_wait3A_329 = tpu.memref_slice %arg4[%dma_wait3A_328] : memref<328704xi32, #tpu.memory_space<hbm>> -> memref<512xi32, #tpu.memory_space<hbm>>
      %dma_wait3A_330 = arith.constant 0 : i32
      %dma_wait3A_331 = tpu.memref_slice %arg4[%dma_wait3A_330] : memref<328704xi32, #tpu.memory_space<hbm>> -> memref<512xi32, #tpu.memory_space<hbm>>
      tpu.wait_dma2 semaphore(%arg34 : memref<!tpu.dma_semaphore, #tpu.memory_space<semaphore_mem>>) src(%dma_wait3A_331 : memref<512xi32, #tpu.memory_space<hbm>>) dst(%arg11 : memref<512xi32, #tpu.memory_space<vmem>>)
      %dma_wait3A_332 = arith.constant 0 : i32
      %dma_wait3A_333 = tpu.memref_slice %arg5[%dma_wait3A_332] : memref<328704xi32, #tpu.memory_space<hbm>> -> memref<512xi32, #tpu.memory_space<hbm>>
      %dma_wait3A_334 = arith.constant 0 : i32
      %dma_wait3A_335 = tpu.memref_slice %arg5[%dma_wait3A_334] : memref<328704xi32, #tpu.memory_space<hbm>> -> memref<512xi32, #tpu.memory_space<hbm>>
      tpu.wait_dma2 semaphore(%arg34 : memref<!tpu.dma_semaphore, #tpu.memory_space<semaphore_mem>>) src(%dma_wait3A_335 : memref<512xi32, #tpu.memory_space<hbm>>) dst(%arg12 : memref<512xi32, #tpu.memory_space<vmem>>)
      %dma_start3A_336 = arith.constant 0 : i32
      %dma_start3A_337 = tpu.memref_slice %arg9[%dma_start3A_336] : memref<512xi32, #tpu.memory_space<vmem>> -> memref<128xi32, #tpu.memory_space<vmem>>
      %dma_start3A_338 = arith.constant 0 : i32
      %dma_start3A_339 = arith.constant 0 : i32
      %dma_start3A_340 = tpu.memref_slice %arg6[%dma_start3A_338, %dma_start3A_339] : memref<10240x8xf32, #tpu.memory_space<hbm>> -> memref<10240x8xf32, #tpu.memory_space<hbm>>
      tpu.enqueue_indirect_dma source(%dma_start3A_340 : memref<10240x8xf32, #tpu.memory_space<hbm>>) target(%arg17 : memref<128x8xf32, #tpu.memory_space<vmem>>) offsets(%dma_start3A_337 : memref<128xi32, #tpu.memory_space<vmem>>) semaphore(%arg36 : memref<!tpu.dma_semaphore, #tpu.memory_space<semaphore_mem>>)
      %dma_start3A_341 = arith.constant 0 : i32
      %dma_start3A_342 = tpu.memref_slice %arg10[%dma_start3A_341] : memref<512xi32, #tpu.memory_space<vmem>> -> memref<128xi32, #tpu.memory_space<vmem>>
      %dma_start3A_343 = arith.constant 0 : i32
      %dma_start3A_344 = arith.constant 0 : i32
      %dma_start3A_345 = tpu.memref_slice %arg7[%dma_start3A_343, %dma_start3A_344] : memref<10240x32xf32, #tpu.memory_space<hbm>> -> memref<10240x32xf32, #tpu.memory_space<hbm>>
      tpu.enqueue_indirect_dma source(%dma_start3A_345 : memref<10240x32xf32, #tpu.memory_space<hbm>>) target(%arg25 : memref<128x32xf32, #tpu.memory_space<vmem>>) offsets(%dma_start3A_342 : memref<128xi32, #tpu.memory_space<vmem>>) semaphore(%arg36 : memref<!tpu.dma_semaphore, #tpu.memory_space<semaphore_mem>>)
      %dma_start3A_346 = arith.constant 128 : i32
      %dma_start3A_347 = tpu.memref_slice %arg9[%dma_start3A_346] : memref<512xi32, #tpu.memory_space<vmem>> -> memref<128xi32, #tpu.memory_space<vmem>>
      %dma_start3A_348 = arith.constant 0 : i32
      %dma_start3A_349 = arith.constant 0 : i32
      %dma_start3A_350 = tpu.memref_slice %arg6[%dma_start3A_348, %dma_start3A_349] : memref<10240x8xf32, #tpu.memory_space<hbm>> -> memref<10240x8xf32, #tpu.memory_space<hbm>>
      tpu.enqueue_indirect_dma source(%dma_start3A_350 : memref<10240x8xf32, #tpu.memory_space<hbm>>) target(%arg18 : memref<128x8xf32, #tpu.memory_space<vmem>>) offsets(%dma_start3A_347 : memref<128xi32, #tpu.memory_space<vmem>>) semaphore(%arg36 : memref<!tpu.dma_semaphore, #tpu.memory_space<semaphore_mem>>)
      %dma_start3A_351 = arith.constant 128 : i32
      %dma_start3A_352 = tpu.memref_slice %arg10[%dma_start3A_351] : memref<512xi32, #tpu.memory_space<vmem>> -> memref<128xi32, #tpu.memory_space<vmem>>
      %dma_start3A_353 = arith.constant 0 : i32
      %dma_start3A_354 = arith.constant 0 : i32
      %dma_start3A_355 = tpu.memref_slice %arg7[%dma_start3A_353, %dma_start3A_354] : memref<10240x32xf32, #tpu.memory_space<hbm>> -> memref<10240x32xf32, #tpu.memory_space<hbm>>
      tpu.enqueue_indirect_dma source(%dma_start3A_355 : memref<10240x32xf32, #tpu.memory_space<hbm>>) target(%arg26 : memref<128x32xf32, #tpu.memory_space<vmem>>) offsets(%dma_start3A_352 : memref<128xi32, #tpu.memory_space<vmem>>) semaphore(%arg36 : memref<!tpu.dma_semaphore, #tpu.memory_space<semaphore_mem>>)
      %dma_start3A_356 = arith.constant 256 : i32
      %dma_start3A_357 = tpu.memref_slice %arg9[%dma_start3A_356] : memref<512xi32, #tpu.memory_space<vmem>> -> memref<128xi32, #tpu.memory_space<vmem>>
      %dma_start3A_358 = arith.constant 0 : i32
      %dma_start3A_359 = arith.constant 0 : i32
      %dma_start3A_360 = tpu.memref_slice %arg6[%dma_start3A_358, %dma_start3A_359] : memref<10240x8xf32, #tpu.memory_space<hbm>> -> memref<10240x8xf32, #tpu.memory_space<hbm>>
      tpu.enqueue_indirect_dma source(%dma_start3A_360 : memref<10240x8xf32, #tpu.memory_space<hbm>>) target(%arg19 : memref<128x8xf32, #tpu.memory_space<vmem>>) offsets(%dma_start3A_357 : memref<128xi32, #tpu.memory_space<vmem>>) semaphore(%arg36 : memref<!tpu.dma_semaphore, #tpu.memory_space<semaphore_mem>>)
      %dma_start3A_361 = arith.constant 256 : i32
      %dma_start3A_362 = tpu.memref_slice %arg10[%dma_start3A_361] : memref<512xi32, #tpu.memory_space<vmem>> -> memref<128xi32, #tpu.memory_space<vmem>>
      %dma_start3A_363 = arith.constant 0 : i32
      %dma_start3A_364 = arith.constant 0 : i32
      %dma_start3A_365 = tpu.memref_slice %arg7[%dma_start3A_363, %dma_start3A_364] : memref<10240x32xf32, #tpu.memory_space<hbm>> -> memref<10240x32xf32, #tpu.memory_space<hbm>>
      tpu.enqueue_indirect_dma source(%dma_start3A_365 : memref<10240x32xf32, #tpu.memory_space<hbm>>) target(%arg27 : memref<128x32xf32, #tpu.memory_space<vmem>>) offsets(%dma_start3A_362 : memref<128xi32, #tpu.memory_space<vmem>>) semaphore(%arg36 : memref<!tpu.dma_semaphore, #tpu.memory_space<semaphore_mem>>)
      %dma_start3A_366 = arith.constant 384 : i32
      %dma_start3A_367 = tpu.memref_slice %arg9[%dma_start3A_366] : memref<512xi32, #tpu.memory_space<vmem>> -> memref<128xi32, #tpu.memory_space<vmem>>
      %dma_start3A_368 = arith.constant 0 : i32
      %dma_start3A_369 = arith.constant 0 : i32
      %dma_start3A_370 = tpu.memref_slice %arg6[%dma_start3A_368, %dma_start3A_369] : memref<10240x8xf32, #tpu.memory_space<hbm>> -> memref<10240x8xf32, #tpu.memory_space<hbm>>
      tpu.enqueue_indirect_dma source(%dma_start3A_370 : memref<10240x8xf32, #tpu.memory_space<hbm>>) target(%arg20 : memref<128x8xf32, #tpu.memory_space<vmem>>) offsets(%dma_start3A_367 : memref<128xi32, #tpu.memory_space<vmem>>) semaphore(%arg36 : memref<!tpu.dma_semaphore, #tpu.memory_space<semaphore_mem>>)
      %dma_start3A_371 = arith.constant 384 : i32
      %dma_start3A_372 = tpu.memref_slice %arg10[%dma_start3A_371] : memref<512xi32, #tpu.memory_space<vmem>> -> memref<128xi32, #tpu.memory_space<vmem>>
      %dma_start3A_373 = arith.constant 0 : i32
      %dma_start3A_374 = arith.constant 0 : i32
      %dma_start3A_375 = tpu.memref_slice %arg7[%dma_start3A_373, %dma_start3A_374] : memref<10240x32xf32, #tpu.memory_space<hbm>> -> memref<10240x32xf32, #tpu.memory_space<hbm>>
      tpu.enqueue_indirect_dma source(%dma_start3A_375 : memref<10240x32xf32, #tpu.memory_space<hbm>>) target(%arg28 : memref<128x32xf32, #tpu.memory_space<vmem>>) offsets(%dma_start3A_372 : memref<128xi32, #tpu.memory_space<vmem>>) semaphore(%arg36 : memref<!tpu.dma_semaphore, #tpu.memory_space<semaphore_mem>>)
      %scan3A_376 = arith.constant 0 : i32
      %scan3A_377 = arith.constant 0 : i32
      %scan3A_378 = arith.constant 8 : i32
      %scan3A_379 = arith.addi %scan3A_377, %scan3A_378 : i32
      %scan3A_380 = arith.constant 1 : i32
      scf.for %scan3A_413 = %scan3A_377 to %scan3A_379 step %scan3A_380  : i32 {
        %mul3A_414 = arith.constant 16 : i32
        %mul3A_415 = arith.muli %scan3A_413, %mul3A_414 : i32
        %add3A_416 = vector.broadcast %mul3A_415 : i32 to vector<16xi32>
        %add3A_417 = arith.addi %add3A_416, %iota3A : vector<16xi32>
        %mul3A_418 = arith.constant 16 : i32
        %mul3A_419 = arith.muli %scan3A_413, %mul3A_418 : i32
        %add3A_420 = arith.constant 0 : i32
        %add3A_421 = arith.addi %add3A_420, %mul3A_419 : i32
        %broadcast_in_dim3A = arith.constant 0 : i32
        %broadcast_in_dim3A_422 = vector.broadcast %broadcast_in_dim3A : i32 to vector<16xi32>
        %gather3A = tpu.vector_load_idx %arg21[%add3A_417, %broadcast_in_dim3A_422] : memref<128x8xf32, #tpu.memory_space<vmem>>[vector<16xi32>, vector<16xi32>], vector<16xf32>,
        %broadcast_in_dim3A_423 = arith.constant 1 : i32
        %broadcast_in_dim3A_424 = vector.broadcast %broadcast_in_dim3A_423 : i32 to vector<16xi32>
        %gather3A_425 = tpu.vector_load_idx %arg21[%add3A_417, %broadcast_in_dim3A_424] : memref<128x8xf32, #tpu.memory_space<vmem>>[vector<16xi32>, vector<16xi32>], vector<16xf32>,
        %broadcast_in_dim3A_426 = arith.constant 2 : i32
        %broadcast_in_dim3A_427 = vector.broadcast %broadcast_in_dim3A_426 : i32 to vector<16xi32>
        %gather3A_428 = tpu.vector_load_idx %arg21[%add3A_417, %broadcast_in_dim3A_427] : memref<128x8xf32, #tpu.memory_space<vmem>>[vector<16xi32>, vector<16xi32>], vector<16xf32>,
        %broadcast_in_dim3A_429 = arith.constant 4 : i32
        %broadcast_in_dim3A_430 = vector.broadcast %broadcast_in_dim3A_429 : i32 to vector<16xi32>
        %gather3A_431 = tpu.vector_load_idx %arg21[%add3A_417, %broadcast_in_dim3A_430] : memref<128x8xf32, #tpu.memory_space<vmem>>[vector<16xi32>, vector<16xi32>], vector<16xf32>,
        %broadcast_in_dim3A_432 = arith.constant 5 : i32
        %broadcast_in_dim3A_433 = vector.broadcast %broadcast_in_dim3A_432 : i32 to vector<16xi32>
        %gather3A_434 = tpu.vector_load_idx %arg21[%add3A_417, %broadcast_in_dim3A_433] : memref<128x8xf32, #tpu.memory_space<vmem>>[vector<16xi32>, vector<16xi32>], vector<16xf32>,
        %broadcast_in_dim3A_435 = arith.constant 6 : i32
        %broadcast_in_dim3A_436 = vector.broadcast %broadcast_in_dim3A_435 : i32 to vector<16xi32>
        %gather3A_437 = tpu.vector_load_idx %arg21[%add3A_417, %broadcast_in_dim3A_436] : memref<128x8xf32, #tpu.memory_space<vmem>>[vector<16xi32>, vector<16xi32>], vector<16xf32>,
        %broadcast_in_dim3A_438 = arith.constant 0 : i32
        %broadcast_in_dim3A_439 = vector.broadcast %broadcast_in_dim3A_438 : i32 to vector<16xi32>
        %gather3A_440 = tpu.vector_load_idx %arg29[%add3A_417, %broadcast_in_dim3A_439] : memref<128x32xf32, #tpu.memory_space<vmem>>[vector<16xi32>, vector<16xi32>], vector<16xf32>,
        %broadcast_in_dim3A_441 = arith.constant 1 : i32
        %broadcast_in_dim3A_442 = vector.broadcast %broadcast_in_dim3A_441 : i32 to vector<16xi32>
        %gather3A_443 = tpu.vector_load_idx %arg29[%add3A_417, %broadcast_in_dim3A_442] : memref<128x32xf32, #tpu.memory_space<vmem>>[vector<16xi32>, vector<16xi32>], vector<16xf32>,
        %broadcast_in_dim3A_444 = arith.constant 2 : i32
        %broadcast_in_dim3A_445 = vector.broadcast %broadcast_in_dim3A_444 : i32 to vector<16xi32>
        %gather3A_446 = tpu.vector_load_idx %arg29[%add3A_417, %broadcast_in_dim3A_445] : memref<128x32xf32, #tpu.memory_space<vmem>>[vector<16xi32>, vector<16xi32>], vector<16xf32>,
        %broadcast_in_dim3A_447 = arith.constant 4 : i32
        %broadcast_in_dim3A_448 = vector.broadcast %broadcast_in_dim3A_447 : i32 to vector<16xi32>
        %gather3A_449 = tpu.vector_load_idx %arg29[%add3A_417, %broadcast_in_dim3A_448] : memref<128x32xf32, #tpu.memory_space<vmem>>[vector<16xi32>, vector<16xi32>], vector<16xf32>,
        %broadcast_in_dim3A_450 = arith.constant 5 : i32
        %broadcast_in_dim3A_451 = vector.broadcast %broadcast_in_dim3A_450 : i32 to vector<16xi32>
        %gather3A_452 = tpu.vector_load_idx %arg29[%add3A_417, %broadcast_in_dim3A_451] : memref<128x32xf32, #tpu.memory_space<vmem>>[vector<16xi32>, vector<16xi32>], vector<16xf32>,
        %broadcast_in_dim3A_453 = arith.constant 6 : i32
        %broadcast_in_dim3A_454 = vector.broadcast %broadcast_in_dim3A_453 : i32 to vector<16xi32>
        %gather3A_455 = tpu.vector_load_idx %arg29[%add3A_417, %broadcast_in_dim3A_454] : memref<128x32xf32, #tpu.memory_space<vmem>>[vector<16xi32>, vector<16xi32>], vector<16xf32>,
        %get3A = arith.index_cast %add3A_421 : i32 to index
        %get3A_456 = tpu.vector_load %arg15[%get3A] {strides = array<i32>} : memref<512xi32, #tpu.memory_space<vmem>>, vector<16xi32>,
        %get3A_457 = arith.index_cast %add3A_421 : i32 to index
        %get3A_458 = tpu.vector_load %arg16[%get3A_457] {strides = array<i32>} : memref<512xi32, #tpu.memory_space<vmem>>, vector<16xi32>,
        %add3A_459 = arith.constant 8 : i32
        %add3A_460 = vector.broadcast %add3A_459 : i32 to vector<16xi32>
        %add3A_461 = arith.addi %add3A_460, %get3A_456 : vector<16xi32>
        %gather3A_462 = tpu.vector_load_idx %arg29[%add3A_417, %add3A_461] : memref<128x32xf32, #tpu.memory_space<vmem>>[vector<16xi32>, vector<16xi32>], vector<16xf32>,
        %add3A_463 = arith.constant 13 : i32
        %add3A_464 = vector.broadcast %add3A_463 : i32 to vector<16xi32>
        %add3A_465 = arith.addi %add3A_464, %get3A_456 : vector<16xi32>
        %gather3A_466 = tpu.vector_load_idx %arg29[%add3A_417, %add3A_465] : memref<128x32xf32, #tpu.memory_space<vmem>>[vector<16xi32>, vector<16xi32>], vector<16xf32>,
        %add3A_467 = arith.constant 18 : i32
        %add3A_468 = vector.broadcast %add3A_467 : i32 to vector<16xi32>
        %add3A_469 = arith.addi %add3A_468, %get3A_458 : vector<16xi32>
        %gather3A_470 = tpu.vector_load_idx %arg29[%add3A_417, %add3A_469] : memref<128x32xf32, #tpu.memory_space<vmem>>[vector<16xi32>, vector<16xi32>], vector<16xf32>,
        %add3A_471 = arith.constant 23 : i32
        %add3A_472 = vector.broadcast %add3A_471 : i32 to vector<16xi32>
        %add3A_473 = arith.addi %add3A_472, %get3A_458 : vector<16xi32>
        %gather3A_474 = tpu.vector_load_idx %arg29[%add3A_417, %add3A_473] : memref<128x32xf32, #tpu.memory_space<vmem>>[vector<16xi32>, vector<16xi32>], vector<16xf32>,
        %get3A_475 = arith.index_cast %add3A_421 : i32 to index
        %get3A_476 = tpu.vector_load %arg13[%get3A_475] {strides = array<i32>} : memref<512xi32, #tpu.memory_space<vmem>>, vector<16xi32>,
        %sub3A = arith.subf %gather3A, %gather3A_440 : vector<16xf32>
        %sub3A_477 = arith.subf %gather3A_425, %gather3A_443 : vector<16xf32>
        %sub3A_478 = arith.subf %gather3A_428, %gather3A_446 : vector<16xf32>
        %mul3A_479 = arith.mulf %sub3A, %sub3A : vector<16xf32>
        %mul3A_480 = arith.mulf %sub3A_477, %sub3A_477 : vector<16xf32>
        %add3A_481 = arith.addf %mul3A_479, %mul3A_480 : vector<16xf32>
        %mul3A_482 = arith.mulf %sub3A_478, %sub3A_478 : vector<16xf32>
        %add3A_483 = arith.addf %add3A_481, %mul3A_482 : vector<16xf32>
        %add3A_484 = arith.constant 9.99999993E-9 : f32
        %add3A_485 = vector.broadcast %add3A_484 : f32 to vector<16xf32>
        %add3A_486 = arith.addf %add3A_483, %add3A_485 : vector<16xf32>
        %bitcast_convert_type3A = tpu.bitcast %add3A_486 : vector<16xf32> -> vector<16xi32>
        %shift_right_arithmetic3A = arith.constant 1 : i32
        %shift_right_arithmetic3A_487 = vector.broadcast %shift_right_arithmetic3A : i32 to vector<16xi32>
        %shift_right_arithmetic3A_488 = arith.shrsi %bitcast_convert_type3A, %shift_right_arithmetic3A_487 : vector<16xi32>
        %sub3A_489 = arith.constant 1597463007 : i32
        %sub3A_490 = vector.broadcast %sub3A_489 : i32 to vector<16xi32>
        %sub3A_491 = arith.subi %sub3A_490, %shift_right_arithmetic3A_488 : vector<16xi32>
        %bitcast_convert_type3A_492 = tpu.bitcast %sub3A_491 : vector<16xi32> -> vector<16xf32>
        %mul3A_493 = arith.constant 5.000000e-01 : f32
        %mul3A_494 = vector.broadcast %mul3A_493 : f32 to vector<16xf32>
        %mul3A_495 = arith.mulf %mul3A_494, %add3A_486 : vector<16xf32>
        %mul3A_496 = arith.mulf %mul3A_495, %bitcast_convert_type3A_492 : vector<16xf32>
        %mul3A_497 = arith.mulf %mul3A_496, %bitcast_convert_type3A_492 : vector<16xf32>
        %sub3A_498 = arith.constant 1.500000e+00 : f32
        %sub3A_499 = vector.broadcast %sub3A_498 : f32 to vector<16xf32>
        %sub3A_500 = arith.subf %sub3A_499, %mul3A_497 : vector<16xf32>
        %mul3A_501 = arith.mulf %bitcast_convert_type3A_492, %sub3A_500 : vector<16xf32>
        %mul3A_502 = arith.constant 5.000000e-01 : f32
        %mul3A_503 = vector.broadcast %mul3A_502 : f32 to vector<16xf32>
        %mul3A_504 = arith.mulf %mul3A_503, %add3A_486 : vector<16xf32>
        %mul3A_505 = arith.mulf %mul3A_504, %mul3A_501 : vector<16xf32>
        %mul3A_506 = arith.mulf %mul3A_505, %mul3A_501 : vector<16xf32>
        %sub3A_507 = arith.constant 1.500000e+00 : f32
        %sub3A_508 = vector.broadcast %sub3A_507 : f32 to vector<16xf32>
        %sub3A_509 = arith.subf %sub3A_508, %mul3A_506 : vector<16xf32>
        %mul3A_510 = arith.mulf %mul3A_501, %sub3A_509 : vector<16xf32>
        %mul3A_511 = arith.constant 5.000000e-01 : f32
        %mul3A_512 = vector.broadcast %mul3A_511 : f32 to vector<16xf32>
        %mul3A_513 = arith.mulf %mul3A_512, %add3A_486 : vector<16xf32>
        %mul3A_514 = arith.mulf %mul3A_513, %mul3A_510 : vector<16xf32>
        %mul3A_515 = arith.mulf %mul3A_514, %mul3A_510 : vector<16xf32>
        %sub3A_516 = arith.constant 1.500000e+00 : f32
        %sub3A_517 = vector.broadcast %sub3A_516 : f32 to vector<16xf32>
        %sub3A_518 = arith.subf %sub3A_517, %mul3A_515 : vector<16xf32>
        %mul3A_519 = arith.mulf %mul3A_510, %sub3A_518 : vector<16xf32>
        %sub3A_520 = arith.subf %gather3A_431, %gather3A_449 : vector<16xf32>
        %sub3A_521 = arith.subf %gather3A_434, %gather3A_452 : vector<16xf32>
        %sub3A_522 = arith.subf %gather3A_437, %gather3A_455 : vector<16xf32>
        %mul3A_523 = arith.mulf %sub3A_520, %sub3A_520 : vector<16xf32>
        %mul3A_524 = arith.mulf %sub3A_521, %sub3A_521 : vector<16xf32>
        %add3A_525 = arith.addf %mul3A_523, %mul3A_524 : vector<16xf32>
        %mul3A_526 = arith.mulf %sub3A_522, %sub3A_522 : vector<16xf32>
        %add3A_527 = arith.addf %add3A_525, %mul3A_526 : vector<16xf32>
        %add3A_528 = arith.constant 9.99999993E-9 : f32
        %add3A_529 = vector.broadcast %add3A_528 : f32 to vector<16xf32>
        %add3A_530 = arith.addf %add3A_527, %add3A_529 : vector<16xf32>
        %bitcast_convert_type3A_531 = tpu.bitcast %add3A_530 : vector<16xf32> -> vector<16xi32>
        %shift_right_arithmetic3A_532 = arith.constant 1 : i32
        %shift_right_arithmetic3A_533 = vector.broadcast %shift_right_arithmetic3A_532 : i32 to vector<16xi32>
        %shift_right_arithmetic3A_534 = arith.shrsi %bitcast_convert_type3A_531, %shift_right_arithmetic3A_533 : vector<16xi32>
        %sub3A_535 = arith.constant 1597463007 : i32
        %sub3A_536 = vector.broadcast %sub3A_535 : i32 to vector<16xi32>
        %sub3A_537 = arith.subi %sub3A_536, %shift_right_arithmetic3A_534 : vector<16xi32>
        %bitcast_convert_type3A_538 = tpu.bitcast %sub3A_537 : vector<16xi32> -> vector<16xf32>
        %mul3A_539 = arith.constant 5.000000e-01 : f32
        %mul3A_540 = vector.broadcast %mul3A_539 : f32 to vector<16xf32>
        %mul3A_541 = arith.mulf %mul3A_540, %add3A_530 : vector<16xf32>
        %mul3A_542 = arith.mulf %mul3A_541, %bitcast_convert_type3A_538 : vector<16xf32>
        %mul3A_543 = arith.mulf %mul3A_542, %bitcast_convert_type3A_538 : vector<16xf32>
        %sub3A_544 = arith.constant 1.500000e+00 : f32
        %sub3A_545 = vector.broadcast %sub3A_544 : f32 to vector<16xf32>
        %sub3A_546 = arith.subf %sub3A_545, %mul3A_543 : vector<16xf32>
        %mul3A_547 = arith.mulf %bitcast_convert_type3A_538, %sub3A_546 : vector<16xf32>
        %mul3A_548 = arith.constant 5.000000e-01 : f32
        %mul3A_549 = vector.broadcast %mul3A_548 : f32 to vector<16xf32>
        %mul3A_550 = arith.mulf %mul3A_549, %add3A_530 : vector<16xf32>
        %mul3A_551 = arith.mulf %mul3A_550, %mul3A_547 : vector<16xf32>
        %mul3A_552 = arith.mulf %mul3A_551, %mul3A_547 : vector<16xf32>
        %sub3A_553 = arith.constant 1.500000e+00 : f32
        %sub3A_554 = vector.broadcast %sub3A_553 : f32 to vector<16xf32>
        %sub3A_555 = arith.subf %sub3A_554, %mul3A_552 : vector<16xf32>
        %mul3A_556 = arith.mulf %mul3A_547, %sub3A_555 : vector<16xf32>
        %mul3A_557 = arith.constant 5.000000e-01 : f32
        %mul3A_558 = vector.broadcast %mul3A_557 : f32 to vector<16xf32>
        %mul3A_559 = arith.mulf %mul3A_558, %add3A_530 : vector<16xf32>
        %mul3A_560 = arith.mulf %mul3A_559, %mul3A_556 : vector<16xf32>
        %mul3A_561 = arith.mulf %mul3A_560, %mul3A_556 : vector<16xf32>
        %sub3A_562 = arith.constant 1.500000e+00 : f32
        %sub3A_563 = vector.broadcast %sub3A_562 : f32 to vector<16xf32>
        %sub3A_564 = arith.subf %sub3A_563, %mul3A_561 : vector<16xf32>
        %mul3A_565 = arith.mulf %mul3A_556, %sub3A_564 : vector<16xf32>
        %mul3A_566 = arith.mulf %add3A_486, %mul3A_519 : vector<16xf32>
        %add3A_567 = arith.addf %gather3A_462, %gather3A_470 : vector<16xf32>
        %mul3A_568 = arith.mulf %mul3A_566, %add3A_567 : vector<16xf32>
        %mul3A_569 = arith.mulf %add3A_530, %mul3A_565 : vector<16xf32>
        %add3A_570 = arith.addf %gather3A_466, %gather3A_474 : vector<16xf32>
        %mul3A_571 = arith.mulf %mul3A_569, %add3A_570 : vector<16xf32>
        %add3A_572 = arith.addf %mul3A_568, %mul3A_571 : vector<16xf32>
        %mul3A_573 = arith.mulf %add3A_572, %mul3A_519 : vector<16xf32>
        %mul3A_574 = arith.constant 4 : i32
        %mul3A_575 = vector.broadcast %mul3A_574 : i32 to vector<16xi32>
        %mul3A_576 = arith.muli %get3A_476, %mul3A_575 : vector<16xi32>
        %mul3A_577 = arith.mulf %mul3A_573, %sub3A : vector<16xf32>
        tpu.vector_store_idx %arg33[%mul3A_576], %mul3A_577 {add = true} : memref<40960xf32, #tpu.memory_space<vmem>>[vector<16xi32>], vector<16xf32>,
        %add3A_578 = arith.constant 1 : i32
        %add3A_579 = vector.broadcast %add3A_578 : i32 to vector<16xi32>
        %add3A_580 = arith.addi %mul3A_576, %add3A_579 : vector<16xi32>
        %mul3A_581 = arith.mulf %mul3A_573, %sub3A_477 : vector<16xf32>
        tpu.vector_store_idx %arg33[%add3A_580], %mul3A_581 {add = true} : memref<40960xf32, #tpu.memory_space<vmem>>[vector<16xi32>], vector<16xf32>,
        %add3A_582 = arith.constant 2 : i32
        %add3A_583 = vector.broadcast %add3A_582 : i32 to vector<16xi32>
        %add3A_584 = arith.addi %mul3A_576, %add3A_583 : vector<16xi32>
        %mul3A_585 = arith.mulf %mul3A_573, %sub3A_478 : vector<16xf32>
        tpu.vector_store_idx %arg33[%add3A_584], %mul3A_585 {add = true} : memref<40960xf32, #tpu.memory_space<vmem>>[vector<16xi32>], vector<16xf32>,
      }
      %scan3A_381 = arith.constant 8 : i32
      %scan3A_382 = arith.constant 0 : i32
      %scan3A_383 = arith.constant 0 : i32
      %scan3A_384 = arith.constant 8 : i32
      %scan3A_385 = arith.addi %scan3A_383, %scan3A_384 : i32
      %scan3A_386 = arith.constant 1 : i32
      scf.for %scan3A_413 = %scan3A_383 to %scan3A_385 step %scan3A_386  : i32 {
        %mul3A_414 = arith.constant 16 : i32
        %mul3A_415 = arith.muli %scan3A_413, %mul3A_414 : i32
        %add3A_416 = vector.broadcast %mul3A_415 : i32 to vector<16xi32>
        %add3A_417 = arith.addi %add3A_416, %iota3A : vector<16xi32>
        %mul3A_418 = arith.constant 16 : i32
        %mul3A_419 = arith.muli %scan3A_413, %mul3A_418 : i32
        %add3A_420 = arith.constant 128 : i32
        %add3A_421 = arith.addi %add3A_420, %mul3A_419 : i32
        %broadcast_in_dim3A = arith.constant 0 : i32
        %broadcast_in_dim3A_422 = vector.broadcast %broadcast_in_dim3A : i32 to vector<16xi32>
        %gather3A = tpu.vector_load_idx %arg22[%add3A_417, %broadcast_in_dim3A_422] : memref<128x8xf32, #tpu.memory_space<vmem>>[vector<16xi32>, vector<16xi32>], vector<16xf32>,
        %broadcast_in_dim3A_423 = arith.constant 1 : i32
        %broadcast_in_dim3A_424 = vector.broadcast %broadcast_in_dim3A_423 : i32 to vector<16xi32>
        %gather3A_425 = tpu.vector_load_idx %arg22[%add3A_417, %broadcast_in_dim3A_424] : memref<128x8xf32, #tpu.memory_space<vmem>>[vector<16xi32>, vector<16xi32>], vector<16xf32>,
        %broadcast_in_dim3A_426 = arith.constant 2 : i32
        %broadcast_in_dim3A_427 = vector.broadcast %broadcast_in_dim3A_426 : i32 to vector<16xi32>
        %gather3A_428 = tpu.vector_load_idx %arg22[%add3A_417, %broadcast_in_dim3A_427] : memref<128x8xf32, #tpu.memory_space<vmem>>[vector<16xi32>, vector<16xi32>], vector<16xf32>,
        %broadcast_in_dim3A_429 = arith.constant 4 : i32
        %broadcast_in_dim3A_430 = vector.broadcast %broadcast_in_dim3A_429 : i32 to vector<16xi32>
        %gather3A_431 = tpu.vector_load_idx %arg22[%add3A_417, %broadcast_in_dim3A_430] : memref<128x8xf32, #tpu.memory_space<vmem>>[vector<16xi32>, vector<16xi32>], vector<16xf32>,
        %broadcast_in_dim3A_432 = arith.constant 5 : i32
        %broadcast_in_dim3A_433 = vector.broadcast %broadcast_in_dim3A_432 : i32 to vector<16xi32>
        %gather3A_434 = tpu.vector_load_idx %arg22[%add3A_417, %broadcast_in_dim3A_433] : memref<128x8xf32, #tpu.memory_space<vmem>>[vector<16xi32>, vector<16xi32>], vector<16xf32>,
        %broadcast_in_dim3A_435 = arith.constant 6 : i32
        %broadcast_in_dim3A_436 = vector.broadcast %broadcast_in_dim3A_435 : i32 to vector<16xi32>
        %gather3A_437 = tpu.vector_load_idx %arg22[%add3A_417, %broadcast_in_dim3A_436] : memref<128x8xf32, #tpu.memory_space<vmem>>[vector<16xi32>, vector<16xi32>], vector<16xf32>,
        %broadcast_in_dim3A_438 = arith.constant 0 : i32
        %broadcast_in_dim3A_439 = vector.broadcast %broadcast_in_dim3A_438 : i32 to vector<16xi32>
        %gather3A_440 = tpu.vector_load_idx %arg30[%add3A_417, %broadcast_in_dim3A_439] : memref<128x32xf32, #tpu.memory_space<vmem>>[vector<16xi32>, vector<16xi32>], vector<16xf32>,
        %broadcast_in_dim3A_441 = arith.constant 1 : i32
        %broadcast_in_dim3A_442 = vector.broadcast %broadcast_in_dim3A_441 : i32 to vector<16xi32>
        %gather3A_443 = tpu.vector_load_idx %arg30[%add3A_417, %broadcast_in_dim3A_442] : memref<128x32xf32, #tpu.memory_space<vmem>>[vector<16xi32>, vector<16xi32>], vector<16xf32>,
        %broadcast_in_dim3A_444 = arith.constant 2 : i32
        %broadcast_in_dim3A_445 = vector.broadcast %broadcast_in_dim3A_444 : i32 to vector<16xi32>
        %gather3A_446 = tpu.vector_load_idx %arg30[%add3A_417, %broadcast_in_dim3A_445] : memref<128x32xf32, #tpu.memory_space<vmem>>[vector<16xi32>, vector<16xi32>], vector<16xf32>,
        %broadcast_in_dim3A_447 = arith.constant 4 : i32
        %broadcast_in_dim3A_448 = vector.broadcast %broadcast_in_dim3A_447 : i32 to vector<16xi32>
        %gather3A_449 = tpu.vector_load_idx %arg30[%add3A_417, %broadcast_in_dim3A_448] : memref<128x32xf32, #tpu.memory_space<vmem>>[vector<16xi32>, vector<16xi32>], vector<16xf32>,
        %broadcast_in_dim3A_450 = arith.constant 5 : i32
        %broadcast_in_dim3A_451 = vector.broadcast %broadcast_in_dim3A_450 : i32 to vector<16xi32>
        %gather3A_452 = tpu.vector_load_idx %arg30[%add3A_417, %broadcast_in_dim3A_451] : memref<128x32xf32, #tpu.memory_space<vmem>>[vector<16xi32>, vector<16xi32>], vector<16xf32>,
        %broadcast_in_dim3A_453 = arith.constant 6 : i32
        %broadcast_in_dim3A_454 = vector.broadcast %broadcast_in_dim3A_453 : i32 to vector<16xi32>
        %gather3A_455 = tpu.vector_load_idx %arg30[%add3A_417, %broadcast_in_dim3A_454] : memref<128x32xf32, #tpu.memory_space<vmem>>[vector<16xi32>, vector<16xi32>], vector<16xf32>,
        %get3A = arith.index_cast %add3A_421 : i32 to index
        %get3A_456 = tpu.vector_load %arg15[%get3A] {strides = array<i32>} : memref<512xi32, #tpu.memory_space<vmem>>, vector<16xi32>,
        %get3A_457 = arith.index_cast %add3A_421 : i32 to index
        %get3A_458 = tpu.vector_load %arg16[%get3A_457] {strides = array<i32>} : memref<512xi32, #tpu.memory_space<vmem>>, vector<16xi32>,
        %add3A_459 = arith.constant 8 : i32
        %add3A_460 = vector.broadcast %add3A_459 : i32 to vector<16xi32>
        %add3A_461 = arith.addi %add3A_460, %get3A_456 : vector<16xi32>
        %gather3A_462 = tpu.vector_load_idx %arg30[%add3A_417, %add3A_461] : memref<128x32xf32, #tpu.memory_space<vmem>>[vector<16xi32>, vector<16xi32>], vector<16xf32>,
        %add3A_463 = arith.constant 13 : i32
        %add3A_464 = vector.broadcast %add3A_463 : i32 to vector<16xi32>
        %add3A_465 = arith.addi %add3A_464, %get3A_456 : vector<16xi32>
        %gather3A_466 = tpu.vector_load_idx %arg30[%add3A_417, %add3A_465] : memref<128x32xf32, #tpu.memory_space<vmem>>[vector<16xi32>, vector<16xi32>], vector<16xf32>,
        %add3A_467 = arith.constant 18 : i32
        %add3A_468 = vector.broadcast %add3A_467 : i32 to vector<16xi32>
        %add3A_469 = arith.addi %add3A_468, %get3A_458 : vector<16xi32>
        %gather3A_470 = tpu.vector_load_idx %arg30[%add3A_417, %add3A_469] : memref<128x32xf32, #tpu.memory_space<vmem>>[vector<16xi32>, vector<16xi32>], vector<16xf32>,
        %add3A_471 = arith.constant 23 : i32
        %add3A_472 = vector.broadcast %add3A_471 : i32 to vector<16xi32>
        %add3A_473 = arith.addi %add3A_472, %get3A_458 : vector<16xi32>
        %gather3A_474 = tpu.vector_load_idx %arg30[%add3A_417, %add3A_473] : memref<128x32xf32, #tpu.memory_space<vmem>>[vector<16xi32>, vector<16xi32>], vector<16xf32>,
        %get3A_475 = arith.index_cast %add3A_421 : i32 to index
        %get3A_476 = tpu.vector_load %arg13[%get3A_475] {strides = array<i32>} : memref<512xi32, #tpu.memory_space<vmem>>, vector<16xi32>,
        %sub3A = arith.subf %gather3A, %gather3A_440 : vector<16xf32>
        %sub3A_477 = arith.subf %gather3A_425, %gather3A_443 : vector<16xf32>
        %sub3A_478 = arith.subf %gather3A_428, %gather3A_446 : vector<16xf32>
        %mul3A_479 = arith.mulf %sub3A, %sub3A : vector<16xf32>
        %mul3A_480 = arith.mulf %sub3A_477, %sub3A_477 : vector<16xf32>
        %add3A_481 = arith.addf %mul3A_479, %mul3A_480 : vector<16xf32>
        %mul3A_482 = arith.mulf %sub3A_478, %sub3A_478 : vector<16xf32>
        %add3A_483 = arith.addf %add3A_481, %mul3A_482 : vector<16xf32>
        %add3A_484 = arith.constant 9.99999993E-9 : f32
        %add3A_485 = vector.broadcast %add3A_484 : f32 to vector<16xf32>
        %add3A_486 = arith.addf %add3A_483, %add3A_485 : vector<16xf32>
        %bitcast_convert_type3A = tpu.bitcast %add3A_486 : vector<16xf32> -> vector<16xi32>
        %shift_right_arithmetic3A = arith.constant 1 : i32
        %shift_right_arithmetic3A_487 = vector.broadcast %shift_right_arithmetic3A : i32 to vector<16xi32>
        %shift_right_arithmetic3A_488 = arith.shrsi %bitcast_convert_type3A, %shift_right_arithmetic3A_487 : vector<16xi32>
        %sub3A_489 = arith.constant 1597463007 : i32
        %sub3A_490 = vector.broadcast %sub3A_489 : i32 to vector<16xi32>
        %sub3A_491 = arith.subi %sub3A_490, %shift_right_arithmetic3A_488 : vector<16xi32>
        %bitcast_convert_type3A_492 = tpu.bitcast %sub3A_491 : vector<16xi32> -> vector<16xf32>
        %mul3A_493 = arith.constant 5.000000e-01 : f32
        %mul3A_494 = vector.broadcast %mul3A_493 : f32 to vector<16xf32>
        %mul3A_495 = arith.mulf %mul3A_494, %add3A_486 : vector<16xf32>
        %mul3A_496 = arith.mulf %mul3A_495, %bitcast_convert_type3A_492 : vector<16xf32>
        %mul3A_497 = arith.mulf %mul3A_496, %bitcast_convert_type3A_492 : vector<16xf32>
        %sub3A_498 = arith.constant 1.500000e+00 : f32
        %sub3A_499 = vector.broadcast %sub3A_498 : f32 to vector<16xf32>
        %sub3A_500 = arith.subf %sub3A_499, %mul3A_497 : vector<16xf32>
        %mul3A_501 = arith.mulf %bitcast_convert_type3A_492, %sub3A_500 : vector<16xf32>
        %mul3A_502 = arith.constant 5.000000e-01 : f32
        %mul3A_503 = vector.broadcast %mul3A_502 : f32 to vector<16xf32>
        %mul3A_504 = arith.mulf %mul3A_503, %add3A_486 : vector<16xf32>
        %mul3A_505 = arith.mulf %mul3A_504, %mul3A_501 : vector<16xf32>
        %mul3A_506 = arith.mulf %mul3A_505, %mul3A_501 : vector<16xf32>
        %sub3A_507 = arith.constant 1.500000e+00 : f32
        %sub3A_508 = vector.broadcast %sub3A_507 : f32 to vector<16xf32>
        %sub3A_509 = arith.subf %sub3A_508, %mul3A_506 : vector<16xf32>
        %mul3A_510 = arith.mulf %mul3A_501, %sub3A_509 : vector<16xf32>
        %mul3A_511 = arith.constant 5.000000e-01 : f32
        %mul3A_512 = vector.broadcast %mul3A_511 : f32 to vector<16xf32>
        %mul3A_513 = arith.mulf %mul3A_512, %add3A_486 : vector<16xf32>
        %mul3A_514 = arith.mulf %mul3A_513, %mul3A_510 : vector<16xf32>
        %mul3A_515 = arith.mulf %mul3A_514, %mul3A_510 : vector<16xf32>
        %sub3A_516 = arith.constant 1.500000e+00 : f32
        %sub3A_517 = vector.broadcast %sub3A_516 : f32 to vector<16xf32>
        %sub3A_518 = arith.subf %sub3A_517, %mul3A_515 : vector<16xf32>
        %mul3A_519 = arith.mulf %mul3A_510, %sub3A_518 : vector<16xf32>
        %sub3A_520 = arith.subf %gather3A_431, %gather3A_449 : vector<16xf32>
        %sub3A_521 = arith.subf %gather3A_434, %gather3A_452 : vector<16xf32>
        %sub3A_522 = arith.subf %gather3A_437, %gather3A_455 : vector<16xf32>
        %mul3A_523 = arith.mulf %sub3A_520, %sub3A_520 : vector<16xf32>
        %mul3A_524 = arith.mulf %sub3A_521, %sub3A_521 : vector<16xf32>
        %add3A_525 = arith.addf %mul3A_523, %mul3A_524 : vector<16xf32>
        %mul3A_526 = arith.mulf %sub3A_522, %sub3A_522 : vector<16xf32>
        %add3A_527 = arith.addf %add3A_525, %mul3A_526 : vector<16xf32>
        %add3A_528 = arith.constant 9.99999993E-9 : f32
        %add3A_529 = vector.broadcast %add3A_528 : f32 to vector<16xf32>
        %add3A_530 = arith.addf %add3A_527, %add3A_529 : vector<16xf32>
        %bitcast_convert_type3A_531 = tpu.bitcast %add3A_530 : vector<16xf32> -> vector<16xi32>
        %shift_right_arithmetic3A_532 = arith.constant 1 : i32
        %shift_right_arithmetic3A_533 = vector.broadcast %shift_right_arithmetic3A_532 : i32 to vector<16xi32>
        %shift_right_arithmetic3A_534 = arith.shrsi %bitcast_convert_type3A_531, %shift_right_arithmetic3A_533 : vector<16xi32>
        %sub3A_535 = arith.constant 1597463007 : i32
        %sub3A_536 = vector.broadcast %sub3A_535 : i32 to vector<16xi32>
        %sub3A_537 = arith.subi %sub3A_536, %shift_right_arithmetic3A_534 : vector<16xi32>
        %bitcast_convert_type3A_538 = tpu.bitcast %sub3A_537 : vector<16xi32> -> vector<16xf32>
        %mul3A_539 = arith.constant 5.000000e-01 : f32
        %mul3A_540 = vector.broadcast %mul3A_539 : f32 to vector<16xf32>
        %mul3A_541 = arith.mulf %mul3A_540, %add3A_530 : vector<16xf32>
        %mul3A_542 = arith.mulf %mul3A_541, %bitcast_convert_type3A_538 : vector<16xf32>
        %mul3A_543 = arith.mulf %mul3A_542, %bitcast_convert_type3A_538 : vector<16xf32>
        %sub3A_544 = arith.constant 1.500000e+00 : f32
        %sub3A_545 = vector.broadcast %sub3A_544 : f32 to vector<16xf32>
        %sub3A_546 = arith.subf %sub3A_545, %mul3A_543 : vector<16xf32>
        %mul3A_547 = arith.mulf %bitcast_convert_type3A_538, %sub3A_546 : vector<16xf32>
        %mul3A_548 = arith.constant 5.000000e-01 : f32
        %mul3A_549 = vector.broadcast %mul3A_548 : f32 to vector<16xf32>
        %mul3A_550 = arith.mulf %mul3A_549, %add3A_530 : vector<16xf32>
        %mul3A_551 = arith.mulf %mul3A_550, %mul3A_547 : vector<16xf32>
        %mul3A_552 = arith.mulf %mul3A_551, %mul3A_547 : vector<16xf32>
        %sub3A_553 = arith.constant 1.500000e+00 : f32
        %sub3A_554 = vector.broadcast %sub3A_553 : f32 to vector<16xf32>
        %sub3A_555 = arith.subf %sub3A_554, %mul3A_552 : vector<16xf32>
        %mul3A_556 = arith.mulf %mul3A_547, %sub3A_555 : vector<16xf32>
        %mul3A_557 = arith.constant 5.000000e-01 : f32
        %mul3A_558 = vector.broadcast %mul3A_557 : f32 to vector<16xf32>
        %mul3A_559 = arith.mulf %mul3A_558, %add3A_530 : vector<16xf32>
        %mul3A_560 = arith.mulf %mul3A_559, %mul3A_556 : vector<16xf32>
        %mul3A_561 = arith.mulf %mul3A_560, %mul3A_556 : vector<16xf32>
        %sub3A_562 = arith.constant 1.500000e+00 : f32
        %sub3A_563 = vector.broadcast %sub3A_562 : f32 to vector<16xf32>
        %sub3A_564 = arith.subf %sub3A_563, %mul3A_561 : vector<16xf32>
        %mul3A_565 = arith.mulf %mul3A_556, %sub3A_564 : vector<16xf32>
        %mul3A_566 = arith.mulf %add3A_486, %mul3A_519 : vector<16xf32>
        %add3A_567 = arith.addf %gather3A_462, %gather3A_470 : vector<16xf32>
        %mul3A_568 = arith.mulf %mul3A_566, %add3A_567 : vector<16xf32>
        %mul3A_569 = arith.mulf %add3A_530, %mul3A_565 : vector<16xf32>
        %add3A_570 = arith.addf %gather3A_466, %gather3A_474 : vector<16xf32>
        %mul3A_571 = arith.mulf %mul3A_569, %add3A_570 : vector<16xf32>
        %add3A_572 = arith.addf %mul3A_568, %mul3A_571 : vector<16xf32>
        %mul3A_573 = arith.mulf %add3A_572, %mul3A_519 : vector<16xf32>
        %mul3A_574 = arith.constant 4 : i32
        %mul3A_575 = vector.broadcast %mul3A_574 : i32 to vector<16xi32>
        %mul3A_576 = arith.muli %get3A_476, %mul3A_575 : vector<16xi32>
        %mul3A_577 = arith.mulf %mul3A_573, %sub3A : vector<16xf32>
        tpu.vector_store_idx %arg33[%mul3A_576], %mul3A_577 {add = true} : memref<40960xf32, #tpu.memory_space<vmem>>[vector<16xi32>], vector<16xf32>,
        %add3A_578 = arith.constant 1 : i32
        %add3A_579 = vector.broadcast %add3A_578 : i32 to vector<16xi32>
        %add3A_580 = arith.addi %mul3A_576, %add3A_579 : vector<16xi32>
        %mul3A_581 = arith.mulf %mul3A_573, %sub3A_477 : vector<16xf32>
        tpu.vector_store_idx %arg33[%add3A_580], %mul3A_581 {add = true} : memref<40960xf32, #tpu.memory_space<vmem>>[vector<16xi32>], vector<16xf32>,
        %add3A_582 = arith.constant 2 : i32
        %add3A_583 = vector.broadcast %add3A_582 : i32 to vector<16xi32>
        %add3A_584 = arith.addi %mul3A_576, %add3A_583 : vector<16xi32>
        %mul3A_585 = arith.mulf %mul3A_573, %sub3A_478 : vector<16xf32>
        tpu.vector_store_idx %arg33[%add3A_584], %mul3A_585 {add = true} : memref<40960xf32, #tpu.memory_space<vmem>>[vector<16xi32>], vector<16xf32>,
      }
      %scan3A_387 = arith.constant 8 : i32
      %scan3A_388 = arith.constant 0 : i32
      %scan3A_389 = arith.constant 0 : i32
      %scan3A_390 = arith.constant 8 : i32
      %scan3A_391 = arith.addi %scan3A_389, %scan3A_390 : i32
      %scan3A_392 = arith.constant 1 : i32
      scf.for %scan3A_413 = %scan3A_389 to %scan3A_391 step %scan3A_392  : i32 {
        %mul3A_414 = arith.constant 16 : i32
        %mul3A_415 = arith.muli %scan3A_413, %mul3A_414 : i32
        %add3A_416 = vector.broadcast %mul3A_415 : i32 to vector<16xi32>
        %add3A_417 = arith.addi %add3A_416, %iota3A : vector<16xi32>
        %mul3A_418 = arith.constant 16 : i32
        %mul3A_419 = arith.muli %scan3A_413, %mul3A_418 : i32
        %add3A_420 = arith.constant 256 : i32
        %add3A_421 = arith.addi %add3A_420, %mul3A_419 : i32
        %broadcast_in_dim3A = arith.constant 0 : i32
        %broadcast_in_dim3A_422 = vector.broadcast %broadcast_in_dim3A : i32 to vector<16xi32>
        %gather3A = tpu.vector_load_idx %arg23[%add3A_417, %broadcast_in_dim3A_422] : memref<128x8xf32, #tpu.memory_space<vmem>>[vector<16xi32>, vector<16xi32>], vector<16xf32>,
        %broadcast_in_dim3A_423 = arith.constant 1 : i32
        %broadcast_in_dim3A_424 = vector.broadcast %broadcast_in_dim3A_423 : i32 to vector<16xi32>
        %gather3A_425 = tpu.vector_load_idx %arg23[%add3A_417, %broadcast_in_dim3A_424] : memref<128x8xf32, #tpu.memory_space<vmem>>[vector<16xi32>, vector<16xi32>], vector<16xf32>,
        %broadcast_in_dim3A_426 = arith.constant 2 : i32
        %broadcast_in_dim3A_427 = vector.broadcast %broadcast_in_dim3A_426 : i32 to vector<16xi32>
        %gather3A_428 = tpu.vector_load_idx %arg23[%add3A_417, %broadcast_in_dim3A_427] : memref<128x8xf32, #tpu.memory_space<vmem>>[vector<16xi32>, vector<16xi32>], vector<16xf32>,
        %broadcast_in_dim3A_429 = arith.constant 4 : i32
        %broadcast_in_dim3A_430 = vector.broadcast %broadcast_in_dim3A_429 : i32 to vector<16xi32>
        %gather3A_431 = tpu.vector_load_idx %arg23[%add3A_417, %broadcast_in_dim3A_430] : memref<128x8xf32, #tpu.memory_space<vmem>>[vector<16xi32>, vector<16xi32>], vector<16xf32>,
        %broadcast_in_dim3A_432 = arith.constant 5 : i32
        %broadcast_in_dim3A_433 = vector.broadcast %broadcast_in_dim3A_432 : i32 to vector<16xi32>
        %gather3A_434 = tpu.vector_load_idx %arg23[%add3A_417, %broadcast_in_dim3A_433] : memref<128x8xf32, #tpu.memory_space<vmem>>[vector<16xi32>, vector<16xi32>], vector<16xf32>,
        %broadcast_in_dim3A_435 = arith.constant 6 : i32
        %broadcast_in_dim3A_436 = vector.broadcast %broadcast_in_dim3A_435 : i32 to vector<16xi32>
        %gather3A_437 = tpu.vector_load_idx %arg23[%add3A_417, %broadcast_in_dim3A_436] : memref<128x8xf32, #tpu.memory_space<vmem>>[vector<16xi32>, vector<16xi32>], vector<16xf32>,
        %broadcast_in_dim3A_438 = arith.constant 0 : i32
        %broadcast_in_dim3A_439 = vector.broadcast %broadcast_in_dim3A_438 : i32 to vector<16xi32>
        %gather3A_440 = tpu.vector_load_idx %arg31[%add3A_417, %broadcast_in_dim3A_439] : memref<128x32xf32, #tpu.memory_space<vmem>>[vector<16xi32>, vector<16xi32>], vector<16xf32>,
        %broadcast_in_dim3A_441 = arith.constant 1 : i32
        %broadcast_in_dim3A_442 = vector.broadcast %broadcast_in_dim3A_441 : i32 to vector<16xi32>
        %gather3A_443 = tpu.vector_load_idx %arg31[%add3A_417, %broadcast_in_dim3A_442] : memref<128x32xf32, #tpu.memory_space<vmem>>[vector<16xi32>, vector<16xi32>], vector<16xf32>,
        %broadcast_in_dim3A_444 = arith.constant 2 : i32
        %broadcast_in_dim3A_445 = vector.broadcast %broadcast_in_dim3A_444 : i32 to vector<16xi32>
        %gather3A_446 = tpu.vector_load_idx %arg31[%add3A_417, %broadcast_in_dim3A_445] : memref<128x32xf32, #tpu.memory_space<vmem>>[vector<16xi32>, vector<16xi32>], vector<16xf32>,
        %broadcast_in_dim3A_447 = arith.constant 4 : i32
        %broadcast_in_dim3A_448 = vector.broadcast %broadcast_in_dim3A_447 : i32 to vector<16xi32>
        %gather3A_449 = tpu.vector_load_idx %arg31[%add3A_417, %broadcast_in_dim3A_448] : memref<128x32xf32, #tpu.memory_space<vmem>>[vector<16xi32>, vector<16xi32>], vector<16xf32>,
        %broadcast_in_dim3A_450 = arith.constant 5 : i32
        %broadcast_in_dim3A_451 = vector.broadcast %broadcast_in_dim3A_450 : i32 to vector<16xi32>
        %gather3A_452 = tpu.vector_load_idx %arg31[%add3A_417, %broadcast_in_dim3A_451] : memref<128x32xf32, #tpu.memory_space<vmem>>[vector<16xi32>, vector<16xi32>], vector<16xf32>,
        %broadcast_in_dim3A_453 = arith.constant 6 : i32
        %broadcast_in_dim3A_454 = vector.broadcast %broadcast_in_dim3A_453 : i32 to vector<16xi32>
        %gather3A_455 = tpu.vector_load_idx %arg31[%add3A_417, %broadcast_in_dim3A_454] : memref<128x32xf32, #tpu.memory_space<vmem>>[vector<16xi32>, vector<16xi32>], vector<16xf32>,
        %get3A = arith.index_cast %add3A_421 : i32 to index
        %get3A_456 = tpu.vector_load %arg15[%get3A] {strides = array<i32>} : memref<512xi32, #tpu.memory_space<vmem>>, vector<16xi32>,
        %get3A_457 = arith.index_cast %add3A_421 : i32 to index
        %get3A_458 = tpu.vector_load %arg16[%get3A_457] {strides = array<i32>} : memref<512xi32, #tpu.memory_space<vmem>>, vector<16xi32>,
        %add3A_459 = arith.constant 8 : i32
        %add3A_460 = vector.broadcast %add3A_459 : i32 to vector<16xi32>
        %add3A_461 = arith.addi %add3A_460, %get3A_456 : vector<16xi32>
        %gather3A_462 = tpu.vector_load_idx %arg31[%add3A_417, %add3A_461] : memref<128x32xf32, #tpu.memory_space<vmem>>[vector<16xi32>, vector<16xi32>], vector<16xf32>,
        %add3A_463 = arith.constant 13 : i32
        %add3A_464 = vector.broadcast %add3A_463 : i32 to vector<16xi32>
        %add3A_465 = arith.addi %add3A_464, %get3A_456 : vector<16xi32>
        %gather3A_466 = tpu.vector_load_idx %arg31[%add3A_417, %add3A_465] : memref<128x32xf32, #tpu.memory_space<vmem>>[vector<16xi32>, vector<16xi32>], vector<16xf32>,
        %add3A_467 = arith.constant 18 : i32
        %add3A_468 = vector.broadcast %add3A_467 : i32 to vector<16xi32>
        %add3A_469 = arith.addi %add3A_468, %get3A_458 : vector<16xi32>
        %gather3A_470 = tpu.vector_load_idx %arg31[%add3A_417, %add3A_469] : memref<128x32xf32, #tpu.memory_space<vmem>>[vector<16xi32>, vector<16xi32>], vector<16xf32>,
        %add3A_471 = arith.constant 23 : i32
        %add3A_472 = vector.broadcast %add3A_471 : i32 to vector<16xi32>
        %add3A_473 = arith.addi %add3A_472, %get3A_458 : vector<16xi32>
        %gather3A_474 = tpu.vector_load_idx %arg31[%add3A_417, %add3A_473] : memref<128x32xf32, #tpu.memory_space<vmem>>[vector<16xi32>, vector<16xi32>], vector<16xf32>,
        %get3A_475 = arith.index_cast %add3A_421 : i32 to index
        %get3A_476 = tpu.vector_load %arg13[%get3A_475] {strides = array<i32>} : memref<512xi32, #tpu.memory_space<vmem>>, vector<16xi32>,
        %sub3A = arith.subf %gather3A, %gather3A_440 : vector<16xf32>
        %sub3A_477 = arith.subf %gather3A_425, %gather3A_443 : vector<16xf32>
        %sub3A_478 = arith.subf %gather3A_428, %gather3A_446 : vector<16xf32>
        %mul3A_479 = arith.mulf %sub3A, %sub3A : vector<16xf32>
        %mul3A_480 = arith.mulf %sub3A_477, %sub3A_477 : vector<16xf32>
        %add3A_481 = arith.addf %mul3A_479, %mul3A_480 : vector<16xf32>
        %mul3A_482 = arith.mulf %sub3A_478, %sub3A_478 : vector<16xf32>
        %add3A_483 = arith.addf %add3A_481, %mul3A_482 : vector<16xf32>
        %add3A_484 = arith.constant 9.99999993E-9 : f32
        %add3A_485 = vector.broadcast %add3A_484 : f32 to vector<16xf32>
        %add3A_486 = arith.addf %add3A_483, %add3A_485 : vector<16xf32>
        %bitcast_convert_type3A = tpu.bitcast %add3A_486 : vector<16xf32> -> vector<16xi32>
        %shift_right_arithmetic3A = arith.constant 1 : i32
        %shift_right_arithmetic3A_487 = vector.broadcast %shift_right_arithmetic3A : i32 to vector<16xi32>
        %shift_right_arithmetic3A_488 = arith.shrsi %bitcast_convert_type3A, %shift_right_arithmetic3A_487 : vector<16xi32>
        %sub3A_489 = arith.constant 1597463007 : i32
        %sub3A_490 = vector.broadcast %sub3A_489 : i32 to vector<16xi32>
        %sub3A_491 = arith.subi %sub3A_490, %shift_right_arithmetic3A_488 : vector<16xi32>
        %bitcast_convert_type3A_492 = tpu.bitcast %sub3A_491 : vector<16xi32> -> vector<16xf32>
        %mul3A_493 = arith.constant 5.000000e-01 : f32
        %mul3A_494 = vector.broadcast %mul3A_493 : f32 to vector<16xf32>
        %mul3A_495 = arith.mulf %mul3A_494, %add3A_486 : vector<16xf32>
        %mul3A_496 = arith.mulf %mul3A_495, %bitcast_convert_type3A_492 : vector<16xf32>
        %mul3A_497 = arith.mulf %mul3A_496, %bitcast_convert_type3A_492 : vector<16xf32>
        %sub3A_498 = arith.constant 1.500000e+00 : f32
        %sub3A_499 = vector.broadcast %sub3A_498 : f32 to vector<16xf32>
        %sub3A_500 = arith.subf %sub3A_499, %mul3A_497 : vector<16xf32>
        %mul3A_501 = arith.mulf %bitcast_convert_type3A_492, %sub3A_500 : vector<16xf32>
        %mul3A_502 = arith.constant 5.000000e-01 : f32
        %mul3A_503 = vector.broadcast %mul3A_502 : f32 to vector<16xf32>
        %mul3A_504 = arith.mulf %mul3A_503, %add3A_486 : vector<16xf32>
        %mul3A_505 = arith.mulf %mul3A_504, %mul3A_501 : vector<16xf32>
        %mul3A_506 = arith.mulf %mul3A_505, %mul3A_501 : vector<16xf32>
        %sub3A_507 = arith.constant 1.500000e+00 : f32
        %sub3A_508 = vector.broadcast %sub3A_507 : f32 to vector<16xf32>
        %sub3A_509 = arith.subf %sub3A_508, %mul3A_506 : vector<16xf32>
        %mul3A_510 = arith.mulf %mul3A_501, %sub3A_509 : vector<16xf32>
        %mul3A_511 = arith.constant 5.000000e-01 : f32
        %mul3A_512 = vector.broadcast %mul3A_511 : f32 to vector<16xf32>
        %mul3A_513 = arith.mulf %mul3A_512, %add3A_486 : vector<16xf32>
        %mul3A_514 = arith.mulf %mul3A_513, %mul3A_510 : vector<16xf32>
        %mul3A_515 = arith.mulf %mul3A_514, %mul3A_510 : vector<16xf32>
        %sub3A_516 = arith.constant 1.500000e+00 : f32
        %sub3A_517 = vector.broadcast %sub3A_516 : f32 to vector<16xf32>
        %sub3A_518 = arith.subf %sub3A_517, %mul3A_515 : vector<16xf32>
        %mul3A_519 = arith.mulf %mul3A_510, %sub3A_518 : vector<16xf32>
        %sub3A_520 = arith.subf %gather3A_431, %gather3A_449 : vector<16xf32>
        %sub3A_521 = arith.subf %gather3A_434, %gather3A_452 : vector<16xf32>
        %sub3A_522 = arith.subf %gather3A_437, %gather3A_455 : vector<16xf32>
        %mul3A_523 = arith.mulf %sub3A_520, %sub3A_520 : vector<16xf32>
        %mul3A_524 = arith.mulf %sub3A_521, %sub3A_521 : vector<16xf32>
        %add3A_525 = arith.addf %mul3A_523, %mul3A_524 : vector<16xf32>
        %mul3A_526 = arith.mulf %sub3A_522, %sub3A_522 : vector<16xf32>
        %add3A_527 = arith.addf %add3A_525, %mul3A_526 : vector<16xf32>
        %add3A_528 = arith.constant 9.99999993E-9 : f32
        %add3A_529 = vector.broadcast %add3A_528 : f32 to vector<16xf32>
        %add3A_530 = arith.addf %add3A_527, %add3A_529 : vector<16xf32>
        %bitcast_convert_type3A_531 = tpu.bitcast %add3A_530 : vector<16xf32> -> vector<16xi32>
        %shift_right_arithmetic3A_532 = arith.constant 1 : i32
        %shift_right_arithmetic3A_533 = vector.broadcast %shift_right_arithmetic3A_532 : i32 to vector<16xi32>
        %shift_right_arithmetic3A_534 = arith.shrsi %bitcast_convert_type3A_531, %shift_right_arithmetic3A_533 : vector<16xi32>
        %sub3A_535 = arith.constant 1597463007 : i32
        %sub3A_536 = vector.broadcast %sub3A_535 : i32 to vector<16xi32>
        %sub3A_537 = arith.subi %sub3A_536, %shift_right_arithmetic3A_534 : vector<16xi32>
        %bitcast_convert_type3A_538 = tpu.bitcast %sub3A_537 : vector<16xi32> -> vector<16xf32>
        %mul3A_539 = arith.constant 5.000000e-01 : f32
        %mul3A_540 = vector.broadcast %mul3A_539 : f32 to vector<16xf32>
        %mul3A_541 = arith.mulf %mul3A_540, %add3A_530 : vector<16xf32>
        %mul3A_542 = arith.mulf %mul3A_541, %bitcast_convert_type3A_538 : vector<16xf32>
        %mul3A_543 = arith.mulf %mul3A_542, %bitcast_convert_type3A_538 : vector<16xf32>
        %sub3A_544 = arith.constant 1.500000e+00 : f32
        %sub3A_545 = vector.broadcast %sub3A_544 : f32 to vector<16xf32>
        %sub3A_546 = arith.subf %sub3A_545, %mul3A_543 : vector<16xf32>
        %mul3A_547 = arith.mulf %bitcast_convert_type3A_538, %sub3A_546 : vector<16xf32>
        %mul3A_548 = arith.constant 5.000000e-01 : f32
        %mul3A_549 = vector.broadcast %mul3A_548 : f32 to vector<16xf32>
        %mul3A_550 = arith.mulf %mul3A_549, %add3A_530 : vector<16xf32>
        %mul3A_551 = arith.mulf %mul3A_550, %mul3A_547 : vector<16xf32>
        %mul3A_552 = arith.mulf %mul3A_551, %mul3A_547 : vector<16xf32>
        %sub3A_553 = arith.constant 1.500000e+00 : f32
        %sub3A_554 = vector.broadcast %sub3A_553 : f32 to vector<16xf32>
        %sub3A_555 = arith.subf %sub3A_554, %mul3A_552 : vector<16xf32>
        %mul3A_556 = arith.mulf %mul3A_547, %sub3A_555 : vector<16xf32>
        %mul3A_557 = arith.constant 5.000000e-01 : f32
        %mul3A_558 = vector.broadcast %mul3A_557 : f32 to vector<16xf32>
        %mul3A_559 = arith.mulf %mul3A_558, %add3A_530 : vector<16xf32>
        %mul3A_560 = arith.mulf %mul3A_559, %mul3A_556 : vector<16xf32>
        %mul3A_561 = arith.mulf %mul3A_560, %mul3A_556 : vector<16xf32>
        %sub3A_562 = arith.constant 1.500000e+00 : f32
        %sub3A_563 = vector.broadcast %sub3A_562 : f32 to vector<16xf32>
        %sub3A_564 = arith.subf %sub3A_563, %mul3A_561 : vector<16xf32>
        %mul3A_565 = arith.mulf %mul3A_556, %sub3A_564 : vector<16xf32>
        %mul3A_566 = arith.mulf %add3A_486, %mul3A_519 : vector<16xf32>
        %add3A_567 = arith.addf %gather3A_462, %gather3A_470 : vector<16xf32>
        %mul3A_568 = arith.mulf %mul3A_566, %add3A_567 : vector<16xf32>
        %mul3A_569 = arith.mulf %add3A_530, %mul3A_565 : vector<16xf32>
        %add3A_570 = arith.addf %gather3A_466, %gather3A_474 : vector<16xf32>
        %mul3A_571 = arith.mulf %mul3A_569, %add3A_570 : vector<16xf32>
        %add3A_572 = arith.addf %mul3A_568, %mul3A_571 : vector<16xf32>
        %mul3A_573 = arith.mulf %add3A_572, %mul3A_519 : vector<16xf32>
        %mul3A_574 = arith.constant 4 : i32
        %mul3A_575 = vector.broadcast %mul3A_574 : i32 to vector<16xi32>
        %mul3A_576 = arith.muli %get3A_476, %mul3A_575 : vector<16xi32>
        %mul3A_577 = arith.mulf %mul3A_573, %sub3A : vector<16xf32>
        tpu.vector_store_idx %arg33[%mul3A_576], %mul3A_577 {add = true} : memref<40960xf32, #tpu.memory_space<vmem>>[vector<16xi32>], vector<16xf32>,
        %add3A_578 = arith.constant 1 : i32
        %add3A_579 = vector.broadcast %add3A_578 : i32 to vector<16xi32>
        %add3A_580 = arith.addi %mul3A_576, %add3A_579 : vector<16xi32>
        %mul3A_581 = arith.mulf %mul3A_573, %sub3A_477 : vector<16xf32>
        tpu.vector_store_idx %arg33[%add3A_580], %mul3A_581 {add = true} : memref<40960xf32, #tpu.memory_space<vmem>>[vector<16xi32>], vector<16xf32>,
        %add3A_582 = arith.constant 2 : i32
        %add3A_583 = vector.broadcast %add3A_582 : i32 to vector<16xi32>
        %add3A_584 = arith.addi %mul3A_576, %add3A_583 : vector<16xi32>
        %mul3A_585 = arith.mulf %mul3A_573, %sub3A_478 : vector<16xf32>
        tpu.vector_store_idx %arg33[%add3A_584], %mul3A_585 {add = true} : memref<40960xf32, #tpu.memory_space<vmem>>[vector<16xi32>], vector<16xf32>,
      }
      %scan3A_393 = arith.constant 8 : i32
      %scan3A_394 = arith.constant 0 : i32
      %scan3A_395 = arith.constant 0 : i32
      %scan3A_396 = arith.constant 8 : i32
      %scan3A_397 = arith.addi %scan3A_395, %scan3A_396 : i32
      %scan3A_398 = arith.constant 1 : i32
      scf.for %scan3A_413 = %scan3A_395 to %scan3A_397 step %scan3A_398  : i32 {
        %mul3A_414 = arith.constant 16 : i32
        %mul3A_415 = arith.muli %scan3A_413, %mul3A_414 : i32
        %add3A_416 = vector.broadcast %mul3A_415 : i32 to vector<16xi32>
        %add3A_417 = arith.addi %add3A_416, %iota3A : vector<16xi32>
        %mul3A_418 = arith.constant 16 : i32
        %mul3A_419 = arith.muli %scan3A_413, %mul3A_418 : i32
        %add3A_420 = arith.constant 384 : i32
        %add3A_421 = arith.addi %add3A_420, %mul3A_419 : i32
        %broadcast_in_dim3A = arith.constant 0 : i32
        %broadcast_in_dim3A_422 = vector.broadcast %broadcast_in_dim3A : i32 to vector<16xi32>
        %gather3A = tpu.vector_load_idx %arg24[%add3A_417, %broadcast_in_dim3A_422] : memref<128x8xf32, #tpu.memory_space<vmem>>[vector<16xi32>, vector<16xi32>], vector<16xf32>,
        %broadcast_in_dim3A_423 = arith.constant 1 : i32
        %broadcast_in_dim3A_424 = vector.broadcast %broadcast_in_dim3A_423 : i32 to vector<16xi32>
        %gather3A_425 = tpu.vector_load_idx %arg24[%add3A_417, %broadcast_in_dim3A_424] : memref<128x8xf32, #tpu.memory_space<vmem>>[vector<16xi32>, vector<16xi32>], vector<16xf32>,
        %broadcast_in_dim3A_426 = arith.constant 2 : i32
        %broadcast_in_dim3A_427 = vector.broadcast %broadcast_in_dim3A_426 : i32 to vector<16xi32>
        %gather3A_428 = tpu.vector_load_idx %arg24[%add3A_417, %broadcast_in_dim3A_427] : memref<128x8xf32, #tpu.memory_space<vmem>>[vector<16xi32>, vector<16xi32>], vector<16xf32>,
        %broadcast_in_dim3A_429 = arith.constant 4 : i32
        %broadcast_in_dim3A_430 = vector.broadcast %broadcast_in_dim3A_429 : i32 to vector<16xi32>
        %gather3A_431 = tpu.vector_load_idx %arg24[%add3A_417, %broadcast_in_dim3A_430] : memref<128x8xf32, #tpu.memory_space<vmem>>[vector<16xi32>, vector<16xi32>], vector<16xf32>,
        %broadcast_in_dim3A_432 = arith.constant 5 : i32
        %broadcast_in_dim3A_433 = vector.broadcast %broadcast_in_dim3A_432 : i32 to vector<16xi32>
        %gather3A_434 = tpu.vector_load_idx %arg24[%add3A_417, %broadcast_in_dim3A_433] : memref<128x8xf32, #tpu.memory_space<vmem>>[vector<16xi32>, vector<16xi32>], vector<16xf32>,
        %broadcast_in_dim3A_435 = arith.constant 6 : i32
        %broadcast_in_dim3A_436 = vector.broadcast %broadcast_in_dim3A_435 : i32 to vector<16xi32>
        %gather3A_437 = tpu.vector_load_idx %arg24[%add3A_417, %broadcast_in_dim3A_436] : memref<128x8xf32, #tpu.memory_space<vmem>>[vector<16xi32>, vector<16xi32>], vector<16xf32>,
        %broadcast_in_dim3A_438 = arith.constant 0 : i32
        %broadcast_in_dim3A_439 = vector.broadcast %broadcast_in_dim3A_438 : i32 to vector<16xi32>
        %gather3A_440 = tpu.vector_load_idx %arg32[%add3A_417, %broadcast_in_dim3A_439] : memref<128x32xf32, #tpu.memory_space<vmem>>[vector<16xi32>, vector<16xi32>], vector<16xf32>,
        %broadcast_in_dim3A_441 = arith.constant 1 : i32
        %broadcast_in_dim3A_442 = vector.broadcast %broadcast_in_dim3A_441 : i32 to vector<16xi32>
        %gather3A_443 = tpu.vector_load_idx %arg32[%add3A_417, %broadcast_in_dim3A_442] : memref<128x32xf32, #tpu.memory_space<vmem>>[vector<16xi32>, vector<16xi32>], vector<16xf32>,
        %broadcast_in_dim3A_444 = arith.constant 2 : i32
        %broadcast_in_dim3A_445 = vector.broadcast %broadcast_in_dim3A_444 : i32 to vector<16xi32>
        %gather3A_446 = tpu.vector_load_idx %arg32[%add3A_417, %broadcast_in_dim3A_445] : memref<128x32xf32, #tpu.memory_space<vmem>>[vector<16xi32>, vector<16xi32>], vector<16xf32>,
        %broadcast_in_dim3A_447 = arith.constant 4 : i32
        %broadcast_in_dim3A_448 = vector.broadcast %broadcast_in_dim3A_447 : i32 to vector<16xi32>
        %gather3A_449 = tpu.vector_load_idx %arg32[%add3A_417, %broadcast_in_dim3A_448] : memref<128x32xf32, #tpu.memory_space<vmem>>[vector<16xi32>, vector<16xi32>], vector<16xf32>,
        %broadcast_in_dim3A_450 = arith.constant 5 : i32
        %broadcast_in_dim3A_451 = vector.broadcast %broadcast_in_dim3A_450 : i32 to vector<16xi32>
        %gather3A_452 = tpu.vector_load_idx %arg32[%add3A_417, %broadcast_in_dim3A_451] : memref<128x32xf32, #tpu.memory_space<vmem>>[vector<16xi32>, vector<16xi32>], vector<16xf32>,
        %broadcast_in_dim3A_453 = arith.constant 6 : i32
        %broadcast_in_dim3A_454 = vector.broadcast %broadcast_in_dim3A_453 : i32 to vector<16xi32>
        %gather3A_455 = tpu.vector_load_idx %arg32[%add3A_417, %broadcast_in_dim3A_454] : memref<128x32xf32, #tpu.memory_space<vmem>>[vector<16xi32>, vector<16xi32>], vector<16xf32>,
        %get3A = arith.index_cast %add3A_421 : i32 to index
        %get3A_456 = tpu.vector_load %arg15[%get3A] {strides = array<i32>} : memref<512xi32, #tpu.memory_space<vmem>>, vector<16xi32>,
        %get3A_457 = arith.index_cast %add3A_421 : i32 to index
        %get3A_458 = tpu.vector_load %arg16[%get3A_457] {strides = array<i32>} : memref<512xi32, #tpu.memory_space<vmem>>, vector<16xi32>,
        %add3A_459 = arith.constant 8 : i32
        %add3A_460 = vector.broadcast %add3A_459 : i32 to vector<16xi32>
        %add3A_461 = arith.addi %add3A_460, %get3A_456 : vector<16xi32>
        %gather3A_462 = tpu.vector_load_idx %arg32[%add3A_417, %add3A_461] : memref<128x32xf32, #tpu.memory_space<vmem>>[vector<16xi32>, vector<16xi32>], vector<16xf32>,
        %add3A_463 = arith.constant 13 : i32
        %add3A_464 = vector.broadcast %add3A_463 : i32 to vector<16xi32>
        %add3A_465 = arith.addi %add3A_464, %get3A_456 : vector<16xi32>
        %gather3A_466 = tpu.vector_load_idx %arg32[%add3A_417, %add3A_465] : memref<128x32xf32, #tpu.memory_space<vmem>>[vector<16xi32>, vector<16xi32>], vector<16xf32>,
        %add3A_467 = arith.constant 18 : i32
        %add3A_468 = vector.broadcast %add3A_467 : i32 to vector<16xi32>
        %add3A_469 = arith.addi %add3A_468, %get3A_458 : vector<16xi32>
        %gather3A_470 = tpu.vector_load_idx %arg32[%add3A_417, %add3A_469] : memref<128x32xf32, #tpu.memory_space<vmem>>[vector<16xi32>, vector<16xi32>], vector<16xf32>,
        %add3A_471 = arith.constant 23 : i32
        %add3A_472 = vector.broadcast %add3A_471 : i32 to vector<16xi32>
        %add3A_473 = arith.addi %add3A_472, %get3A_458 : vector<16xi32>
        %gather3A_474 = tpu.vector_load_idx %arg32[%add3A_417, %add3A_473] : memref<128x32xf32, #tpu.memory_space<vmem>>[vector<16xi32>, vector<16xi32>], vector<16xf32>,
        %get3A_475 = arith.index_cast %add3A_421 : i32 to index
        %get3A_476 = tpu.vector_load %arg13[%get3A_475] {strides = array<i32>} : memref<512xi32, #tpu.memory_space<vmem>>, vector<16xi32>,
        %sub3A = arith.subf %gather3A, %gather3A_440 : vector<16xf32>
        %sub3A_477 = arith.subf %gather3A_425, %gather3A_443 : vector<16xf32>
        %sub3A_478 = arith.subf %gather3A_428, %gather3A_446 : vector<16xf32>
        %mul3A_479 = arith.mulf %sub3A, %sub3A : vector<16xf32>
        %mul3A_480 = arith.mulf %sub3A_477, %sub3A_477 : vector<16xf32>
        %add3A_481 = arith.addf %mul3A_479, %mul3A_480 : vector<16xf32>
        %mul3A_482 = arith.mulf %sub3A_478, %sub3A_478 : vector<16xf32>
        %add3A_483 = arith.addf %add3A_481, %mul3A_482 : vector<16xf32>
        %add3A_484 = arith.constant 9.99999993E-9 : f32
        %add3A_485 = vector.broadcast %add3A_484 : f32 to vector<16xf32>
        %add3A_486 = arith.addf %add3A_483, %add3A_485 : vector<16xf32>
        %bitcast_convert_type3A = tpu.bitcast %add3A_486 : vector<16xf32> -> vector<16xi32>
        %shift_right_arithmetic3A = arith.constant 1 : i32
        %shift_right_arithmetic3A_487 = vector.broadcast %shift_right_arithmetic3A : i32 to vector<16xi32>
        %shift_right_arithmetic3A_488 = arith.shrsi %bitcast_convert_type3A, %shift_right_arithmetic3A_487 : vector<16xi32>
        %sub3A_489 = arith.constant 1597463007 : i32
        %sub3A_490 = vector.broadcast %sub3A_489 : i32 to vector<16xi32>
        %sub3A_491 = arith.subi %sub3A_490, %shift_right_arithmetic3A_488 : vector<16xi32>
        %bitcast_convert_type3A_492 = tpu.bitcast %sub3A_491 : vector<16xi32> -> vector<16xf32>
        %mul3A_493 = arith.constant 5.000000e-01 : f32
        %mul3A_494 = vector.broadcast %mul3A_493 : f32 to vector<16xf32>
        %mul3A_495 = arith.mulf %mul3A_494, %add3A_486 : vector<16xf32>
        %mul3A_496 = arith.mulf %mul3A_495, %bitcast_convert_type3A_492 : vector<16xf32>
        %mul3A_497 = arith.mulf %mul3A_496, %bitcast_convert_type3A_492 : vector<16xf32>
        %sub3A_498 = arith.constant 1.500000e+00 : f32
        %sub3A_499 = vector.broadcast %sub3A_498 : f32 to vector<16xf32>
        %sub3A_500 = arith.subf %sub3A_499, %mul3A_497 : vector<16xf32>
        %mul3A_501 = arith.mulf %bitcast_convert_type3A_492, %sub3A_500 : vector<16xf32>
        %mul3A_502 = arith.constant 5.000000e-01 : f32
        %mul3A_503 = vector.broadcast %mul3A_502 : f32 to vector<16xf32>
        %mul3A_504 = arith.mulf %mul3A_503, %add3A_486 : vector<16xf32>
        %mul3A_505 = arith.mulf %mul3A_504, %mul3A_501 : vector<16xf32>
        %mul3A_506 = arith.mulf %mul3A_505, %mul3A_501 : vector<16xf32>
        %sub3A_507 = arith.constant 1.500000e+00 : f32
        %sub3A_508 = vector.broadcast %sub3A_507 : f32 to vector<16xf32>
        %sub3A_509 = arith.subf %sub3A_508, %mul3A_506 : vector<16xf32>
        %mul3A_510 = arith.mulf %mul3A_501, %sub3A_509 : vector<16xf32>
        %mul3A_511 = arith.constant 5.000000e-01 : f32
        %mul3A_512 = vector.broadcast %mul3A_511 : f32 to vector<16xf32>
        %mul3A_513 = arith.mulf %mul3A_512, %add3A_486 : vector<16xf32>
        %mul3A_514 = arith.mulf %mul3A_513, %mul3A_510 : vector<16xf32>
        %mul3A_515 = arith.mulf %mul3A_514, %mul3A_510 : vector<16xf32>
        %sub3A_516 = arith.constant 1.500000e+00 : f32
        %sub3A_517 = vector.broadcast %sub3A_516 : f32 to vector<16xf32>
        %sub3A_518 = arith.subf %sub3A_517, %mul3A_515 : vector<16xf32>
        %mul3A_519 = arith.mulf %mul3A_510, %sub3A_518 : vector<16xf32>
        %sub3A_520 = arith.subf %gather3A_431, %gather3A_449 : vector<16xf32>
        %sub3A_521 = arith.subf %gather3A_434, %gather3A_452 : vector<16xf32>
        %sub3A_522 = arith.subf %gather3A_437, %gather3A_455 : vector<16xf32>
        %mul3A_523 = arith.mulf %sub3A_520, %sub3A_520 : vector<16xf32>
        %mul3A_524 = arith.mulf %sub3A_521, %sub3A_521 : vector<16xf32>
        %add3A_525 = arith.addf %mul3A_523, %mul3A_524 : vector<16xf32>
        %mul3A_526 = arith.mulf %sub3A_522, %sub3A_522 : vector<16xf32>
        %add3A_527 = arith.addf %add3A_525, %mul3A_526 : vector<16xf32>
        %add3A_528 = arith.constant 9.99999993E-9 : f32
        %add3A_529 = vector.broadcast %add3A_528 : f32 to vector<16xf32>
        %add3A_530 = arith.addf %add3A_527, %add3A_529 : vector<16xf32>
        %bitcast_convert_type3A_531 = tpu.bitcast %add3A_530 : vector<16xf32> -> vector<16xi32>
        %shift_right_arithmetic3A_532 = arith.constant 1 : i32
        %shift_right_arithmetic3A_533 = vector.broadcast %shift_right_arithmetic3A_532 : i32 to vector<16xi32>
        %shift_right_arithmetic3A_534 = arith.shrsi %bitcast_convert_type3A_531, %shift_right_arithmetic3A_533 : vector<16xi32>
        %sub3A_535 = arith.constant 1597463007 : i32
        %sub3A_536 = vector.broadcast %sub3A_535 : i32 to vector<16xi32>
        %sub3A_537 = arith.subi %sub3A_536, %shift_right_arithmetic3A_534 : vector<16xi32>
        %bitcast_convert_type3A_538 = tpu.bitcast %sub3A_537 : vector<16xi32> -> vector<16xf32>
        %mul3A_539 = arith.constant 5.000000e-01 : f32
        %mul3A_540 = vector.broadcast %mul3A_539 : f32 to vector<16xf32>
        %mul3A_541 = arith.mulf %mul3A_540, %add3A_530 : vector<16xf32>
        %mul3A_542 = arith.mulf %mul3A_541, %bitcast_convert_type3A_538 : vector<16xf32>
        %mul3A_543 = arith.mulf %mul3A_542, %bitcast_convert_type3A_538 : vector<16xf32>
        %sub3A_544 = arith.constant 1.500000e+00 : f32
        %sub3A_545 = vector.broadcast %sub3A_544 : f32 to vector<16xf32>
        %sub3A_546 = arith.subf %sub3A_545, %mul3A_543 : vector<16xf32>
        %mul3A_547 = arith.mulf %bitcast_convert_type3A_538, %sub3A_546 : vector<16xf32>
        %mul3A_548 = arith.constant 5.000000e-01 : f32
        %mul3A_549 = vector.broadcast %mul3A_548 : f32 to vector<16xf32>
        %mul3A_550 = arith.mulf %mul3A_549, %add3A_530 : vector<16xf32>
        %mul3A_551 = arith.mulf %mul3A_550, %mul3A_547 : vector<16xf32>
        %mul3A_552 = arith.mulf %mul3A_551, %mul3A_547 : vector<16xf32>
        %sub3A_553 = arith.constant 1.500000e+00 : f32
        %sub3A_554 = vector.broadcast %sub3A_553 : f32 to vector<16xf32>
        %sub3A_555 = arith.subf %sub3A_554, %mul3A_552 : vector<16xf32>
        %mul3A_556 = arith.mulf %mul3A_547, %sub3A_555 : vector<16xf32>
        %mul3A_557 = arith.constant 5.000000e-01 : f32
        %mul3A_558 = vector.broadcast %mul3A_557 : f32 to vector<16xf32>
        %mul3A_559 = arith.mulf %mul3A_558, %add3A_530 : vector<16xf32>
        %mul3A_560 = arith.mulf %mul3A_559, %mul3A_556 : vector<16xf32>
        %mul3A_561 = arith.mulf %mul3A_560, %mul3A_556 : vector<16xf32>
        %sub3A_562 = arith.constant 1.500000e+00 : f32
        %sub3A_563 = vector.broadcast %sub3A_562 : f32 to vector<16xf32>
        %sub3A_564 = arith.subf %sub3A_563, %mul3A_561 : vector<16xf32>
        %mul3A_565 = arith.mulf %mul3A_556, %sub3A_564 : vector<16xf32>
        %mul3A_566 = arith.mulf %add3A_486, %mul3A_519 : vector<16xf32>
        %add3A_567 = arith.addf %gather3A_462, %gather3A_470 : vector<16xf32>
        %mul3A_568 = arith.mulf %mul3A_566, %add3A_567 : vector<16xf32>
        %mul3A_569 = arith.mulf %add3A_530, %mul3A_565 : vector<16xf32>
        %add3A_570 = arith.addf %gather3A_466, %gather3A_474 : vector<16xf32>
        %mul3A_571 = arith.mulf %mul3A_569, %add3A_570 : vector<16xf32>
        %add3A_572 = arith.addf %mul3A_568, %mul3A_571 : vector<16xf32>
        %mul3A_573 = arith.mulf %add3A_572, %mul3A_519 : vector<16xf32>
        %mul3A_574 = arith.constant 4 : i32
        %mul3A_575 = vector.broadcast %mul3A_574 : i32 to vector<16xi32>
        %mul3A_576 = arith.muli %get3A_476, %mul3A_575 : vector<16xi32>
        %mul3A_577 = arith.mulf %mul3A_573, %sub3A : vector<16xf32>
        tpu.vector_store_idx %arg33[%mul3A_576], %mul3A_577 {add = true} : memref<40960xf32, #tpu.memory_space<vmem>>[vector<16xi32>], vector<16xf32>,
        %add3A_578 = arith.constant 1 : i32
        %add3A_579 = vector.broadcast %add3A_578 : i32 to vector<16xi32>
        %add3A_580 = arith.addi %mul3A_576, %add3A_579 : vector<16xi32>
        %mul3A_581 = arith.mulf %mul3A_573, %sub3A_477 : vector<16xf32>
        tpu.vector_store_idx %arg33[%add3A_580], %mul3A_581 {add = true} : memref<40960xf32, #tpu.memory_space<vmem>>[vector<16xi32>], vector<16xf32>,
        %add3A_582 = arith.constant 2 : i32
        %add3A_583 = vector.broadcast %add3A_582 : i32 to vector<16xi32>
        %add3A_584 = arith.addi %mul3A_576, %add3A_583 : vector<16xi32>
        %mul3A_585 = arith.mulf %mul3A_573, %sub3A_478 : vector<16xf32>
        tpu.vector_store_idx %arg33[%add3A_584], %mul3A_585 {add = true} : memref<40960xf32, #tpu.memory_space<vmem>>[vector<16xi32>], vector<16xf32>,
      }
      %scan3A_399 = arith.constant 8 : i32
      %add3A_400 = arith.constant 3 : i32
      %add3A_401 = arith.addi %mul3A_146, %add3A_400 : i32
      %mul3A_402 = arith.constant 512 : i32
      %mul3A_403 = arith.muli %add3A_401, %mul3A_402 : i32
      %add3A_404 = arith.addi %mul3A_7, %mul3A_403 : i32
      %dma_start3A_405 = tpu.memref_slice %arg2[%add3A_404] : memref<328704xi32, #tpu.memory_space<hbm>> -> memref<512xi32, #tpu.memory_space<hbm>>
      %dma_start3A_406 = tpu.memref_slice %arg2[%add3A_404] : memref<328704xi32, #tpu.memory_space<hbm>> -> memref<512xi32, #tpu.memory_space<hbm>>
      tpu.enqueue_dma source(%dma_start3A_406 : memref<512xi32, #tpu.memory_space<hbm>>) target(%arg13 : memref<512xi32, #tpu.memory_space<vmem>>) target_semaphore(%arg35 : memref<!tpu.dma_semaphore, #tpu.memory_space<semaphore_mem>>)
      %dma_start3A_407 = tpu.memref_slice %arg3[%add3A_404] : memref<328704xi32, #tpu.memory_space<hbm>> -> memref<512xi32, #tpu.memory_space<hbm>>
      %dma_start3A_408 = tpu.memref_slice %arg3[%add3A_404] : memref<328704xi32, #tpu.memory_space<hbm>> -> memref<512xi32, #tpu.memory_space<hbm>>
      tpu.enqueue_dma source(%dma_start3A_408 : memref<512xi32, #tpu.memory_space<hbm>>) target(%arg14 : memref<512xi32, #tpu.memory_space<vmem>>) target_semaphore(%arg35 : memref<!tpu.dma_semaphore, #tpu.memory_space<semaphore_mem>>)
      %dma_start3A_409 = tpu.memref_slice %arg4[%add3A_404] : memref<328704xi32, #tpu.memory_space<hbm>> -> memref<512xi32, #tpu.memory_space<hbm>>
      %dma_start3A_410 = tpu.memref_slice %arg4[%add3A_404] : memref<328704xi32, #tpu.memory_space<hbm>> -> memref<512xi32, #tpu.memory_space<hbm>>
      tpu.enqueue_dma source(%dma_start3A_410 : memref<512xi32, #tpu.memory_space<hbm>>) target(%arg15 : memref<512xi32, #tpu.memory_space<vmem>>) target_semaphore(%arg35 : memref<!tpu.dma_semaphore, #tpu.memory_space<semaphore_mem>>)
      %dma_start3A_411 = tpu.memref_slice %arg5[%add3A_404] : memref<328704xi32, #tpu.memory_space<hbm>> -> memref<512xi32, #tpu.memory_space<hbm>>
      %dma_start3A_412 = tpu.memref_slice %arg5[%add3A_404] : memref<328704xi32, #tpu.memory_space<hbm>> -> memref<512xi32, #tpu.memory_space<hbm>>
      tpu.enqueue_dma source(%dma_start3A_412 : memref<512xi32, #tpu.memory_space<hbm>>) target(%arg16 : memref<512xi32, #tpu.memory_space<vmem>>) target_semaphore(%arg35 : memref<!tpu.dma_semaphore, #tpu.memory_space<semaphore_mem>>)
    }
    %scan3A_87 = arith.constant 10 : i32
    %dma_wait3A_88 = arith.constant 0 : i32
    %dma_wait3A_89 = tpu.memref_slice %arg9[%dma_wait3A_88] : memref<512xi32, #tpu.memory_space<vmem>> -> memref<128xi32, #tpu.memory_space<vmem>>
    %dma_wait3A_90 = arith.constant 0 : i32
    %dma_wait3A_91 = arith.constant 0 : i32
    %dma_wait3A_92 = tpu.memref_slice %arg6[%dma_wait3A_90, %dma_wait3A_91] : memref<10240x8xf32, #tpu.memory_space<hbm>> -> memref<10240x8xf32, #tpu.memory_space<hbm>>
    tpu.wait_indirect_dma semaphore(%arg36 : memref<!tpu.dma_semaphore, #tpu.memory_space<semaphore_mem>>) src(%dma_wait3A_92 : memref<10240x8xf32, #tpu.memory_space<hbm>>) dst(%arg17 : memref<128x8xf32, #tpu.memory_space<vmem>>)
    %dma_wait3A_93 = arith.constant 0 : i32
    %dma_wait3A_94 = tpu.memref_slice %arg10[%dma_wait3A_93] : memref<512xi32, #tpu.memory_space<vmem>> -> memref<128xi32, #tpu.memory_space<vmem>>
    %dma_wait3A_95 = arith.constant 0 : i32
    %dma_wait3A_96 = arith.constant 0 : i32
    %dma_wait3A_97 = tpu.memref_slice %arg7[%dma_wait3A_95, %dma_wait3A_96] : memref<10240x32xf32, #tpu.memory_space<hbm>> -> memref<10240x32xf32, #tpu.memory_space<hbm>>
    tpu.wait_indirect_dma semaphore(%arg36 : memref<!tpu.dma_semaphore, #tpu.memory_space<semaphore_mem>>) src(%dma_wait3A_97 : memref<10240x32xf32, #tpu.memory_space<hbm>>) dst(%arg25 : memref<128x32xf32, #tpu.memory_space<vmem>>)
    %dma_wait3A_98 = arith.constant 128 : i32
    %dma_wait3A_99 = tpu.memref_slice %arg9[%dma_wait3A_98] : memref<512xi32, #tpu.memory_space<vmem>> -> memref<128xi32, #tpu.memory_space<vmem>>
    %dma_wait3A_100 = arith.constant 0 : i32
    %dma_wait3A_101 = arith.constant 0 : i32
    %dma_wait3A_102 = tpu.memref_slice %arg6[%dma_wait3A_100, %dma_wait3A_101] : memref<10240x8xf32, #tpu.memory_space<hbm>> -> memref<10240x8xf32, #tpu.memory_space<hbm>>
    tpu.wait_indirect_dma semaphore(%arg36 : memref<!tpu.dma_semaphore, #tpu.memory_space<semaphore_mem>>) src(%dma_wait3A_102 : memref<10240x8xf32, #tpu.memory_space<hbm>>) dst(%arg18 : memref<128x8xf32, #tpu.memory_space<vmem>>)
    %dma_wait3A_103 = arith.constant 128 : i32
    %dma_wait3A_104 = tpu.memref_slice %arg10[%dma_wait3A_103] : memref<512xi32, #tpu.memory_space<vmem>> -> memref<128xi32, #tpu.memory_space<vmem>>
    %dma_wait3A_105 = arith.constant 0 : i32
    %dma_wait3A_106 = arith.constant 0 : i32
    %dma_wait3A_107 = tpu.memref_slice %arg7[%dma_wait3A_105, %dma_wait3A_106] : memref<10240x32xf32, #tpu.memory_space<hbm>> -> memref<10240x32xf32, #tpu.memory_space<hbm>>
    tpu.wait_indirect_dma semaphore(%arg36 : memref<!tpu.dma_semaphore, #tpu.memory_space<semaphore_mem>>) src(%dma_wait3A_107 : memref<10240x32xf32, #tpu.memory_space<hbm>>) dst(%arg26 : memref<128x32xf32, #tpu.memory_space<vmem>>)
    %dma_wait3A_108 = arith.constant 256 : i32
    %dma_wait3A_109 = tpu.memref_slice %arg9[%dma_wait3A_108] : memref<512xi32, #tpu.memory_space<vmem>> -> memref<128xi32, #tpu.memory_space<vmem>>
    %dma_wait3A_110 = arith.constant 0 : i32
    %dma_wait3A_111 = arith.constant 0 : i32
    %dma_wait3A_112 = tpu.memref_slice %arg6[%dma_wait3A_110, %dma_wait3A_111] : memref<10240x8xf32, #tpu.memory_space<hbm>> -> memref<10240x8xf32, #tpu.memory_space<hbm>>
    tpu.wait_indirect_dma semaphore(%arg36 : memref<!tpu.dma_semaphore, #tpu.memory_space<semaphore_mem>>) src(%dma_wait3A_112 : memref<10240x8xf32, #tpu.memory_space<hbm>>) dst(%arg19 : memref<128x8xf32, #tpu.memory_space<vmem>>)
    %dma_wait3A_113 = arith.constant 256 : i32
    %dma_wait3A_114 = tpu.memref_slice %arg10[%dma_wait3A_113] : memref<512xi32, #tpu.memory_space<vmem>> -> memref<128xi32, #tpu.memory_space<vmem>>
    %dma_wait3A_115 = arith.constant 0 : i32
    %dma_wait3A_116 = arith.constant 0 : i32
    %dma_wait3A_117 = tpu.memref_slice %arg7[%dma_wait3A_115, %dma_wait3A_116] : memref<10240x32xf32, #tpu.memory_space<hbm>> -> memref<10240x32xf32, #tpu.memory_space<hbm>>
    tpu.wait_indirect_dma semaphore(%arg36 : memref<!tpu.dma_semaphore, #tpu.memory_space<semaphore_mem>>) src(%dma_wait3A_117 : memref<10240x32xf32, #tpu.memory_space<hbm>>) dst(%arg27 : memref<128x32xf32, #tpu.memory_space<vmem>>)
    %dma_wait3A_118 = arith.constant 384 : i32
    %dma_wait3A_119 = tpu.memref_slice %arg9[%dma_wait3A_118] : memref<512xi32, #tpu.memory_space<vmem>> -> memref<128xi32, #tpu.memory_space<vmem>>
    %dma_wait3A_120 = arith.constant 0 : i32
    %dma_wait3A_121 = arith.constant 0 : i32
    %dma_wait3A_122 = tpu.memref_slice %arg6[%dma_wait3A_120, %dma_wait3A_121] : memref<10240x8xf32, #tpu.memory_space<hbm>> -> memref<10240x8xf32, #tpu.memory_space<hbm>>
    tpu.wait_indirect_dma semaphore(%arg36 : memref<!tpu.dma_semaphore, #tpu.memory_space<semaphore_mem>>) src(%dma_wait3A_122 : memref<10240x8xf32, #tpu.memory_space<hbm>>) dst(%arg20 : memref<128x8xf32, #tpu.memory_space<vmem>>)
    %dma_wait3A_123 = arith.constant 384 : i32
    %dma_wait3A_124 = tpu.memref_slice %arg10[%dma_wait3A_123] : memref<512xi32, #tpu.memory_space<vmem>> -> memref<128xi32, #tpu.memory_space<vmem>>
    %dma_wait3A_125 = arith.constant 0 : i32
    %dma_wait3A_126 = arith.constant 0 : i32
    %dma_wait3A_127 = tpu.memref_slice %arg7[%dma_wait3A_125, %dma_wait3A_126] : memref<10240x32xf32, #tpu.memory_space<hbm>> -> memref<10240x32xf32, #tpu.memory_space<hbm>>
    tpu.wait_indirect_dma semaphore(%arg36 : memref<!tpu.dma_semaphore, #tpu.memory_space<semaphore_mem>>) src(%dma_wait3A_127 : memref<10240x32xf32, #tpu.memory_space<hbm>>) dst(%arg28 : memref<128x32xf32, #tpu.memory_space<vmem>>)
    %dma_wait3A_128 = arith.constant 0 : i32
    %dma_wait3A_129 = tpu.memref_slice %arg2[%dma_wait3A_128] : memref<328704xi32, #tpu.memory_space<hbm>> -> memref<512xi32, #tpu.memory_space<hbm>>
    %dma_wait3A_130 = arith.constant 0 : i32
    %dma_wait3A_131 = tpu.memref_slice %arg2[%dma_wait3A_130] : memref<328704xi32, #tpu.memory_space<hbm>> -> memref<512xi32, #tpu.memory_space<hbm>>
    tpu.wait_dma2 semaphore(%arg35 : memref<!tpu.dma_semaphore, #tpu.memory_space<semaphore_mem>>) src(%dma_wait3A_131 : memref<512xi32, #tpu.memory_space<hbm>>) dst(%arg13 : memref<512xi32, #tpu.memory_space<vmem>>)
    %dma_wait3A_132 = arith.constant 0 : i32
    %dma_wait3A_133 = tpu.memref_slice %arg3[%dma_wait3A_132] : memref<328704xi32, #tpu.memory_space<hbm>> -> memref<512xi32, #tpu.memory_space<hbm>>
    %dma_wait3A_134 = arith.constant 0 : i32
    %dma_wait3A_135 = tpu.memref_slice %arg3[%dma_wait3A_134] : memref<328704xi32, #tpu.memory_space<hbm>> -> memref<512xi32, #tpu.memory_space<hbm>>
    tpu.wait_dma2 semaphore(%arg35 : memref<!tpu.dma_semaphore, #tpu.memory_space<semaphore_mem>>) src(%dma_wait3A_135 : memref<512xi32, #tpu.memory_space<hbm>>) dst(%arg14 : memref<512xi32, #tpu.memory_space<vmem>>)
    %dma_wait3A_136 = arith.constant 0 : i32
    %dma_wait3A_137 = tpu.memref_slice %arg4[%dma_wait3A_136] : memref<328704xi32, #tpu.memory_space<hbm>> -> memref<512xi32, #tpu.memory_space<hbm>>
    %dma_wait3A_138 = arith.constant 0 : i32
    %dma_wait3A_139 = tpu.memref_slice %arg4[%dma_wait3A_138] : memref<328704xi32, #tpu.memory_space<hbm>> -> memref<512xi32, #tpu.memory_space<hbm>>
    tpu.wait_dma2 semaphore(%arg35 : memref<!tpu.dma_semaphore, #tpu.memory_space<semaphore_mem>>) src(%dma_wait3A_139 : memref<512xi32, #tpu.memory_space<hbm>>) dst(%arg15 : memref<512xi32, #tpu.memory_space<vmem>>)
    %dma_wait3A_140 = arith.constant 0 : i32
    %dma_wait3A_141 = tpu.memref_slice %arg5[%dma_wait3A_140] : memref<328704xi32, #tpu.memory_space<hbm>> -> memref<512xi32, #tpu.memory_space<hbm>>
    %dma_wait3A_142 = arith.constant 0 : i32
    %dma_wait3A_143 = tpu.memref_slice %arg5[%dma_wait3A_142] : memref<328704xi32, #tpu.memory_space<hbm>> -> memref<512xi32, #tpu.memory_space<hbm>>
    tpu.wait_dma2 semaphore(%arg35 : memref<!tpu.dma_semaphore, #tpu.memory_space<semaphore_mem>>) src(%dma_wait3A_143 : memref<512xi32, #tpu.memory_space<hbm>>) dst(%arg16 : memref<512xi32, #tpu.memory_space<vmem>>)
    "tpu.region"() ({
      %run_scoped3A = tpu.sem_alloc : memref<!tpu.dma_semaphore, #tpu.memory_space<semaphore_mem>>
      %dma_start3A_144 = arith.constant 0 : i32
      %dma_start3A_145 = tpu.memref_slice %arg33[%dma_start3A_144] : memref<40960xf32, #tpu.memory_space<vmem>> -> memref<5120xf32, #tpu.memory_space<vmem>>
      %dma_start3A_146 = arith.constant 0 : i32
      %dma_start3A_147 = tpu.memref_slice %arg8[%add3A, %dma_start3A_146] : memref<32x40960xf32, #tpu.memory_space<hbm>> -> memref<1x5120xf32, #tpu.memory_space<hbm>>
      %dma_start3A_148 = tpu.memref_squeeze %dma_start3A_147 : memref<1x5120xf32, #tpu.memory_space<hbm>> -> memref<5120xf32, #tpu.memory_space<hbm>>
      %dma_start3A_149 = arith.constant 0 : i32
      %dma_start3A_150 = tpu.memref_slice %arg8[%add3A, %dma_start3A_149] : memref<32x40960xf32, #tpu.memory_space<hbm>> -> memref<1x5120xf32, #tpu.memory_space<hbm>>
      %dma_start3A_151 = tpu.memref_squeeze %dma_start3A_150 : memref<1x5120xf32, #tpu.memory_space<hbm>> -> memref<5120xf32, #tpu.memory_space<hbm>>
      %dma_start3A_152 = arith.constant 0 : i32
      %dma_start3A_153 = tpu.memref_slice %arg33[%dma_start3A_152] : memref<40960xf32, #tpu.memory_space<vmem>> -> memref<5120xf32, #tpu.memory_space<vmem>>
      tpu.enqueue_dma source(%dma_start3A_153 : memref<5120xf32, #tpu.memory_space<vmem>>) target(%dma_start3A_151 : memref<5120xf32, #tpu.memory_space<hbm>>) target_semaphore(%run_scoped3A : memref<!tpu.dma_semaphore, #tpu.memory_space<semaphore_mem>>)
      %dma_wait3A_154 = arith.constant 0 : i32
      %dma_wait3A_155 = tpu.memref_slice %arg33[%dma_wait3A_154] : memref<40960xf32, #tpu.memory_space<vmem>> -> memref<5120xf32, #tpu.memory_space<vmem>>
      %dma_wait3A_156 = arith.constant 0 : i32
      %dma_wait3A_157 = tpu.memref_slice %arg8[%add3A, %dma_wait3A_156] : memref<32x40960xf32, #tpu.memory_space<hbm>> -> memref<1x5120xf32, #tpu.memory_space<hbm>>
      %dma_wait3A_158 = tpu.memref_squeeze %dma_wait3A_157 : memref<1x5120xf32, #tpu.memory_space<hbm>> -> memref<5120xf32, #tpu.memory_space<hbm>>
      %dma_wait3A_159 = arith.constant 0 : i32
      %dma_wait3A_160 = tpu.memref_slice %arg8[%add3A, %dma_wait3A_159] : memref<32x40960xf32, #tpu.memory_space<hbm>> -> memref<1x5120xf32, #tpu.memory_space<hbm>>
      %dma_wait3A_161 = tpu.memref_squeeze %dma_wait3A_160 : memref<1x5120xf32, #tpu.memory_space<hbm>> -> memref<5120xf32, #tpu.memory_space<hbm>>
      %dma_wait3A_162 = arith.constant 0 : i32
      %dma_wait3A_163 = tpu.memref_slice %arg33[%dma_wait3A_162] : memref<40960xf32, #tpu.memory_space<vmem>> -> memref<5120xf32, #tpu.memory_space<vmem>>
      tpu.wait_dma2 semaphore(%run_scoped3A : memref<!tpu.dma_semaphore, #tpu.memory_space<semaphore_mem>>) src(%dma_wait3A_163 : memref<5120xf32, #tpu.memory_space<vmem>>) dst(%dma_wait3A_161 : memref<5120xf32, #tpu.memory_space<hbm>>)
      tpu.yield
    }) : () -> ()
    "tpu.region"() ({
      %run_scoped3A = tpu.sem_alloc : memref<!tpu.dma_semaphore, #tpu.memory_space<semaphore_mem>>
      %dma_start3A_144 = arith.constant 5120 : i32
      %dma_start3A_145 = tpu.memref_slice %arg33[%dma_start3A_144] : memref<40960xf32, #tpu.memory_space<vmem>> -> memref<5120xf32, #tpu.memory_space<vmem>>
      %dma_start3A_146 = arith.constant 5120 : i32
      %dma_start3A_147 = tpu.memref_slice %arg8[%add3A, %dma_start3A_146] : memref<32x40960xf32, #tpu.memory_space<hbm>> -> memref<1x5120xf32, #tpu.memory_space<hbm>>
      %dma_start3A_148 = tpu.memref_squeeze %dma_start3A_147 : memref<1x5120xf32, #tpu.memory_space<hbm>> -> memref<5120xf32, #tpu.memory_space<hbm>>
      %dma_start3A_149 = arith.constant 5120 : i32
      %dma_start3A_150 = tpu.memref_slice %arg8[%add3A, %dma_start3A_149] : memref<32x40960xf32, #tpu.memory_space<hbm>> -> memref<1x5120xf32, #tpu.memory_space<hbm>>
      %dma_start3A_151 = tpu.memref_squeeze %dma_start3A_150 : memref<1x5120xf32, #tpu.memory_space<hbm>> -> memref<5120xf32, #tpu.memory_space<hbm>>
      %dma_start3A_152 = arith.constant 5120 : i32
      %dma_start3A_153 = tpu.memref_slice %arg33[%dma_start3A_152] : memref<40960xf32, #tpu.memory_space<vmem>> -> memref<5120xf32, #tpu.memory_space<vmem>>
      tpu.enqueue_dma source(%dma_start3A_153 : memref<5120xf32, #tpu.memory_space<vmem>>) target(%dma_start3A_151 : memref<5120xf32, #tpu.memory_space<hbm>>) target_semaphore(%run_scoped3A : memref<!tpu.dma_semaphore, #tpu.memory_space<semaphore_mem>>)
      %dma_wait3A_154 = arith.constant 5120 : i32
      %dma_wait3A_155 = tpu.memref_slice %arg33[%dma_wait3A_154] : memref<40960xf32, #tpu.memory_space<vmem>> -> memref<5120xf32, #tpu.memory_space<vmem>>
      %dma_wait3A_156 = arith.constant 5120 : i32
      %dma_wait3A_157 = tpu.memref_slice %arg8[%add3A, %dma_wait3A_156] : memref<32x40960xf32, #tpu.memory_space<hbm>> -> memref<1x5120xf32, #tpu.memory_space<hbm>>
      %dma_wait3A_158 = tpu.memref_squeeze %dma_wait3A_157 : memref<1x5120xf32, #tpu.memory_space<hbm>> -> memref<5120xf32, #tpu.memory_space<hbm>>
      %dma_wait3A_159 = arith.constant 5120 : i32
      %dma_wait3A_160 = tpu.memref_slice %arg8[%add3A, %dma_wait3A_159] : memref<32x40960xf32, #tpu.memory_space<hbm>> -> memref<1x5120xf32, #tpu.memory_space<hbm>>
      %dma_wait3A_161 = tpu.memref_squeeze %dma_wait3A_160 : memref<1x5120xf32, #tpu.memory_space<hbm>> -> memref<5120xf32, #tpu.memory_space<hbm>>
      %dma_wait3A_162 = arith.constant 5120 : i32
      %dma_wait3A_163 = tpu.memref_slice %arg33[%dma_wait3A_162] : memref<40960xf32, #tpu.memory_space<vmem>> -> memref<5120xf32, #tpu.memory_space<vmem>>
      tpu.wait_dma2 semaphore(%run_scoped3A : memref<!tpu.dma_semaphore, #tpu.memory_space<semaphore_mem>>) src(%dma_wait3A_163 : memref<5120xf32, #tpu.memory_space<vmem>>) dst(%dma_wait3A_161 : memref<5120xf32, #tpu.memory_space<hbm>>)
      tpu.yield
    }) : () -> ()
    "tpu.region"() ({
      %run_scoped3A = tpu.sem_alloc : memref<!tpu.dma_semaphore, #tpu.memory_space<semaphore_mem>>
      %dma_start3A_144 = arith.constant 10240 : i32
      %dma_start3A_145 = tpu.memref_slice %arg33[%dma_start3A_144] : memref<40960xf32, #tpu.memory_space<vmem>> -> memref<5120xf32, #tpu.memory_space<vmem>>
      %dma_start3A_146 = arith.constant 10240 : i32
      %dma_start3A_147 = tpu.memref_slice %arg8[%add3A, %dma_start3A_146] : memref<32x40960xf32, #tpu.memory_space<hbm>> -> memref<1x5120xf32, #tpu.memory_space<hbm>>
      %dma_start3A_148 = tpu.memref_squeeze %dma_start3A_147 : memref<1x5120xf32, #tpu.memory_space<hbm>> -> memref<5120xf32, #tpu.memory_space<hbm>>
      %dma_start3A_149 = arith.constant 10240 : i32
      %dma_start3A_150 = tpu.memref_slice %arg8[%add3A, %dma_start3A_149] : memref<32x40960xf32, #tpu.memory_space<hbm>> -> memref<1x5120xf32, #tpu.memory_space<hbm>>
      %dma_start3A_151 = tpu.memref_squeeze %dma_start3A_150 : memref<1x5120xf32, #tpu.memory_space<hbm>> -> memref<5120xf32, #tpu.memory_space<hbm>>
      %dma_start3A_152 = arith.constant 10240 : i32
      %dma_start3A_153 = tpu.memref_slice %arg33[%dma_start3A_152] : memref<40960xf32, #tpu.memory_space<vmem>> -> memref<5120xf32, #tpu.memory_space<vmem>>
      tpu.enqueue_dma source(%dma_start3A_153 : memref<5120xf32, #tpu.memory_space<vmem>>) target(%dma_start3A_151 : memref<5120xf32, #tpu.memory_space<hbm>>) target_semaphore(%run_scoped3A : memref<!tpu.dma_semaphore, #tpu.memory_space<semaphore_mem>>)
      %dma_wait3A_154 = arith.constant 10240 : i32
      %dma_wait3A_155 = tpu.memref_slice %arg33[%dma_wait3A_154] : memref<40960xf32, #tpu.memory_space<vmem>> -> memref<5120xf32, #tpu.memory_space<vmem>>
      %dma_wait3A_156 = arith.constant 10240 : i32
      %dma_wait3A_157 = tpu.memref_slice %arg8[%add3A, %dma_wait3A_156] : memref<32x40960xf32, #tpu.memory_space<hbm>> -> memref<1x5120xf32, #tpu.memory_space<hbm>>
      %dma_wait3A_158 = tpu.memref_squeeze %dma_wait3A_157 : memref<1x5120xf32, #tpu.memory_space<hbm>> -> memref<5120xf32, #tpu.memory_space<hbm>>
      %dma_wait3A_159 = arith.constant 10240 : i32
      %dma_wait3A_160 = tpu.memref_slice %arg8[%add3A, %dma_wait3A_159] : memref<32x40960xf32, #tpu.memory_space<hbm>> -> memref<1x5120xf32, #tpu.memory_space<hbm>>
      %dma_wait3A_161 = tpu.memref_squeeze %dma_wait3A_160 : memref<1x5120xf32, #tpu.memory_space<hbm>> -> memref<5120xf32, #tpu.memory_space<hbm>>
      %dma_wait3A_162 = arith.constant 10240 : i32
      %dma_wait3A_163 = tpu.memref_slice %arg33[%dma_wait3A_162] : memref<40960xf32, #tpu.memory_space<vmem>> -> memref<5120xf32, #tpu.memory_space<vmem>>
      tpu.wait_dma2 semaphore(%run_scoped3A : memref<!tpu.dma_semaphore, #tpu.memory_space<semaphore_mem>>) src(%dma_wait3A_163 : memref<5120xf32, #tpu.memory_space<vmem>>) dst(%dma_wait3A_161 : memref<5120xf32, #tpu.memory_space<hbm>>)
      tpu.yield
    }) : () -> ()
    "tpu.region"() ({
      %run_scoped3A = tpu.sem_alloc : memref<!tpu.dma_semaphore, #tpu.memory_space<semaphore_mem>>
      %dma_start3A_144 = arith.constant 15360 : i32
      %dma_start3A_145 = tpu.memref_slice %arg33[%dma_start3A_144] : memref<40960xf32, #tpu.memory_space<vmem>> -> memref<5120xf32, #tpu.memory_space<vmem>>
      %dma_start3A_146 = arith.constant 15360 : i32
      %dma_start3A_147 = tpu.memref_slice %arg8[%add3A, %dma_start3A_146] : memref<32x40960xf32, #tpu.memory_space<hbm>> -> memref<1x5120xf32, #tpu.memory_space<hbm>>
      %dma_start3A_148 = tpu.memref_squeeze %dma_start3A_147 : memref<1x5120xf32, #tpu.memory_space<hbm>> -> memref<5120xf32, #tpu.memory_space<hbm>>
      %dma_start3A_149 = arith.constant 15360 : i32
      %dma_start3A_150 = tpu.memref_slice %arg8[%add3A, %dma_start3A_149] : memref<32x40960xf32, #tpu.memory_space<hbm>> -> memref<1x5120xf32, #tpu.memory_space<hbm>>
      %dma_start3A_151 = tpu.memref_squeeze %dma_start3A_150 : memref<1x5120xf32, #tpu.memory_space<hbm>> -> memref<5120xf32, #tpu.memory_space<hbm>>
      %dma_start3A_152 = arith.constant 15360 : i32
      %dma_start3A_153 = tpu.memref_slice %arg33[%dma_start3A_152] : memref<40960xf32, #tpu.memory_space<vmem>> -> memref<5120xf32, #tpu.memory_space<vmem>>
      tpu.enqueue_dma source(%dma_start3A_153 : memref<5120xf32, #tpu.memory_space<vmem>>) target(%dma_start3A_151 : memref<5120xf32, #tpu.memory_space<hbm>>) target_semaphore(%run_scoped3A : memref<!tpu.dma_semaphore, #tpu.memory_space<semaphore_mem>>)
      %dma_wait3A_154 = arith.constant 15360 : i32
      %dma_wait3A_155 = tpu.memref_slice %arg33[%dma_wait3A_154] : memref<40960xf32, #tpu.memory_space<vmem>> -> memref<5120xf32, #tpu.memory_space<vmem>>
      %dma_wait3A_156 = arith.constant 15360 : i32
      %dma_wait3A_157 = tpu.memref_slice %arg8[%add3A, %dma_wait3A_156] : memref<32x40960xf32, #tpu.memory_space<hbm>> -> memref<1x5120xf32, #tpu.memory_space<hbm>>
      %dma_wait3A_158 = tpu.memref_squeeze %dma_wait3A_157 : memref<1x5120xf32, #tpu.memory_space<hbm>> -> memref<5120xf32, #tpu.memory_space<hbm>>
      %dma_wait3A_159 = arith.constant 15360 : i32
      %dma_wait3A_160 = tpu.memref_slice %arg8[%add3A, %dma_wait3A_159] : memref<32x40960xf32, #tpu.memory_space<hbm>> -> memref<1x5120xf32, #tpu.memory_space<hbm>>
      %dma_wait3A_161 = tpu.memref_squeeze %dma_wait3A_160 : memref<1x5120xf32, #tpu.memory_space<hbm>> -> memref<5120xf32, #tpu.memory_space<hbm>>
      %dma_wait3A_162 = arith.constant 15360 : i32
      %dma_wait3A_163 = tpu.memref_slice %arg33[%dma_wait3A_162] : memref<40960xf32, #tpu.memory_space<vmem>> -> memref<5120xf32, #tpu.memory_space<vmem>>
      tpu.wait_dma2 semaphore(%run_scoped3A : memref<!tpu.dma_semaphore, #tpu.memory_space<semaphore_mem>>) src(%dma_wait3A_163 : memref<5120xf32, #tpu.memory_space<vmem>>) dst(%dma_wait3A_161 : memref<5120xf32, #tpu.memory_space<hbm>>)
      tpu.yield
    }) : () -> ()
    "tpu.region"() ({
      %run_scoped3A = tpu.sem_alloc : memref<!tpu.dma_semaphore, #tpu.memory_space<semaphore_mem>>
      %dma_start3A_144 = arith.constant 20480 : i32
      %dma_start3A_145 = tpu.memref_slice %arg33[%dma_start3A_144] : memref<40960xf32, #tpu.memory_space<vmem>> -> memref<5120xf32, #tpu.memory_space<vmem>>
      %dma_start3A_146 = arith.constant 20480 : i32
      %dma_start3A_147 = tpu.memref_slice %arg8[%add3A, %dma_start3A_146] : memref<32x40960xf32, #tpu.memory_space<hbm>> -> memref<1x5120xf32, #tpu.memory_space<hbm>>
      %dma_start3A_148 = tpu.memref_squeeze %dma_start3A_147 : memref<1x5120xf32, #tpu.memory_space<hbm>> -> memref<5120xf32, #tpu.memory_space<hbm>>
      %dma_start3A_149 = arith.constant 20480 : i32
      %dma_start3A_150 = tpu.memref_slice %arg8[%add3A, %dma_start3A_149] : memref<32x40960xf32, #tpu.memory_space<hbm>> -> memref<1x5120xf32, #tpu.memory_space<hbm>>
      %dma_start3A_151 = tpu.memref_squeeze %dma_start3A_150 : memref<1x5120xf32, #tpu.memory_space<hbm>> -> memref<5120xf32, #tpu.memory_space<hbm>>
      %dma_start3A_152 = arith.constant 20480 : i32
      %dma_start3A_153 = tpu.memref_slice %arg33[%dma_start3A_152] : memref<40960xf32, #tpu.memory_space<vmem>> -> memref<5120xf32, #tpu.memory_space<vmem>>
      tpu.enqueue_dma source(%dma_start3A_153 : memref<5120xf32, #tpu.memory_space<vmem>>) target(%dma_start3A_151 : memref<5120xf32, #tpu.memory_space<hbm>>) target_semaphore(%run_scoped3A : memref<!tpu.dma_semaphore, #tpu.memory_space<semaphore_mem>>)
      %dma_wait3A_154 = arith.constant 20480 : i32
      %dma_wait3A_155 = tpu.memref_slice %arg33[%dma_wait3A_154] : memref<40960xf32, #tpu.memory_space<vmem>> -> memref<5120xf32, #tpu.memory_space<vmem>>
      %dma_wait3A_156 = arith.constant 20480 : i32
      %dma_wait3A_157 = tpu.memref_slice %arg8[%add3A, %dma_wait3A_156] : memref<32x40960xf32, #tpu.memory_space<hbm>> -> memref<1x5120xf32, #tpu.memory_space<hbm>>
      %dma_wait3A_158 = tpu.memref_squeeze %dma_wait3A_157 : memref<1x5120xf32, #tpu.memory_space<hbm>> -> memref<5120xf32, #tpu.memory_space<hbm>>
      %dma_wait3A_159 = arith.constant 20480 : i32
      %dma_wait3A_160 = tpu.memref_slice %arg8[%add3A, %dma_wait3A_159] : memref<32x40960xf32, #tpu.memory_space<hbm>> -> memref<1x5120xf32, #tpu.memory_space<hbm>>
      %dma_wait3A_161 = tpu.memref_squeeze %dma_wait3A_160 : memref<1x5120xf32, #tpu.memory_space<hbm>> -> memref<5120xf32, #tpu.memory_space<hbm>>
      %dma_wait3A_162 = arith.constant 20480 : i32
      %dma_wait3A_163 = tpu.memref_slice %arg33[%dma_wait3A_162] : memref<40960xf32, #tpu.memory_space<vmem>> -> memref<5120xf32, #tpu.memory_space<vmem>>
      tpu.wait_dma2 semaphore(%run_scoped3A : memref<!tpu.dma_semaphore, #tpu.memory_space<semaphore_mem>>) src(%dma_wait3A_163 : memref<5120xf32, #tpu.memory_space<vmem>>) dst(%dma_wait3A_161 : memref<5120xf32, #tpu.memory_space<hbm>>)
      tpu.yield
    }) : () -> ()
    "tpu.region"() ({
      %run_scoped3A = tpu.sem_alloc : memref<!tpu.dma_semaphore, #tpu.memory_space<semaphore_mem>>
      %dma_start3A_144 = arith.constant 25600 : i32
      %dma_start3A_145 = tpu.memref_slice %arg33[%dma_start3A_144] : memref<40960xf32, #tpu.memory_space<vmem>> -> memref<5120xf32, #tpu.memory_space<vmem>>
      %dma_start3A_146 = arith.constant 25600 : i32
      %dma_start3A_147 = tpu.memref_slice %arg8[%add3A, %dma_start3A_146] : memref<32x40960xf32, #tpu.memory_space<hbm>> -> memref<1x5120xf32, #tpu.memory_space<hbm>>
      %dma_start3A_148 = tpu.memref_squeeze %dma_start3A_147 : memref<1x5120xf32, #tpu.memory_space<hbm>> -> memref<5120xf32, #tpu.memory_space<hbm>>
      %dma_start3A_149 = arith.constant 25600 : i32
      %dma_start3A_150 = tpu.memref_slice %arg8[%add3A, %dma_start3A_149] : memref<32x40960xf32, #tpu.memory_space<hbm>> -> memref<1x5120xf32, #tpu.memory_space<hbm>>
      %dma_start3A_151 = tpu.memref_squeeze %dma_start3A_150 : memref<1x5120xf32, #tpu.memory_space<hbm>> -> memref<5120xf32, #tpu.memory_space<hbm>>
      %dma_start3A_152 = arith.constant 25600 : i32
      %dma_start3A_153 = tpu.memref_slice %arg33[%dma_start3A_152] : memref<40960xf32, #tpu.memory_space<vmem>> -> memref<5120xf32, #tpu.memory_space<vmem>>
      tpu.enqueue_dma source(%dma_start3A_153 : memref<5120xf32, #tpu.memory_space<vmem>>) target(%dma_start3A_151 : memref<5120xf32, #tpu.memory_space<hbm>>) target_semaphore(%run_scoped3A : memref<!tpu.dma_semaphore, #tpu.memory_space<semaphore_mem>>)
      %dma_wait3A_154 = arith.constant 25600 : i32
      %dma_wait3A_155 = tpu.memref_slice %arg33[%dma_wait3A_154] : memref<40960xf32, #tpu.memory_space<vmem>> -> memref<5120xf32, #tpu.memory_space<vmem>>
      %dma_wait3A_156 = arith.constant 25600 : i32
      %dma_wait3A_157 = tpu.memref_slice %arg8[%add3A, %dma_wait3A_156] : memref<32x40960xf32, #tpu.memory_space<hbm>> -> memref<1x5120xf32, #tpu.memory_space<hbm>>
      %dma_wait3A_158 = tpu.memref_squeeze %dma_wait3A_157 : memref<1x5120xf32, #tpu.memory_space<hbm>> -> memref<5120xf32, #tpu.memory_space<hbm>>
      %dma_wait3A_159 = arith.constant 25600 : i32
      %dma_wait3A_160 = tpu.memref_slice %arg8[%add3A, %dma_wait3A_159] : memref<32x40960xf32, #tpu.memory_space<hbm>> -> memref<1x5120xf32, #tpu.memory_space<hbm>>
      %dma_wait3A_161 = tpu.memref_squeeze %dma_wait3A_160 : memref<1x5120xf32, #tpu.memory_space<hbm>> -> memref<5120xf32, #tpu.memory_space<hbm>>
      %dma_wait3A_162 = arith.constant 25600 : i32
      %dma_wait3A_163 = tpu.memref_slice %arg33[%dma_wait3A_162] : memref<40960xf32, #tpu.memory_space<vmem>> -> memref<5120xf32, #tpu.memory_space<vmem>>
      tpu.wait_dma2 semaphore(%run_scoped3A : memref<!tpu.dma_semaphore, #tpu.memory_space<semaphore_mem>>) src(%dma_wait3A_163 : memref<5120xf32, #tpu.memory_space<vmem>>) dst(%dma_wait3A_161 : memref<5120xf32, #tpu.memory_space<hbm>>)
      tpu.yield
    }) : () -> ()
    "tpu.region"() ({
      %run_scoped3A = tpu.sem_alloc : memref<!tpu.dma_semaphore, #tpu.memory_space<semaphore_mem>>
      %dma_start3A_144 = arith.constant 30720 : i32
      %dma_start3A_145 = tpu.memref_slice %arg33[%dma_start3A_144] : memref<40960xf32, #tpu.memory_space<vmem>> -> memref<5120xf32, #tpu.memory_space<vmem>>
      %dma_start3A_146 = arith.constant 30720 : i32
      %dma_start3A_147 = tpu.memref_slice %arg8[%add3A, %dma_start3A_146] : memref<32x40960xf32, #tpu.memory_space<hbm>> -> memref<1x5120xf32, #tpu.memory_space<hbm>>
      %dma_start3A_148 = tpu.memref_squeeze %dma_start3A_147 : memref<1x5120xf32, #tpu.memory_space<hbm>> -> memref<5120xf32, #tpu.memory_space<hbm>>
      %dma_start3A_149 = arith.constant 30720 : i32
      %dma_start3A_150 = tpu.memref_slice %arg8[%add3A, %dma_start3A_149] : memref<32x40960xf32, #tpu.memory_space<hbm>> -> memref<1x5120xf32, #tpu.memory_space<hbm>>
      %dma_start3A_151 = tpu.memref_squeeze %dma_start3A_150 : memref<1x5120xf32, #tpu.memory_space<hbm>> -> memref<5120xf32, #tpu.memory_space<hbm>>
      %dma_start3A_152 = arith.constant 30720 : i32
      %dma_start3A_153 = tpu.memref_slice %arg33[%dma_start3A_152] : memref<40960xf32, #tpu.memory_space<vmem>> -> memref<5120xf32, #tpu.memory_space<vmem>>
      tpu.enqueue_dma source(%dma_start3A_153 : memref<5120xf32, #tpu.memory_space<vmem>>) target(%dma_start3A_151 : memref<5120xf32, #tpu.memory_space<hbm>>) target_semaphore(%run_scoped3A : memref<!tpu.dma_semaphore, #tpu.memory_space<semaphore_mem>>)
      %dma_wait3A_154 = arith.constant 30720 : i32
      %dma_wait3A_155 = tpu.memref_slice %arg33[%dma_wait3A_154] : memref<40960xf32, #tpu.memory_space<vmem>> -> memref<5120xf32, #tpu.memory_space<vmem>>
      %dma_wait3A_156 = arith.constant 30720 : i32
      %dma_wait3A_157 = tpu.memref_slice %arg8[%add3A, %dma_wait3A_156] : memref<32x40960xf32, #tpu.memory_space<hbm>> -> memref<1x5120xf32, #tpu.memory_space<hbm>>
      %dma_wait3A_158 = tpu.memref_squeeze %dma_wait3A_157 : memref<1x5120xf32, #tpu.memory_space<hbm>> -> memref<5120xf32, #tpu.memory_space<hbm>>
      %dma_wait3A_159 = arith.constant 30720 : i32
      %dma_wait3A_160 = tpu.memref_slice %arg8[%add3A, %dma_wait3A_159] : memref<32x40960xf32, #tpu.memory_space<hbm>> -> memref<1x5120xf32, #tpu.memory_space<hbm>>
      %dma_wait3A_161 = tpu.memref_squeeze %dma_wait3A_160 : memref<1x5120xf32, #tpu.memory_space<hbm>> -> memref<5120xf32, #tpu.memory_space<hbm>>
      %dma_wait3A_162 = arith.constant 30720 : i32
      %dma_wait3A_163 = tpu.memref_slice %arg33[%dma_wait3A_162] : memref<40960xf32, #tpu.memory_space<vmem>> -> memref<5120xf32, #tpu.memory_space<vmem>>
      tpu.wait_dma2 semaphore(%run_scoped3A : memref<!tpu.dma_semaphore, #tpu.memory_space<semaphore_mem>>) src(%dma_wait3A_163 : memref<5120xf32, #tpu.memory_space<vmem>>) dst(%dma_wait3A_161 : memref<5120xf32, #tpu.memory_space<hbm>>)
      tpu.yield
    }) : () -> ()
    "tpu.region"() ({
      %run_scoped3A = tpu.sem_alloc : memref<!tpu.dma_semaphore, #tpu.memory_space<semaphore_mem>>
      %dma_start3A_144 = arith.constant 35840 : i32
      %dma_start3A_145 = tpu.memref_slice %arg33[%dma_start3A_144] : memref<40960xf32, #tpu.memory_space<vmem>> -> memref<5120xf32, #tpu.memory_space<vmem>>
      %dma_start3A_146 = arith.constant 35840 : i32
      %dma_start3A_147 = tpu.memref_slice %arg8[%add3A, %dma_start3A_146] : memref<32x40960xf32, #tpu.memory_space<hbm>> -> memref<1x5120xf32, #tpu.memory_space<hbm>>
      %dma_start3A_148 = tpu.memref_squeeze %dma_start3A_147 : memref<1x5120xf32, #tpu.memory_space<hbm>> -> memref<5120xf32, #tpu.memory_space<hbm>>
      %dma_start3A_149 = arith.constant 35840 : i32
      %dma_start3A_150 = tpu.memref_slice %arg8[%add3A, %dma_start3A_149] : memref<32x40960xf32, #tpu.memory_space<hbm>> -> memref<1x5120xf32, #tpu.memory_space<hbm>>
      %dma_start3A_151 = tpu.memref_squeeze %dma_start3A_150 : memref<1x5120xf32, #tpu.memory_space<hbm>> -> memref<5120xf32, #tpu.memory_space<hbm>>
      %dma_start3A_152 = arith.constant 35840 : i32
      %dma_start3A_153 = tpu.memref_slice %arg33[%dma_start3A_152] : memref<40960xf32, #tpu.memory_space<vmem>> -> memref<5120xf32, #tpu.memory_space<vmem>>
      tpu.enqueue_dma source(%dma_start3A_153 : memref<5120xf32, #tpu.memory_space<vmem>>) target(%dma_start3A_151 : memref<5120xf32, #tpu.memory_space<hbm>>) target_semaphore(%run_scoped3A : memref<!tpu.dma_semaphore, #tpu.memory_space<semaphore_mem>>)
      %dma_wait3A_154 = arith.constant 35840 : i32
      %dma_wait3A_155 = tpu.memref_slice %arg33[%dma_wait3A_154] : memref<40960xf32, #tpu.memory_space<vmem>> -> memref<5120xf32, #tpu.memory_space<vmem>>
      %dma_wait3A_156 = arith.constant 35840 : i32
      %dma_wait3A_157 = tpu.memref_slice %arg8[%add3A, %dma_wait3A_156] : memref<32x40960xf32, #tpu.memory_space<hbm>> -> memref<1x5120xf32, #tpu.memory_space<hbm>>
      %dma_wait3A_158 = tpu.memref_squeeze %dma_wait3A_157 : memref<1x5120xf32, #tpu.memory_space<hbm>> -> memref<5120xf32, #tpu.memory_space<hbm>>
      %dma_wait3A_159 = arith.constant 35840 : i32
      %dma_wait3A_160 = tpu.memref_slice %arg8[%add3A, %dma_wait3A_159] : memref<32x40960xf32, #tpu.memory_space<hbm>> -> memref<1x5120xf32, #tpu.memory_space<hbm>>
      %dma_wait3A_161 = tpu.memref_squeeze %dma_wait3A_160 : memref<1x5120xf32, #tpu.memory_space<hbm>> -> memref<5120xf32, #tpu.memory_space<hbm>>
      %dma_wait3A_162 = arith.constant 35840 : i32
      %dma_wait3A_163 = tpu.memref_slice %arg33[%dma_wait3A_162] : memref<40960xf32, #tpu.memory_space<vmem>> -> memref<5120xf32, #tpu.memory_space<vmem>>
      tpu.wait_dma2 semaphore(%run_scoped3A : memref<!tpu.dma_semaphore, #tpu.memory_space<semaphore_mem>>) src(%dma_wait3A_163 : memref<5120xf32, #tpu.memory_space<vmem>>) dst(%dma_wait3A_161 : memref<5120xf32, #tpu.memory_space<hbm>>)
      tpu.yield
    }) : () -> ()
    return
  }
}

#map = affine_map<(d0, d1) -> (0, 0)>
#map1 = affine_map<(d0, d1) -> (0)>
module attributes {stable_mosaic.version = 14 : i64} {
  func.func @reduce_kernel(%arg0: i32, %arg1: i32, %arg2: memref<32x40960xf32, #tpu.memory_space<hbm>>, %arg3: memref<40960xf32, #tpu.memory_space<hbm>>, %arg4: memref<32x1280xf32, #tpu.memory_space<vmem>>, %arg5: memref<1280xf32, #tpu.memory_space<vmem>>, %arg6: memref<!tpu.dma_semaphore, #tpu.memory_space<semaphore_mem>>) attributes {dimension_semantics = [#tpu.dimension_semantics<core_parallel>, #tpu.dimension_semantics<subcore_parallel>], iteration_bounds = array<i64: 2, 16>, scalar_prefetch = 0 : i64, scratch_operands = 3 : i64, tpu.core_type = #tpu.core_type<sc_vector_subcore>, window_params = [{transform_indices = #map}, {transform_indices = #map1}]} {
    %mul3A = arith.constant 16 : i32
    %mul3A_0 = arith.muli %arg0, %mul3A : i32
    %add3A = arith.addi %mul3A_0, %arg1 : i32
    %mul3A_1 = arith.constant 1280 : i32
    %mul3A_2 = arith.muli %add3A, %mul3A_1 : i32
    %iota3A = tpu.iota {dimensions = array<i32: 0>} : vector<16xi32>
    %dma_start3A = arith.constant 0 : i32
    %dma_start3A_3 = arith.constant 0 : i32
    %dma_start3A_4 = arith.constant 0 : i32
    %dma_start3A_5 = tpu.memref_slice %arg4[%dma_start3A_3, %dma_start3A_4] : memref<32x1280xf32, #tpu.memory_space<vmem>> -> memref<1x1280xf32, #tpu.memory_space<vmem>>
    %dma_start3A_6 = tpu.memref_squeeze %dma_start3A_5 : memref<1x1280xf32, #tpu.memory_space<vmem>> -> memref<1280xf32, #tpu.memory_space<vmem>>
    %dma_start3A_7 = tpu.memref_slice %arg2[%dma_start3A, %mul3A_2] : memref<32x40960xf32, #tpu.memory_space<hbm>> -> memref<1x1280xf32, #tpu.memory_space<hbm>>
    %dma_start3A_8 = tpu.memref_squeeze %dma_start3A_7 : memref<1x1280xf32, #tpu.memory_space<hbm>> -> memref<1280xf32, #tpu.memory_space<hbm>>
    %dma_start3A_9 = arith.constant 0 : i32
    %dma_start3A_10 = tpu.memref_slice %arg4[%dma_start3A_3, %dma_start3A_9] : memref<32x1280xf32, #tpu.memory_space<vmem>> -> memref<1x1280xf32, #tpu.memory_space<vmem>>
    %dma_start3A_11 = tpu.memref_squeeze %dma_start3A_10 : memref<1x1280xf32, #tpu.memory_space<vmem>> -> memref<1280xf32, #tpu.memory_space<vmem>>
    %dma_start3A_12 = tpu.memref_slice %arg2[%dma_start3A, %mul3A_2] : memref<32x40960xf32, #tpu.memory_space<hbm>> -> memref<1x1280xf32, #tpu.memory_space<hbm>>
    %dma_start3A_13 = tpu.memref_squeeze %dma_start3A_12 : memref<1x1280xf32, #tpu.memory_space<hbm>> -> memref<1280xf32, #tpu.memory_space<hbm>>
    tpu.enqueue_dma source(%dma_start3A_13 : memref<1280xf32, #tpu.memory_space<hbm>>) target(%dma_start3A_11 : memref<1280xf32, #tpu.memory_space<vmem>>) target_semaphore(%arg6 : memref<!tpu.dma_semaphore, #tpu.memory_space<semaphore_mem>>)
    %dma_start3A_14 = arith.constant 1 : i32
    %dma_start3A_15 = arith.constant 1 : i32
    %dma_start3A_16 = arith.constant 0 : i32
    %dma_start3A_17 = tpu.memref_slice %arg4[%dma_start3A_15, %dma_start3A_16] : memref<32x1280xf32, #tpu.memory_space<vmem>> -> memref<1x1280xf32, #tpu.memory_space<vmem>>
    %dma_start3A_18 = tpu.memref_squeeze %dma_start3A_17 : memref<1x1280xf32, #tpu.memory_space<vmem>> -> memref<1280xf32, #tpu.memory_space<vmem>>
    %dma_start3A_19 = tpu.memref_slice %arg2[%dma_start3A_14, %mul3A_2] : memref<32x40960xf32, #tpu.memory_space<hbm>> -> memref<1x1280xf32, #tpu.memory_space<hbm>>
    %dma_start3A_20 = tpu.memref_squeeze %dma_start3A_19 : memref<1x1280xf32, #tpu.memory_space<hbm>> -> memref<1280xf32, #tpu.memory_space<hbm>>
    %dma_start3A_21 = arith.constant 0 : i32
    %dma_start3A_22 = tpu.memref_slice %arg4[%dma_start3A_15, %dma_start3A_21] : memref<32x1280xf32, #tpu.memory_space<vmem>> -> memref<1x1280xf32, #tpu.memory_space<vmem>>
    %dma_start3A_23 = tpu.memref_squeeze %dma_start3A_22 : memref<1x1280xf32, #tpu.memory_space<vmem>> -> memref<1280xf32, #tpu.memory_space<vmem>>
    %dma_start3A_24 = tpu.memref_slice %arg2[%dma_start3A_14, %mul3A_2] : memref<32x40960xf32, #tpu.memory_space<hbm>> -> memref<1x1280xf32, #tpu.memory_space<hbm>>
    %dma_start3A_25 = tpu.memref_squeeze %dma_start3A_24 : memref<1x1280xf32, #tpu.memory_space<hbm>> -> memref<1280xf32, #tpu.memory_space<hbm>>
    tpu.enqueue_dma source(%dma_start3A_25 : memref<1280xf32, #tpu.memory_space<hbm>>) target(%dma_start3A_23 : memref<1280xf32, #tpu.memory_space<vmem>>) target_semaphore(%arg6 : memref<!tpu.dma_semaphore, #tpu.memory_space<semaphore_mem>>)
    %dma_start3A_26 = arith.constant 2 : i32
    %dma_start3A_27 = arith.constant 2 : i32
    %dma_start3A_28 = arith.constant 0 : i32
    %dma_start3A_29 = tpu.memref_slice %arg4[%dma_start3A_27, %dma_start3A_28] : memref<32x1280xf32, #tpu.memory_space<vmem>> -> memref<1x1280xf32, #tpu.memory_space<vmem>>
    %dma_start3A_30 = tpu.memref_squeeze %dma_start3A_29 : memref<1x1280xf32, #tpu.memory_space<vmem>> -> memref<1280xf32, #tpu.memory_space<vmem>>
    %dma_start3A_31 = tpu.memref_slice %arg2[%dma_start3A_26, %mul3A_2] : memref<32x40960xf32, #tpu.memory_space<hbm>> -> memref<1x1280xf32, #tpu.memory_space<hbm>>
    %dma_start3A_32 = tpu.memref_squeeze %dma_start3A_31 : memref<1x1280xf32, #tpu.memory_space<hbm>> -> memref<1280xf32, #tpu.memory_space<hbm>>
    %dma_start3A_33 = arith.constant 0 : i32
    %dma_start3A_34 = tpu.memref_slice %arg4[%dma_start3A_27, %dma_start3A_33] : memref<32x1280xf32, #tpu.memory_space<vmem>> -> memref<1x1280xf32, #tpu.memory_space<vmem>>
    %dma_start3A_35 = tpu.memref_squeeze %dma_start3A_34 : memref<1x1280xf32, #tpu.memory_space<vmem>> -> memref<1280xf32, #tpu.memory_space<vmem>>
    %dma_start3A_36 = tpu.memref_slice %arg2[%dma_start3A_26, %mul3A_2] : memref<32x40960xf32, #tpu.memory_space<hbm>> -> memref<1x1280xf32, #tpu.memory_space<hbm>>
    %dma_start3A_37 = tpu.memref_squeeze %dma_start3A_36 : memref<1x1280xf32, #tpu.memory_space<hbm>> -> memref<1280xf32, #tpu.memory_space<hbm>>
    tpu.enqueue_dma source(%dma_start3A_37 : memref<1280xf32, #tpu.memory_space<hbm>>) target(%dma_start3A_35 : memref<1280xf32, #tpu.memory_space<vmem>>) target_semaphore(%arg6 : memref<!tpu.dma_semaphore, #tpu.memory_space<semaphore_mem>>)
    %dma_start3A_38 = arith.constant 3 : i32
    %dma_start3A_39 = arith.constant 3 : i32
    %dma_start3A_40 = arith.constant 0 : i32
    %dma_start3A_41 = tpu.memref_slice %arg4[%dma_start3A_39, %dma_start3A_40] : memref<32x1280xf32, #tpu.memory_space<vmem>> -> memref<1x1280xf32, #tpu.memory_space<vmem>>
    %dma_start3A_42 = tpu.memref_squeeze %dma_start3A_41 : memref<1x1280xf32, #tpu.memory_space<vmem>> -> memref<1280xf32, #tpu.memory_space<vmem>>
    %dma_start3A_43 = tpu.memref_slice %arg2[%dma_start3A_38, %mul3A_2] : memref<32x40960xf32, #tpu.memory_space<hbm>> -> memref<1x1280xf32, #tpu.memory_space<hbm>>
    %dma_start3A_44 = tpu.memref_squeeze %dma_start3A_43 : memref<1x1280xf32, #tpu.memory_space<hbm>> -> memref<1280xf32, #tpu.memory_space<hbm>>
    %dma_start3A_45 = arith.constant 0 : i32
    %dma_start3A_46 = tpu.memref_slice %arg4[%dma_start3A_39, %dma_start3A_45] : memref<32x1280xf32, #tpu.memory_space<vmem>> -> memref<1x1280xf32, #tpu.memory_space<vmem>>
    %dma_start3A_47 = tpu.memref_squeeze %dma_start3A_46 : memref<1x1280xf32, #tpu.memory_space<vmem>> -> memref<1280xf32, #tpu.memory_space<vmem>>
    %dma_start3A_48 = tpu.memref_slice %arg2[%dma_start3A_38, %mul3A_2] : memref<32x40960xf32, #tpu.memory_space<hbm>> -> memref<1x1280xf32, #tpu.memory_space<hbm>>
    %dma_start3A_49 = tpu.memref_squeeze %dma_start3A_48 : memref<1x1280xf32, #tpu.memory_space<hbm>> -> memref<1280xf32, #tpu.memory_space<hbm>>
    tpu.enqueue_dma source(%dma_start3A_49 : memref<1280xf32, #tpu.memory_space<hbm>>) target(%dma_start3A_47 : memref<1280xf32, #tpu.memory_space<vmem>>) target_semaphore(%arg6 : memref<!tpu.dma_semaphore, #tpu.memory_space<semaphore_mem>>)
    %dma_start3A_50 = arith.constant 4 : i32
    %dma_start3A_51 = arith.constant 4 : i32
    %dma_start3A_52 = arith.constant 0 : i32
    %dma_start3A_53 = tpu.memref_slice %arg4[%dma_start3A_51, %dma_start3A_52] : memref<32x1280xf32, #tpu.memory_space<vmem>> -> memref<1x1280xf32, #tpu.memory_space<vmem>>
    %dma_start3A_54 = tpu.memref_squeeze %dma_start3A_53 : memref<1x1280xf32, #tpu.memory_space<vmem>> -> memref<1280xf32, #tpu.memory_space<vmem>>
    %dma_start3A_55 = tpu.memref_slice %arg2[%dma_start3A_50, %mul3A_2] : memref<32x40960xf32, #tpu.memory_space<hbm>> -> memref<1x1280xf32, #tpu.memory_space<hbm>>
    %dma_start3A_56 = tpu.memref_squeeze %dma_start3A_55 : memref<1x1280xf32, #tpu.memory_space<hbm>> -> memref<1280xf32, #tpu.memory_space<hbm>>
    %dma_start3A_57 = arith.constant 0 : i32
    %dma_start3A_58 = tpu.memref_slice %arg4[%dma_start3A_51, %dma_start3A_57] : memref<32x1280xf32, #tpu.memory_space<vmem>> -> memref<1x1280xf32, #tpu.memory_space<vmem>>
    %dma_start3A_59 = tpu.memref_squeeze %dma_start3A_58 : memref<1x1280xf32, #tpu.memory_space<vmem>> -> memref<1280xf32, #tpu.memory_space<vmem>>
    %dma_start3A_60 = tpu.memref_slice %arg2[%dma_start3A_50, %mul3A_2] : memref<32x40960xf32, #tpu.memory_space<hbm>> -> memref<1x1280xf32, #tpu.memory_space<hbm>>
    %dma_start3A_61 = tpu.memref_squeeze %dma_start3A_60 : memref<1x1280xf32, #tpu.memory_space<hbm>> -> memref<1280xf32, #tpu.memory_space<hbm>>
    tpu.enqueue_dma source(%dma_start3A_61 : memref<1280xf32, #tpu.memory_space<hbm>>) target(%dma_start3A_59 : memref<1280xf32, #tpu.memory_space<vmem>>) target_semaphore(%arg6 : memref<!tpu.dma_semaphore, #tpu.memory_space<semaphore_mem>>)
    %dma_start3A_62 = arith.constant 5 : i32
    %dma_start3A_63 = arith.constant 5 : i32
    %dma_start3A_64 = arith.constant 0 : i32
    %dma_start3A_65 = tpu.memref_slice %arg4[%dma_start3A_63, %dma_start3A_64] : memref<32x1280xf32, #tpu.memory_space<vmem>> -> memref<1x1280xf32, #tpu.memory_space<vmem>>
    %dma_start3A_66 = tpu.memref_squeeze %dma_start3A_65 : memref<1x1280xf32, #tpu.memory_space<vmem>> -> memref<1280xf32, #tpu.memory_space<vmem>>
    %dma_start3A_67 = tpu.memref_slice %arg2[%dma_start3A_62, %mul3A_2] : memref<32x40960xf32, #tpu.memory_space<hbm>> -> memref<1x1280xf32, #tpu.memory_space<hbm>>
    %dma_start3A_68 = tpu.memref_squeeze %dma_start3A_67 : memref<1x1280xf32, #tpu.memory_space<hbm>> -> memref<1280xf32, #tpu.memory_space<hbm>>
    %dma_start3A_69 = arith.constant 0 : i32
    %dma_start3A_70 = tpu.memref_slice %arg4[%dma_start3A_63, %dma_start3A_69] : memref<32x1280xf32, #tpu.memory_space<vmem>> -> memref<1x1280xf32, #tpu.memory_space<vmem>>
    %dma_start3A_71 = tpu.memref_squeeze %dma_start3A_70 : memref<1x1280xf32, #tpu.memory_space<vmem>> -> memref<1280xf32, #tpu.memory_space<vmem>>
    %dma_start3A_72 = tpu.memref_slice %arg2[%dma_start3A_62, %mul3A_2] : memref<32x40960xf32, #tpu.memory_space<hbm>> -> memref<1x1280xf32, #tpu.memory_space<hbm>>
    %dma_start3A_73 = tpu.memref_squeeze %dma_start3A_72 : memref<1x1280xf32, #tpu.memory_space<hbm>> -> memref<1280xf32, #tpu.memory_space<hbm>>
    tpu.enqueue_dma source(%dma_start3A_73 : memref<1280xf32, #tpu.memory_space<hbm>>) target(%dma_start3A_71 : memref<1280xf32, #tpu.memory_space<vmem>>) target_semaphore(%arg6 : memref<!tpu.dma_semaphore, #tpu.memory_space<semaphore_mem>>)
    %dma_start3A_74 = arith.constant 6 : i32
    %dma_start3A_75 = arith.constant 6 : i32
    %dma_start3A_76 = arith.constant 0 : i32
    %dma_start3A_77 = tpu.memref_slice %arg4[%dma_start3A_75, %dma_start3A_76] : memref<32x1280xf32, #tpu.memory_space<vmem>> -> memref<1x1280xf32, #tpu.memory_space<vmem>>
    %dma_start3A_78 = tpu.memref_squeeze %dma_start3A_77 : memref<1x1280xf32, #tpu.memory_space<vmem>> -> memref<1280xf32, #tpu.memory_space<vmem>>
    %dma_start3A_79 = tpu.memref_slice %arg2[%dma_start3A_74, %mul3A_2] : memref<32x40960xf32, #tpu.memory_space<hbm>> -> memref<1x1280xf32, #tpu.memory_space<hbm>>
    %dma_start3A_80 = tpu.memref_squeeze %dma_start3A_79 : memref<1x1280xf32, #tpu.memory_space<hbm>> -> memref<1280xf32, #tpu.memory_space<hbm>>
    %dma_start3A_81 = arith.constant 0 : i32
    %dma_start3A_82 = tpu.memref_slice %arg4[%dma_start3A_75, %dma_start3A_81] : memref<32x1280xf32, #tpu.memory_space<vmem>> -> memref<1x1280xf32, #tpu.memory_space<vmem>>
    %dma_start3A_83 = tpu.memref_squeeze %dma_start3A_82 : memref<1x1280xf32, #tpu.memory_space<vmem>> -> memref<1280xf32, #tpu.memory_space<vmem>>
    %dma_start3A_84 = tpu.memref_slice %arg2[%dma_start3A_74, %mul3A_2] : memref<32x40960xf32, #tpu.memory_space<hbm>> -> memref<1x1280xf32, #tpu.memory_space<hbm>>
    %dma_start3A_85 = tpu.memref_squeeze %dma_start3A_84 : memref<1x1280xf32, #tpu.memory_space<hbm>> -> memref<1280xf32, #tpu.memory_space<hbm>>
    tpu.enqueue_dma source(%dma_start3A_85 : memref<1280xf32, #tpu.memory_space<hbm>>) target(%dma_start3A_83 : memref<1280xf32, #tpu.memory_space<vmem>>) target_semaphore(%arg6 : memref<!tpu.dma_semaphore, #tpu.memory_space<semaphore_mem>>)
    %dma_start3A_86 = arith.constant 7 : i32
    %dma_start3A_87 = arith.constant 7 : i32
    %dma_start3A_88 = arith.constant 0 : i32
    %dma_start3A_89 = tpu.memref_slice %arg4[%dma_start3A_87, %dma_start3A_88] : memref<32x1280xf32, #tpu.memory_space<vmem>> -> memref<1x1280xf32, #tpu.memory_space<vmem>>
    %dma_start3A_90 = tpu.memref_squeeze %dma_start3A_89 : memref<1x1280xf32, #tpu.memory_space<vmem>> -> memref<1280xf32, #tpu.memory_space<vmem>>
    %dma_start3A_91 = tpu.memref_slice %arg2[%dma_start3A_86, %mul3A_2] : memref<32x40960xf32, #tpu.memory_space<hbm>> -> memref<1x1280xf32, #tpu.memory_space<hbm>>
    %dma_start3A_92 = tpu.memref_squeeze %dma_start3A_91 : memref<1x1280xf32, #tpu.memory_space<hbm>> -> memref<1280xf32, #tpu.memory_space<hbm>>
    %dma_start3A_93 = arith.constant 0 : i32
    %dma_start3A_94 = tpu.memref_slice %arg4[%dma_start3A_87, %dma_start3A_93] : memref<32x1280xf32, #tpu.memory_space<vmem>> -> memref<1x1280xf32, #tpu.memory_space<vmem>>
    %dma_start3A_95 = tpu.memref_squeeze %dma_start3A_94 : memref<1x1280xf32, #tpu.memory_space<vmem>> -> memref<1280xf32, #tpu.memory_space<vmem>>
    %dma_start3A_96 = tpu.memref_slice %arg2[%dma_start3A_86, %mul3A_2] : memref<32x40960xf32, #tpu.memory_space<hbm>> -> memref<1x1280xf32, #tpu.memory_space<hbm>>
    %dma_start3A_97 = tpu.memref_squeeze %dma_start3A_96 : memref<1x1280xf32, #tpu.memory_space<hbm>> -> memref<1280xf32, #tpu.memory_space<hbm>>
    tpu.enqueue_dma source(%dma_start3A_97 : memref<1280xf32, #tpu.memory_space<hbm>>) target(%dma_start3A_95 : memref<1280xf32, #tpu.memory_space<vmem>>) target_semaphore(%arg6 : memref<!tpu.dma_semaphore, #tpu.memory_space<semaphore_mem>>)
    %dma_start3A_98 = arith.constant 8 : i32
    %dma_start3A_99 = arith.constant 8 : i32
    %dma_start3A_100 = arith.constant 0 : i32
    %dma_start3A_101 = tpu.memref_slice %arg4[%dma_start3A_99, %dma_start3A_100] : memref<32x1280xf32, #tpu.memory_space<vmem>> -> memref<1x1280xf32, #tpu.memory_space<vmem>>
    %dma_start3A_102 = tpu.memref_squeeze %dma_start3A_101 : memref<1x1280xf32, #tpu.memory_space<vmem>> -> memref<1280xf32, #tpu.memory_space<vmem>>
    %dma_start3A_103 = tpu.memref_slice %arg2[%dma_start3A_98, %mul3A_2] : memref<32x40960xf32, #tpu.memory_space<hbm>> -> memref<1x1280xf32, #tpu.memory_space<hbm>>
    %dma_start3A_104 = tpu.memref_squeeze %dma_start3A_103 : memref<1x1280xf32, #tpu.memory_space<hbm>> -> memref<1280xf32, #tpu.memory_space<hbm>>
    %dma_start3A_105 = arith.constant 0 : i32
    %dma_start3A_106 = tpu.memref_slice %arg4[%dma_start3A_99, %dma_start3A_105] : memref<32x1280xf32, #tpu.memory_space<vmem>> -> memref<1x1280xf32, #tpu.memory_space<vmem>>
    %dma_start3A_107 = tpu.memref_squeeze %dma_start3A_106 : memref<1x1280xf32, #tpu.memory_space<vmem>> -> memref<1280xf32, #tpu.memory_space<vmem>>
    %dma_start3A_108 = tpu.memref_slice %arg2[%dma_start3A_98, %mul3A_2] : memref<32x40960xf32, #tpu.memory_space<hbm>> -> memref<1x1280xf32, #tpu.memory_space<hbm>>
    %dma_start3A_109 = tpu.memref_squeeze %dma_start3A_108 : memref<1x1280xf32, #tpu.memory_space<hbm>> -> memref<1280xf32, #tpu.memory_space<hbm>>
    tpu.enqueue_dma source(%dma_start3A_109 : memref<1280xf32, #tpu.memory_space<hbm>>) target(%dma_start3A_107 : memref<1280xf32, #tpu.memory_space<vmem>>) target_semaphore(%arg6 : memref<!tpu.dma_semaphore, #tpu.memory_space<semaphore_mem>>)
    %dma_start3A_110 = arith.constant 9 : i32
    %dma_start3A_111 = arith.constant 9 : i32
    %dma_start3A_112 = arith.constant 0 : i32
    %dma_start3A_113 = tpu.memref_slice %arg4[%dma_start3A_111, %dma_start3A_112] : memref<32x1280xf32, #tpu.memory_space<vmem>> -> memref<1x1280xf32, #tpu.memory_space<vmem>>
    %dma_start3A_114 = tpu.memref_squeeze %dma_start3A_113 : memref<1x1280xf32, #tpu.memory_space<vmem>> -> memref<1280xf32, #tpu.memory_space<vmem>>
    %dma_start3A_115 = tpu.memref_slice %arg2[%dma_start3A_110, %mul3A_2] : memref<32x40960xf32, #tpu.memory_space<hbm>> -> memref<1x1280xf32, #tpu.memory_space<hbm>>
    %dma_start3A_116 = tpu.memref_squeeze %dma_start3A_115 : memref<1x1280xf32, #tpu.memory_space<hbm>> -> memref<1280xf32, #tpu.memory_space<hbm>>
    %dma_start3A_117 = arith.constant 0 : i32
    %dma_start3A_118 = tpu.memref_slice %arg4[%dma_start3A_111, %dma_start3A_117] : memref<32x1280xf32, #tpu.memory_space<vmem>> -> memref<1x1280xf32, #tpu.memory_space<vmem>>
    %dma_start3A_119 = tpu.memref_squeeze %dma_start3A_118 : memref<1x1280xf32, #tpu.memory_space<vmem>> -> memref<1280xf32, #tpu.memory_space<vmem>>
    %dma_start3A_120 = tpu.memref_slice %arg2[%dma_start3A_110, %mul3A_2] : memref<32x40960xf32, #tpu.memory_space<hbm>> -> memref<1x1280xf32, #tpu.memory_space<hbm>>
    %dma_start3A_121 = tpu.memref_squeeze %dma_start3A_120 : memref<1x1280xf32, #tpu.memory_space<hbm>> -> memref<1280xf32, #tpu.memory_space<hbm>>
    tpu.enqueue_dma source(%dma_start3A_121 : memref<1280xf32, #tpu.memory_space<hbm>>) target(%dma_start3A_119 : memref<1280xf32, #tpu.memory_space<vmem>>) target_semaphore(%arg6 : memref<!tpu.dma_semaphore, #tpu.memory_space<semaphore_mem>>)
    %dma_start3A_122 = arith.constant 10 : i32
    %dma_start3A_123 = arith.constant 10 : i32
    %dma_start3A_124 = arith.constant 0 : i32
    %dma_start3A_125 = tpu.memref_slice %arg4[%dma_start3A_123, %dma_start3A_124] : memref<32x1280xf32, #tpu.memory_space<vmem>> -> memref<1x1280xf32, #tpu.memory_space<vmem>>
    %dma_start3A_126 = tpu.memref_squeeze %dma_start3A_125 : memref<1x1280xf32, #tpu.memory_space<vmem>> -> memref<1280xf32, #tpu.memory_space<vmem>>
    %dma_start3A_127 = tpu.memref_slice %arg2[%dma_start3A_122, %mul3A_2] : memref<32x40960xf32, #tpu.memory_space<hbm>> -> memref<1x1280xf32, #tpu.memory_space<hbm>>
    %dma_start3A_128 = tpu.memref_squeeze %dma_start3A_127 : memref<1x1280xf32, #tpu.memory_space<hbm>> -> memref<1280xf32, #tpu.memory_space<hbm>>
    %dma_start3A_129 = arith.constant 0 : i32
    %dma_start3A_130 = tpu.memref_slice %arg4[%dma_start3A_123, %dma_start3A_129] : memref<32x1280xf32, #tpu.memory_space<vmem>> -> memref<1x1280xf32, #tpu.memory_space<vmem>>
    %dma_start3A_131 = tpu.memref_squeeze %dma_start3A_130 : memref<1x1280xf32, #tpu.memory_space<vmem>> -> memref<1280xf32, #tpu.memory_space<vmem>>
    %dma_start3A_132 = tpu.memref_slice %arg2[%dma_start3A_122, %mul3A_2] : memref<32x40960xf32, #tpu.memory_space<hbm>> -> memref<1x1280xf32, #tpu.memory_space<hbm>>
    %dma_start3A_133 = tpu.memref_squeeze %dma_start3A_132 : memref<1x1280xf32, #tpu.memory_space<hbm>> -> memref<1280xf32, #tpu.memory_space<hbm>>
    tpu.enqueue_dma source(%dma_start3A_133 : memref<1280xf32, #tpu.memory_space<hbm>>) target(%dma_start3A_131 : memref<1280xf32, #tpu.memory_space<vmem>>) target_semaphore(%arg6 : memref<!tpu.dma_semaphore, #tpu.memory_space<semaphore_mem>>)
    %dma_start3A_134 = arith.constant 11 : i32
    %dma_start3A_135 = arith.constant 11 : i32
    %dma_start3A_136 = arith.constant 0 : i32
    %dma_start3A_137 = tpu.memref_slice %arg4[%dma_start3A_135, %dma_start3A_136] : memref<32x1280xf32, #tpu.memory_space<vmem>> -> memref<1x1280xf32, #tpu.memory_space<vmem>>
    %dma_start3A_138 = tpu.memref_squeeze %dma_start3A_137 : memref<1x1280xf32, #tpu.memory_space<vmem>> -> memref<1280xf32, #tpu.memory_space<vmem>>
    %dma_start3A_139 = tpu.memref_slice %arg2[%dma_start3A_134, %mul3A_2] : memref<32x40960xf32, #tpu.memory_space<hbm>> -> memref<1x1280xf32, #tpu.memory_space<hbm>>
    %dma_start3A_140 = tpu.memref_squeeze %dma_start3A_139 : memref<1x1280xf32, #tpu.memory_space<hbm>> -> memref<1280xf32, #tpu.memory_space<hbm>>
    %dma_start3A_141 = arith.constant 0 : i32
    %dma_start3A_142 = tpu.memref_slice %arg4[%dma_start3A_135, %dma_start3A_141] : memref<32x1280xf32, #tpu.memory_space<vmem>> -> memref<1x1280xf32, #tpu.memory_space<vmem>>
    %dma_start3A_143 = tpu.memref_squeeze %dma_start3A_142 : memref<1x1280xf32, #tpu.memory_space<vmem>> -> memref<1280xf32, #tpu.memory_space<vmem>>
    %dma_start3A_144 = tpu.memref_slice %arg2[%dma_start3A_134, %mul3A_2] : memref<32x40960xf32, #tpu.memory_space<hbm>> -> memref<1x1280xf32, #tpu.memory_space<hbm>>
    %dma_start3A_145 = tpu.memref_squeeze %dma_start3A_144 : memref<1x1280xf32, #tpu.memory_space<hbm>> -> memref<1280xf32, #tpu.memory_space<hbm>>
    tpu.enqueue_dma source(%dma_start3A_145 : memref<1280xf32, #tpu.memory_space<hbm>>) target(%dma_start3A_143 : memref<1280xf32, #tpu.memory_space<vmem>>) target_semaphore(%arg6 : memref<!tpu.dma_semaphore, #tpu.memory_space<semaphore_mem>>)
    %dma_start3A_146 = arith.constant 12 : i32
    %dma_start3A_147 = arith.constant 12 : i32
    %dma_start3A_148 = arith.constant 0 : i32
    %dma_start3A_149 = tpu.memref_slice %arg4[%dma_start3A_147, %dma_start3A_148] : memref<32x1280xf32, #tpu.memory_space<vmem>> -> memref<1x1280xf32, #tpu.memory_space<vmem>>
    %dma_start3A_150 = tpu.memref_squeeze %dma_start3A_149 : memref<1x1280xf32, #tpu.memory_space<vmem>> -> memref<1280xf32, #tpu.memory_space<vmem>>
    %dma_start3A_151 = tpu.memref_slice %arg2[%dma_start3A_146, %mul3A_2] : memref<32x40960xf32, #tpu.memory_space<hbm>> -> memref<1x1280xf32, #tpu.memory_space<hbm>>
    %dma_start3A_152 = tpu.memref_squeeze %dma_start3A_151 : memref<1x1280xf32, #tpu.memory_space<hbm>> -> memref<1280xf32, #tpu.memory_space<hbm>>
    %dma_start3A_153 = arith.constant 0 : i32
    %dma_start3A_154 = tpu.memref_slice %arg4[%dma_start3A_147, %dma_start3A_153] : memref<32x1280xf32, #tpu.memory_space<vmem>> -> memref<1x1280xf32, #tpu.memory_space<vmem>>
    %dma_start3A_155 = tpu.memref_squeeze %dma_start3A_154 : memref<1x1280xf32, #tpu.memory_space<vmem>> -> memref<1280xf32, #tpu.memory_space<vmem>>
    %dma_start3A_156 = tpu.memref_slice %arg2[%dma_start3A_146, %mul3A_2] : memref<32x40960xf32, #tpu.memory_space<hbm>> -> memref<1x1280xf32, #tpu.memory_space<hbm>>
    %dma_start3A_157 = tpu.memref_squeeze %dma_start3A_156 : memref<1x1280xf32, #tpu.memory_space<hbm>> -> memref<1280xf32, #tpu.memory_space<hbm>>
    tpu.enqueue_dma source(%dma_start3A_157 : memref<1280xf32, #tpu.memory_space<hbm>>) target(%dma_start3A_155 : memref<1280xf32, #tpu.memory_space<vmem>>) target_semaphore(%arg6 : memref<!tpu.dma_semaphore, #tpu.memory_space<semaphore_mem>>)
    %dma_start3A_158 = arith.constant 13 : i32
    %dma_start3A_159 = arith.constant 13 : i32
    %dma_start3A_160 = arith.constant 0 : i32
    %dma_start3A_161 = tpu.memref_slice %arg4[%dma_start3A_159, %dma_start3A_160] : memref<32x1280xf32, #tpu.memory_space<vmem>> -> memref<1x1280xf32, #tpu.memory_space<vmem>>
    %dma_start3A_162 = tpu.memref_squeeze %dma_start3A_161 : memref<1x1280xf32, #tpu.memory_space<vmem>> -> memref<1280xf32, #tpu.memory_space<vmem>>
    %dma_start3A_163 = tpu.memref_slice %arg2[%dma_start3A_158, %mul3A_2] : memref<32x40960xf32, #tpu.memory_space<hbm>> -> memref<1x1280xf32, #tpu.memory_space<hbm>>
    %dma_start3A_164 = tpu.memref_squeeze %dma_start3A_163 : memref<1x1280xf32, #tpu.memory_space<hbm>> -> memref<1280xf32, #tpu.memory_space<hbm>>
    %dma_start3A_165 = arith.constant 0 : i32
    %dma_start3A_166 = tpu.memref_slice %arg4[%dma_start3A_159, %dma_start3A_165] : memref<32x1280xf32, #tpu.memory_space<vmem>> -> memref<1x1280xf32, #tpu.memory_space<vmem>>
    %dma_start3A_167 = tpu.memref_squeeze %dma_start3A_166 : memref<1x1280xf32, #tpu.memory_space<vmem>> -> memref<1280xf32, #tpu.memory_space<vmem>>
    %dma_start3A_168 = tpu.memref_slice %arg2[%dma_start3A_158, %mul3A_2] : memref<32x40960xf32, #tpu.memory_space<hbm>> -> memref<1x1280xf32, #tpu.memory_space<hbm>>
    %dma_start3A_169 = tpu.memref_squeeze %dma_start3A_168 : memref<1x1280xf32, #tpu.memory_space<hbm>> -> memref<1280xf32, #tpu.memory_space<hbm>>
    tpu.enqueue_dma source(%dma_start3A_169 : memref<1280xf32, #tpu.memory_space<hbm>>) target(%dma_start3A_167 : memref<1280xf32, #tpu.memory_space<vmem>>) target_semaphore(%arg6 : memref<!tpu.dma_semaphore, #tpu.memory_space<semaphore_mem>>)
    %dma_start3A_170 = arith.constant 14 : i32
    %dma_start3A_171 = arith.constant 14 : i32
    %dma_start3A_172 = arith.constant 0 : i32
    %dma_start3A_173 = tpu.memref_slice %arg4[%dma_start3A_171, %dma_start3A_172] : memref<32x1280xf32, #tpu.memory_space<vmem>> -> memref<1x1280xf32, #tpu.memory_space<vmem>>
    %dma_start3A_174 = tpu.memref_squeeze %dma_start3A_173 : memref<1x1280xf32, #tpu.memory_space<vmem>> -> memref<1280xf32, #tpu.memory_space<vmem>>
    %dma_start3A_175 = tpu.memref_slice %arg2[%dma_start3A_170, %mul3A_2] : memref<32x40960xf32, #tpu.memory_space<hbm>> -> memref<1x1280xf32, #tpu.memory_space<hbm>>
    %dma_start3A_176 = tpu.memref_squeeze %dma_start3A_175 : memref<1x1280xf32, #tpu.memory_space<hbm>> -> memref<1280xf32, #tpu.memory_space<hbm>>
    %dma_start3A_177 = arith.constant 0 : i32
    %dma_start3A_178 = tpu.memref_slice %arg4[%dma_start3A_171, %dma_start3A_177] : memref<32x1280xf32, #tpu.memory_space<vmem>> -> memref<1x1280xf32, #tpu.memory_space<vmem>>
    %dma_start3A_179 = tpu.memref_squeeze %dma_start3A_178 : memref<1x1280xf32, #tpu.memory_space<vmem>> -> memref<1280xf32, #tpu.memory_space<vmem>>
    %dma_start3A_180 = tpu.memref_slice %arg2[%dma_start3A_170, %mul3A_2] : memref<32x40960xf32, #tpu.memory_space<hbm>> -> memref<1x1280xf32, #tpu.memory_space<hbm>>
    %dma_start3A_181 = tpu.memref_squeeze %dma_start3A_180 : memref<1x1280xf32, #tpu.memory_space<hbm>> -> memref<1280xf32, #tpu.memory_space<hbm>>
    tpu.enqueue_dma source(%dma_start3A_181 : memref<1280xf32, #tpu.memory_space<hbm>>) target(%dma_start3A_179 : memref<1280xf32, #tpu.memory_space<vmem>>) target_semaphore(%arg6 : memref<!tpu.dma_semaphore, #tpu.memory_space<semaphore_mem>>)
    %dma_start3A_182 = arith.constant 15 : i32
    %dma_start3A_183 = arith.constant 15 : i32
    %dma_start3A_184 = arith.constant 0 : i32
    %dma_start3A_185 = tpu.memref_slice %arg4[%dma_start3A_183, %dma_start3A_184] : memref<32x1280xf32, #tpu.memory_space<vmem>> -> memref<1x1280xf32, #tpu.memory_space<vmem>>
    %dma_start3A_186 = tpu.memref_squeeze %dma_start3A_185 : memref<1x1280xf32, #tpu.memory_space<vmem>> -> memref<1280xf32, #tpu.memory_space<vmem>>
    %dma_start3A_187 = tpu.memref_slice %arg2[%dma_start3A_182, %mul3A_2] : memref<32x40960xf32, #tpu.memory_space<hbm>> -> memref<1x1280xf32, #tpu.memory_space<hbm>>
    %dma_start3A_188 = tpu.memref_squeeze %dma_start3A_187 : memref<1x1280xf32, #tpu.memory_space<hbm>> -> memref<1280xf32, #tpu.memory_space<hbm>>
    %dma_start3A_189 = arith.constant 0 : i32
    %dma_start3A_190 = tpu.memref_slice %arg4[%dma_start3A_183, %dma_start3A_189] : memref<32x1280xf32, #tpu.memory_space<vmem>> -> memref<1x1280xf32, #tpu.memory_space<vmem>>
    %dma_start3A_191 = tpu.memref_squeeze %dma_start3A_190 : memref<1x1280xf32, #tpu.memory_space<vmem>> -> memref<1280xf32, #tpu.memory_space<vmem>>
    %dma_start3A_192 = tpu.memref_slice %arg2[%dma_start3A_182, %mul3A_2] : memref<32x40960xf32, #tpu.memory_space<hbm>> -> memref<1x1280xf32, #tpu.memory_space<hbm>>
    %dma_start3A_193 = tpu.memref_squeeze %dma_start3A_192 : memref<1x1280xf32, #tpu.memory_space<hbm>> -> memref<1280xf32, #tpu.memory_space<hbm>>
    tpu.enqueue_dma source(%dma_start3A_193 : memref<1280xf32, #tpu.memory_space<hbm>>) target(%dma_start3A_191 : memref<1280xf32, #tpu.memory_space<vmem>>) target_semaphore(%arg6 : memref<!tpu.dma_semaphore, #tpu.memory_space<semaphore_mem>>)
    %dma_start3A_194 = arith.constant 16 : i32
    %dma_start3A_195 = arith.constant 16 : i32
    %dma_start3A_196 = arith.constant 0 : i32
    %dma_start3A_197 = tpu.memref_slice %arg4[%dma_start3A_195, %dma_start3A_196] : memref<32x1280xf32, #tpu.memory_space<vmem>> -> memref<1x1280xf32, #tpu.memory_space<vmem>>
    %dma_start3A_198 = tpu.memref_squeeze %dma_start3A_197 : memref<1x1280xf32, #tpu.memory_space<vmem>> -> memref<1280xf32, #tpu.memory_space<vmem>>
    %dma_start3A_199 = tpu.memref_slice %arg2[%dma_start3A_194, %mul3A_2] : memref<32x40960xf32, #tpu.memory_space<hbm>> -> memref<1x1280xf32, #tpu.memory_space<hbm>>
    %dma_start3A_200 = tpu.memref_squeeze %dma_start3A_199 : memref<1x1280xf32, #tpu.memory_space<hbm>> -> memref<1280xf32, #tpu.memory_space<hbm>>
    %dma_start3A_201 = arith.constant 0 : i32
    %dma_start3A_202 = tpu.memref_slice %arg4[%dma_start3A_195, %dma_start3A_201] : memref<32x1280xf32, #tpu.memory_space<vmem>> -> memref<1x1280xf32, #tpu.memory_space<vmem>>
    %dma_start3A_203 = tpu.memref_squeeze %dma_start3A_202 : memref<1x1280xf32, #tpu.memory_space<vmem>> -> memref<1280xf32, #tpu.memory_space<vmem>>
    %dma_start3A_204 = tpu.memref_slice %arg2[%dma_start3A_194, %mul3A_2] : memref<32x40960xf32, #tpu.memory_space<hbm>> -> memref<1x1280xf32, #tpu.memory_space<hbm>>
    %dma_start3A_205 = tpu.memref_squeeze %dma_start3A_204 : memref<1x1280xf32, #tpu.memory_space<hbm>> -> memref<1280xf32, #tpu.memory_space<hbm>>
    tpu.enqueue_dma source(%dma_start3A_205 : memref<1280xf32, #tpu.memory_space<hbm>>) target(%dma_start3A_203 : memref<1280xf32, #tpu.memory_space<vmem>>) target_semaphore(%arg6 : memref<!tpu.dma_semaphore, #tpu.memory_space<semaphore_mem>>)
    %dma_start3A_206 = arith.constant 17 : i32
    %dma_start3A_207 = arith.constant 17 : i32
    %dma_start3A_208 = arith.constant 0 : i32
    %dma_start3A_209 = tpu.memref_slice %arg4[%dma_start3A_207, %dma_start3A_208] : memref<32x1280xf32, #tpu.memory_space<vmem>> -> memref<1x1280xf32, #tpu.memory_space<vmem>>
    %dma_start3A_210 = tpu.memref_squeeze %dma_start3A_209 : memref<1x1280xf32, #tpu.memory_space<vmem>> -> memref<1280xf32, #tpu.memory_space<vmem>>
    %dma_start3A_211 = tpu.memref_slice %arg2[%dma_start3A_206, %mul3A_2] : memref<32x40960xf32, #tpu.memory_space<hbm>> -> memref<1x1280xf32, #tpu.memory_space<hbm>>
    %dma_start3A_212 = tpu.memref_squeeze %dma_start3A_211 : memref<1x1280xf32, #tpu.memory_space<hbm>> -> memref<1280xf32, #tpu.memory_space<hbm>>
    %dma_start3A_213 = arith.constant 0 : i32
    %dma_start3A_214 = tpu.memref_slice %arg4[%dma_start3A_207, %dma_start3A_213] : memref<32x1280xf32, #tpu.memory_space<vmem>> -> memref<1x1280xf32, #tpu.memory_space<vmem>>
    %dma_start3A_215 = tpu.memref_squeeze %dma_start3A_214 : memref<1x1280xf32, #tpu.memory_space<vmem>> -> memref<1280xf32, #tpu.memory_space<vmem>>
    %dma_start3A_216 = tpu.memref_slice %arg2[%dma_start3A_206, %mul3A_2] : memref<32x40960xf32, #tpu.memory_space<hbm>> -> memref<1x1280xf32, #tpu.memory_space<hbm>>
    %dma_start3A_217 = tpu.memref_squeeze %dma_start3A_216 : memref<1x1280xf32, #tpu.memory_space<hbm>> -> memref<1280xf32, #tpu.memory_space<hbm>>
    tpu.enqueue_dma source(%dma_start3A_217 : memref<1280xf32, #tpu.memory_space<hbm>>) target(%dma_start3A_215 : memref<1280xf32, #tpu.memory_space<vmem>>) target_semaphore(%arg6 : memref<!tpu.dma_semaphore, #tpu.memory_space<semaphore_mem>>)
    %dma_start3A_218 = arith.constant 18 : i32
    %dma_start3A_219 = arith.constant 18 : i32
    %dma_start3A_220 = arith.constant 0 : i32
    %dma_start3A_221 = tpu.memref_slice %arg4[%dma_start3A_219, %dma_start3A_220] : memref<32x1280xf32, #tpu.memory_space<vmem>> -> memref<1x1280xf32, #tpu.memory_space<vmem>>
    %dma_start3A_222 = tpu.memref_squeeze %dma_start3A_221 : memref<1x1280xf32, #tpu.memory_space<vmem>> -> memref<1280xf32, #tpu.memory_space<vmem>>
    %dma_start3A_223 = tpu.memref_slice %arg2[%dma_start3A_218, %mul3A_2] : memref<32x40960xf32, #tpu.memory_space<hbm>> -> memref<1x1280xf32, #tpu.memory_space<hbm>>
    %dma_start3A_224 = tpu.memref_squeeze %dma_start3A_223 : memref<1x1280xf32, #tpu.memory_space<hbm>> -> memref<1280xf32, #tpu.memory_space<hbm>>
    %dma_start3A_225 = arith.constant 0 : i32
    %dma_start3A_226 = tpu.memref_slice %arg4[%dma_start3A_219, %dma_start3A_225] : memref<32x1280xf32, #tpu.memory_space<vmem>> -> memref<1x1280xf32, #tpu.memory_space<vmem>>
    %dma_start3A_227 = tpu.memref_squeeze %dma_start3A_226 : memref<1x1280xf32, #tpu.memory_space<vmem>> -> memref<1280xf32, #tpu.memory_space<vmem>>
    %dma_start3A_228 = tpu.memref_slice %arg2[%dma_start3A_218, %mul3A_2] : memref<32x40960xf32, #tpu.memory_space<hbm>> -> memref<1x1280xf32, #tpu.memory_space<hbm>>
    %dma_start3A_229 = tpu.memref_squeeze %dma_start3A_228 : memref<1x1280xf32, #tpu.memory_space<hbm>> -> memref<1280xf32, #tpu.memory_space<hbm>>
    tpu.enqueue_dma source(%dma_start3A_229 : memref<1280xf32, #tpu.memory_space<hbm>>) target(%dma_start3A_227 : memref<1280xf32, #tpu.memory_space<vmem>>) target_semaphore(%arg6 : memref<!tpu.dma_semaphore, #tpu.memory_space<semaphore_mem>>)
    %dma_start3A_230 = arith.constant 19 : i32
    %dma_start3A_231 = arith.constant 19 : i32
    %dma_start3A_232 = arith.constant 0 : i32
    %dma_start3A_233 = tpu.memref_slice %arg4[%dma_start3A_231, %dma_start3A_232] : memref<32x1280xf32, #tpu.memory_space<vmem>> -> memref<1x1280xf32, #tpu.memory_space<vmem>>
    %dma_start3A_234 = tpu.memref_squeeze %dma_start3A_233 : memref<1x1280xf32, #tpu.memory_space<vmem>> -> memref<1280xf32, #tpu.memory_space<vmem>>
    %dma_start3A_235 = tpu.memref_slice %arg2[%dma_start3A_230, %mul3A_2] : memref<32x40960xf32, #tpu.memory_space<hbm>> -> memref<1x1280xf32, #tpu.memory_space<hbm>>
    %dma_start3A_236 = tpu.memref_squeeze %dma_start3A_235 : memref<1x1280xf32, #tpu.memory_space<hbm>> -> memref<1280xf32, #tpu.memory_space<hbm>>
    %dma_start3A_237 = arith.constant 0 : i32
    %dma_start3A_238 = tpu.memref_slice %arg4[%dma_start3A_231, %dma_start3A_237] : memref<32x1280xf32, #tpu.memory_space<vmem>> -> memref<1x1280xf32, #tpu.memory_space<vmem>>
    %dma_start3A_239 = tpu.memref_squeeze %dma_start3A_238 : memref<1x1280xf32, #tpu.memory_space<vmem>> -> memref<1280xf32, #tpu.memory_space<vmem>>
    %dma_start3A_240 = tpu.memref_slice %arg2[%dma_start3A_230, %mul3A_2] : memref<32x40960xf32, #tpu.memory_space<hbm>> -> memref<1x1280xf32, #tpu.memory_space<hbm>>
    %dma_start3A_241 = tpu.memref_squeeze %dma_start3A_240 : memref<1x1280xf32, #tpu.memory_space<hbm>> -> memref<1280xf32, #tpu.memory_space<hbm>>
    tpu.enqueue_dma source(%dma_start3A_241 : memref<1280xf32, #tpu.memory_space<hbm>>) target(%dma_start3A_239 : memref<1280xf32, #tpu.memory_space<vmem>>) target_semaphore(%arg6 : memref<!tpu.dma_semaphore, #tpu.memory_space<semaphore_mem>>)
    %dma_start3A_242 = arith.constant 20 : i32
    %dma_start3A_243 = arith.constant 20 : i32
    %dma_start3A_244 = arith.constant 0 : i32
    %dma_start3A_245 = tpu.memref_slice %arg4[%dma_start3A_243, %dma_start3A_244] : memref<32x1280xf32, #tpu.memory_space<vmem>> -> memref<1x1280xf32, #tpu.memory_space<vmem>>
    %dma_start3A_246 = tpu.memref_squeeze %dma_start3A_245 : memref<1x1280xf32, #tpu.memory_space<vmem>> -> memref<1280xf32, #tpu.memory_space<vmem>>
    %dma_start3A_247 = tpu.memref_slice %arg2[%dma_start3A_242, %mul3A_2] : memref<32x40960xf32, #tpu.memory_space<hbm>> -> memref<1x1280xf32, #tpu.memory_space<hbm>>
    %dma_start3A_248 = tpu.memref_squeeze %dma_start3A_247 : memref<1x1280xf32, #tpu.memory_space<hbm>> -> memref<1280xf32, #tpu.memory_space<hbm>>
    %dma_start3A_249 = arith.constant 0 : i32
    %dma_start3A_250 = tpu.memref_slice %arg4[%dma_start3A_243, %dma_start3A_249] : memref<32x1280xf32, #tpu.memory_space<vmem>> -> memref<1x1280xf32, #tpu.memory_space<vmem>>
    %dma_start3A_251 = tpu.memref_squeeze %dma_start3A_250 : memref<1x1280xf32, #tpu.memory_space<vmem>> -> memref<1280xf32, #tpu.memory_space<vmem>>
    %dma_start3A_252 = tpu.memref_slice %arg2[%dma_start3A_242, %mul3A_2] : memref<32x40960xf32, #tpu.memory_space<hbm>> -> memref<1x1280xf32, #tpu.memory_space<hbm>>
    %dma_start3A_253 = tpu.memref_squeeze %dma_start3A_252 : memref<1x1280xf32, #tpu.memory_space<hbm>> -> memref<1280xf32, #tpu.memory_space<hbm>>
    tpu.enqueue_dma source(%dma_start3A_253 : memref<1280xf32, #tpu.memory_space<hbm>>) target(%dma_start3A_251 : memref<1280xf32, #tpu.memory_space<vmem>>) target_semaphore(%arg6 : memref<!tpu.dma_semaphore, #tpu.memory_space<semaphore_mem>>)
    %dma_start3A_254 = arith.constant 21 : i32
    %dma_start3A_255 = arith.constant 21 : i32
    %dma_start3A_256 = arith.constant 0 : i32
    %dma_start3A_257 = tpu.memref_slice %arg4[%dma_start3A_255, %dma_start3A_256] : memref<32x1280xf32, #tpu.memory_space<vmem>> -> memref<1x1280xf32, #tpu.memory_space<vmem>>
    %dma_start3A_258 = tpu.memref_squeeze %dma_start3A_257 : memref<1x1280xf32, #tpu.memory_space<vmem>> -> memref<1280xf32, #tpu.memory_space<vmem>>
    %dma_start3A_259 = tpu.memref_slice %arg2[%dma_start3A_254, %mul3A_2] : memref<32x40960xf32, #tpu.memory_space<hbm>> -> memref<1x1280xf32, #tpu.memory_space<hbm>>
    %dma_start3A_260 = tpu.memref_squeeze %dma_start3A_259 : memref<1x1280xf32, #tpu.memory_space<hbm>> -> memref<1280xf32, #tpu.memory_space<hbm>>
    %dma_start3A_261 = arith.constant 0 : i32
    %dma_start3A_262 = tpu.memref_slice %arg4[%dma_start3A_255, %dma_start3A_261] : memref<32x1280xf32, #tpu.memory_space<vmem>> -> memref<1x1280xf32, #tpu.memory_space<vmem>>
    %dma_start3A_263 = tpu.memref_squeeze %dma_start3A_262 : memref<1x1280xf32, #tpu.memory_space<vmem>> -> memref<1280xf32, #tpu.memory_space<vmem>>
    %dma_start3A_264 = tpu.memref_slice %arg2[%dma_start3A_254, %mul3A_2] : memref<32x40960xf32, #tpu.memory_space<hbm>> -> memref<1x1280xf32, #tpu.memory_space<hbm>>
    %dma_start3A_265 = tpu.memref_squeeze %dma_start3A_264 : memref<1x1280xf32, #tpu.memory_space<hbm>> -> memref<1280xf32, #tpu.memory_space<hbm>>
    tpu.enqueue_dma source(%dma_start3A_265 : memref<1280xf32, #tpu.memory_space<hbm>>) target(%dma_start3A_263 : memref<1280xf32, #tpu.memory_space<vmem>>) target_semaphore(%arg6 : memref<!tpu.dma_semaphore, #tpu.memory_space<semaphore_mem>>)
    %dma_start3A_266 = arith.constant 22 : i32
    %dma_start3A_267 = arith.constant 22 : i32
    %dma_start3A_268 = arith.constant 0 : i32
    %dma_start3A_269 = tpu.memref_slice %arg4[%dma_start3A_267, %dma_start3A_268] : memref<32x1280xf32, #tpu.memory_space<vmem>> -> memref<1x1280xf32, #tpu.memory_space<vmem>>
    %dma_start3A_270 = tpu.memref_squeeze %dma_start3A_269 : memref<1x1280xf32, #tpu.memory_space<vmem>> -> memref<1280xf32, #tpu.memory_space<vmem>>
    %dma_start3A_271 = tpu.memref_slice %arg2[%dma_start3A_266, %mul3A_2] : memref<32x40960xf32, #tpu.memory_space<hbm>> -> memref<1x1280xf32, #tpu.memory_space<hbm>>
    %dma_start3A_272 = tpu.memref_squeeze %dma_start3A_271 : memref<1x1280xf32, #tpu.memory_space<hbm>> -> memref<1280xf32, #tpu.memory_space<hbm>>
    %dma_start3A_273 = arith.constant 0 : i32
    %dma_start3A_274 = tpu.memref_slice %arg4[%dma_start3A_267, %dma_start3A_273] : memref<32x1280xf32, #tpu.memory_space<vmem>> -> memref<1x1280xf32, #tpu.memory_space<vmem>>
    %dma_start3A_275 = tpu.memref_squeeze %dma_start3A_274 : memref<1x1280xf32, #tpu.memory_space<vmem>> -> memref<1280xf32, #tpu.memory_space<vmem>>
    %dma_start3A_276 = tpu.memref_slice %arg2[%dma_start3A_266, %mul3A_2] : memref<32x40960xf32, #tpu.memory_space<hbm>> -> memref<1x1280xf32, #tpu.memory_space<hbm>>
    %dma_start3A_277 = tpu.memref_squeeze %dma_start3A_276 : memref<1x1280xf32, #tpu.memory_space<hbm>> -> memref<1280xf32, #tpu.memory_space<hbm>>
    tpu.enqueue_dma source(%dma_start3A_277 : memref<1280xf32, #tpu.memory_space<hbm>>) target(%dma_start3A_275 : memref<1280xf32, #tpu.memory_space<vmem>>) target_semaphore(%arg6 : memref<!tpu.dma_semaphore, #tpu.memory_space<semaphore_mem>>)
    %dma_start3A_278 = arith.constant 23 : i32
    %dma_start3A_279 = arith.constant 23 : i32
    %dma_start3A_280 = arith.constant 0 : i32
    %dma_start3A_281 = tpu.memref_slice %arg4[%dma_start3A_279, %dma_start3A_280] : memref<32x1280xf32, #tpu.memory_space<vmem>> -> memref<1x1280xf32, #tpu.memory_space<vmem>>
    %dma_start3A_282 = tpu.memref_squeeze %dma_start3A_281 : memref<1x1280xf32, #tpu.memory_space<vmem>> -> memref<1280xf32, #tpu.memory_space<vmem>>
    %dma_start3A_283 = tpu.memref_slice %arg2[%dma_start3A_278, %mul3A_2] : memref<32x40960xf32, #tpu.memory_space<hbm>> -> memref<1x1280xf32, #tpu.memory_space<hbm>>
    %dma_start3A_284 = tpu.memref_squeeze %dma_start3A_283 : memref<1x1280xf32, #tpu.memory_space<hbm>> -> memref<1280xf32, #tpu.memory_space<hbm>>
    %dma_start3A_285 = arith.constant 0 : i32
    %dma_start3A_286 = tpu.memref_slice %arg4[%dma_start3A_279, %dma_start3A_285] : memref<32x1280xf32, #tpu.memory_space<vmem>> -> memref<1x1280xf32, #tpu.memory_space<vmem>>
    %dma_start3A_287 = tpu.memref_squeeze %dma_start3A_286 : memref<1x1280xf32, #tpu.memory_space<vmem>> -> memref<1280xf32, #tpu.memory_space<vmem>>
    %dma_start3A_288 = tpu.memref_slice %arg2[%dma_start3A_278, %mul3A_2] : memref<32x40960xf32, #tpu.memory_space<hbm>> -> memref<1x1280xf32, #tpu.memory_space<hbm>>
    %dma_start3A_289 = tpu.memref_squeeze %dma_start3A_288 : memref<1x1280xf32, #tpu.memory_space<hbm>> -> memref<1280xf32, #tpu.memory_space<hbm>>
    tpu.enqueue_dma source(%dma_start3A_289 : memref<1280xf32, #tpu.memory_space<hbm>>) target(%dma_start3A_287 : memref<1280xf32, #tpu.memory_space<vmem>>) target_semaphore(%arg6 : memref<!tpu.dma_semaphore, #tpu.memory_space<semaphore_mem>>)
    %dma_start3A_290 = arith.constant 24 : i32
    %dma_start3A_291 = arith.constant 24 : i32
    %dma_start3A_292 = arith.constant 0 : i32
    %dma_start3A_293 = tpu.memref_slice %arg4[%dma_start3A_291, %dma_start3A_292] : memref<32x1280xf32, #tpu.memory_space<vmem>> -> memref<1x1280xf32, #tpu.memory_space<vmem>>
    %dma_start3A_294 = tpu.memref_squeeze %dma_start3A_293 : memref<1x1280xf32, #tpu.memory_space<vmem>> -> memref<1280xf32, #tpu.memory_space<vmem>>
    %dma_start3A_295 = tpu.memref_slice %arg2[%dma_start3A_290, %mul3A_2] : memref<32x40960xf32, #tpu.memory_space<hbm>> -> memref<1x1280xf32, #tpu.memory_space<hbm>>
    %dma_start3A_296 = tpu.memref_squeeze %dma_start3A_295 : memref<1x1280xf32, #tpu.memory_space<hbm>> -> memref<1280xf32, #tpu.memory_space<hbm>>
    %dma_start3A_297 = arith.constant 0 : i32
    %dma_start3A_298 = tpu.memref_slice %arg4[%dma_start3A_291, %dma_start3A_297] : memref<32x1280xf32, #tpu.memory_space<vmem>> -> memref<1x1280xf32, #tpu.memory_space<vmem>>
    %dma_start3A_299 = tpu.memref_squeeze %dma_start3A_298 : memref<1x1280xf32, #tpu.memory_space<vmem>> -> memref<1280xf32, #tpu.memory_space<vmem>>
    %dma_start3A_300 = tpu.memref_slice %arg2[%dma_start3A_290, %mul3A_2] : memref<32x40960xf32, #tpu.memory_space<hbm>> -> memref<1x1280xf32, #tpu.memory_space<hbm>>
    %dma_start3A_301 = tpu.memref_squeeze %dma_start3A_300 : memref<1x1280xf32, #tpu.memory_space<hbm>> -> memref<1280xf32, #tpu.memory_space<hbm>>
    tpu.enqueue_dma source(%dma_start3A_301 : memref<1280xf32, #tpu.memory_space<hbm>>) target(%dma_start3A_299 : memref<1280xf32, #tpu.memory_space<vmem>>) target_semaphore(%arg6 : memref<!tpu.dma_semaphore, #tpu.memory_space<semaphore_mem>>)
    %dma_start3A_302 = arith.constant 25 : i32
    %dma_start3A_303 = arith.constant 25 : i32
    %dma_start3A_304 = arith.constant 0 : i32
    %dma_start3A_305 = tpu.memref_slice %arg4[%dma_start3A_303, %dma_start3A_304] : memref<32x1280xf32, #tpu.memory_space<vmem>> -> memref<1x1280xf32, #tpu.memory_space<vmem>>
    %dma_start3A_306 = tpu.memref_squeeze %dma_start3A_305 : memref<1x1280xf32, #tpu.memory_space<vmem>> -> memref<1280xf32, #tpu.memory_space<vmem>>
    %dma_start3A_307 = tpu.memref_slice %arg2[%dma_start3A_302, %mul3A_2] : memref<32x40960xf32, #tpu.memory_space<hbm>> -> memref<1x1280xf32, #tpu.memory_space<hbm>>
    %dma_start3A_308 = tpu.memref_squeeze %dma_start3A_307 : memref<1x1280xf32, #tpu.memory_space<hbm>> -> memref<1280xf32, #tpu.memory_space<hbm>>
    %dma_start3A_309 = arith.constant 0 : i32
    %dma_start3A_310 = tpu.memref_slice %arg4[%dma_start3A_303, %dma_start3A_309] : memref<32x1280xf32, #tpu.memory_space<vmem>> -> memref<1x1280xf32, #tpu.memory_space<vmem>>
    %dma_start3A_311 = tpu.memref_squeeze %dma_start3A_310 : memref<1x1280xf32, #tpu.memory_space<vmem>> -> memref<1280xf32, #tpu.memory_space<vmem>>
    %dma_start3A_312 = tpu.memref_slice %arg2[%dma_start3A_302, %mul3A_2] : memref<32x40960xf32, #tpu.memory_space<hbm>> -> memref<1x1280xf32, #tpu.memory_space<hbm>>
    %dma_start3A_313 = tpu.memref_squeeze %dma_start3A_312 : memref<1x1280xf32, #tpu.memory_space<hbm>> -> memref<1280xf32, #tpu.memory_space<hbm>>
    tpu.enqueue_dma source(%dma_start3A_313 : memref<1280xf32, #tpu.memory_space<hbm>>) target(%dma_start3A_311 : memref<1280xf32, #tpu.memory_space<vmem>>) target_semaphore(%arg6 : memref<!tpu.dma_semaphore, #tpu.memory_space<semaphore_mem>>)
    %dma_start3A_314 = arith.constant 26 : i32
    %dma_start3A_315 = arith.constant 26 : i32
    %dma_start3A_316 = arith.constant 0 : i32
    %dma_start3A_317 = tpu.memref_slice %arg4[%dma_start3A_315, %dma_start3A_316] : memref<32x1280xf32, #tpu.memory_space<vmem>> -> memref<1x1280xf32, #tpu.memory_space<vmem>>
    %dma_start3A_318 = tpu.memref_squeeze %dma_start3A_317 : memref<1x1280xf32, #tpu.memory_space<vmem>> -> memref<1280xf32, #tpu.memory_space<vmem>>
    %dma_start3A_319 = tpu.memref_slice %arg2[%dma_start3A_314, %mul3A_2] : memref<32x40960xf32, #tpu.memory_space<hbm>> -> memref<1x1280xf32, #tpu.memory_space<hbm>>
    %dma_start3A_320 = tpu.memref_squeeze %dma_start3A_319 : memref<1x1280xf32, #tpu.memory_space<hbm>> -> memref<1280xf32, #tpu.memory_space<hbm>>
    %dma_start3A_321 = arith.constant 0 : i32
    %dma_start3A_322 = tpu.memref_slice %arg4[%dma_start3A_315, %dma_start3A_321] : memref<32x1280xf32, #tpu.memory_space<vmem>> -> memref<1x1280xf32, #tpu.memory_space<vmem>>
    %dma_start3A_323 = tpu.memref_squeeze %dma_start3A_322 : memref<1x1280xf32, #tpu.memory_space<vmem>> -> memref<1280xf32, #tpu.memory_space<vmem>>
    %dma_start3A_324 = tpu.memref_slice %arg2[%dma_start3A_314, %mul3A_2] : memref<32x40960xf32, #tpu.memory_space<hbm>> -> memref<1x1280xf32, #tpu.memory_space<hbm>>
    %dma_start3A_325 = tpu.memref_squeeze %dma_start3A_324 : memref<1x1280xf32, #tpu.memory_space<hbm>> -> memref<1280xf32, #tpu.memory_space<hbm>>
    tpu.enqueue_dma source(%dma_start3A_325 : memref<1280xf32, #tpu.memory_space<hbm>>) target(%dma_start3A_323 : memref<1280xf32, #tpu.memory_space<vmem>>) target_semaphore(%arg6 : memref<!tpu.dma_semaphore, #tpu.memory_space<semaphore_mem>>)
    %dma_start3A_326 = arith.constant 27 : i32
    %dma_start3A_327 = arith.constant 27 : i32
    %dma_start3A_328 = arith.constant 0 : i32
    %dma_start3A_329 = tpu.memref_slice %arg4[%dma_start3A_327, %dma_start3A_328] : memref<32x1280xf32, #tpu.memory_space<vmem>> -> memref<1x1280xf32, #tpu.memory_space<vmem>>
    %dma_start3A_330 = tpu.memref_squeeze %dma_start3A_329 : memref<1x1280xf32, #tpu.memory_space<vmem>> -> memref<1280xf32, #tpu.memory_space<vmem>>
    %dma_start3A_331 = tpu.memref_slice %arg2[%dma_start3A_326, %mul3A_2] : memref<32x40960xf32, #tpu.memory_space<hbm>> -> memref<1x1280xf32, #tpu.memory_space<hbm>>
    %dma_start3A_332 = tpu.memref_squeeze %dma_start3A_331 : memref<1x1280xf32, #tpu.memory_space<hbm>> -> memref<1280xf32, #tpu.memory_space<hbm>>
    %dma_start3A_333 = arith.constant 0 : i32
    %dma_start3A_334 = tpu.memref_slice %arg4[%dma_start3A_327, %dma_start3A_333] : memref<32x1280xf32, #tpu.memory_space<vmem>> -> memref<1x1280xf32, #tpu.memory_space<vmem>>
    %dma_start3A_335 = tpu.memref_squeeze %dma_start3A_334 : memref<1x1280xf32, #tpu.memory_space<vmem>> -> memref<1280xf32, #tpu.memory_space<vmem>>
    %dma_start3A_336 = tpu.memref_slice %arg2[%dma_start3A_326, %mul3A_2] : memref<32x40960xf32, #tpu.memory_space<hbm>> -> memref<1x1280xf32, #tpu.memory_space<hbm>>
    %dma_start3A_337 = tpu.memref_squeeze %dma_start3A_336 : memref<1x1280xf32, #tpu.memory_space<hbm>> -> memref<1280xf32, #tpu.memory_space<hbm>>
    tpu.enqueue_dma source(%dma_start3A_337 : memref<1280xf32, #tpu.memory_space<hbm>>) target(%dma_start3A_335 : memref<1280xf32, #tpu.memory_space<vmem>>) target_semaphore(%arg6 : memref<!tpu.dma_semaphore, #tpu.memory_space<semaphore_mem>>)
    %dma_start3A_338 = arith.constant 28 : i32
    %dma_start3A_339 = arith.constant 28 : i32
    %dma_start3A_340 = arith.constant 0 : i32
    %dma_start3A_341 = tpu.memref_slice %arg4[%dma_start3A_339, %dma_start3A_340] : memref<32x1280xf32, #tpu.memory_space<vmem>> -> memref<1x1280xf32, #tpu.memory_space<vmem>>
    %dma_start3A_342 = tpu.memref_squeeze %dma_start3A_341 : memref<1x1280xf32, #tpu.memory_space<vmem>> -> memref<1280xf32, #tpu.memory_space<vmem>>
    %dma_start3A_343 = tpu.memref_slice %arg2[%dma_start3A_338, %mul3A_2] : memref<32x40960xf32, #tpu.memory_space<hbm>> -> memref<1x1280xf32, #tpu.memory_space<hbm>>
    %dma_start3A_344 = tpu.memref_squeeze %dma_start3A_343 : memref<1x1280xf32, #tpu.memory_space<hbm>> -> memref<1280xf32, #tpu.memory_space<hbm>>
    %dma_start3A_345 = arith.constant 0 : i32
    %dma_start3A_346 = tpu.memref_slice %arg4[%dma_start3A_339, %dma_start3A_345] : memref<32x1280xf32, #tpu.memory_space<vmem>> -> memref<1x1280xf32, #tpu.memory_space<vmem>>
    %dma_start3A_347 = tpu.memref_squeeze %dma_start3A_346 : memref<1x1280xf32, #tpu.memory_space<vmem>> -> memref<1280xf32, #tpu.memory_space<vmem>>
    %dma_start3A_348 = tpu.memref_slice %arg2[%dma_start3A_338, %mul3A_2] : memref<32x40960xf32, #tpu.memory_space<hbm>> -> memref<1x1280xf32, #tpu.memory_space<hbm>>
    %dma_start3A_349 = tpu.memref_squeeze %dma_start3A_348 : memref<1x1280xf32, #tpu.memory_space<hbm>> -> memref<1280xf32, #tpu.memory_space<hbm>>
    tpu.enqueue_dma source(%dma_start3A_349 : memref<1280xf32, #tpu.memory_space<hbm>>) target(%dma_start3A_347 : memref<1280xf32, #tpu.memory_space<vmem>>) target_semaphore(%arg6 : memref<!tpu.dma_semaphore, #tpu.memory_space<semaphore_mem>>)
    %dma_start3A_350 = arith.constant 29 : i32
    %dma_start3A_351 = arith.constant 29 : i32
    %dma_start3A_352 = arith.constant 0 : i32
    %dma_start3A_353 = tpu.memref_slice %arg4[%dma_start3A_351, %dma_start3A_352] : memref<32x1280xf32, #tpu.memory_space<vmem>> -> memref<1x1280xf32, #tpu.memory_space<vmem>>
    %dma_start3A_354 = tpu.memref_squeeze %dma_start3A_353 : memref<1x1280xf32, #tpu.memory_space<vmem>> -> memref<1280xf32, #tpu.memory_space<vmem>>
    %dma_start3A_355 = tpu.memref_slice %arg2[%dma_start3A_350, %mul3A_2] : memref<32x40960xf32, #tpu.memory_space<hbm>> -> memref<1x1280xf32, #tpu.memory_space<hbm>>
    %dma_start3A_356 = tpu.memref_squeeze %dma_start3A_355 : memref<1x1280xf32, #tpu.memory_space<hbm>> -> memref<1280xf32, #tpu.memory_space<hbm>>
    %dma_start3A_357 = arith.constant 0 : i32
    %dma_start3A_358 = tpu.memref_slice %arg4[%dma_start3A_351, %dma_start3A_357] : memref<32x1280xf32, #tpu.memory_space<vmem>> -> memref<1x1280xf32, #tpu.memory_space<vmem>>
    %dma_start3A_359 = tpu.memref_squeeze %dma_start3A_358 : memref<1x1280xf32, #tpu.memory_space<vmem>> -> memref<1280xf32, #tpu.memory_space<vmem>>
    %dma_start3A_360 = tpu.memref_slice %arg2[%dma_start3A_350, %mul3A_2] : memref<32x40960xf32, #tpu.memory_space<hbm>> -> memref<1x1280xf32, #tpu.memory_space<hbm>>
    %dma_start3A_361 = tpu.memref_squeeze %dma_start3A_360 : memref<1x1280xf32, #tpu.memory_space<hbm>> -> memref<1280xf32, #tpu.memory_space<hbm>>
    tpu.enqueue_dma source(%dma_start3A_361 : memref<1280xf32, #tpu.memory_space<hbm>>) target(%dma_start3A_359 : memref<1280xf32, #tpu.memory_space<vmem>>) target_semaphore(%arg6 : memref<!tpu.dma_semaphore, #tpu.memory_space<semaphore_mem>>)
    %dma_start3A_362 = arith.constant 30 : i32
    %dma_start3A_363 = arith.constant 30 : i32
    %dma_start3A_364 = arith.constant 0 : i32
    %dma_start3A_365 = tpu.memref_slice %arg4[%dma_start3A_363, %dma_start3A_364] : memref<32x1280xf32, #tpu.memory_space<vmem>> -> memref<1x1280xf32, #tpu.memory_space<vmem>>
    %dma_start3A_366 = tpu.memref_squeeze %dma_start3A_365 : memref<1x1280xf32, #tpu.memory_space<vmem>> -> memref<1280xf32, #tpu.memory_space<vmem>>
    %dma_start3A_367 = tpu.memref_slice %arg2[%dma_start3A_362, %mul3A_2] : memref<32x40960xf32, #tpu.memory_space<hbm>> -> memref<1x1280xf32, #tpu.memory_space<hbm>>
    %dma_start3A_368 = tpu.memref_squeeze %dma_start3A_367 : memref<1x1280xf32, #tpu.memory_space<hbm>> -> memref<1280xf32, #tpu.memory_space<hbm>>
    %dma_start3A_369 = arith.constant 0 : i32
    %dma_start3A_370 = tpu.memref_slice %arg4[%dma_start3A_363, %dma_start3A_369] : memref<32x1280xf32, #tpu.memory_space<vmem>> -> memref<1x1280xf32, #tpu.memory_space<vmem>>
    %dma_start3A_371 = tpu.memref_squeeze %dma_start3A_370 : memref<1x1280xf32, #tpu.memory_space<vmem>> -> memref<1280xf32, #tpu.memory_space<vmem>>
    %dma_start3A_372 = tpu.memref_slice %arg2[%dma_start3A_362, %mul3A_2] : memref<32x40960xf32, #tpu.memory_space<hbm>> -> memref<1x1280xf32, #tpu.memory_space<hbm>>
    %dma_start3A_373 = tpu.memref_squeeze %dma_start3A_372 : memref<1x1280xf32, #tpu.memory_space<hbm>> -> memref<1280xf32, #tpu.memory_space<hbm>>
    tpu.enqueue_dma source(%dma_start3A_373 : memref<1280xf32, #tpu.memory_space<hbm>>) target(%dma_start3A_371 : memref<1280xf32, #tpu.memory_space<vmem>>) target_semaphore(%arg6 : memref<!tpu.dma_semaphore, #tpu.memory_space<semaphore_mem>>)
    %dma_start3A_374 = arith.constant 31 : i32
    %dma_start3A_375 = arith.constant 31 : i32
    %dma_start3A_376 = arith.constant 0 : i32
    %dma_start3A_377 = tpu.memref_slice %arg4[%dma_start3A_375, %dma_start3A_376] : memref<32x1280xf32, #tpu.memory_space<vmem>> -> memref<1x1280xf32, #tpu.memory_space<vmem>>
    %dma_start3A_378 = tpu.memref_squeeze %dma_start3A_377 : memref<1x1280xf32, #tpu.memory_space<vmem>> -> memref<1280xf32, #tpu.memory_space<vmem>>
    %dma_start3A_379 = tpu.memref_slice %arg2[%dma_start3A_374, %mul3A_2] : memref<32x40960xf32, #tpu.memory_space<hbm>> -> memref<1x1280xf32, #tpu.memory_space<hbm>>
    %dma_start3A_380 = tpu.memref_squeeze %dma_start3A_379 : memref<1x1280xf32, #tpu.memory_space<hbm>> -> memref<1280xf32, #tpu.memory_space<hbm>>
    %dma_start3A_381 = arith.constant 0 : i32
    %dma_start3A_382 = tpu.memref_slice %arg4[%dma_start3A_375, %dma_start3A_381] : memref<32x1280xf32, #tpu.memory_space<vmem>> -> memref<1x1280xf32, #tpu.memory_space<vmem>>
    %dma_start3A_383 = tpu.memref_squeeze %dma_start3A_382 : memref<1x1280xf32, #tpu.memory_space<vmem>> -> memref<1280xf32, #tpu.memory_space<vmem>>
    %dma_start3A_384 = tpu.memref_slice %arg2[%dma_start3A_374, %mul3A_2] : memref<32x40960xf32, #tpu.memory_space<hbm>> -> memref<1x1280xf32, #tpu.memory_space<hbm>>
    %dma_start3A_385 = tpu.memref_squeeze %dma_start3A_384 : memref<1x1280xf32, #tpu.memory_space<hbm>> -> memref<1280xf32, #tpu.memory_space<hbm>>
    tpu.enqueue_dma source(%dma_start3A_385 : memref<1280xf32, #tpu.memory_space<hbm>>) target(%dma_start3A_383 : memref<1280xf32, #tpu.memory_space<vmem>>) target_semaphore(%arg6 : memref<!tpu.dma_semaphore, #tpu.memory_space<semaphore_mem>>)
    %dma_wait3A = arith.constant 0 : i32
    %dma_wait3A_386 = arith.constant 0 : i32
    %dma_wait3A_387 = arith.constant 0 : i32
    %dma_wait3A_388 = tpu.memref_slice %arg4[%dma_wait3A_386, %dma_wait3A_387] : memref<32x1280xf32, #tpu.memory_space<vmem>> -> memref<1x1280xf32, #tpu.memory_space<vmem>>
    %dma_wait3A_389 = tpu.memref_squeeze %dma_wait3A_388 : memref<1x1280xf32, #tpu.memory_space<vmem>> -> memref<1280xf32, #tpu.memory_space<vmem>>
    %dma_wait3A_390 = tpu.memref_slice %arg2[%dma_wait3A, %mul3A_2] : memref<32x40960xf32, #tpu.memory_space<hbm>> -> memref<1x1280xf32, #tpu.memory_space<hbm>>
    %dma_wait3A_391 = tpu.memref_squeeze %dma_wait3A_390 : memref<1x1280xf32, #tpu.memory_space<hbm>> -> memref<1280xf32, #tpu.memory_space<hbm>>
    %dma_wait3A_392 = arith.constant 0 : i32
    %dma_wait3A_393 = tpu.memref_slice %arg4[%dma_wait3A_386, %dma_wait3A_392] : memref<32x1280xf32, #tpu.memory_space<vmem>> -> memref<1x1280xf32, #tpu.memory_space<vmem>>
    %dma_wait3A_394 = tpu.memref_squeeze %dma_wait3A_393 : memref<1x1280xf32, #tpu.memory_space<vmem>> -> memref<1280xf32, #tpu.memory_space<vmem>>
    %dma_wait3A_395 = tpu.memref_slice %arg2[%dma_wait3A, %mul3A_2] : memref<32x40960xf32, #tpu.memory_space<hbm>> -> memref<1x1280xf32, #tpu.memory_space<hbm>>
    %dma_wait3A_396 = tpu.memref_squeeze %dma_wait3A_395 : memref<1x1280xf32, #tpu.memory_space<hbm>> -> memref<1280xf32, #tpu.memory_space<hbm>>
    tpu.wait_dma2 semaphore(%arg6 : memref<!tpu.dma_semaphore, #tpu.memory_space<semaphore_mem>>) src(%dma_wait3A_396 : memref<1280xf32, #tpu.memory_space<hbm>>) dst(%dma_wait3A_394 : memref<1280xf32, #tpu.memory_space<vmem>>)
    %dma_wait3A_397 = arith.constant 1 : i32
    %dma_wait3A_398 = arith.constant 1 : i32
    %dma_wait3A_399 = arith.constant 0 : i32
    %dma_wait3A_400 = tpu.memref_slice %arg4[%dma_wait3A_398, %dma_wait3A_399] : memref<32x1280xf32, #tpu.memory_space<vmem>> -> memref<1x1280xf32, #tpu.memory_space<vmem>>
    %dma_wait3A_401 = tpu.memref_squeeze %dma_wait3A_400 : memref<1x1280xf32, #tpu.memory_space<vmem>> -> memref<1280xf32, #tpu.memory_space<vmem>>
    %dma_wait3A_402 = tpu.memref_slice %arg2[%dma_wait3A_397, %mul3A_2] : memref<32x40960xf32, #tpu.memory_space<hbm>> -> memref<1x1280xf32, #tpu.memory_space<hbm>>
    %dma_wait3A_403 = tpu.memref_squeeze %dma_wait3A_402 : memref<1x1280xf32, #tpu.memory_space<hbm>> -> memref<1280xf32, #tpu.memory_space<hbm>>
    %dma_wait3A_404 = arith.constant 0 : i32
    %dma_wait3A_405 = tpu.memref_slice %arg4[%dma_wait3A_398, %dma_wait3A_404] : memref<32x1280xf32, #tpu.memory_space<vmem>> -> memref<1x1280xf32, #tpu.memory_space<vmem>>
    %dma_wait3A_406 = tpu.memref_squeeze %dma_wait3A_405 : memref<1x1280xf32, #tpu.memory_space<vmem>> -> memref<1280xf32, #tpu.memory_space<vmem>>
    %dma_wait3A_407 = tpu.memref_slice %arg2[%dma_wait3A_397, %mul3A_2] : memref<32x40960xf32, #tpu.memory_space<hbm>> -> memref<1x1280xf32, #tpu.memory_space<hbm>>
    %dma_wait3A_408 = tpu.memref_squeeze %dma_wait3A_407 : memref<1x1280xf32, #tpu.memory_space<hbm>> -> memref<1280xf32, #tpu.memory_space<hbm>>
    tpu.wait_dma2 semaphore(%arg6 : memref<!tpu.dma_semaphore, #tpu.memory_space<semaphore_mem>>) src(%dma_wait3A_408 : memref<1280xf32, #tpu.memory_space<hbm>>) dst(%dma_wait3A_406 : memref<1280xf32, #tpu.memory_space<vmem>>)
    %dma_wait3A_409 = arith.constant 2 : i32
    %dma_wait3A_410 = arith.constant 2 : i32
    %dma_wait3A_411 = arith.constant 0 : i32
    %dma_wait3A_412 = tpu.memref_slice %arg4[%dma_wait3A_410, %dma_wait3A_411] : memref<32x1280xf32, #tpu.memory_space<vmem>> -> memref<1x1280xf32, #tpu.memory_space<vmem>>
    %dma_wait3A_413 = tpu.memref_squeeze %dma_wait3A_412 : memref<1x1280xf32, #tpu.memory_space<vmem>> -> memref<1280xf32, #tpu.memory_space<vmem>>
    %dma_wait3A_414 = tpu.memref_slice %arg2[%dma_wait3A_409, %mul3A_2] : memref<32x40960xf32, #tpu.memory_space<hbm>> -> memref<1x1280xf32, #tpu.memory_space<hbm>>
    %dma_wait3A_415 = tpu.memref_squeeze %dma_wait3A_414 : memref<1x1280xf32, #tpu.memory_space<hbm>> -> memref<1280xf32, #tpu.memory_space<hbm>>
    %dma_wait3A_416 = arith.constant 0 : i32
    %dma_wait3A_417 = tpu.memref_slice %arg4[%dma_wait3A_410, %dma_wait3A_416] : memref<32x1280xf32, #tpu.memory_space<vmem>> -> memref<1x1280xf32, #tpu.memory_space<vmem>>
    %dma_wait3A_418 = tpu.memref_squeeze %dma_wait3A_417 : memref<1x1280xf32, #tpu.memory_space<vmem>> -> memref<1280xf32, #tpu.memory_space<vmem>>
    %dma_wait3A_419 = tpu.memref_slice %arg2[%dma_wait3A_409, %mul3A_2] : memref<32x40960xf32, #tpu.memory_space<hbm>> -> memref<1x1280xf32, #tpu.memory_space<hbm>>
    %dma_wait3A_420 = tpu.memref_squeeze %dma_wait3A_419 : memref<1x1280xf32, #tpu.memory_space<hbm>> -> memref<1280xf32, #tpu.memory_space<hbm>>
    tpu.wait_dma2 semaphore(%arg6 : memref<!tpu.dma_semaphore, #tpu.memory_space<semaphore_mem>>) src(%dma_wait3A_420 : memref<1280xf32, #tpu.memory_space<hbm>>) dst(%dma_wait3A_418 : memref<1280xf32, #tpu.memory_space<vmem>>)
    %dma_wait3A_421 = arith.constant 3 : i32
    %dma_wait3A_422 = arith.constant 3 : i32
    %dma_wait3A_423 = arith.constant 0 : i32
    %dma_wait3A_424 = tpu.memref_slice %arg4[%dma_wait3A_422, %dma_wait3A_423] : memref<32x1280xf32, #tpu.memory_space<vmem>> -> memref<1x1280xf32, #tpu.memory_space<vmem>>
    %dma_wait3A_425 = tpu.memref_squeeze %dma_wait3A_424 : memref<1x1280xf32, #tpu.memory_space<vmem>> -> memref<1280xf32, #tpu.memory_space<vmem>>
    %dma_wait3A_426 = tpu.memref_slice %arg2[%dma_wait3A_421, %mul3A_2] : memref<32x40960xf32, #tpu.memory_space<hbm>> -> memref<1x1280xf32, #tpu.memory_space<hbm>>
    %dma_wait3A_427 = tpu.memref_squeeze %dma_wait3A_426 : memref<1x1280xf32, #tpu.memory_space<hbm>> -> memref<1280xf32, #tpu.memory_space<hbm>>
    %dma_wait3A_428 = arith.constant 0 : i32
    %dma_wait3A_429 = tpu.memref_slice %arg4[%dma_wait3A_422, %dma_wait3A_428] : memref<32x1280xf32, #tpu.memory_space<vmem>> -> memref<1x1280xf32, #tpu.memory_space<vmem>>
    %dma_wait3A_430 = tpu.memref_squeeze %dma_wait3A_429 : memref<1x1280xf32, #tpu.memory_space<vmem>> -> memref<1280xf32, #tpu.memory_space<vmem>>
    %dma_wait3A_431 = tpu.memref_slice %arg2[%dma_wait3A_421, %mul3A_2] : memref<32x40960xf32, #tpu.memory_space<hbm>> -> memref<1x1280xf32, #tpu.memory_space<hbm>>
    %dma_wait3A_432 = tpu.memref_squeeze %dma_wait3A_431 : memref<1x1280xf32, #tpu.memory_space<hbm>> -> memref<1280xf32, #tpu.memory_space<hbm>>
    tpu.wait_dma2 semaphore(%arg6 : memref<!tpu.dma_semaphore, #tpu.memory_space<semaphore_mem>>) src(%dma_wait3A_432 : memref<1280xf32, #tpu.memory_space<hbm>>) dst(%dma_wait3A_430 : memref<1280xf32, #tpu.memory_space<vmem>>)
    %dma_wait3A_433 = arith.constant 4 : i32
    %dma_wait3A_434 = arith.constant 4 : i32
    %dma_wait3A_435 = arith.constant 0 : i32
    %dma_wait3A_436 = tpu.memref_slice %arg4[%dma_wait3A_434, %dma_wait3A_435] : memref<32x1280xf32, #tpu.memory_space<vmem>> -> memref<1x1280xf32, #tpu.memory_space<vmem>>
    %dma_wait3A_437 = tpu.memref_squeeze %dma_wait3A_436 : memref<1x1280xf32, #tpu.memory_space<vmem>> -> memref<1280xf32, #tpu.memory_space<vmem>>
    %dma_wait3A_438 = tpu.memref_slice %arg2[%dma_wait3A_433, %mul3A_2] : memref<32x40960xf32, #tpu.memory_space<hbm>> -> memref<1x1280xf32, #tpu.memory_space<hbm>>
    %dma_wait3A_439 = tpu.memref_squeeze %dma_wait3A_438 : memref<1x1280xf32, #tpu.memory_space<hbm>> -> memref<1280xf32, #tpu.memory_space<hbm>>
    %dma_wait3A_440 = arith.constant 0 : i32
    %dma_wait3A_441 = tpu.memref_slice %arg4[%dma_wait3A_434, %dma_wait3A_440] : memref<32x1280xf32, #tpu.memory_space<vmem>> -> memref<1x1280xf32, #tpu.memory_space<vmem>>
    %dma_wait3A_442 = tpu.memref_squeeze %dma_wait3A_441 : memref<1x1280xf32, #tpu.memory_space<vmem>> -> memref<1280xf32, #tpu.memory_space<vmem>>
    %dma_wait3A_443 = tpu.memref_slice %arg2[%dma_wait3A_433, %mul3A_2] : memref<32x40960xf32, #tpu.memory_space<hbm>> -> memref<1x1280xf32, #tpu.memory_space<hbm>>
    %dma_wait3A_444 = tpu.memref_squeeze %dma_wait3A_443 : memref<1x1280xf32, #tpu.memory_space<hbm>> -> memref<1280xf32, #tpu.memory_space<hbm>>
    tpu.wait_dma2 semaphore(%arg6 : memref<!tpu.dma_semaphore, #tpu.memory_space<semaphore_mem>>) src(%dma_wait3A_444 : memref<1280xf32, #tpu.memory_space<hbm>>) dst(%dma_wait3A_442 : memref<1280xf32, #tpu.memory_space<vmem>>)
    %dma_wait3A_445 = arith.constant 5 : i32
    %dma_wait3A_446 = arith.constant 5 : i32
    %dma_wait3A_447 = arith.constant 0 : i32
    %dma_wait3A_448 = tpu.memref_slice %arg4[%dma_wait3A_446, %dma_wait3A_447] : memref<32x1280xf32, #tpu.memory_space<vmem>> -> memref<1x1280xf32, #tpu.memory_space<vmem>>
    %dma_wait3A_449 = tpu.memref_squeeze %dma_wait3A_448 : memref<1x1280xf32, #tpu.memory_space<vmem>> -> memref<1280xf32, #tpu.memory_space<vmem>>
    %dma_wait3A_450 = tpu.memref_slice %arg2[%dma_wait3A_445, %mul3A_2] : memref<32x40960xf32, #tpu.memory_space<hbm>> -> memref<1x1280xf32, #tpu.memory_space<hbm>>
    %dma_wait3A_451 = tpu.memref_squeeze %dma_wait3A_450 : memref<1x1280xf32, #tpu.memory_space<hbm>> -> memref<1280xf32, #tpu.memory_space<hbm>>
    %dma_wait3A_452 = arith.constant 0 : i32
    %dma_wait3A_453 = tpu.memref_slice %arg4[%dma_wait3A_446, %dma_wait3A_452] : memref<32x1280xf32, #tpu.memory_space<vmem>> -> memref<1x1280xf32, #tpu.memory_space<vmem>>
    %dma_wait3A_454 = tpu.memref_squeeze %dma_wait3A_453 : memref<1x1280xf32, #tpu.memory_space<vmem>> -> memref<1280xf32, #tpu.memory_space<vmem>>
    %dma_wait3A_455 = tpu.memref_slice %arg2[%dma_wait3A_445, %mul3A_2] : memref<32x40960xf32, #tpu.memory_space<hbm>> -> memref<1x1280xf32, #tpu.memory_space<hbm>>
    %dma_wait3A_456 = tpu.memref_squeeze %dma_wait3A_455 : memref<1x1280xf32, #tpu.memory_space<hbm>> -> memref<1280xf32, #tpu.memory_space<hbm>>
    tpu.wait_dma2 semaphore(%arg6 : memref<!tpu.dma_semaphore, #tpu.memory_space<semaphore_mem>>) src(%dma_wait3A_456 : memref<1280xf32, #tpu.memory_space<hbm>>) dst(%dma_wait3A_454 : memref<1280xf32, #tpu.memory_space<vmem>>)
    %dma_wait3A_457 = arith.constant 6 : i32
    %dma_wait3A_458 = arith.constant 6 : i32
    %dma_wait3A_459 = arith.constant 0 : i32
    %dma_wait3A_460 = tpu.memref_slice %arg4[%dma_wait3A_458, %dma_wait3A_459] : memref<32x1280xf32, #tpu.memory_space<vmem>> -> memref<1x1280xf32, #tpu.memory_space<vmem>>
    %dma_wait3A_461 = tpu.memref_squeeze %dma_wait3A_460 : memref<1x1280xf32, #tpu.memory_space<vmem>> -> memref<1280xf32, #tpu.memory_space<vmem>>
    %dma_wait3A_462 = tpu.memref_slice %arg2[%dma_wait3A_457, %mul3A_2] : memref<32x40960xf32, #tpu.memory_space<hbm>> -> memref<1x1280xf32, #tpu.memory_space<hbm>>
    %dma_wait3A_463 = tpu.memref_squeeze %dma_wait3A_462 : memref<1x1280xf32, #tpu.memory_space<hbm>> -> memref<1280xf32, #tpu.memory_space<hbm>>
    %dma_wait3A_464 = arith.constant 0 : i32
    %dma_wait3A_465 = tpu.memref_slice %arg4[%dma_wait3A_458, %dma_wait3A_464] : memref<32x1280xf32, #tpu.memory_space<vmem>> -> memref<1x1280xf32, #tpu.memory_space<vmem>>
    %dma_wait3A_466 = tpu.memref_squeeze %dma_wait3A_465 : memref<1x1280xf32, #tpu.memory_space<vmem>> -> memref<1280xf32, #tpu.memory_space<vmem>>
    %dma_wait3A_467 = tpu.memref_slice %arg2[%dma_wait3A_457, %mul3A_2] : memref<32x40960xf32, #tpu.memory_space<hbm>> -> memref<1x1280xf32, #tpu.memory_space<hbm>>
    %dma_wait3A_468 = tpu.memref_squeeze %dma_wait3A_467 : memref<1x1280xf32, #tpu.memory_space<hbm>> -> memref<1280xf32, #tpu.memory_space<hbm>>
    tpu.wait_dma2 semaphore(%arg6 : memref<!tpu.dma_semaphore, #tpu.memory_space<semaphore_mem>>) src(%dma_wait3A_468 : memref<1280xf32, #tpu.memory_space<hbm>>) dst(%dma_wait3A_466 : memref<1280xf32, #tpu.memory_space<vmem>>)
    %dma_wait3A_469 = arith.constant 7 : i32
    %dma_wait3A_470 = arith.constant 7 : i32
    %dma_wait3A_471 = arith.constant 0 : i32
    %dma_wait3A_472 = tpu.memref_slice %arg4[%dma_wait3A_470, %dma_wait3A_471] : memref<32x1280xf32, #tpu.memory_space<vmem>> -> memref<1x1280xf32, #tpu.memory_space<vmem>>
    %dma_wait3A_473 = tpu.memref_squeeze %dma_wait3A_472 : memref<1x1280xf32, #tpu.memory_space<vmem>> -> memref<1280xf32, #tpu.memory_space<vmem>>
    %dma_wait3A_474 = tpu.memref_slice %arg2[%dma_wait3A_469, %mul3A_2] : memref<32x40960xf32, #tpu.memory_space<hbm>> -> memref<1x1280xf32, #tpu.memory_space<hbm>>
    %dma_wait3A_475 = tpu.memref_squeeze %dma_wait3A_474 : memref<1x1280xf32, #tpu.memory_space<hbm>> -> memref<1280xf32, #tpu.memory_space<hbm>>
    %dma_wait3A_476 = arith.constant 0 : i32
    %dma_wait3A_477 = tpu.memref_slice %arg4[%dma_wait3A_470, %dma_wait3A_476] : memref<32x1280xf32, #tpu.memory_space<vmem>> -> memref<1x1280xf32, #tpu.memory_space<vmem>>
    %dma_wait3A_478 = tpu.memref_squeeze %dma_wait3A_477 : memref<1x1280xf32, #tpu.memory_space<vmem>> -> memref<1280xf32, #tpu.memory_space<vmem>>
    %dma_wait3A_479 = tpu.memref_slice %arg2[%dma_wait3A_469, %mul3A_2] : memref<32x40960xf32, #tpu.memory_space<hbm>> -> memref<1x1280xf32, #tpu.memory_space<hbm>>
    %dma_wait3A_480 = tpu.memref_squeeze %dma_wait3A_479 : memref<1x1280xf32, #tpu.memory_space<hbm>> -> memref<1280xf32, #tpu.memory_space<hbm>>
    tpu.wait_dma2 semaphore(%arg6 : memref<!tpu.dma_semaphore, #tpu.memory_space<semaphore_mem>>) src(%dma_wait3A_480 : memref<1280xf32, #tpu.memory_space<hbm>>) dst(%dma_wait3A_478 : memref<1280xf32, #tpu.memory_space<vmem>>)
    %dma_wait3A_481 = arith.constant 8 : i32
    %dma_wait3A_482 = arith.constant 8 : i32
    %dma_wait3A_483 = arith.constant 0 : i32
    %dma_wait3A_484 = tpu.memref_slice %arg4[%dma_wait3A_482, %dma_wait3A_483] : memref<32x1280xf32, #tpu.memory_space<vmem>> -> memref<1x1280xf32, #tpu.memory_space<vmem>>
    %dma_wait3A_485 = tpu.memref_squeeze %dma_wait3A_484 : memref<1x1280xf32, #tpu.memory_space<vmem>> -> memref<1280xf32, #tpu.memory_space<vmem>>
    %dma_wait3A_486 = tpu.memref_slice %arg2[%dma_wait3A_481, %mul3A_2] : memref<32x40960xf32, #tpu.memory_space<hbm>> -> memref<1x1280xf32, #tpu.memory_space<hbm>>
    %dma_wait3A_487 = tpu.memref_squeeze %dma_wait3A_486 : memref<1x1280xf32, #tpu.memory_space<hbm>> -> memref<1280xf32, #tpu.memory_space<hbm>>
    %dma_wait3A_488 = arith.constant 0 : i32
    %dma_wait3A_489 = tpu.memref_slice %arg4[%dma_wait3A_482, %dma_wait3A_488] : memref<32x1280xf32, #tpu.memory_space<vmem>> -> memref<1x1280xf32, #tpu.memory_space<vmem>>
    %dma_wait3A_490 = tpu.memref_squeeze %dma_wait3A_489 : memref<1x1280xf32, #tpu.memory_space<vmem>> -> memref<1280xf32, #tpu.memory_space<vmem>>
    %dma_wait3A_491 = tpu.memref_slice %arg2[%dma_wait3A_481, %mul3A_2] : memref<32x40960xf32, #tpu.memory_space<hbm>> -> memref<1x1280xf32, #tpu.memory_space<hbm>>
    %dma_wait3A_492 = tpu.memref_squeeze %dma_wait3A_491 : memref<1x1280xf32, #tpu.memory_space<hbm>> -> memref<1280xf32, #tpu.memory_space<hbm>>
    tpu.wait_dma2 semaphore(%arg6 : memref<!tpu.dma_semaphore, #tpu.memory_space<semaphore_mem>>) src(%dma_wait3A_492 : memref<1280xf32, #tpu.memory_space<hbm>>) dst(%dma_wait3A_490 : memref<1280xf32, #tpu.memory_space<vmem>>)
    %dma_wait3A_493 = arith.constant 9 : i32
    %dma_wait3A_494 = arith.constant 9 : i32
    %dma_wait3A_495 = arith.constant 0 : i32
    %dma_wait3A_496 = tpu.memref_slice %arg4[%dma_wait3A_494, %dma_wait3A_495] : memref<32x1280xf32, #tpu.memory_space<vmem>> -> memref<1x1280xf32, #tpu.memory_space<vmem>>
    %dma_wait3A_497 = tpu.memref_squeeze %dma_wait3A_496 : memref<1x1280xf32, #tpu.memory_space<vmem>> -> memref<1280xf32, #tpu.memory_space<vmem>>
    %dma_wait3A_498 = tpu.memref_slice %arg2[%dma_wait3A_493, %mul3A_2] : memref<32x40960xf32, #tpu.memory_space<hbm>> -> memref<1x1280xf32, #tpu.memory_space<hbm>>
    %dma_wait3A_499 = tpu.memref_squeeze %dma_wait3A_498 : memref<1x1280xf32, #tpu.memory_space<hbm>> -> memref<1280xf32, #tpu.memory_space<hbm>>
    %dma_wait3A_500 = arith.constant 0 : i32
    %dma_wait3A_501 = tpu.memref_slice %arg4[%dma_wait3A_494, %dma_wait3A_500] : memref<32x1280xf32, #tpu.memory_space<vmem>> -> memref<1x1280xf32, #tpu.memory_space<vmem>>
    %dma_wait3A_502 = tpu.memref_squeeze %dma_wait3A_501 : memref<1x1280xf32, #tpu.memory_space<vmem>> -> memref<1280xf32, #tpu.memory_space<vmem>>
    %dma_wait3A_503 = tpu.memref_slice %arg2[%dma_wait3A_493, %mul3A_2] : memref<32x40960xf32, #tpu.memory_space<hbm>> -> memref<1x1280xf32, #tpu.memory_space<hbm>>
    %dma_wait3A_504 = tpu.memref_squeeze %dma_wait3A_503 : memref<1x1280xf32, #tpu.memory_space<hbm>> -> memref<1280xf32, #tpu.memory_space<hbm>>
    tpu.wait_dma2 semaphore(%arg6 : memref<!tpu.dma_semaphore, #tpu.memory_space<semaphore_mem>>) src(%dma_wait3A_504 : memref<1280xf32, #tpu.memory_space<hbm>>) dst(%dma_wait3A_502 : memref<1280xf32, #tpu.memory_space<vmem>>)
    %dma_wait3A_505 = arith.constant 10 : i32
    %dma_wait3A_506 = arith.constant 10 : i32
    %dma_wait3A_507 = arith.constant 0 : i32
    %dma_wait3A_508 = tpu.memref_slice %arg4[%dma_wait3A_506, %dma_wait3A_507] : memref<32x1280xf32, #tpu.memory_space<vmem>> -> memref<1x1280xf32, #tpu.memory_space<vmem>>
    %dma_wait3A_509 = tpu.memref_squeeze %dma_wait3A_508 : memref<1x1280xf32, #tpu.memory_space<vmem>> -> memref<1280xf32, #tpu.memory_space<vmem>>
    %dma_wait3A_510 = tpu.memref_slice %arg2[%dma_wait3A_505, %mul3A_2] : memref<32x40960xf32, #tpu.memory_space<hbm>> -> memref<1x1280xf32, #tpu.memory_space<hbm>>
    %dma_wait3A_511 = tpu.memref_squeeze %dma_wait3A_510 : memref<1x1280xf32, #tpu.memory_space<hbm>> -> memref<1280xf32, #tpu.memory_space<hbm>>
    %dma_wait3A_512 = arith.constant 0 : i32
    %dma_wait3A_513 = tpu.memref_slice %arg4[%dma_wait3A_506, %dma_wait3A_512] : memref<32x1280xf32, #tpu.memory_space<vmem>> -> memref<1x1280xf32, #tpu.memory_space<vmem>>
    %dma_wait3A_514 = tpu.memref_squeeze %dma_wait3A_513 : memref<1x1280xf32, #tpu.memory_space<vmem>> -> memref<1280xf32, #tpu.memory_space<vmem>>
    %dma_wait3A_515 = tpu.memref_slice %arg2[%dma_wait3A_505, %mul3A_2] : memref<32x40960xf32, #tpu.memory_space<hbm>> -> memref<1x1280xf32, #tpu.memory_space<hbm>>
    %dma_wait3A_516 = tpu.memref_squeeze %dma_wait3A_515 : memref<1x1280xf32, #tpu.memory_space<hbm>> -> memref<1280xf32, #tpu.memory_space<hbm>>
    tpu.wait_dma2 semaphore(%arg6 : memref<!tpu.dma_semaphore, #tpu.memory_space<semaphore_mem>>) src(%dma_wait3A_516 : memref<1280xf32, #tpu.memory_space<hbm>>) dst(%dma_wait3A_514 : memref<1280xf32, #tpu.memory_space<vmem>>)
    %dma_wait3A_517 = arith.constant 11 : i32
    %dma_wait3A_518 = arith.constant 11 : i32
    %dma_wait3A_519 = arith.constant 0 : i32
    %dma_wait3A_520 = tpu.memref_slice %arg4[%dma_wait3A_518, %dma_wait3A_519] : memref<32x1280xf32, #tpu.memory_space<vmem>> -> memref<1x1280xf32, #tpu.memory_space<vmem>>
    %dma_wait3A_521 = tpu.memref_squeeze %dma_wait3A_520 : memref<1x1280xf32, #tpu.memory_space<vmem>> -> memref<1280xf32, #tpu.memory_space<vmem>>
    %dma_wait3A_522 = tpu.memref_slice %arg2[%dma_wait3A_517, %mul3A_2] : memref<32x40960xf32, #tpu.memory_space<hbm>> -> memref<1x1280xf32, #tpu.memory_space<hbm>>
    %dma_wait3A_523 = tpu.memref_squeeze %dma_wait3A_522 : memref<1x1280xf32, #tpu.memory_space<hbm>> -> memref<1280xf32, #tpu.memory_space<hbm>>
    %dma_wait3A_524 = arith.constant 0 : i32
    %dma_wait3A_525 = tpu.memref_slice %arg4[%dma_wait3A_518, %dma_wait3A_524] : memref<32x1280xf32, #tpu.memory_space<vmem>> -> memref<1x1280xf32, #tpu.memory_space<vmem>>
    %dma_wait3A_526 = tpu.memref_squeeze %dma_wait3A_525 : memref<1x1280xf32, #tpu.memory_space<vmem>> -> memref<1280xf32, #tpu.memory_space<vmem>>
    %dma_wait3A_527 = tpu.memref_slice %arg2[%dma_wait3A_517, %mul3A_2] : memref<32x40960xf32, #tpu.memory_space<hbm>> -> memref<1x1280xf32, #tpu.memory_space<hbm>>
    %dma_wait3A_528 = tpu.memref_squeeze %dma_wait3A_527 : memref<1x1280xf32, #tpu.memory_space<hbm>> -> memref<1280xf32, #tpu.memory_space<hbm>>
    tpu.wait_dma2 semaphore(%arg6 : memref<!tpu.dma_semaphore, #tpu.memory_space<semaphore_mem>>) src(%dma_wait3A_528 : memref<1280xf32, #tpu.memory_space<hbm>>) dst(%dma_wait3A_526 : memref<1280xf32, #tpu.memory_space<vmem>>)
    %dma_wait3A_529 = arith.constant 12 : i32
    %dma_wait3A_530 = arith.constant 12 : i32
    %dma_wait3A_531 = arith.constant 0 : i32
    %dma_wait3A_532 = tpu.memref_slice %arg4[%dma_wait3A_530, %dma_wait3A_531] : memref<32x1280xf32, #tpu.memory_space<vmem>> -> memref<1x1280xf32, #tpu.memory_space<vmem>>
    %dma_wait3A_533 = tpu.memref_squeeze %dma_wait3A_532 : memref<1x1280xf32, #tpu.memory_space<vmem>> -> memref<1280xf32, #tpu.memory_space<vmem>>
    %dma_wait3A_534 = tpu.memref_slice %arg2[%dma_wait3A_529, %mul3A_2] : memref<32x40960xf32, #tpu.memory_space<hbm>> -> memref<1x1280xf32, #tpu.memory_space<hbm>>
    %dma_wait3A_535 = tpu.memref_squeeze %dma_wait3A_534 : memref<1x1280xf32, #tpu.memory_space<hbm>> -> memref<1280xf32, #tpu.memory_space<hbm>>
    %dma_wait3A_536 = arith.constant 0 : i32
    %dma_wait3A_537 = tpu.memref_slice %arg4[%dma_wait3A_530, %dma_wait3A_536] : memref<32x1280xf32, #tpu.memory_space<vmem>> -> memref<1x1280xf32, #tpu.memory_space<vmem>>
    %dma_wait3A_538 = tpu.memref_squeeze %dma_wait3A_537 : memref<1x1280xf32, #tpu.memory_space<vmem>> -> memref<1280xf32, #tpu.memory_space<vmem>>
    %dma_wait3A_539 = tpu.memref_slice %arg2[%dma_wait3A_529, %mul3A_2] : memref<32x40960xf32, #tpu.memory_space<hbm>> -> memref<1x1280xf32, #tpu.memory_space<hbm>>
    %dma_wait3A_540 = tpu.memref_squeeze %dma_wait3A_539 : memref<1x1280xf32, #tpu.memory_space<hbm>> -> memref<1280xf32, #tpu.memory_space<hbm>>
    tpu.wait_dma2 semaphore(%arg6 : memref<!tpu.dma_semaphore, #tpu.memory_space<semaphore_mem>>) src(%dma_wait3A_540 : memref<1280xf32, #tpu.memory_space<hbm>>) dst(%dma_wait3A_538 : memref<1280xf32, #tpu.memory_space<vmem>>)
    %dma_wait3A_541 = arith.constant 13 : i32
    %dma_wait3A_542 = arith.constant 13 : i32
    %dma_wait3A_543 = arith.constant 0 : i32
    %dma_wait3A_544 = tpu.memref_slice %arg4[%dma_wait3A_542, %dma_wait3A_543] : memref<32x1280xf32, #tpu.memory_space<vmem>> -> memref<1x1280xf32, #tpu.memory_space<vmem>>
    %dma_wait3A_545 = tpu.memref_squeeze %dma_wait3A_544 : memref<1x1280xf32, #tpu.memory_space<vmem>> -> memref<1280xf32, #tpu.memory_space<vmem>>
    %dma_wait3A_546 = tpu.memref_slice %arg2[%dma_wait3A_541, %mul3A_2] : memref<32x40960xf32, #tpu.memory_space<hbm>> -> memref<1x1280xf32, #tpu.memory_space<hbm>>
    %dma_wait3A_547 = tpu.memref_squeeze %dma_wait3A_546 : memref<1x1280xf32, #tpu.memory_space<hbm>> -> memref<1280xf32, #tpu.memory_space<hbm>>
    %dma_wait3A_548 = arith.constant 0 : i32
    %dma_wait3A_549 = tpu.memref_slice %arg4[%dma_wait3A_542, %dma_wait3A_548] : memref<32x1280xf32, #tpu.memory_space<vmem>> -> memref<1x1280xf32, #tpu.memory_space<vmem>>
    %dma_wait3A_550 = tpu.memref_squeeze %dma_wait3A_549 : memref<1x1280xf32, #tpu.memory_space<vmem>> -> memref<1280xf32, #tpu.memory_space<vmem>>
    %dma_wait3A_551 = tpu.memref_slice %arg2[%dma_wait3A_541, %mul3A_2] : memref<32x40960xf32, #tpu.memory_space<hbm>> -> memref<1x1280xf32, #tpu.memory_space<hbm>>
    %dma_wait3A_552 = tpu.memref_squeeze %dma_wait3A_551 : memref<1x1280xf32, #tpu.memory_space<hbm>> -> memref<1280xf32, #tpu.memory_space<hbm>>
    tpu.wait_dma2 semaphore(%arg6 : memref<!tpu.dma_semaphore, #tpu.memory_space<semaphore_mem>>) src(%dma_wait3A_552 : memref<1280xf32, #tpu.memory_space<hbm>>) dst(%dma_wait3A_550 : memref<1280xf32, #tpu.memory_space<vmem>>)
    %dma_wait3A_553 = arith.constant 14 : i32
    %dma_wait3A_554 = arith.constant 14 : i32
    %dma_wait3A_555 = arith.constant 0 : i32
    %dma_wait3A_556 = tpu.memref_slice %arg4[%dma_wait3A_554, %dma_wait3A_555] : memref<32x1280xf32, #tpu.memory_space<vmem>> -> memref<1x1280xf32, #tpu.memory_space<vmem>>
    %dma_wait3A_557 = tpu.memref_squeeze %dma_wait3A_556 : memref<1x1280xf32, #tpu.memory_space<vmem>> -> memref<1280xf32, #tpu.memory_space<vmem>>
    %dma_wait3A_558 = tpu.memref_slice %arg2[%dma_wait3A_553, %mul3A_2] : memref<32x40960xf32, #tpu.memory_space<hbm>> -> memref<1x1280xf32, #tpu.memory_space<hbm>>
    %dma_wait3A_559 = tpu.memref_squeeze %dma_wait3A_558 : memref<1x1280xf32, #tpu.memory_space<hbm>> -> memref<1280xf32, #tpu.memory_space<hbm>>
    %dma_wait3A_560 = arith.constant 0 : i32
    %dma_wait3A_561 = tpu.memref_slice %arg4[%dma_wait3A_554, %dma_wait3A_560] : memref<32x1280xf32, #tpu.memory_space<vmem>> -> memref<1x1280xf32, #tpu.memory_space<vmem>>
    %dma_wait3A_562 = tpu.memref_squeeze %dma_wait3A_561 : memref<1x1280xf32, #tpu.memory_space<vmem>> -> memref<1280xf32, #tpu.memory_space<vmem>>
    %dma_wait3A_563 = tpu.memref_slice %arg2[%dma_wait3A_553, %mul3A_2] : memref<32x40960xf32, #tpu.memory_space<hbm>> -> memref<1x1280xf32, #tpu.memory_space<hbm>>
    %dma_wait3A_564 = tpu.memref_squeeze %dma_wait3A_563 : memref<1x1280xf32, #tpu.memory_space<hbm>> -> memref<1280xf32, #tpu.memory_space<hbm>>
    tpu.wait_dma2 semaphore(%arg6 : memref<!tpu.dma_semaphore, #tpu.memory_space<semaphore_mem>>) src(%dma_wait3A_564 : memref<1280xf32, #tpu.memory_space<hbm>>) dst(%dma_wait3A_562 : memref<1280xf32, #tpu.memory_space<vmem>>)
    %dma_wait3A_565 = arith.constant 15 : i32
    %dma_wait3A_566 = arith.constant 15 : i32
    %dma_wait3A_567 = arith.constant 0 : i32
    %dma_wait3A_568 = tpu.memref_slice %arg4[%dma_wait3A_566, %dma_wait3A_567] : memref<32x1280xf32, #tpu.memory_space<vmem>> -> memref<1x1280xf32, #tpu.memory_space<vmem>>
    %dma_wait3A_569 = tpu.memref_squeeze %dma_wait3A_568 : memref<1x1280xf32, #tpu.memory_space<vmem>> -> memref<1280xf32, #tpu.memory_space<vmem>>
    %dma_wait3A_570 = tpu.memref_slice %arg2[%dma_wait3A_565, %mul3A_2] : memref<32x40960xf32, #tpu.memory_space<hbm>> -> memref<1x1280xf32, #tpu.memory_space<hbm>>
    %dma_wait3A_571 = tpu.memref_squeeze %dma_wait3A_570 : memref<1x1280xf32, #tpu.memory_space<hbm>> -> memref<1280xf32, #tpu.memory_space<hbm>>
    %dma_wait3A_572 = arith.constant 0 : i32
    %dma_wait3A_573 = tpu.memref_slice %arg4[%dma_wait3A_566, %dma_wait3A_572] : memref<32x1280xf32, #tpu.memory_space<vmem>> -> memref<1x1280xf32, #tpu.memory_space<vmem>>
    %dma_wait3A_574 = tpu.memref_squeeze %dma_wait3A_573 : memref<1x1280xf32, #tpu.memory_space<vmem>> -> memref<1280xf32, #tpu.memory_space<vmem>>
    %dma_wait3A_575 = tpu.memref_slice %arg2[%dma_wait3A_565, %mul3A_2] : memref<32x40960xf32, #tpu.memory_space<hbm>> -> memref<1x1280xf32, #tpu.memory_space<hbm>>
    %dma_wait3A_576 = tpu.memref_squeeze %dma_wait3A_575 : memref<1x1280xf32, #tpu.memory_space<hbm>> -> memref<1280xf32, #tpu.memory_space<hbm>>
    tpu.wait_dma2 semaphore(%arg6 : memref<!tpu.dma_semaphore, #tpu.memory_space<semaphore_mem>>) src(%dma_wait3A_576 : memref<1280xf32, #tpu.memory_space<hbm>>) dst(%dma_wait3A_574 : memref<1280xf32, #tpu.memory_space<vmem>>)
    %dma_wait3A_577 = arith.constant 16 : i32
    %dma_wait3A_578 = arith.constant 16 : i32
    %dma_wait3A_579 = arith.constant 0 : i32
    %dma_wait3A_580 = tpu.memref_slice %arg4[%dma_wait3A_578, %dma_wait3A_579] : memref<32x1280xf32, #tpu.memory_space<vmem>> -> memref<1x1280xf32, #tpu.memory_space<vmem>>
    %dma_wait3A_581 = tpu.memref_squeeze %dma_wait3A_580 : memref<1x1280xf32, #tpu.memory_space<vmem>> -> memref<1280xf32, #tpu.memory_space<vmem>>
    %dma_wait3A_582 = tpu.memref_slice %arg2[%dma_wait3A_577, %mul3A_2] : memref<32x40960xf32, #tpu.memory_space<hbm>> -> memref<1x1280xf32, #tpu.memory_space<hbm>>
    %dma_wait3A_583 = tpu.memref_squeeze %dma_wait3A_582 : memref<1x1280xf32, #tpu.memory_space<hbm>> -> memref<1280xf32, #tpu.memory_space<hbm>>
    %dma_wait3A_584 = arith.constant 0 : i32
    %dma_wait3A_585 = tpu.memref_slice %arg4[%dma_wait3A_578, %dma_wait3A_584] : memref<32x1280xf32, #tpu.memory_space<vmem>> -> memref<1x1280xf32, #tpu.memory_space<vmem>>
    %dma_wait3A_586 = tpu.memref_squeeze %dma_wait3A_585 : memref<1x1280xf32, #tpu.memory_space<vmem>> -> memref<1280xf32, #tpu.memory_space<vmem>>
    %dma_wait3A_587 = tpu.memref_slice %arg2[%dma_wait3A_577, %mul3A_2] : memref<32x40960xf32, #tpu.memory_space<hbm>> -> memref<1x1280xf32, #tpu.memory_space<hbm>>
    %dma_wait3A_588 = tpu.memref_squeeze %dma_wait3A_587 : memref<1x1280xf32, #tpu.memory_space<hbm>> -> memref<1280xf32, #tpu.memory_space<hbm>>
    tpu.wait_dma2 semaphore(%arg6 : memref<!tpu.dma_semaphore, #tpu.memory_space<semaphore_mem>>) src(%dma_wait3A_588 : memref<1280xf32, #tpu.memory_space<hbm>>) dst(%dma_wait3A_586 : memref<1280xf32, #tpu.memory_space<vmem>>)
    %dma_wait3A_589 = arith.constant 17 : i32
    %dma_wait3A_590 = arith.constant 17 : i32
    %dma_wait3A_591 = arith.constant 0 : i32
    %dma_wait3A_592 = tpu.memref_slice %arg4[%dma_wait3A_590, %dma_wait3A_591] : memref<32x1280xf32, #tpu.memory_space<vmem>> -> memref<1x1280xf32, #tpu.memory_space<vmem>>
    %dma_wait3A_593 = tpu.memref_squeeze %dma_wait3A_592 : memref<1x1280xf32, #tpu.memory_space<vmem>> -> memref<1280xf32, #tpu.memory_space<vmem>>
    %dma_wait3A_594 = tpu.memref_slice %arg2[%dma_wait3A_589, %mul3A_2] : memref<32x40960xf32, #tpu.memory_space<hbm>> -> memref<1x1280xf32, #tpu.memory_space<hbm>>
    %dma_wait3A_595 = tpu.memref_squeeze %dma_wait3A_594 : memref<1x1280xf32, #tpu.memory_space<hbm>> -> memref<1280xf32, #tpu.memory_space<hbm>>
    %dma_wait3A_596 = arith.constant 0 : i32
    %dma_wait3A_597 = tpu.memref_slice %arg4[%dma_wait3A_590, %dma_wait3A_596] : memref<32x1280xf32, #tpu.memory_space<vmem>> -> memref<1x1280xf32, #tpu.memory_space<vmem>>
    %dma_wait3A_598 = tpu.memref_squeeze %dma_wait3A_597 : memref<1x1280xf32, #tpu.memory_space<vmem>> -> memref<1280xf32, #tpu.memory_space<vmem>>
    %dma_wait3A_599 = tpu.memref_slice %arg2[%dma_wait3A_589, %mul3A_2] : memref<32x40960xf32, #tpu.memory_space<hbm>> -> memref<1x1280xf32, #tpu.memory_space<hbm>>
    %dma_wait3A_600 = tpu.memref_squeeze %dma_wait3A_599 : memref<1x1280xf32, #tpu.memory_space<hbm>> -> memref<1280xf32, #tpu.memory_space<hbm>>
    tpu.wait_dma2 semaphore(%arg6 : memref<!tpu.dma_semaphore, #tpu.memory_space<semaphore_mem>>) src(%dma_wait3A_600 : memref<1280xf32, #tpu.memory_space<hbm>>) dst(%dma_wait3A_598 : memref<1280xf32, #tpu.memory_space<vmem>>)
    %dma_wait3A_601 = arith.constant 18 : i32
    %dma_wait3A_602 = arith.constant 18 : i32
    %dma_wait3A_603 = arith.constant 0 : i32
    %dma_wait3A_604 = tpu.memref_slice %arg4[%dma_wait3A_602, %dma_wait3A_603] : memref<32x1280xf32, #tpu.memory_space<vmem>> -> memref<1x1280xf32, #tpu.memory_space<vmem>>
    %dma_wait3A_605 = tpu.memref_squeeze %dma_wait3A_604 : memref<1x1280xf32, #tpu.memory_space<vmem>> -> memref<1280xf32, #tpu.memory_space<vmem>>
    %dma_wait3A_606 = tpu.memref_slice %arg2[%dma_wait3A_601, %mul3A_2] : memref<32x40960xf32, #tpu.memory_space<hbm>> -> memref<1x1280xf32, #tpu.memory_space<hbm>>
    %dma_wait3A_607 = tpu.memref_squeeze %dma_wait3A_606 : memref<1x1280xf32, #tpu.memory_space<hbm>> -> memref<1280xf32, #tpu.memory_space<hbm>>
    %dma_wait3A_608 = arith.constant 0 : i32
    %dma_wait3A_609 = tpu.memref_slice %arg4[%dma_wait3A_602, %dma_wait3A_608] : memref<32x1280xf32, #tpu.memory_space<vmem>> -> memref<1x1280xf32, #tpu.memory_space<vmem>>
    %dma_wait3A_610 = tpu.memref_squeeze %dma_wait3A_609 : memref<1x1280xf32, #tpu.memory_space<vmem>> -> memref<1280xf32, #tpu.memory_space<vmem>>
    %dma_wait3A_611 = tpu.memref_slice %arg2[%dma_wait3A_601, %mul3A_2] : memref<32x40960xf32, #tpu.memory_space<hbm>> -> memref<1x1280xf32, #tpu.memory_space<hbm>>
    %dma_wait3A_612 = tpu.memref_squeeze %dma_wait3A_611 : memref<1x1280xf32, #tpu.memory_space<hbm>> -> memref<1280xf32, #tpu.memory_space<hbm>>
    tpu.wait_dma2 semaphore(%arg6 : memref<!tpu.dma_semaphore, #tpu.memory_space<semaphore_mem>>) src(%dma_wait3A_612 : memref<1280xf32, #tpu.memory_space<hbm>>) dst(%dma_wait3A_610 : memref<1280xf32, #tpu.memory_space<vmem>>)
    %dma_wait3A_613 = arith.constant 19 : i32
    %dma_wait3A_614 = arith.constant 19 : i32
    %dma_wait3A_615 = arith.constant 0 : i32
    %dma_wait3A_616 = tpu.memref_slice %arg4[%dma_wait3A_614, %dma_wait3A_615] : memref<32x1280xf32, #tpu.memory_space<vmem>> -> memref<1x1280xf32, #tpu.memory_space<vmem>>
    %dma_wait3A_617 = tpu.memref_squeeze %dma_wait3A_616 : memref<1x1280xf32, #tpu.memory_space<vmem>> -> memref<1280xf32, #tpu.memory_space<vmem>>
    %dma_wait3A_618 = tpu.memref_slice %arg2[%dma_wait3A_613, %mul3A_2] : memref<32x40960xf32, #tpu.memory_space<hbm>> -> memref<1x1280xf32, #tpu.memory_space<hbm>>
    %dma_wait3A_619 = tpu.memref_squeeze %dma_wait3A_618 : memref<1x1280xf32, #tpu.memory_space<hbm>> -> memref<1280xf32, #tpu.memory_space<hbm>>
    %dma_wait3A_620 = arith.constant 0 : i32
    %dma_wait3A_621 = tpu.memref_slice %arg4[%dma_wait3A_614, %dma_wait3A_620] : memref<32x1280xf32, #tpu.memory_space<vmem>> -> memref<1x1280xf32, #tpu.memory_space<vmem>>
    %dma_wait3A_622 = tpu.memref_squeeze %dma_wait3A_621 : memref<1x1280xf32, #tpu.memory_space<vmem>> -> memref<1280xf32, #tpu.memory_space<vmem>>
    %dma_wait3A_623 = tpu.memref_slice %arg2[%dma_wait3A_613, %mul3A_2] : memref<32x40960xf32, #tpu.memory_space<hbm>> -> memref<1x1280xf32, #tpu.memory_space<hbm>>
    %dma_wait3A_624 = tpu.memref_squeeze %dma_wait3A_623 : memref<1x1280xf32, #tpu.memory_space<hbm>> -> memref<1280xf32, #tpu.memory_space<hbm>>
    tpu.wait_dma2 semaphore(%arg6 : memref<!tpu.dma_semaphore, #tpu.memory_space<semaphore_mem>>) src(%dma_wait3A_624 : memref<1280xf32, #tpu.memory_space<hbm>>) dst(%dma_wait3A_622 : memref<1280xf32, #tpu.memory_space<vmem>>)
    %dma_wait3A_625 = arith.constant 20 : i32
    %dma_wait3A_626 = arith.constant 20 : i32
    %dma_wait3A_627 = arith.constant 0 : i32
    %dma_wait3A_628 = tpu.memref_slice %arg4[%dma_wait3A_626, %dma_wait3A_627] : memref<32x1280xf32, #tpu.memory_space<vmem>> -> memref<1x1280xf32, #tpu.memory_space<vmem>>
    %dma_wait3A_629 = tpu.memref_squeeze %dma_wait3A_628 : memref<1x1280xf32, #tpu.memory_space<vmem>> -> memref<1280xf32, #tpu.memory_space<vmem>>
    %dma_wait3A_630 = tpu.memref_slice %arg2[%dma_wait3A_625, %mul3A_2] : memref<32x40960xf32, #tpu.memory_space<hbm>> -> memref<1x1280xf32, #tpu.memory_space<hbm>>
    %dma_wait3A_631 = tpu.memref_squeeze %dma_wait3A_630 : memref<1x1280xf32, #tpu.memory_space<hbm>> -> memref<1280xf32, #tpu.memory_space<hbm>>
    %dma_wait3A_632 = arith.constant 0 : i32
    %dma_wait3A_633 = tpu.memref_slice %arg4[%dma_wait3A_626, %dma_wait3A_632] : memref<32x1280xf32, #tpu.memory_space<vmem>> -> memref<1x1280xf32, #tpu.memory_space<vmem>>
    %dma_wait3A_634 = tpu.memref_squeeze %dma_wait3A_633 : memref<1x1280xf32, #tpu.memory_space<vmem>> -> memref<1280xf32, #tpu.memory_space<vmem>>
    %dma_wait3A_635 = tpu.memref_slice %arg2[%dma_wait3A_625, %mul3A_2] : memref<32x40960xf32, #tpu.memory_space<hbm>> -> memref<1x1280xf32, #tpu.memory_space<hbm>>
    %dma_wait3A_636 = tpu.memref_squeeze %dma_wait3A_635 : memref<1x1280xf32, #tpu.memory_space<hbm>> -> memref<1280xf32, #tpu.memory_space<hbm>>
    tpu.wait_dma2 semaphore(%arg6 : memref<!tpu.dma_semaphore, #tpu.memory_space<semaphore_mem>>) src(%dma_wait3A_636 : memref<1280xf32, #tpu.memory_space<hbm>>) dst(%dma_wait3A_634 : memref<1280xf32, #tpu.memory_space<vmem>>)
    %dma_wait3A_637 = arith.constant 21 : i32
    %dma_wait3A_638 = arith.constant 21 : i32
    %dma_wait3A_639 = arith.constant 0 : i32
    %dma_wait3A_640 = tpu.memref_slice %arg4[%dma_wait3A_638, %dma_wait3A_639] : memref<32x1280xf32, #tpu.memory_space<vmem>> -> memref<1x1280xf32, #tpu.memory_space<vmem>>
    %dma_wait3A_641 = tpu.memref_squeeze %dma_wait3A_640 : memref<1x1280xf32, #tpu.memory_space<vmem>> -> memref<1280xf32, #tpu.memory_space<vmem>>
    %dma_wait3A_642 = tpu.memref_slice %arg2[%dma_wait3A_637, %mul3A_2] : memref<32x40960xf32, #tpu.memory_space<hbm>> -> memref<1x1280xf32, #tpu.memory_space<hbm>>
    %dma_wait3A_643 = tpu.memref_squeeze %dma_wait3A_642 : memref<1x1280xf32, #tpu.memory_space<hbm>> -> memref<1280xf32, #tpu.memory_space<hbm>>
    %dma_wait3A_644 = arith.constant 0 : i32
    %dma_wait3A_645 = tpu.memref_slice %arg4[%dma_wait3A_638, %dma_wait3A_644] : memref<32x1280xf32, #tpu.memory_space<vmem>> -> memref<1x1280xf32, #tpu.memory_space<vmem>>
    %dma_wait3A_646 = tpu.memref_squeeze %dma_wait3A_645 : memref<1x1280xf32, #tpu.memory_space<vmem>> -> memref<1280xf32, #tpu.memory_space<vmem>>
    %dma_wait3A_647 = tpu.memref_slice %arg2[%dma_wait3A_637, %mul3A_2] : memref<32x40960xf32, #tpu.memory_space<hbm>> -> memref<1x1280xf32, #tpu.memory_space<hbm>>
    %dma_wait3A_648 = tpu.memref_squeeze %dma_wait3A_647 : memref<1x1280xf32, #tpu.memory_space<hbm>> -> memref<1280xf32, #tpu.memory_space<hbm>>
    tpu.wait_dma2 semaphore(%arg6 : memref<!tpu.dma_semaphore, #tpu.memory_space<semaphore_mem>>) src(%dma_wait3A_648 : memref<1280xf32, #tpu.memory_space<hbm>>) dst(%dma_wait3A_646 : memref<1280xf32, #tpu.memory_space<vmem>>)
    %dma_wait3A_649 = arith.constant 22 : i32
    %dma_wait3A_650 = arith.constant 22 : i32
    %dma_wait3A_651 = arith.constant 0 : i32
    %dma_wait3A_652 = tpu.memref_slice %arg4[%dma_wait3A_650, %dma_wait3A_651] : memref<32x1280xf32, #tpu.memory_space<vmem>> -> memref<1x1280xf32, #tpu.memory_space<vmem>>
    %dma_wait3A_653 = tpu.memref_squeeze %dma_wait3A_652 : memref<1x1280xf32, #tpu.memory_space<vmem>> -> memref<1280xf32, #tpu.memory_space<vmem>>
    %dma_wait3A_654 = tpu.memref_slice %arg2[%dma_wait3A_649, %mul3A_2] : memref<32x40960xf32, #tpu.memory_space<hbm>> -> memref<1x1280xf32, #tpu.memory_space<hbm>>
    %dma_wait3A_655 = tpu.memref_squeeze %dma_wait3A_654 : memref<1x1280xf32, #tpu.memory_space<hbm>> -> memref<1280xf32, #tpu.memory_space<hbm>>
    %dma_wait3A_656 = arith.constant 0 : i32
    %dma_wait3A_657 = tpu.memref_slice %arg4[%dma_wait3A_650, %dma_wait3A_656] : memref<32x1280xf32, #tpu.memory_space<vmem>> -> memref<1x1280xf32, #tpu.memory_space<vmem>>
    %dma_wait3A_658 = tpu.memref_squeeze %dma_wait3A_657 : memref<1x1280xf32, #tpu.memory_space<vmem>> -> memref<1280xf32, #tpu.memory_space<vmem>>
    %dma_wait3A_659 = tpu.memref_slice %arg2[%dma_wait3A_649, %mul3A_2] : memref<32x40960xf32, #tpu.memory_space<hbm>> -> memref<1x1280xf32, #tpu.memory_space<hbm>>
    %dma_wait3A_660 = tpu.memref_squeeze %dma_wait3A_659 : memref<1x1280xf32, #tpu.memory_space<hbm>> -> memref<1280xf32, #tpu.memory_space<hbm>>
    tpu.wait_dma2 semaphore(%arg6 : memref<!tpu.dma_semaphore, #tpu.memory_space<semaphore_mem>>) src(%dma_wait3A_660 : memref<1280xf32, #tpu.memory_space<hbm>>) dst(%dma_wait3A_658 : memref<1280xf32, #tpu.memory_space<vmem>>)
    %dma_wait3A_661 = arith.constant 23 : i32
    %dma_wait3A_662 = arith.constant 23 : i32
    %dma_wait3A_663 = arith.constant 0 : i32
    %dma_wait3A_664 = tpu.memref_slice %arg4[%dma_wait3A_662, %dma_wait3A_663] : memref<32x1280xf32, #tpu.memory_space<vmem>> -> memref<1x1280xf32, #tpu.memory_space<vmem>>
    %dma_wait3A_665 = tpu.memref_squeeze %dma_wait3A_664 : memref<1x1280xf32, #tpu.memory_space<vmem>> -> memref<1280xf32, #tpu.memory_space<vmem>>
    %dma_wait3A_666 = tpu.memref_slice %arg2[%dma_wait3A_661, %mul3A_2] : memref<32x40960xf32, #tpu.memory_space<hbm>> -> memref<1x1280xf32, #tpu.memory_space<hbm>>
    %dma_wait3A_667 = tpu.memref_squeeze %dma_wait3A_666 : memref<1x1280xf32, #tpu.memory_space<hbm>> -> memref<1280xf32, #tpu.memory_space<hbm>>
    %dma_wait3A_668 = arith.constant 0 : i32
    %dma_wait3A_669 = tpu.memref_slice %arg4[%dma_wait3A_662, %dma_wait3A_668] : memref<32x1280xf32, #tpu.memory_space<vmem>> -> memref<1x1280xf32, #tpu.memory_space<vmem>>
    %dma_wait3A_670 = tpu.memref_squeeze %dma_wait3A_669 : memref<1x1280xf32, #tpu.memory_space<vmem>> -> memref<1280xf32, #tpu.memory_space<vmem>>
    %dma_wait3A_671 = tpu.memref_slice %arg2[%dma_wait3A_661, %mul3A_2] : memref<32x40960xf32, #tpu.memory_space<hbm>> -> memref<1x1280xf32, #tpu.memory_space<hbm>>
    %dma_wait3A_672 = tpu.memref_squeeze %dma_wait3A_671 : memref<1x1280xf32, #tpu.memory_space<hbm>> -> memref<1280xf32, #tpu.memory_space<hbm>>
    tpu.wait_dma2 semaphore(%arg6 : memref<!tpu.dma_semaphore, #tpu.memory_space<semaphore_mem>>) src(%dma_wait3A_672 : memref<1280xf32, #tpu.memory_space<hbm>>) dst(%dma_wait3A_670 : memref<1280xf32, #tpu.memory_space<vmem>>)
    %dma_wait3A_673 = arith.constant 24 : i32
    %dma_wait3A_674 = arith.constant 24 : i32
    %dma_wait3A_675 = arith.constant 0 : i32
    %dma_wait3A_676 = tpu.memref_slice %arg4[%dma_wait3A_674, %dma_wait3A_675] : memref<32x1280xf32, #tpu.memory_space<vmem>> -> memref<1x1280xf32, #tpu.memory_space<vmem>>
    %dma_wait3A_677 = tpu.memref_squeeze %dma_wait3A_676 : memref<1x1280xf32, #tpu.memory_space<vmem>> -> memref<1280xf32, #tpu.memory_space<vmem>>
    %dma_wait3A_678 = tpu.memref_slice %arg2[%dma_wait3A_673, %mul3A_2] : memref<32x40960xf32, #tpu.memory_space<hbm>> -> memref<1x1280xf32, #tpu.memory_space<hbm>>
    %dma_wait3A_679 = tpu.memref_squeeze %dma_wait3A_678 : memref<1x1280xf32, #tpu.memory_space<hbm>> -> memref<1280xf32, #tpu.memory_space<hbm>>
    %dma_wait3A_680 = arith.constant 0 : i32
    %dma_wait3A_681 = tpu.memref_slice %arg4[%dma_wait3A_674, %dma_wait3A_680] : memref<32x1280xf32, #tpu.memory_space<vmem>> -> memref<1x1280xf32, #tpu.memory_space<vmem>>
    %dma_wait3A_682 = tpu.memref_squeeze %dma_wait3A_681 : memref<1x1280xf32, #tpu.memory_space<vmem>> -> memref<1280xf32, #tpu.memory_space<vmem>>
    %dma_wait3A_683 = tpu.memref_slice %arg2[%dma_wait3A_673, %mul3A_2] : memref<32x40960xf32, #tpu.memory_space<hbm>> -> memref<1x1280xf32, #tpu.memory_space<hbm>>
    %dma_wait3A_684 = tpu.memref_squeeze %dma_wait3A_683 : memref<1x1280xf32, #tpu.memory_space<hbm>> -> memref<1280xf32, #tpu.memory_space<hbm>>
    tpu.wait_dma2 semaphore(%arg6 : memref<!tpu.dma_semaphore, #tpu.memory_space<semaphore_mem>>) src(%dma_wait3A_684 : memref<1280xf32, #tpu.memory_space<hbm>>) dst(%dma_wait3A_682 : memref<1280xf32, #tpu.memory_space<vmem>>)
    %dma_wait3A_685 = arith.constant 25 : i32
    %dma_wait3A_686 = arith.constant 25 : i32
    %dma_wait3A_687 = arith.constant 0 : i32
    %dma_wait3A_688 = tpu.memref_slice %arg4[%dma_wait3A_686, %dma_wait3A_687] : memref<32x1280xf32, #tpu.memory_space<vmem>> -> memref<1x1280xf32, #tpu.memory_space<vmem>>
    %dma_wait3A_689 = tpu.memref_squeeze %dma_wait3A_688 : memref<1x1280xf32, #tpu.memory_space<vmem>> -> memref<1280xf32, #tpu.memory_space<vmem>>
    %dma_wait3A_690 = tpu.memref_slice %arg2[%dma_wait3A_685, %mul3A_2] : memref<32x40960xf32, #tpu.memory_space<hbm>> -> memref<1x1280xf32, #tpu.memory_space<hbm>>
    %dma_wait3A_691 = tpu.memref_squeeze %dma_wait3A_690 : memref<1x1280xf32, #tpu.memory_space<hbm>> -> memref<1280xf32, #tpu.memory_space<hbm>>
    %dma_wait3A_692 = arith.constant 0 : i32
    %dma_wait3A_693 = tpu.memref_slice %arg4[%dma_wait3A_686, %dma_wait3A_692] : memref<32x1280xf32, #tpu.memory_space<vmem>> -> memref<1x1280xf32, #tpu.memory_space<vmem>>
    %dma_wait3A_694 = tpu.memref_squeeze %dma_wait3A_693 : memref<1x1280xf32, #tpu.memory_space<vmem>> -> memref<1280xf32, #tpu.memory_space<vmem>>
    %dma_wait3A_695 = tpu.memref_slice %arg2[%dma_wait3A_685, %mul3A_2] : memref<32x40960xf32, #tpu.memory_space<hbm>> -> memref<1x1280xf32, #tpu.memory_space<hbm>>
    %dma_wait3A_696 = tpu.memref_squeeze %dma_wait3A_695 : memref<1x1280xf32, #tpu.memory_space<hbm>> -> memref<1280xf32, #tpu.memory_space<hbm>>
    tpu.wait_dma2 semaphore(%arg6 : memref<!tpu.dma_semaphore, #tpu.memory_space<semaphore_mem>>) src(%dma_wait3A_696 : memref<1280xf32, #tpu.memory_space<hbm>>) dst(%dma_wait3A_694 : memref<1280xf32, #tpu.memory_space<vmem>>)
    %dma_wait3A_697 = arith.constant 26 : i32
    %dma_wait3A_698 = arith.constant 26 : i32
    %dma_wait3A_699 = arith.constant 0 : i32
    %dma_wait3A_700 = tpu.memref_slice %arg4[%dma_wait3A_698, %dma_wait3A_699] : memref<32x1280xf32, #tpu.memory_space<vmem>> -> memref<1x1280xf32, #tpu.memory_space<vmem>>
    %dma_wait3A_701 = tpu.memref_squeeze %dma_wait3A_700 : memref<1x1280xf32, #tpu.memory_space<vmem>> -> memref<1280xf32, #tpu.memory_space<vmem>>
    %dma_wait3A_702 = tpu.memref_slice %arg2[%dma_wait3A_697, %mul3A_2] : memref<32x40960xf32, #tpu.memory_space<hbm>> -> memref<1x1280xf32, #tpu.memory_space<hbm>>
    %dma_wait3A_703 = tpu.memref_squeeze %dma_wait3A_702 : memref<1x1280xf32, #tpu.memory_space<hbm>> -> memref<1280xf32, #tpu.memory_space<hbm>>
    %dma_wait3A_704 = arith.constant 0 : i32
    %dma_wait3A_705 = tpu.memref_slice %arg4[%dma_wait3A_698, %dma_wait3A_704] : memref<32x1280xf32, #tpu.memory_space<vmem>> -> memref<1x1280xf32, #tpu.memory_space<vmem>>
    %dma_wait3A_706 = tpu.memref_squeeze %dma_wait3A_705 : memref<1x1280xf32, #tpu.memory_space<vmem>> -> memref<1280xf32, #tpu.memory_space<vmem>>
    %dma_wait3A_707 = tpu.memref_slice %arg2[%dma_wait3A_697, %mul3A_2] : memref<32x40960xf32, #tpu.memory_space<hbm>> -> memref<1x1280xf32, #tpu.memory_space<hbm>>
    %dma_wait3A_708 = tpu.memref_squeeze %dma_wait3A_707 : memref<1x1280xf32, #tpu.memory_space<hbm>> -> memref<1280xf32, #tpu.memory_space<hbm>>
    tpu.wait_dma2 semaphore(%arg6 : memref<!tpu.dma_semaphore, #tpu.memory_space<semaphore_mem>>) src(%dma_wait3A_708 : memref<1280xf32, #tpu.memory_space<hbm>>) dst(%dma_wait3A_706 : memref<1280xf32, #tpu.memory_space<vmem>>)
    %dma_wait3A_709 = arith.constant 27 : i32
    %dma_wait3A_710 = arith.constant 27 : i32
    %dma_wait3A_711 = arith.constant 0 : i32
    %dma_wait3A_712 = tpu.memref_slice %arg4[%dma_wait3A_710, %dma_wait3A_711] : memref<32x1280xf32, #tpu.memory_space<vmem>> -> memref<1x1280xf32, #tpu.memory_space<vmem>>
    %dma_wait3A_713 = tpu.memref_squeeze %dma_wait3A_712 : memref<1x1280xf32, #tpu.memory_space<vmem>> -> memref<1280xf32, #tpu.memory_space<vmem>>
    %dma_wait3A_714 = tpu.memref_slice %arg2[%dma_wait3A_709, %mul3A_2] : memref<32x40960xf32, #tpu.memory_space<hbm>> -> memref<1x1280xf32, #tpu.memory_space<hbm>>
    %dma_wait3A_715 = tpu.memref_squeeze %dma_wait3A_714 : memref<1x1280xf32, #tpu.memory_space<hbm>> -> memref<1280xf32, #tpu.memory_space<hbm>>
    %dma_wait3A_716 = arith.constant 0 : i32
    %dma_wait3A_717 = tpu.memref_slice %arg4[%dma_wait3A_710, %dma_wait3A_716] : memref<32x1280xf32, #tpu.memory_space<vmem>> -> memref<1x1280xf32, #tpu.memory_space<vmem>>
    %dma_wait3A_718 = tpu.memref_squeeze %dma_wait3A_717 : memref<1x1280xf32, #tpu.memory_space<vmem>> -> memref<1280xf32, #tpu.memory_space<vmem>>
    %dma_wait3A_719 = tpu.memref_slice %arg2[%dma_wait3A_709, %mul3A_2] : memref<32x40960xf32, #tpu.memory_space<hbm>> -> memref<1x1280xf32, #tpu.memory_space<hbm>>
    %dma_wait3A_720 = tpu.memref_squeeze %dma_wait3A_719 : memref<1x1280xf32, #tpu.memory_space<hbm>> -> memref<1280xf32, #tpu.memory_space<hbm>>
    tpu.wait_dma2 semaphore(%arg6 : memref<!tpu.dma_semaphore, #tpu.memory_space<semaphore_mem>>) src(%dma_wait3A_720 : memref<1280xf32, #tpu.memory_space<hbm>>) dst(%dma_wait3A_718 : memref<1280xf32, #tpu.memory_space<vmem>>)
    %dma_wait3A_721 = arith.constant 28 : i32
    %dma_wait3A_722 = arith.constant 28 : i32
    %dma_wait3A_723 = arith.constant 0 : i32
    %dma_wait3A_724 = tpu.memref_slice %arg4[%dma_wait3A_722, %dma_wait3A_723] : memref<32x1280xf32, #tpu.memory_space<vmem>> -> memref<1x1280xf32, #tpu.memory_space<vmem>>
    %dma_wait3A_725 = tpu.memref_squeeze %dma_wait3A_724 : memref<1x1280xf32, #tpu.memory_space<vmem>> -> memref<1280xf32, #tpu.memory_space<vmem>>
    %dma_wait3A_726 = tpu.memref_slice %arg2[%dma_wait3A_721, %mul3A_2] : memref<32x40960xf32, #tpu.memory_space<hbm>> -> memref<1x1280xf32, #tpu.memory_space<hbm>>
    %dma_wait3A_727 = tpu.memref_squeeze %dma_wait3A_726 : memref<1x1280xf32, #tpu.memory_space<hbm>> -> memref<1280xf32, #tpu.memory_space<hbm>>
    %dma_wait3A_728 = arith.constant 0 : i32
    %dma_wait3A_729 = tpu.memref_slice %arg4[%dma_wait3A_722, %dma_wait3A_728] : memref<32x1280xf32, #tpu.memory_space<vmem>> -> memref<1x1280xf32, #tpu.memory_space<vmem>>
    %dma_wait3A_730 = tpu.memref_squeeze %dma_wait3A_729 : memref<1x1280xf32, #tpu.memory_space<vmem>> -> memref<1280xf32, #tpu.memory_space<vmem>>
    %dma_wait3A_731 = tpu.memref_slice %arg2[%dma_wait3A_721, %mul3A_2] : memref<32x40960xf32, #tpu.memory_space<hbm>> -> memref<1x1280xf32, #tpu.memory_space<hbm>>
    %dma_wait3A_732 = tpu.memref_squeeze %dma_wait3A_731 : memref<1x1280xf32, #tpu.memory_space<hbm>> -> memref<1280xf32, #tpu.memory_space<hbm>>
    tpu.wait_dma2 semaphore(%arg6 : memref<!tpu.dma_semaphore, #tpu.memory_space<semaphore_mem>>) src(%dma_wait3A_732 : memref<1280xf32, #tpu.memory_space<hbm>>) dst(%dma_wait3A_730 : memref<1280xf32, #tpu.memory_space<vmem>>)
    %dma_wait3A_733 = arith.constant 29 : i32
    %dma_wait3A_734 = arith.constant 29 : i32
    %dma_wait3A_735 = arith.constant 0 : i32
    %dma_wait3A_736 = tpu.memref_slice %arg4[%dma_wait3A_734, %dma_wait3A_735] : memref<32x1280xf32, #tpu.memory_space<vmem>> -> memref<1x1280xf32, #tpu.memory_space<vmem>>
    %dma_wait3A_737 = tpu.memref_squeeze %dma_wait3A_736 : memref<1x1280xf32, #tpu.memory_space<vmem>> -> memref<1280xf32, #tpu.memory_space<vmem>>
    %dma_wait3A_738 = tpu.memref_slice %arg2[%dma_wait3A_733, %mul3A_2] : memref<32x40960xf32, #tpu.memory_space<hbm>> -> memref<1x1280xf32, #tpu.memory_space<hbm>>
    %dma_wait3A_739 = tpu.memref_squeeze %dma_wait3A_738 : memref<1x1280xf32, #tpu.memory_space<hbm>> -> memref<1280xf32, #tpu.memory_space<hbm>>
    %dma_wait3A_740 = arith.constant 0 : i32
    %dma_wait3A_741 = tpu.memref_slice %arg4[%dma_wait3A_734, %dma_wait3A_740] : memref<32x1280xf32, #tpu.memory_space<vmem>> -> memref<1x1280xf32, #tpu.memory_space<vmem>>
    %dma_wait3A_742 = tpu.memref_squeeze %dma_wait3A_741 : memref<1x1280xf32, #tpu.memory_space<vmem>> -> memref<1280xf32, #tpu.memory_space<vmem>>
    %dma_wait3A_743 = tpu.memref_slice %arg2[%dma_wait3A_733, %mul3A_2] : memref<32x40960xf32, #tpu.memory_space<hbm>> -> memref<1x1280xf32, #tpu.memory_space<hbm>>
    %dma_wait3A_744 = tpu.memref_squeeze %dma_wait3A_743 : memref<1x1280xf32, #tpu.memory_space<hbm>> -> memref<1280xf32, #tpu.memory_space<hbm>>
    tpu.wait_dma2 semaphore(%arg6 : memref<!tpu.dma_semaphore, #tpu.memory_space<semaphore_mem>>) src(%dma_wait3A_744 : memref<1280xf32, #tpu.memory_space<hbm>>) dst(%dma_wait3A_742 : memref<1280xf32, #tpu.memory_space<vmem>>)
    %dma_wait3A_745 = arith.constant 30 : i32
    %dma_wait3A_746 = arith.constant 30 : i32
    %dma_wait3A_747 = arith.constant 0 : i32
    %dma_wait3A_748 = tpu.memref_slice %arg4[%dma_wait3A_746, %dma_wait3A_747] : memref<32x1280xf32, #tpu.memory_space<vmem>> -> memref<1x1280xf32, #tpu.memory_space<vmem>>
    %dma_wait3A_749 = tpu.memref_squeeze %dma_wait3A_748 : memref<1x1280xf32, #tpu.memory_space<vmem>> -> memref<1280xf32, #tpu.memory_space<vmem>>
    %dma_wait3A_750 = tpu.memref_slice %arg2[%dma_wait3A_745, %mul3A_2] : memref<32x40960xf32, #tpu.memory_space<hbm>> -> memref<1x1280xf32, #tpu.memory_space<hbm>>
    %dma_wait3A_751 = tpu.memref_squeeze %dma_wait3A_750 : memref<1x1280xf32, #tpu.memory_space<hbm>> -> memref<1280xf32, #tpu.memory_space<hbm>>
    %dma_wait3A_752 = arith.constant 0 : i32
    %dma_wait3A_753 = tpu.memref_slice %arg4[%dma_wait3A_746, %dma_wait3A_752] : memref<32x1280xf32, #tpu.memory_space<vmem>> -> memref<1x1280xf32, #tpu.memory_space<vmem>>
    %dma_wait3A_754 = tpu.memref_squeeze %dma_wait3A_753 : memref<1x1280xf32, #tpu.memory_space<vmem>> -> memref<1280xf32, #tpu.memory_space<vmem>>
    %dma_wait3A_755 = tpu.memref_slice %arg2[%dma_wait3A_745, %mul3A_2] : memref<32x40960xf32, #tpu.memory_space<hbm>> -> memref<1x1280xf32, #tpu.memory_space<hbm>>
    %dma_wait3A_756 = tpu.memref_squeeze %dma_wait3A_755 : memref<1x1280xf32, #tpu.memory_space<hbm>> -> memref<1280xf32, #tpu.memory_space<hbm>>
    tpu.wait_dma2 semaphore(%arg6 : memref<!tpu.dma_semaphore, #tpu.memory_space<semaphore_mem>>) src(%dma_wait3A_756 : memref<1280xf32, #tpu.memory_space<hbm>>) dst(%dma_wait3A_754 : memref<1280xf32, #tpu.memory_space<vmem>>)
    %dma_wait3A_757 = arith.constant 31 : i32
    %dma_wait3A_758 = arith.constant 31 : i32
    %dma_wait3A_759 = arith.constant 0 : i32
    %dma_wait3A_760 = tpu.memref_slice %arg4[%dma_wait3A_758, %dma_wait3A_759] : memref<32x1280xf32, #tpu.memory_space<vmem>> -> memref<1x1280xf32, #tpu.memory_space<vmem>>
    %dma_wait3A_761 = tpu.memref_squeeze %dma_wait3A_760 : memref<1x1280xf32, #tpu.memory_space<vmem>> -> memref<1280xf32, #tpu.memory_space<vmem>>
    %dma_wait3A_762 = tpu.memref_slice %arg2[%dma_wait3A_757, %mul3A_2] : memref<32x40960xf32, #tpu.memory_space<hbm>> -> memref<1x1280xf32, #tpu.memory_space<hbm>>
    %dma_wait3A_763 = tpu.memref_squeeze %dma_wait3A_762 : memref<1x1280xf32, #tpu.memory_space<hbm>> -> memref<1280xf32, #tpu.memory_space<hbm>>
    %dma_wait3A_764 = arith.constant 0 : i32
    %dma_wait3A_765 = tpu.memref_slice %arg4[%dma_wait3A_758, %dma_wait3A_764] : memref<32x1280xf32, #tpu.memory_space<vmem>> -> memref<1x1280xf32, #tpu.memory_space<vmem>>
    %dma_wait3A_766 = tpu.memref_squeeze %dma_wait3A_765 : memref<1x1280xf32, #tpu.memory_space<vmem>> -> memref<1280xf32, #tpu.memory_space<vmem>>
    %dma_wait3A_767 = tpu.memref_slice %arg2[%dma_wait3A_757, %mul3A_2] : memref<32x40960xf32, #tpu.memory_space<hbm>> -> memref<1x1280xf32, #tpu.memory_space<hbm>>
    %dma_wait3A_768 = tpu.memref_squeeze %dma_wait3A_767 : memref<1x1280xf32, #tpu.memory_space<hbm>> -> memref<1280xf32, #tpu.memory_space<hbm>>
    tpu.wait_dma2 semaphore(%arg6 : memref<!tpu.dma_semaphore, #tpu.memory_space<semaphore_mem>>) src(%dma_wait3A_768 : memref<1280xf32, #tpu.memory_space<hbm>>) dst(%dma_wait3A_766 : memref<1280xf32, #tpu.memory_space<vmem>>)
    %scan3A = arith.constant 0 : i32
    %scan3A_769 = arith.constant 0 : i32
    %scan3A_770 = arith.constant 80 : i32
    %scan3A_771 = arith.addi %scan3A_769, %scan3A_770 : i32
    %scan3A_772 = arith.constant 1 : i32
    scf.for %scan3A_774 = %scan3A_769 to %scan3A_771 step %scan3A_772  : i32 {
      %mul3A_775 = arith.constant 16 : i32
      %mul3A_776 = arith.muli %scan3A_774, %mul3A_775 : i32
      %add3A_777 = vector.broadcast %mul3A_776 : i32 to vector<16xi32>
      %add3A_778 = arith.addi %add3A_777, %iota3A : vector<16xi32>
      %broadcast_in_dim3A = arith.constant 0 : i32
      %broadcast_in_dim3A_779 = vector.broadcast %broadcast_in_dim3A : i32 to vector<16xi32>
      %gather3A = tpu.vector_load_idx %arg4[%broadcast_in_dim3A_779, %add3A_778] : memref<32x1280xf32, #tpu.memory_space<vmem>>[vector<16xi32>, vector<16xi32>], vector<16xf32>,
      %broadcast_in_dim3A_780 = arith.constant 1 : i32
      %broadcast_in_dim3A_781 = vector.broadcast %broadcast_in_dim3A_780 : i32 to vector<16xi32>
      %gather3A_782 = tpu.vector_load_idx %arg4[%broadcast_in_dim3A_781, %add3A_778] : memref<32x1280xf32, #tpu.memory_space<vmem>>[vector<16xi32>, vector<16xi32>], vector<16xf32>,
      %add3A_783 = arith.addf %gather3A, %gather3A_782 : vector<16xf32>
      %broadcast_in_dim3A_784 = arith.constant 2 : i32
      %broadcast_in_dim3A_785 = vector.broadcast %broadcast_in_dim3A_784 : i32 to vector<16xi32>
      %gather3A_786 = tpu.vector_load_idx %arg4[%broadcast_in_dim3A_785, %add3A_778] : memref<32x1280xf32, #tpu.memory_space<vmem>>[vector<16xi32>, vector<16xi32>], vector<16xf32>,
      %add3A_787 = arith.addf %add3A_783, %gather3A_786 : vector<16xf32>
      %broadcast_in_dim3A_788 = arith.constant 3 : i32
      %broadcast_in_dim3A_789 = vector.broadcast %broadcast_in_dim3A_788 : i32 to vector<16xi32>
      %gather3A_790 = tpu.vector_load_idx %arg4[%broadcast_in_dim3A_789, %add3A_778] : memref<32x1280xf32, #tpu.memory_space<vmem>>[vector<16xi32>, vector<16xi32>], vector<16xf32>,
      %add3A_791 = arith.addf %add3A_787, %gather3A_790 : vector<16xf32>
      %broadcast_in_dim3A_792 = arith.constant 4 : i32
      %broadcast_in_dim3A_793 = vector.broadcast %broadcast_in_dim3A_792 : i32 to vector<16xi32>
      %gather3A_794 = tpu.vector_load_idx %arg4[%broadcast_in_dim3A_793, %add3A_778] : memref<32x1280xf32, #tpu.memory_space<vmem>>[vector<16xi32>, vector<16xi32>], vector<16xf32>,
      %add3A_795 = arith.addf %add3A_791, %gather3A_794 : vector<16xf32>
      %broadcast_in_dim3A_796 = arith.constant 5 : i32
      %broadcast_in_dim3A_797 = vector.broadcast %broadcast_in_dim3A_796 : i32 to vector<16xi32>
      %gather3A_798 = tpu.vector_load_idx %arg4[%broadcast_in_dim3A_797, %add3A_778] : memref<32x1280xf32, #tpu.memory_space<vmem>>[vector<16xi32>, vector<16xi32>], vector<16xf32>,
      %add3A_799 = arith.addf %add3A_795, %gather3A_798 : vector<16xf32>
      %broadcast_in_dim3A_800 = arith.constant 6 : i32
      %broadcast_in_dim3A_801 = vector.broadcast %broadcast_in_dim3A_800 : i32 to vector<16xi32>
      %gather3A_802 = tpu.vector_load_idx %arg4[%broadcast_in_dim3A_801, %add3A_778] : memref<32x1280xf32, #tpu.memory_space<vmem>>[vector<16xi32>, vector<16xi32>], vector<16xf32>,
      %add3A_803 = arith.addf %add3A_799, %gather3A_802 : vector<16xf32>
      %broadcast_in_dim3A_804 = arith.constant 7 : i32
      %broadcast_in_dim3A_805 = vector.broadcast %broadcast_in_dim3A_804 : i32 to vector<16xi32>
      %gather3A_806 = tpu.vector_load_idx %arg4[%broadcast_in_dim3A_805, %add3A_778] : memref<32x1280xf32, #tpu.memory_space<vmem>>[vector<16xi32>, vector<16xi32>], vector<16xf32>,
      %add3A_807 = arith.addf %add3A_803, %gather3A_806 : vector<16xf32>
      %broadcast_in_dim3A_808 = arith.constant 8 : i32
      %broadcast_in_dim3A_809 = vector.broadcast %broadcast_in_dim3A_808 : i32 to vector<16xi32>
      %gather3A_810 = tpu.vector_load_idx %arg4[%broadcast_in_dim3A_809, %add3A_778] : memref<32x1280xf32, #tpu.memory_space<vmem>>[vector<16xi32>, vector<16xi32>], vector<16xf32>,
      %add3A_811 = arith.addf %add3A_807, %gather3A_810 : vector<16xf32>
      %broadcast_in_dim3A_812 = arith.constant 9 : i32
      %broadcast_in_dim3A_813 = vector.broadcast %broadcast_in_dim3A_812 : i32 to vector<16xi32>
      %gather3A_814 = tpu.vector_load_idx %arg4[%broadcast_in_dim3A_813, %add3A_778] : memref<32x1280xf32, #tpu.memory_space<vmem>>[vector<16xi32>, vector<16xi32>], vector<16xf32>,
      %add3A_815 = arith.addf %add3A_811, %gather3A_814 : vector<16xf32>
      %broadcast_in_dim3A_816 = arith.constant 10 : i32
      %broadcast_in_dim3A_817 = vector.broadcast %broadcast_in_dim3A_816 : i32 to vector<16xi32>
      %gather3A_818 = tpu.vector_load_idx %arg4[%broadcast_in_dim3A_817, %add3A_778] : memref<32x1280xf32, #tpu.memory_space<vmem>>[vector<16xi32>, vector<16xi32>], vector<16xf32>,
      %add3A_819 = arith.addf %add3A_815, %gather3A_818 : vector<16xf32>
      %broadcast_in_dim3A_820 = arith.constant 11 : i32
      %broadcast_in_dim3A_821 = vector.broadcast %broadcast_in_dim3A_820 : i32 to vector<16xi32>
      %gather3A_822 = tpu.vector_load_idx %arg4[%broadcast_in_dim3A_821, %add3A_778] : memref<32x1280xf32, #tpu.memory_space<vmem>>[vector<16xi32>, vector<16xi32>], vector<16xf32>,
      %add3A_823 = arith.addf %add3A_819, %gather3A_822 : vector<16xf32>
      %broadcast_in_dim3A_824 = arith.constant 12 : i32
      %broadcast_in_dim3A_825 = vector.broadcast %broadcast_in_dim3A_824 : i32 to vector<16xi32>
      %gather3A_826 = tpu.vector_load_idx %arg4[%broadcast_in_dim3A_825, %add3A_778] : memref<32x1280xf32, #tpu.memory_space<vmem>>[vector<16xi32>, vector<16xi32>], vector<16xf32>,
      %add3A_827 = arith.addf %add3A_823, %gather3A_826 : vector<16xf32>
      %broadcast_in_dim3A_828 = arith.constant 13 : i32
      %broadcast_in_dim3A_829 = vector.broadcast %broadcast_in_dim3A_828 : i32 to vector<16xi32>
      %gather3A_830 = tpu.vector_load_idx %arg4[%broadcast_in_dim3A_829, %add3A_778] : memref<32x1280xf32, #tpu.memory_space<vmem>>[vector<16xi32>, vector<16xi32>], vector<16xf32>,
      %add3A_831 = arith.addf %add3A_827, %gather3A_830 : vector<16xf32>
      %broadcast_in_dim3A_832 = arith.constant 14 : i32
      %broadcast_in_dim3A_833 = vector.broadcast %broadcast_in_dim3A_832 : i32 to vector<16xi32>
      %gather3A_834 = tpu.vector_load_idx %arg4[%broadcast_in_dim3A_833, %add3A_778] : memref<32x1280xf32, #tpu.memory_space<vmem>>[vector<16xi32>, vector<16xi32>], vector<16xf32>,
      %add3A_835 = arith.addf %add3A_831, %gather3A_834 : vector<16xf32>
      %broadcast_in_dim3A_836 = arith.constant 15 : i32
      %broadcast_in_dim3A_837 = vector.broadcast %broadcast_in_dim3A_836 : i32 to vector<16xi32>
      %gather3A_838 = tpu.vector_load_idx %arg4[%broadcast_in_dim3A_837, %add3A_778] : memref<32x1280xf32, #tpu.memory_space<vmem>>[vector<16xi32>, vector<16xi32>], vector<16xf32>,
      %add3A_839 = arith.addf %add3A_835, %gather3A_838 : vector<16xf32>
      %broadcast_in_dim3A_840 = arith.constant 16 : i32
      %broadcast_in_dim3A_841 = vector.broadcast %broadcast_in_dim3A_840 : i32 to vector<16xi32>
      %gather3A_842 = tpu.vector_load_idx %arg4[%broadcast_in_dim3A_841, %add3A_778] : memref<32x1280xf32, #tpu.memory_space<vmem>>[vector<16xi32>, vector<16xi32>], vector<16xf32>,
      %add3A_843 = arith.addf %add3A_839, %gather3A_842 : vector<16xf32>
      %broadcast_in_dim3A_844 = arith.constant 17 : i32
      %broadcast_in_dim3A_845 = vector.broadcast %broadcast_in_dim3A_844 : i32 to vector<16xi32>
      %gather3A_846 = tpu.vector_load_idx %arg4[%broadcast_in_dim3A_845, %add3A_778] : memref<32x1280xf32, #tpu.memory_space<vmem>>[vector<16xi32>, vector<16xi32>], vector<16xf32>,
      %add3A_847 = arith.addf %add3A_843, %gather3A_846 : vector<16xf32>
      %broadcast_in_dim3A_848 = arith.constant 18 : i32
      %broadcast_in_dim3A_849 = vector.broadcast %broadcast_in_dim3A_848 : i32 to vector<16xi32>
      %gather3A_850 = tpu.vector_load_idx %arg4[%broadcast_in_dim3A_849, %add3A_778] : memref<32x1280xf32, #tpu.memory_space<vmem>>[vector<16xi32>, vector<16xi32>], vector<16xf32>,
      %add3A_851 = arith.addf %add3A_847, %gather3A_850 : vector<16xf32>
      %broadcast_in_dim3A_852 = arith.constant 19 : i32
      %broadcast_in_dim3A_853 = vector.broadcast %broadcast_in_dim3A_852 : i32 to vector<16xi32>
      %gather3A_854 = tpu.vector_load_idx %arg4[%broadcast_in_dim3A_853, %add3A_778] : memref<32x1280xf32, #tpu.memory_space<vmem>>[vector<16xi32>, vector<16xi32>], vector<16xf32>,
      %add3A_855 = arith.addf %add3A_851, %gather3A_854 : vector<16xf32>
      %broadcast_in_dim3A_856 = arith.constant 20 : i32
      %broadcast_in_dim3A_857 = vector.broadcast %broadcast_in_dim3A_856 : i32 to vector<16xi32>
      %gather3A_858 = tpu.vector_load_idx %arg4[%broadcast_in_dim3A_857, %add3A_778] : memref<32x1280xf32, #tpu.memory_space<vmem>>[vector<16xi32>, vector<16xi32>], vector<16xf32>,
      %add3A_859 = arith.addf %add3A_855, %gather3A_858 : vector<16xf32>
      %broadcast_in_dim3A_860 = arith.constant 21 : i32
      %broadcast_in_dim3A_861 = vector.broadcast %broadcast_in_dim3A_860 : i32 to vector<16xi32>
      %gather3A_862 = tpu.vector_load_idx %arg4[%broadcast_in_dim3A_861, %add3A_778] : memref<32x1280xf32, #tpu.memory_space<vmem>>[vector<16xi32>, vector<16xi32>], vector<16xf32>,
      %add3A_863 = arith.addf %add3A_859, %gather3A_862 : vector<16xf32>
      %broadcast_in_dim3A_864 = arith.constant 22 : i32
      %broadcast_in_dim3A_865 = vector.broadcast %broadcast_in_dim3A_864 : i32 to vector<16xi32>
      %gather3A_866 = tpu.vector_load_idx %arg4[%broadcast_in_dim3A_865, %add3A_778] : memref<32x1280xf32, #tpu.memory_space<vmem>>[vector<16xi32>, vector<16xi32>], vector<16xf32>,
      %add3A_867 = arith.addf %add3A_863, %gather3A_866 : vector<16xf32>
      %broadcast_in_dim3A_868 = arith.constant 23 : i32
      %broadcast_in_dim3A_869 = vector.broadcast %broadcast_in_dim3A_868 : i32 to vector<16xi32>
      %gather3A_870 = tpu.vector_load_idx %arg4[%broadcast_in_dim3A_869, %add3A_778] : memref<32x1280xf32, #tpu.memory_space<vmem>>[vector<16xi32>, vector<16xi32>], vector<16xf32>,
      %add3A_871 = arith.addf %add3A_867, %gather3A_870 : vector<16xf32>
      %broadcast_in_dim3A_872 = arith.constant 24 : i32
      %broadcast_in_dim3A_873 = vector.broadcast %broadcast_in_dim3A_872 : i32 to vector<16xi32>
      %gather3A_874 = tpu.vector_load_idx %arg4[%broadcast_in_dim3A_873, %add3A_778] : memref<32x1280xf32, #tpu.memory_space<vmem>>[vector<16xi32>, vector<16xi32>], vector<16xf32>,
      %add3A_875 = arith.addf %add3A_871, %gather3A_874 : vector<16xf32>
      %broadcast_in_dim3A_876 = arith.constant 25 : i32
      %broadcast_in_dim3A_877 = vector.broadcast %broadcast_in_dim3A_876 : i32 to vector<16xi32>
      %gather3A_878 = tpu.vector_load_idx %arg4[%broadcast_in_dim3A_877, %add3A_778] : memref<32x1280xf32, #tpu.memory_space<vmem>>[vector<16xi32>, vector<16xi32>], vector<16xf32>,
      %add3A_879 = arith.addf %add3A_875, %gather3A_878 : vector<16xf32>
      %broadcast_in_dim3A_880 = arith.constant 26 : i32
      %broadcast_in_dim3A_881 = vector.broadcast %broadcast_in_dim3A_880 : i32 to vector<16xi32>
      %gather3A_882 = tpu.vector_load_idx %arg4[%broadcast_in_dim3A_881, %add3A_778] : memref<32x1280xf32, #tpu.memory_space<vmem>>[vector<16xi32>, vector<16xi32>], vector<16xf32>,
      %add3A_883 = arith.addf %add3A_879, %gather3A_882 : vector<16xf32>
      %broadcast_in_dim3A_884 = arith.constant 27 : i32
      %broadcast_in_dim3A_885 = vector.broadcast %broadcast_in_dim3A_884 : i32 to vector<16xi32>
      %gather3A_886 = tpu.vector_load_idx %arg4[%broadcast_in_dim3A_885, %add3A_778] : memref<32x1280xf32, #tpu.memory_space<vmem>>[vector<16xi32>, vector<16xi32>], vector<16xf32>,
      %add3A_887 = arith.addf %add3A_883, %gather3A_886 : vector<16xf32>
      %broadcast_in_dim3A_888 = arith.constant 28 : i32
      %broadcast_in_dim3A_889 = vector.broadcast %broadcast_in_dim3A_888 : i32 to vector<16xi32>
      %gather3A_890 = tpu.vector_load_idx %arg4[%broadcast_in_dim3A_889, %add3A_778] : memref<32x1280xf32, #tpu.memory_space<vmem>>[vector<16xi32>, vector<16xi32>], vector<16xf32>,
      %add3A_891 = arith.addf %add3A_887, %gather3A_890 : vector<16xf32>
      %broadcast_in_dim3A_892 = arith.constant 29 : i32
      %broadcast_in_dim3A_893 = vector.broadcast %broadcast_in_dim3A_892 : i32 to vector<16xi32>
      %gather3A_894 = tpu.vector_load_idx %arg4[%broadcast_in_dim3A_893, %add3A_778] : memref<32x1280xf32, #tpu.memory_space<vmem>>[vector<16xi32>, vector<16xi32>], vector<16xf32>,
      %add3A_895 = arith.addf %add3A_891, %gather3A_894 : vector<16xf32>
      %broadcast_in_dim3A_896 = arith.constant 30 : i32
      %broadcast_in_dim3A_897 = vector.broadcast %broadcast_in_dim3A_896 : i32 to vector<16xi32>
      %gather3A_898 = tpu.vector_load_idx %arg4[%broadcast_in_dim3A_897, %add3A_778] : memref<32x1280xf32, #tpu.memory_space<vmem>>[vector<16xi32>, vector<16xi32>], vector<16xf32>,
      %add3A_899 = arith.addf %add3A_895, %gather3A_898 : vector<16xf32>
      %broadcast_in_dim3A_900 = arith.constant 31 : i32
      %broadcast_in_dim3A_901 = vector.broadcast %broadcast_in_dim3A_900 : i32 to vector<16xi32>
      %gather3A_902 = tpu.vector_load_idx %arg4[%broadcast_in_dim3A_901, %add3A_778] : memref<32x1280xf32, #tpu.memory_space<vmem>>[vector<16xi32>, vector<16xi32>], vector<16xf32>,
      %add3A_903 = arith.addf %add3A_899, %gather3A_902 : vector<16xf32>
      tpu.vector_store_idx %arg5[%add3A_778], %add3A_903 : memref<1280xf32, #tpu.memory_space<vmem>>[vector<16xi32>], vector<16xf32>,
    }
    %scan3A_773 = arith.constant 80 : i32
    "tpu.region"() ({
      %run_scoped3A = tpu.sem_alloc : memref<!tpu.dma_semaphore, #tpu.memory_space<semaphore_mem>>
      %dma_start3A_774 = tpu.memref_slice %arg3[%mul3A_2] : memref<40960xf32, #tpu.memory_space<hbm>> -> memref<1280xf32, #tpu.memory_space<hbm>>
      %dma_start3A_775 = tpu.memref_slice %arg3[%mul3A_2] : memref<40960xf32, #tpu.memory_space<hbm>> -> memref<1280xf32, #tpu.memory_space<hbm>>
      tpu.enqueue_dma source(%arg5 : memref<1280xf32, #tpu.memory_space<vmem>>) target(%dma_start3A_775 : memref<1280xf32, #tpu.memory_space<hbm>>) target_semaphore(%run_scoped3A : memref<!tpu.dma_semaphore, #tpu.memory_space<semaphore_mem>>)
      %dma_wait3A_776 = tpu.memref_slice %arg3[%mul3A_2] : memref<40960xf32, #tpu.memory_space<hbm>> -> memref<1280xf32, #tpu.memory_space<hbm>>
      %dma_wait3A_777 = tpu.memref_slice %arg3[%mul3A_2] : memref<40960xf32, #tpu.memory_space<hbm>> -> memref<1280xf32, #tpu.memory_space<hbm>>
      tpu.wait_dma2 semaphore(%run_scoped3A : memref<!tpu.dma_semaphore, #tpu.memory_space<semaphore_mem>>) src(%arg5 : memref<1280xf32, #tpu.memory_space<vmem>>) dst(%dma_wait3A_777 : memref<1280xf32, #tpu.memory_space<hbm>>)
      tpu.yield
    }) : () -> ()
    return
  }
}

module attributes {stable_mosaic.version = 14 : i64} {
  func.func @_node_body(%arg0: i32, %arg1: memref<1024x1xi32, #tpu.memory_space<vmem>>, %arg2: memref<1024x4xi32, #tpu.memory_space<vmem>>, %arg3: memref<1024x4xi32, #tpu.memory_space<vmem>>, %arg4: memref<1024x1xi32, #tpu.memory_space<vmem>>, %arg5: memref<1024x4xf32, #tpu.memory_space<vmem>>, %arg6: memref<1024x4xf32, #tpu.memory_space<vmem>>, %arg7: memref<100x64xf32, #tpu.memory_space<vmem>>, %arg8: memref<10x64xf32, #tpu.memory_space<vmem>>, %arg9: memref<10x64xf32, #tpu.memory_space<vmem>>, %arg10: memref<10x64xf32, #tpu.memory_space<vmem>>, %arg11: memref<10x64xf32, #tpu.memory_space<vmem>>, %arg12: memref<64x1xf32, #tpu.memory_space<vmem>>, %arg13: memref<64x20xf32, #tpu.memory_space<vmem>>, %arg14: memref<64x20xf32, #tpu.memory_space<vmem>>, %arg15: memref<1x20xf32, #tpu.memory_space<vmem>>, %arg16: memref<1024x8xf32, #tpu.memory_space<vmem>>, %arg17: memref<1024x32xf32, #tpu.memory_space<vmem>>) attributes {dimension_semantics = [#tpu.dimension_semantics<arbitrary>], iteration_bounds = array<i64: 10>, scalar_prefetch = 0 : i64, scratch_operands = 0 : i64, tpu.core_type = #tpu.core_type<tc>, window_params = [{transform_indices = @transform_0, window_bounds = array<i64: 1024, 1>}, {transform_indices = @transform_1, window_bounds = array<i64: 1024, 4>}, {transform_indices = @transform_2, window_bounds = array<i64: 1024, 4>}, {transform_indices = @transform_3, window_bounds = array<i64: 1024, 1>}, {transform_indices = @transform_4, window_bounds = array<i64: 1024, 4>}, {transform_indices = @transform_5, window_bounds = array<i64: 1024, 4>}, {pipeline_mode = #tpu.pipeline_mode<synchronous>, transform_indices = @transform_6, window_bounds = array<i64: 100, 64>}, {pipeline_mode = #tpu.pipeline_mode<synchronous>, transform_indices = @transform_7, window_bounds = array<i64: 10, 64>}, {pipeline_mode = #tpu.pipeline_mode<synchronous>, transform_indices = @transform_8, window_bounds = array<i64: 10, 64>}, {pipeline_mode = #tpu.pipeline_mode<synchronous>, transform_indices = @transform_9, window_bounds = array<i64: 10, 64>}, {pipeline_mode = #tpu.pipeline_mode<synchronous>, transform_indices = @transform_10, window_bounds = array<i64: 10, 64>}, {pipeline_mode = #tpu.pipeline_mode<synchronous>, transform_indices = @transform_11, window_bounds = array<i64: 64, 1>}, {pipeline_mode = #tpu.pipeline_mode<synchronous>, transform_indices = @transform_12, window_bounds = array<i64: 64, 20>}, {pipeline_mode = #tpu.pipeline_mode<synchronous>, transform_indices = @transform_13, window_bounds = array<i64: 64, 20>}, {pipeline_mode = #tpu.pipeline_mode<synchronous>, transform_indices = @transform_14, window_bounds = array<i64: 1, 20>}, {transform_indices = @transform_15, window_bounds = array<i64: 1024, 8>}, {transform_indices = @transform_16, window_bounds = array<i64: 1024, 32>}]} {
    %get3A = arith.constant 0 : index
    %get3A_0 = arith.constant 0 : index
    %get3A_1 = vector.load %arg1[%get3A, %get3A_0] : memref<1024x1xi32, #tpu.memory_space<vmem>>, vector<1024x1xi32>
    %iota3A = tpu.iota {dimensions = array<i32: 1>} : vector<1024x100xi32>
    %eq3A = vector.broadcast %get3A_1 : vector<1024x1xi32> to vector<1024x100xi32>
    %eq3A_2 = arith.cmpi eq, %eq3A, %iota3A : vector<1024x100xi32>
    %convert_element_type3A = arith.extui %eq3A_2 : vector<1024x100xi1> to vector<1024x100xi32>
    %convert_element_type3A_3 = arith.sitofp %convert_element_type3A : vector<1024x100xi32> to vector<1024x100xf32>
    %get3A_4 = arith.constant 0 : index
    %get3A_5 = arith.constant 0 : index
    %get3A_6 = vector.load %arg7[%get3A_4, %get3A_5] : memref<100x64xf32, #tpu.memory_space<vmem>>, vector<100x64xf32>
    %dot_general3A = arith.constant dense<0.000000e+00> : vector<1024x64xf32>
    %dot_general3A_7 = tpu.matmul %convert_element_type3A_3, %get3A_6, %dot_general3A {dimension_numbers = #tpu.dot_dimension_numbers<[1], [0], [0], [1], [0, 0, 1, 1], [], []>, transpose_lhs_hint = false} : vector<1024x100xf32>, vector<100x64xf32>, vector<1024x64xf32> -> vector<1024x64xf32>
    %get3A_8 = arith.constant 0 : index
    %get3A_9 = arith.constant 0 : index
    %get3A_10 = vector.load %arg2[%get3A_8, %get3A_9] : memref<1024x4xi32, #tpu.memory_space<vmem>>, vector<1024x1xi32>
    %iota3A_11 = tpu.iota {dimensions = array<i32: 1>} : vector<1024x10xi32>
    %eq3A_12 = vector.broadcast %get3A_10 : vector<1024x1xi32> to vector<1024x10xi32>
    %eq3A_13 = arith.cmpi eq, %eq3A_12, %iota3A_11 : vector<1024x10xi32>
    %convert_element_type3A_14 = arith.extui %eq3A_13 : vector<1024x10xi1> to vector<1024x10xi32>
    %convert_element_type3A_15 = arith.sitofp %convert_element_type3A_14 : vector<1024x10xi32> to vector<1024x10xf32>
    %get3A_16 = arith.constant 0 : index
    %get3A_17 = arith.constant 0 : index
    %get3A_18 = vector.load %arg8[%get3A_16, %get3A_17] : memref<10x64xf32, #tpu.memory_space<vmem>>, vector<10x64xf32>
    %dot_general3A_19 = arith.constant dense<0.000000e+00> : vector<1024x64xf32>
    %dot_general3A_20 = tpu.matmul %convert_element_type3A_15, %get3A_18, %dot_general3A_19 {dimension_numbers = #tpu.dot_dimension_numbers<[1], [0], [0], [1], [0, 0, 1, 1], [], []>, transpose_lhs_hint = false} : vector<1024x10xf32>, vector<10x64xf32>, vector<1024x64xf32> -> vector<1024x64xf32>
    %get3A_21 = arith.constant 0 : index
    %get3A_22 = arith.constant 1 : index
    %get3A_23 = vector.load %arg2[%get3A_21, %get3A_22] : memref<1024x4xi32, #tpu.memory_space<vmem>>, vector<1024x1xi32>
    %iota3A_24 = tpu.iota {dimensions = array<i32: 1>} : vector<1024x10xi32>
    %eq3A_25 = vector.broadcast %get3A_23 : vector<1024x1xi32> to vector<1024x10xi32>
    %eq3A_26 = arith.cmpi eq, %eq3A_25, %iota3A_24 : vector<1024x10xi32>
    %convert_element_type3A_27 = arith.extui %eq3A_26 : vector<1024x10xi1> to vector<1024x10xi32>
    %convert_element_type3A_28 = arith.sitofp %convert_element_type3A_27 : vector<1024x10xi32> to vector<1024x10xf32>
    %get3A_29 = arith.constant 0 : index
    %get3A_30 = arith.constant 0 : index
    %get3A_31 = vector.load %arg9[%get3A_29, %get3A_30] : memref<10x64xf32, #tpu.memory_space<vmem>>, vector<10x64xf32>
    %dot_general3A_32 = arith.constant dense<0.000000e+00> : vector<1024x64xf32>
    %dot_general3A_33 = tpu.matmul %convert_element_type3A_28, %get3A_31, %dot_general3A_32 {dimension_numbers = #tpu.dot_dimension_numbers<[1], [0], [0], [1], [0, 0, 1, 1], [], []>, transpose_lhs_hint = false} : vector<1024x10xf32>, vector<10x64xf32>, vector<1024x64xf32> -> vector<1024x64xf32>
    %add3A = arith.addf %dot_general3A_20, %dot_general3A_33 : vector<1024x64xf32>
    %get3A_34 = arith.constant 0 : index
    %get3A_35 = arith.constant 2 : index
    %get3A_36 = vector.load %arg2[%get3A_34, %get3A_35] : memref<1024x4xi32, #tpu.memory_space<vmem>>, vector<1024x1xi32>
    %iota3A_37 = tpu.iota {dimensions = array<i32: 1>} : vector<1024x10xi32>
    %eq3A_38 = vector.broadcast %get3A_36 : vector<1024x1xi32> to vector<1024x10xi32>
    %eq3A_39 = arith.cmpi eq, %eq3A_38, %iota3A_37 : vector<1024x10xi32>
    %convert_element_type3A_40 = arith.extui %eq3A_39 : vector<1024x10xi1> to vector<1024x10xi32>
    %convert_element_type3A_41 = arith.sitofp %convert_element_type3A_40 : vector<1024x10xi32> to vector<1024x10xf32>
    %get3A_42 = arith.constant 0 : index
    %get3A_43 = arith.constant 0 : index
    %get3A_44 = vector.load %arg10[%get3A_42, %get3A_43] : memref<10x64xf32, #tpu.memory_space<vmem>>, vector<10x64xf32>
    %dot_general3A_45 = arith.constant dense<0.000000e+00> : vector<1024x64xf32>
    %dot_general3A_46 = tpu.matmul %convert_element_type3A_41, %get3A_44, %dot_general3A_45 {dimension_numbers = #tpu.dot_dimension_numbers<[1], [0], [0], [1], [0, 0, 1, 1], [], []>, transpose_lhs_hint = false} : vector<1024x10xf32>, vector<10x64xf32>, vector<1024x64xf32> -> vector<1024x64xf32>
    %add3A_47 = arith.addf %add3A, %dot_general3A_46 : vector<1024x64xf32>
    %get3A_48 = arith.constant 0 : index
    %get3A_49 = arith.constant 3 : index
    %get3A_50 = vector.load %arg2[%get3A_48, %get3A_49] : memref<1024x4xi32, #tpu.memory_space<vmem>>, vector<1024x1xi32>
    %iota3A_51 = tpu.iota {dimensions = array<i32: 1>} : vector<1024x10xi32>
    %eq3A_52 = vector.broadcast %get3A_50 : vector<1024x1xi32> to vector<1024x10xi32>
    %eq3A_53 = arith.cmpi eq, %eq3A_52, %iota3A_51 : vector<1024x10xi32>
    %convert_element_type3A_54 = arith.extui %eq3A_53 : vector<1024x10xi1> to vector<1024x10xi32>
    %convert_element_type3A_55 = arith.sitofp %convert_element_type3A_54 : vector<1024x10xi32> to vector<1024x10xf32>
    %get3A_56 = arith.constant 0 : index
    %get3A_57 = arith.constant 0 : index
    %get3A_58 = vector.load %arg11[%get3A_56, %get3A_57] : memref<10x64xf32, #tpu.memory_space<vmem>>, vector<10x64xf32>
    %dot_general3A_59 = arith.constant dense<0.000000e+00> : vector<1024x64xf32>
    %dot_general3A_60 = tpu.matmul %convert_element_type3A_55, %get3A_58, %dot_general3A_59 {dimension_numbers = #tpu.dot_dimension_numbers<[1], [0], [0], [1], [0, 0, 1, 1], [], []>, transpose_lhs_hint = false} : vector<1024x10xf32>, vector<10x64xf32>, vector<1024x64xf32> -> vector<1024x64xf32>
    %add3A_61 = arith.addf %add3A_47, %dot_general3A_60 : vector<1024x64xf32>
    %get3A_62 = arith.constant 0 : index
    %get3A_63 = arith.constant 0 : index
    %get3A_64 = vector.load %arg3[%get3A_62, %get3A_63] : memref<1024x4xi32, #tpu.memory_space<vmem>>, vector<1024x1xi32>
    %iota3A_65 = tpu.iota {dimensions = array<i32: 1>} : vector<1024x10xi32>
    %eq3A_66 = vector.broadcast %get3A_64 : vector<1024x1xi32> to vector<1024x10xi32>
    %eq3A_67 = arith.cmpi eq, %eq3A_66, %iota3A_65 : vector<1024x10xi32>
    %convert_element_type3A_68 = arith.extui %eq3A_67 : vector<1024x10xi1> to vector<1024x10xi32>
    %convert_element_type3A_69 = arith.sitofp %convert_element_type3A_68 : vector<1024x10xi32> to vector<1024x10xf32>
    %get3A_70 = arith.constant 0 : index
    %get3A_71 = arith.constant 0 : index
    %get3A_72 = vector.load %arg8[%get3A_70, %get3A_71] : memref<10x64xf32, #tpu.memory_space<vmem>>, vector<10x64xf32>
    %dot_general3A_73 = arith.constant dense<0.000000e+00> : vector<1024x64xf32>
    %dot_general3A_74 = tpu.matmul %convert_element_type3A_69, %get3A_72, %dot_general3A_73 {dimension_numbers = #tpu.dot_dimension_numbers<[1], [0], [0], [1], [0, 0, 1, 1], [], []>, transpose_lhs_hint = false} : vector<1024x10xf32>, vector<10x64xf32>, vector<1024x64xf32> -> vector<1024x64xf32>
    %get3A_75 = arith.constant 0 : index
    %get3A_76 = arith.constant 1 : index
    %get3A_77 = vector.load %arg3[%get3A_75, %get3A_76] : memref<1024x4xi32, #tpu.memory_space<vmem>>, vector<1024x1xi32>
    %iota3A_78 = tpu.iota {dimensions = array<i32: 1>} : vector<1024x10xi32>
    %eq3A_79 = vector.broadcast %get3A_77 : vector<1024x1xi32> to vector<1024x10xi32>
    %eq3A_80 = arith.cmpi eq, %eq3A_79, %iota3A_78 : vector<1024x10xi32>
    %convert_element_type3A_81 = arith.extui %eq3A_80 : vector<1024x10xi1> to vector<1024x10xi32>
    %convert_element_type3A_82 = arith.sitofp %convert_element_type3A_81 : vector<1024x10xi32> to vector<1024x10xf32>
    %get3A_83 = arith.constant 0 : index
    %get3A_84 = arith.constant 0 : index
    %get3A_85 = vector.load %arg9[%get3A_83, %get3A_84] : memref<10x64xf32, #tpu.memory_space<vmem>>, vector<10x64xf32>
    %dot_general3A_86 = arith.constant dense<0.000000e+00> : vector<1024x64xf32>
    %dot_general3A_87 = tpu.matmul %convert_element_type3A_82, %get3A_85, %dot_general3A_86 {dimension_numbers = #tpu.dot_dimension_numbers<[1], [0], [0], [1], [0, 0, 1, 1], [], []>, transpose_lhs_hint = false} : vector<1024x10xf32>, vector<10x64xf32>, vector<1024x64xf32> -> vector<1024x64xf32>
    %add3A_88 = arith.addf %dot_general3A_74, %dot_general3A_87 : vector<1024x64xf32>
    %get3A_89 = arith.constant 0 : index
    %get3A_90 = arith.constant 2 : index
    %get3A_91 = vector.load %arg3[%get3A_89, %get3A_90] : memref<1024x4xi32, #tpu.memory_space<vmem>>, vector<1024x1xi32>
    %iota3A_92 = tpu.iota {dimensions = array<i32: 1>} : vector<1024x10xi32>
    %eq3A_93 = vector.broadcast %get3A_91 : vector<1024x1xi32> to vector<1024x10xi32>
    %eq3A_94 = arith.cmpi eq, %eq3A_93, %iota3A_92 : vector<1024x10xi32>
    %convert_element_type3A_95 = arith.extui %eq3A_94 : vector<1024x10xi1> to vector<1024x10xi32>
    %convert_element_type3A_96 = arith.sitofp %convert_element_type3A_95 : vector<1024x10xi32> to vector<1024x10xf32>
    %get3A_97 = arith.constant 0 : index
    %get3A_98 = arith.constant 0 : index
    %get3A_99 = vector.load %arg10[%get3A_97, %get3A_98] : memref<10x64xf32, #tpu.memory_space<vmem>>, vector<10x64xf32>
    %dot_general3A_100 = arith.constant dense<0.000000e+00> : vector<1024x64xf32>
    %dot_general3A_101 = tpu.matmul %convert_element_type3A_96, %get3A_99, %dot_general3A_100 {dimension_numbers = #tpu.dot_dimension_numbers<[1], [0], [0], [1], [0, 0, 1, 1], [], []>, transpose_lhs_hint = false} : vector<1024x10xf32>, vector<10x64xf32>, vector<1024x64xf32> -> vector<1024x64xf32>
    %add3A_102 = arith.addf %add3A_88, %dot_general3A_101 : vector<1024x64xf32>
    %get3A_103 = arith.constant 0 : index
    %get3A_104 = arith.constant 3 : index
    %get3A_105 = vector.load %arg3[%get3A_103, %get3A_104] : memref<1024x4xi32, #tpu.memory_space<vmem>>, vector<1024x1xi32>
    %iota3A_106 = tpu.iota {dimensions = array<i32: 1>} : vector<1024x10xi32>
    %eq3A_107 = vector.broadcast %get3A_105 : vector<1024x1xi32> to vector<1024x10xi32>
    %eq3A_108 = arith.cmpi eq, %eq3A_107, %iota3A_106 : vector<1024x10xi32>
    %convert_element_type3A_109 = arith.extui %eq3A_108 : vector<1024x10xi1> to vector<1024x10xi32>
    %convert_element_type3A_110 = arith.sitofp %convert_element_type3A_109 : vector<1024x10xi32> to vector<1024x10xf32>
    %get3A_111 = arith.constant 0 : index
    %get3A_112 = arith.constant 0 : index
    %get3A_113 = vector.load %arg11[%get3A_111, %get3A_112] : memref<10x64xf32, #tpu.memory_space<vmem>>, vector<10x64xf32>
    %dot_general3A_114 = arith.constant dense<0.000000e+00> : vector<1024x64xf32>
    %dot_general3A_115 = tpu.matmul %convert_element_type3A_110, %get3A_113, %dot_general3A_114 {dimension_numbers = #tpu.dot_dimension_numbers<[1], [0], [0], [1], [0, 0, 1, 1], [], []>, transpose_lhs_hint = false} : vector<1024x10xf32>, vector<10x64xf32>, vector<1024x64xf32> -> vector<1024x64xf32>
    %add3A_116 = arith.addf %add3A_102, %dot_general3A_115 : vector<1024x64xf32>
    %get3A_117 = arith.constant 0 : index
    %get3A_118 = arith.constant 0 : index
    %get3A_119 = vector.load %arg4[%get3A_117, %get3A_118] : memref<1024x1xi32, #tpu.memory_space<vmem>>, vector<1024x1xi32>
    %iota3A_120 = tpu.iota {dimensions = array<i32: 1>} : vector<1024x64xi32>
    %eq3A_121 = vector.broadcast %get3A_119 : vector<1024x1xi32> to vector<1024x64xi32>
    %eq3A_122 = arith.cmpi eq, %eq3A_121, %iota3A_120 : vector<1024x64xi32>
    %convert_element_type3A_123 = arith.extui %eq3A_122 : vector<1024x64xi1> to vector<1024x64xi32>
    %convert_element_type3A_124 = arith.sitofp %convert_element_type3A_123 : vector<1024x64xi32> to vector<1024x64xf32>
    %get3A_125 = arith.constant 0 : index
    %get3A_126 = arith.constant 0 : index
    %get3A_127 = vector.load %arg12[%get3A_125, %get3A_126] : memref<64x1xf32, #tpu.memory_space<vmem>>, vector<64x1xf32>
    %dot_general3A_128 = arith.constant dense<0.000000e+00> : vector<1024x1xf32>
    %dot_general3A_129 = tpu.matmul %convert_element_type3A_124, %get3A_127, %dot_general3A_128 {dimension_numbers = #tpu.dot_dimension_numbers<[1], [0], [0], [1], [0, 0, 1, 1], [], []>, transpose_lhs_hint = false} : vector<1024x64xf32>, vector<64x1xf32>, vector<1024x1xf32> -> vector<1024x1xf32>
    %mul3A = arith.mulf %dot_general3A_7, %add3A_61 : vector<1024x64xf32>
    %get3A_130 = arith.constant 0 : index
    %get3A_131 = arith.constant 0 : index
    %get3A_132 = vector.load %arg13[%get3A_130, %get3A_131] : memref<64x20xf32, #tpu.memory_space<vmem>>, vector<64x20xf32>
    %dot_general3A_133 = arith.constant dense<0.000000e+00> : vector<1024x20xf32>
    %dot_general3A_134 = tpu.matmul %mul3A, %get3A_132, %dot_general3A_133 {dimension_numbers = #tpu.dot_dimension_numbers<[1], [0], [0], [1], [0, 0, 1, 1], [], []>, transpose_lhs_hint = false} : vector<1024x64xf32>, vector<64x20xf32>, vector<1024x20xf32> -> vector<1024x20xf32>
    %mul3A_135 = arith.mulf %dot_general3A_7, %add3A_116 : vector<1024x64xf32>
    %get3A_136 = arith.constant 0 : index
    %get3A_137 = arith.constant 0 : index
    %get3A_138 = vector.load %arg14[%get3A_136, %get3A_137] : memref<64x20xf32, #tpu.memory_space<vmem>>, vector<64x20xf32>
    %dot_general3A_139 = arith.constant dense<0.000000e+00> : vector<1024x20xf32>
    %dot_general3A_140 = tpu.matmul %mul3A_135, %get3A_138, %dot_general3A_139 {dimension_numbers = #tpu.dot_dimension_numbers<[1], [0], [0], [1], [0, 0, 1, 1], [], []>, transpose_lhs_hint = false} : vector<1024x64xf32>, vector<64x20xf32>, vector<1024x20xf32> -> vector<1024x20xf32>
    %add3A_141 = arith.addf %dot_general3A_134, %dot_general3A_140 : vector<1024x20xf32>
    %get3A_142 = arith.constant 0 : index
    %get3A_143 = arith.constant 0 : index
    %get3A_144 = vector.load %arg15[%get3A_142, %get3A_143] : memref<1x20xf32, #tpu.memory_space<vmem>>, vector<1x20xf32>
    %mul3A_145 = vector.broadcast %dot_general3A_129 : vector<1024x1xf32> to vector<1024x20xf32>
    %mul3A_146 = vector.broadcast %get3A_144 : vector<1x20xf32> to vector<1024x20xf32>
    %mul3A_147 = arith.mulf %mul3A_145, %mul3A_146 : vector<1024x20xf32>
    %add3A_148 = arith.addf %add3A_141, %mul3A_147 : vector<1024x20xf32>
    %get3A_149 = arith.constant 0 : index
    %get3A_150 = arith.constant 0 : index
    %get3A_151 = vector.load %arg5[%get3A_149, %get3A_150] : memref<1024x4xf32, #tpu.memory_space<vmem>>, vector<1024x4xf32>
    %get3A_152 = arith.constant 0 : index
    %get3A_153 = arith.constant 0 : index
    %get3A_154 = vector.load %arg6[%get3A_152, %get3A_153] : memref<1024x4xf32, #tpu.memory_space<vmem>>, vector<1024x4xf32>
    %concatenate3A = tpu.concatenate %get3A_151, %get3A_154 in 1 : vector<1024x4xf32>, vector<1024x4xf32> -> vector<1024x8xf32>
    %swap3A = arith.constant 0 : index
    %swap3A_155 = arith.constant 0 : index
    %swap3A_156 = vector.load %arg16[%swap3A, %swap3A_155] : memref<1024x8xf32, #tpu.memory_space<vmem>>, vector<1024x8xf32>
    tpu.vector_store %arg16[%swap3A, %swap3A_155], %concatenate3A {strides = array<i32>} : memref<1024x8xf32, #tpu.memory_space<vmem>>, vector<1024x8xf32>,
    %get3A_157 = arith.constant 0 : index
    %get3A_158 = arith.constant 0 : index
    %get3A_159 = vector.load %arg5[%get3A_157, %get3A_158] : memref<1024x4xf32, #tpu.memory_space<vmem>>, vector<1024x4xf32>
    %get3A_160 = arith.constant 0 : index
    %get3A_161 = arith.constant 0 : index
    %get3A_162 = vector.load %arg6[%get3A_160, %get3A_161] : memref<1024x4xf32, #tpu.memory_space<vmem>>, vector<1024x4xf32>
    %broadcast_in_dim3A = arith.constant 0.000000e+00 : f32
    %broadcast_in_dim3A_163 = vector.broadcast %broadcast_in_dim3A : f32 to vector<1024x4xf32>
    %concatenate3A_164 = tpu.concatenate %get3A_159, %get3A_162, %add3A_148, %broadcast_in_dim3A_163 in 1 : vector<1024x4xf32>, vector<1024x4xf32>, vector<1024x20xf32>, vector<1024x4xf32> -> vector<1024x32xf32>
    %swap3A_165 = arith.constant 0 : index
    %swap3A_166 = arith.constant 0 : index
    %swap3A_167 = vector.load %arg17[%swap3A_165, %swap3A_166] : memref<1024x32xf32, #tpu.memory_space<vmem>>, vector<1024x32xf32>
    tpu.vector_store %arg17[%swap3A_165, %swap3A_166], %concatenate3A_164 {strides = array<i32>} : memref<1024x32xf32, #tpu.memory_space<vmem>>, vector<1024x32xf32>,
    return
  }
  func.func @transform_0(%arg0: i32) -> (i32, i32) {
    %c0_i32 = arith.constant 0 : i32
    %c0_i32_0 = arith.constant 0 : i32
    return %arg0, %c0_i32 : i32, i32
  }
  func.func @transform_1(%arg0: i32) -> (i32, i32) {
    %c0_i32 = arith.constant 0 : i32
    %c0_i32_0 = arith.constant 0 : i32
    return %arg0, %c0_i32 : i32, i32
  }
  func.func @transform_2(%arg0: i32) -> (i32, i32) {
    %c0_i32 = arith.constant 0 : i32
    %c0_i32_0 = arith.constant 0 : i32
    return %arg0, %c0_i32 : i32, i32
  }
  func.func @transform_3(%arg0: i32) -> (i32, i32) {
    %c0_i32 = arith.constant 0 : i32
    %c0_i32_0 = arith.constant 0 : i32
    return %arg0, %c0_i32 : i32, i32
  }
  func.func @transform_4(%arg0: i32) -> (i32, i32) {
    %c0_i32 = arith.constant 0 : i32
    %c0_i32_0 = arith.constant 0 : i32
    return %arg0, %c0_i32 : i32, i32
  }
  func.func @transform_5(%arg0: i32) -> (i32, i32) {
    %c0_i32 = arith.constant 0 : i32
    %c0_i32_0 = arith.constant 0 : i32
    return %arg0, %c0_i32 : i32, i32
  }
  func.func @transform_6(%arg0: i32) -> (i32, i32) {
    %c0_i32 = arith.constant 0 : i32
    %c0_i32_0 = arith.constant 0 : i32
    %c0_i32_1 = arith.constant 0 : i32
    return %c0_i32, %c0_i32_0 : i32, i32
  }
  func.func @transform_7(%arg0: i32) -> (i32, i32) {
    %c0_i32 = arith.constant 0 : i32
    %c0_i32_0 = arith.constant 0 : i32
    %c0_i32_1 = arith.constant 0 : i32
    return %c0_i32, %c0_i32_0 : i32, i32
  }
  func.func @transform_8(%arg0: i32) -> (i32, i32) {
    %c0_i32 = arith.constant 0 : i32
    %c0_i32_0 = arith.constant 0 : i32
    %c0_i32_1 = arith.constant 0 : i32
    return %c0_i32, %c0_i32_0 : i32, i32
  }
  func.func @transform_9(%arg0: i32) -> (i32, i32) {
    %c0_i32 = arith.constant 0 : i32
    %c0_i32_0 = arith.constant 0 : i32
    %c0_i32_1 = arith.constant 0 : i32
    return %c0_i32, %c0_i32_0 : i32, i32
  }
  func.func @transform_10(%arg0: i32) -> (i32, i32) {
    %c0_i32 = arith.constant 0 : i32
    %c0_i32_0 = arith.constant 0 : i32
    %c0_i32_1 = arith.constant 0 : i32
    return %c0_i32, %c0_i32_0 : i32, i32
  }
  func.func @transform_11(%arg0: i32) -> (i32, i32) {
    %c0_i32 = arith.constant 0 : i32
    %c0_i32_0 = arith.constant 0 : i32
    %c0_i32_1 = arith.constant 0 : i32
    return %c0_i32, %c0_i32_0 : i32, i32
  }
  func.func @transform_12(%arg0: i32) -> (i32, i32) {
    %c0_i32 = arith.constant 0 : i32
    %c0_i32_0 = arith.constant 0 : i32
    %c0_i32_1 = arith.constant 0 : i32
    return %c0_i32, %c0_i32_0 : i32, i32
  }
  func.func @transform_13(%arg0: i32) -> (i32, i32) {
    %c0_i32 = arith.constant 0 : i32
    %c0_i32_0 = arith.constant 0 : i32
    %c0_i32_1 = arith.constant 0 : i32
    return %c0_i32, %c0_i32_0 : i32, i32
  }
  func.func @transform_14(%arg0: i32) -> (i32, i32) {
    %c0_i32 = arith.constant 0 : i32
    %c0_i32_0 = arith.constant 0 : i32
    %c0_i32_1 = arith.constant 0 : i32
    return %c0_i32, %c0_i32_0 : i32, i32
  }
  func.func @transform_15(%arg0: i32) -> (i32, i32) {
    %c0_i32 = arith.constant 0 : i32
    %c0_i32_0 = arith.constant 0 : i32
    return %arg0, %c0_i32 : i32, i32
  }
  func.func @transform_16(%arg0: i32) -> (i32, i32) {
    %c0_i32 = arith.constant 0 : i32
    %c0_i32_0 = arith.constant 0 : i32
    return %arg0, %c0_i32 : i32, i32
  }
}

</mosaic_0001>

<sc_bundles>
// kernel: kernel.5.cloned.1.call-start
scs
__scs_entry_jumppad:
0x0: {  	(pc) =	sbr.rel $0x88, $3  }
0x1: {  	(tag) =	ssettag $0x0;
	lr =	simm.s32 $0x1  }
0x2: {  	[smem:$0x3F8F] =	sst lr;
	_ =	strace $0xD0000000  }
0x3: {  	_ = 	snop  }
0x4: {  	_ = 	snop  }
0x5: {  	_ = 	snop  }
0x6: {  	_ = 	snop  }
0x7: {  	_ = 	snop  }
__scs_overlays_trampoline_lowered:
0x8: {  	[smem:$0x3F9E] =	sst s0  }
0x9: {  	[smem:$0x3F9F] =	sst s1  }
0xa: {  	[smem:$0x3FA0] =	sst s2  }
0xb: {  	[smem:$0x3FA1] =	sst s3  }
0xc: {  	[smem:$0x3FA2] =	sst s4  }
0xd: {  	[smem:$0x3FA3] =	sst s5  }
0xe: {  	[smem:$0x3FA4] =	sst s6  }
0xf: {  	[smem:$0x3FA5] =	sst s7  }
0x10: {  	[smem:$0x3FA6] =	sst s8  }
0x11: {  	[smem:$0x3FA7] =	sst s9;
	s0 =	simm.s32 @!p0 $0x0  }
0x12: {  	s1 =	sld [smem:$0x3F8D];
	s0 =	simm.s32 @p0 $0x1  }
0x13: {  	[smem:$0x3FA8] =	sst s0;
	s0 =	simm.s32 @!p1 $0x0  }
0x14: {  	s2 =	sld [smem:$0x3F8C];
	s0 =	simm.s32 @p1 $0x1  }
0x15: {  	[smem:$0x3FA9] =	sst s0;
	s0 =	simm.s32 @!p2 $0x0  }
0x16: {  	s3 =	sld [smem:$0x3FDB];
	s0 =	simm.s32 @p2 $0x1  }
0x17: {  	s4 =	simm.s32 $0x1BF5;
	[smem:$0x3FAB] =	sst s0  }
0x18: {  	s0 =	sld [smem:$0x3F8E];
	_ =	swait.ge [sflag:s4], $0x0  }
0x19: {  	s7 =	sld [smem:$0x3F8F]  }
0x1a: {  	s8 =	sadd.s32 $0xFFFFE003, lr  }
0x1b: {  	s9 =	sadd.s32 $0xFFFFFEF7, lr;
	s5 =	simm.s32 $0xFFFFFFFF;
	p2 =	slt.u32 s8, $0xFFFFF086  }
0x1c: {  	p1 =	slt.u32 s9, $0xF7A;
	s5 =	simm.s32 @!p2 $0x0  }
0x1d: {  	s5 =	simm.s32 @p1 $0x1;
	p0 =	seq.s32 s7, s2  }
0x1e: {  	s7 =	smul.u32 @!p0 $0xF7A, s2;
	p2 =	seq.s32 @!p0 s5, $0x0  }
0x1f: {  	s9 =	smul.u32 $0xF7A, s1;
	s8 =	simm.s32 @!p0 $0x1BF5;
	p2 =	por !p2, p0  }
0x20: {  	[sflag:s8] =	ssyncset.s32 @!p0 $0xFFFFF086;
	s6 =	sadd.s32 @!p0 s3, s7;
	s7 =	simm.s32 @!p0 $0x108  }
0x21: {  	s3 =	sadd.s32 s3, s9;
	s6 =	sadd.s32 @!p0 $0x88, s6;
	s7 =	simm.s32 @p2 $0x1082  }
0x22: {  	[simem:s7], [sflag:s8] =	dma.local @!p0 [hbm:s6], $0xF7A  }
0x23: {  	s9 =	sor.u32 $0xD0000000, s2;
	s6 =	simm.s32 $0x108;
	_ =	swait.ge @!p0 [sflag:s8], $0x0  }
0x24: {  	s3 =	sadd.s32 $0x88, s3;
	s6 =	simm.s32 @!p1 $0x1082;
	[sflag:s4] =	ssyncset.s32 $0xFFFFF086  }
0x25: {  	[simem:s6], [sflag:s4] =	dma.local [hbm:s3], $0xF7A  }
0x26: {  	[smem:$0x3F8F] =	sst s1;
	(tag) =	ssettag s2;
	_ =	strace s9  }
0x27: {  	s1 =	sld [smem:$0x3F9F]  }
0x28: {  	s2 =	sld [smem:$0x3FA0]  }
0x29: {  	s4 =	sld [smem:$0x3FA2]  }
0x2a: {  	p0 =	seq.s32 s5, $0x0;
	s5 =	sld [smem:$0x3FA3]  }
0x2b: {  	s6 =	sld [smem:$0x3FA4]  }
0x2c: {  	s7 =	sld [smem:$0x3FA5]  }
0x2d: {  	s3 =	simm.s32 $0x108;
	s8 =	sld [smem:$0x3FA6]  }
0x2e: {  	s3 =	simm.s32 @!p0 $0x1082;
	s9 =	sld [smem:$0x3FA7]  }
0x2f: {  	lr =	sadd.s32 s0, s3;
	s0 =	sld [smem:$0x3F9E]  }
0x30: {  	s3 =	sld [smem:$0x3FA1]  }
0x31: {  	[smem:$0x3FAA] =	sst s10  }
0x32: {  	s10 =	sld [smem:$0x3FA8];
	_ =	sdelay $0x3  }
0x33: {  	p0 =	seq.s32 s10, $0x1;
	s10 =	sld [smem:$0x3FAA];
	_ =	sdelay $0x3  }
0x34: {  	[smem:$0x3FAA] =	sst s10  }
0x35: {  	s10 =	sld [smem:$0x3FA9];
	_ =	sdelay $0x3  }
0x36: {  	p1 =	seq.s32 s10, $0x1;
	s10 =	sld [smem:$0x3FAA];
	_ =	sdelay $0x3  }
0x37: {  	[smem:$0x3FAA] =	sst s10  }
0x38: {  	s10 =	sld [smem:$0x3FAB]  }
0x39: {  	_ = 	snop;
	(pc) =	sbr.ind lr, $3  }
0x3a: {  	_ = 	snop  }
0x3b: {  	_ = 	snop  }
0x3c: {  	p2 =	seq.s32 s10, $0x1;
	s10 =	sld [smem:$0x3FAA]  }
0x3d: {  	_ =	shalt  }
0x3e: {  	_ =	shalt  }
0x3f: {  	_ =	shalt  }
0x40: {  	_ =	shalt  }
0x41: {  	_ =	shalt  }
0x42: {  	_ =	shalt  }
0x43: {  	_ =	shalt  }
0x44: {  	_ =	shalt  }
0x45: {  	_ =	shalt  }
0x46: {  	_ =	shalt  }
0x47: {  	_ =	shalt  }
0x48: {  	_ =	shalt  }
0x49: {  	_ =	shalt  }
0x4a: {  	_ =	shalt  }
0x4b: {  	_ =	shalt  }
0x4c: {  	_ =	shalt  }
0x4d: {  	_ =	shalt  }
0x4e: {  	_ =	shalt  }
0x4f: {  	_ =	shalt  }
0x50: {  	_ =	shalt  }
0x51: {  	_ =	shalt  }
0x52: {  	_ =	shalt  }
0x53: {  	_ =	shalt  }
0x54: {  	_ =	shalt  }
0x55: {  	_ =	shalt  }
0x56: {  	_ =	shalt  }
0x57: {  	_ =	shalt  }
0x58: {  	_ =	shalt  }
0x59: {  	_ =	shalt  }
0x5a: {  	_ =	shalt  }
0x5b: {  	_ =	shalt  }
0x5c: {  	_ =	shalt  }
0x5d: {  	_ =	shalt  }
0x5e: {  	_ =	shalt  }
0x5f: {  	_ =	shalt  }
0x60: {  	_ =	shalt  }
0x61: {  	_ =	shalt  }
0x62: {  	_ =	shalt  }
0x63: {  	_ =	shalt  }
0x64: {  	_ =	shalt  }
0x65: {  	_ =	shalt  }
0x66: {  	_ =	shalt  }
0x67: {  	_ =	shalt  }
0x68: {  	_ =	shalt  }
0x69: {  	_ =	shalt  }
0x6a: {  	_ =	shalt  }
0x6b: {  	_ =	shalt  }
0x6c: {  	_ =	shalt  }
0x6d: {  	_ =	shalt  }
0x6e: {  	_ =	shalt  }
0x6f: {  	_ =	shalt  }
0x70: {  	_ =	shalt  }
0x71: {  	_ =	shalt  }
0x72: {  	_ =	shalt  }
0x73: {  	_ =	shalt  }
0x74: {  	_ =	shalt  }
0x75: {  	_ =	shalt  }
0x76: {  	_ =	shalt  }
0x77: {  	_ =	shalt  }
0x78: {  	_ =	shalt  }
0x79: {  	_ =	shalt  }
0x7a: {  	_ =	shalt  }
0x7b: {  	_ =	shalt  }
0x7c: {  	_ =	shalt  }
0x7d: {  	_ =	shalt  }
0x7e: {  	_ =	shalt  }
0x7f: {  	_ =	shalt  }
0x80: {  	_ =	shalt  }
0x81: {  	_ =	shalt  }
0x82: {  	_ =	shalt  }
0x83: {  	_ =	shalt  }
0x84: {  	_ =	shalt  }
0x85: {  	_ =	shalt  }
0x86: {  	_ =	shalt  }
0x87: {  	_ =	shalt  }
.Lfunc_end0:
.L_simem_size_0:
called_computation_lowered:
.L_overlay_start_0:
0x88: {  	s2 =	sld [smem:$0x3FD9]  }
0x89: {  	s3 =	sld [smem:$0x3FFE];
	_ =	sdelay $0x1  }
0x8a: {  	s1 =	srdreg.scid  }
0x8b: {  	s0 =	sand.u32 $0x1, s1  }
0x8c: {  	s16 =	sshll.u32 s0, $0xA;
	s2 =	sadd.s32 s3, s2  }
0x8d: {  	s2 =	sadd.s32 s2, s16  }
0x8e: {  	[smem:$0x3FB6] =	sst s2  }
0x8f: {  	_ = 	snop  }
0x90: {  	(tm) =	ssettm $0x1  }
0x91: {  	s17 =	sld [smem:$0x3FFB];
	_ =	sdelay $0x3  }
0x92: {  	_ =	strace s17  }
0x93: {  	s2 =	sld [smem:$0x3FFC];
	_ =	sdelay $0x3  }
0x94: {  	_ =	strace s2  }
0x95: {  	s2 =	sld [smem:$0x3FFD];
	_ =	sdelay $0x3  }
0x96: {  	_ =	strace s2  }
0x97: {  	_ =	strace $0x8FFFFFFF  }
0x98: {  	s18 =	sld [smem:$0x3FDB];
	_ =	sdelay $0x1  }
0x99: {  	s19 =	simm.s32 $_scs_section_size  }
0x9a: {  	s4 =	simm.s32 $_size__tile_overlayer_lowered;
	s5 =	simm.s32 $_tile_overlayer_lowered  }
0x9b: {  	s22 =	simm.s32 $0x1BFF;
	s21 =	sshll.u32 s5, $0x1;
	s2 =	sadd.s32 s19, s18  }
0x9c: {  	s6 =	simm.s32 $0x0;
	s20 =	sshll.u32 s4, $0x1;
	s4 =	sadd.s32 s21, s2  }
0x9d: {  	[timem:s6], [sflag:s22] =	dma.local [hbm:s4], s20  }
0x9e: {  	_ =	swait.ge [sflag:s22], s20  }
0x9f: {  	s3 =	ssub.s32 $0x0, s20;
	[sflag:s22] =	ssyncset.done $0x0  }
0xa0: {  	[sflag:s22] =	ssyncadd.s32 s3;
	_ =	sdelay $0x1  }
0xa1: {  	s23 =	simm.s32 $0x1B8B  }
0xa2: {  	_ =	swait.ge [sflag:s23], $0x1  }
0xa3: {  	[sflag:s23] =	ssyncset.done $0x0  }
0xa4: {  	s25 =	simm.s32 $0x1B8E;
	s24 =	sld [smem:$0x3FFE];
	[sflag:s23] =	ssyncadd.s32 $0xFFFFFFFF  }
0xa5: {  	s26 =	simm.s32 $execute0_lowered;
	[smem:$0x3FD2] =	sst s25  }
0xa6: {  	s4 =	sshll.u32 s26, $0x1;
	_ =	strace $0x80000046;
	[dreg:$0x1] =	wrdreg $0xFFFFFFFF  }
0xa7: {  	s28 =	simm.s32 $_size_execute0_lowered;
	s2 =	sadd.s32 s2, s4;
	[dreg:$0x0] =	wrdreg $0x0  }
0xa8: {  	s4 =	sshll.u32 s28, $0x1;
	[dreg:$0x2] =	wrdreg s2  }
0xa9: {  	[dreg:$0x3] =	wrdreg s4  }
0xaa: {  	[dreg:$0x4] =	wrdreg $0xC0  }
0xab: {  	_ =	task [dreg:s6], $0x5FFFF  }
0xac: {  	[dreg:$0x1] =	wrdreg $0xFFFFFFFF  }
0xad: {  	[dreg:$0x0] =	wrdreg $0x60  }
0xae: {  	[dreg:$0x2] =	wrdreg s24  }
0xaf: {  	[dreg:$0x3] =	wrdreg $0x9  }
0xb0: {  	_ =	task.clear_ibuf [dreg:s6], $0x4FFFF;
	_ =	strace $0x90000046  }
0xb1: {  	s29 =	simm.s32 $0x9;
	_ =	strace $0x80000048  }
0xb2: {  	_ =	swait.ge [sflag:s29], $0x1  }
0xb3: {  	[sflag:s29] =	ssyncadd.s32 $0xFFFFFFFF  }
0xb4: {  	_ =	strace $0x90000048  }
0xb5: {  	_ =	sfence  }
0xb6: {  	s30 =	sld [smem:$0x0];
	_ =	sdelay $0x2  }
0xb7: {  	s31 =	sshll.u32 s1, $0xD;
	s1 =	sshrl.u32 s1, $0x2  }
0xb8: {  	s3 =	sand.u32 $0x4000, s31;
	s1 =	sadd.s32 s1, s30  }
0xb9: {  	s0 =	sor.u32 s3, s0;
	s1 =	sshll.u32 s1, $0x11  }
0xba: {  	s0 =	sor.u32 s1, s0  }
0xbb: {  	s0 =	sadd.s32 $0x8F2B, s0  }
0xbc: {  	[sflag:s0] =	ssyncadd.remote.s32 $0x1  }
0xbd: {  	_ =	sfence.sel $0xFFFF  }
0xbe: {  	[dreg:$0x0] =	wrdreg $0xFFFFFFFF;
	(pc) =	sbr.abs _section_cstart, $3  }
0xbf: {  	[dreg:$0x1] =	wrdreg $0xFFFFFFFF  }
0xc0: {  	_ =	task.clear_ibuf [dreg:s6], $0x2FFFF;
	_ =	strace $0x9FFFFFFF  }
0xc1: {  	(tm) =	ssettm $0x7FFFFFFF  }
tec
execute0_lowered:
.L_overlay_start_1:
0x0: {  	(tag) =	ssettag $0x1  }
0x1: {  	s1 =	srdreg.scid  }
0x2: {  	s0 =	rddreg [dreg:$0x0];
	s5 =	simm.s32 $0x0;
	s1 =	sand.u32 $0x1, s1  }
0x3: {  	s3 =	stileid.u32;
	[smem:$0x7FF] =	sst s5;
	s2 =	sshll.u32 s1, $0x4  }
0x4: {  	s6 =	sadd.s32 $0xE800, s0;
	s9 =	sadd.s32 $0x2CE00, s0;
	s2 =	sor.u32 s3, s2  }
0x5: {  	_ =	strace $0x80000047;
	[dreg:$0x3] =	wrdreg s6;
	s3 =	smul.u32 $0xA000, s2  }
0x6: {  	s10 =	sadd.s32 $0x22C00, s0;
	[dreg:$0x4] =	wrdreg s9;
	s2 =	smul.u32 $0x2800, s2  }
0x7: {  	s12 =	sadd.s32 $0x18A00, s0;
	[dreg:$0x5] =	wrdreg s10  }
0x8: {  	s7 =	sadd.s32 $0xC000, s0;
	[dreg:$0x2] =	wrdreg s12;
	s18 =	sor.u32 $0x400, s2  }
0x9: {  	s25 =	sshrl.u32 s2, $0x3;
	s2 =	sor.u32 $0x600, s2;
	[dreg:$0xe] =	wrdreg s18  }
0xa: {  	s8 =	sadd.s32 $0x2000, s0;
	s26 =	sadd.s32 s12, s25;
	[dreg:$0xf] =	wrdreg s2  }
0xb: {  	s3 =	sshrl.u32 s3, $0x3;
	s11 =	sadd.s32 s6, s25;
	[dreg:$0x6] =	wrdreg s26  }
0xc: {  	s0 =	sadd.s32 s3, s0;
	s3 =	sadd.s32 s10, s25;
	[dreg:$0x7] =	wrdreg s11  }
0xd: {  	s13 =	sor.u32 $0x40, s25;
	s11 =	sadd.s32 s9, s25;
	[dreg:$0x9] =	wrdreg s3  }
0xe: {  	s29 =	simm.s32 $0xB000;
	s14 =	sadd.s32 s12, s13;
	[dreg:$0x8] =	wrdreg s11  }
0xf: {  	s30 =	simm.s32 $0xA00;
	s15 =	sadd.s32 s6, s13;
	[dreg:$0xa] =	wrdreg s14  }
0x10: {  	s31 =	simm.s32 $0x6000;
	s16 =	sadd.s32 s9, s13;
	[dreg:$0xb] =	wrdreg s15  }
0x11: {  	s28 =	simm.s32 $0x2C00;
	s17 =	sadd.s32 s10, s13;
	[dreg:$0xc] =	wrdreg s16  }
0x12: {  	s1 =	ssub.s32 $0x2, s1;
	s19 =	sadd.s32 $0x37000, s0;
	[dreg:$0xd] =	wrdreg s17  }
0x13: {  	s4 =	sshrl.u32 s1, $0x1;
	s20 =	sadd.s32 $0x37280, s0;
	[dreg:$0x10] =	wrdreg s19  }
0x14: {  	s1 =	ssub.s32 s1, s4;
	s21 =	sadd.s32 $0x37500, s0;
	[dreg:$0x11] =	wrdreg s20  }
0x15: {  	s4 =	simm.s32 $0x0;
	s22 =	sadd.s32 $0x37780, s0;
	[dreg:$0x12] =	wrdreg s21  }
0x16: {  	s18 =	simm.s32 $0x3;
	s23 =	sadd.s32 $0x37A00, s0;
	[dreg:$0x13] =	wrdreg s22  }
0x17: {  	s2 =	simm.s32 $0x4;
	s24 =	sadd.s32 $0x37C80, s0;
	[dreg:$0x14] =	wrdreg s23  }
0x18: {  	s25 =	sadd.s32 $0x37F00, s0;
	s0 =	sadd.s32 $0x38180, s0;
	[dreg:$0x15] =	wrdreg s24  }
0x19: {  	s26 =	smax.u32 s1, $0x1;
	s6 =	simm.s32 $0x800;
	[dreg:$0x16] =	wrdreg s25  }
0x1a: {  	s13 =	simm.s32 $0x80;
	s10 =	simm.s32 $0x2000;
	[dreg:$0x17] =	wrdreg s0  }
0x1b: {  	[dreg:$0x18] =	wrdreg s26;
	s14 =	simm.s32 $0x1000;
	s15 =	simm.s32 $0x3000  }
0x1c: {  	s16 =	simm.s32 $0x1400;
	s20 =	simm.s32 $0x4000;
	s22 =	simm.s32 $0x1800  }
0x1d: {  	s24 =	simm.s32 $0x5000;
	s26 =	simm.s32 $0x1C00;
	s0 =	simm.s32 $0x2  }
0x1e: {  	s11 =	simm.s32 $0x7000;
	s19 =	simm.s32 $0x2400;
	s21 =	simm.s32 $0x8000  }
0x1f: {  	v0 =	vlaneseq.u32;
	v1 =	vimm.f32 $0.0e+00;
	s23 =	simm.s32 $0x2800;
	s25 =	simm.s32 $0x9000;
	s17 =	simm.s32 $0xA000  }
.LBB2_1:
0x20: {  	[dreg:$0x19] =	wrdreg s4;
	s1 =	simm.s32 $0x10;
	v2 =	vor.u32 s5, v0  }
.LBB2_2:
0x21: {  	p0 =	sne.s32 s1, $0x9FF0  }
.Ltmp0:
0x22: {  	_ = 	snop;
	(pc) =	sbr.rel @p0 .LBB2_2-.Ltmp0, $3  }
0x23: {  	_ =	sdelay $0x1  }
0x24: {  	[tilespmem:v2+s29+$0x0] =	vst.idx.msk $0xffff, v1;
	s3 =	smov.u32 s1;
	s1 =	sadd.s32 $0x10, s1  }
0x25: {  	v2 =	vor.u32 s3, v0  }
0x26: {  	_ =	sdelay $0x3  }
0x27: {  	[tilespmem:v2+s29+$0x0] =	vst.idx.msk $0xffff, v1;
	s5 =	simm.s32 $0x0;
	s1 =	rddreg [dreg:$0x6]  }
0x28: {  	[tilespmem:s5], [sflag:$0x1] =	stream.linear.gather [hbm4b:s1+s5], $0x200, $0x38;
	[tilespmem:$0x15000] =	vst v63  }
0x29: {  	s4 =	rddreg [dreg:$0x7];
	s3 =	simm.s32 $0x200  }
0x2a: {  	[tilespmem:s3], [sflag:$0x1] =	stream.linear.gather [hbm4b:s4+s5], $0x200, $0x38;
	[tilespmem:$0x15000] =	vst v63  }
0x2b: {  	s9 =	rddreg [dreg:$0x8];
	s4 =	simm.s32 $0x400  }
0x2c: {  	[tilespmem:s4], [sflag:$0x1] =	stream.linear.gather [hbm4b:s9+s5], $0x200, $0x38;
	[tilespmem:$0x15000] =	vst v63  }
0x2d: {  	s4 =	rddreg [dreg:$0x9];
	s9 =	simm.s32 $0x600  }
0x2e: {  	[tilespmem:s9], [sflag:$0x1] =	stream.linear.gather [hbm4b:s4+s5], $0x200, $0x38;
	[tilespmem:$0x15000] =	vst v63  }
0x2f: {  	s4 =	rddreg [dreg:$0xa]  }
0x30: {  	[tilespmem:s6], [sflag:$0x2] =	stream.linear.gather [hbm4b:s4+s5], $0x200, $0x38;
	[tilespmem:$0x15000] =	vst v63  }
0x31: {  	s9 =	rddreg [dreg:$0xb]  }
0x32: {  	[tilespmem:s30], [sflag:$0x2] =	stream.linear.gather [hbm4b:s9+s5], $0x200, $0x38;
	[tilespmem:$0x15000] =	vst v63  }
0x33: {  	s4 =	rddreg [dreg:$0xc];
	s9 =	simm.s32 $0xC00  }
0x34: {  	[tilespmem:s9], [sflag:$0x2] =	stream.linear.gather [hbm4b:s4+s5], $0x200, $0x38;
	[tilespmem:$0x15000] =	vst v63  }
0x35: {  	s4 =	rddreg [dreg:$0xd];
	s9 =	simm.s32 $0xE00  }
0x36: {  	[tilespmem:s9], [sflag:$0x2] =	stream.linear.gather [hbm4b:s4+s5], $0x200, $0x38;
	[tilespmem:$0x15000] =	vst v63  }
0x37: {  	s4 =	simm.s32 $0x1  }
0x38: {  	_ =	swait.ge [sflag:s4], $0x200  }
0x39: {  	[sflag:s4] =	ssyncset.done $0x0  }
0x3a: {  	[sflag:s4] =	ssyncadd.s32 $0xFFFFFE00  }
0x3b: {  	_ =	swait.ge [sflag:s4], $0x200  }
0x3c: {  	[sflag:s4] =	ssyncset.done $0x0  }
0x3d: {  	[sflag:s4] =	ssyncadd.s32 $0xFFFFFE00  }
0x3e: {  	_ =	swait.ge [sflag:s4], $0x200  }
0x3f: {  	[sflag:s4] =	ssyncset.done $0x0  }
0x40: {  	[sflag:s4] =	ssyncadd.s32 $0xFFFFFE00  }
0x41: {  	_ =	swait.ge [sflag:s4], $0x200  }
0x42: {  	[sflag:s4] =	ssyncset.done $0x0  }
0x43: {  	[sflag:s4] =	ssyncadd.s32 $0xFFFFFE00  }
0x44: {  	[tilespmem:s14], [sflag:$0x3] =	stream.indirect.gather [hbm4b:s7+s13], $0x8, s5, s13, $0xb8;
	[tilespmem:$0x15000] =	vst v63  }
0x45: {  	_ = 	snop  }
0x46: {  	[tilespmem:s15], [sflag:$0x3] =	stream.indirect.gather [hbm4b:s8+s13], $0x20, s3, s13, $0xb8;
	[tilespmem:$0x15000] =	vst v63  }
0x47: {  	_ = 	snop  }
0x48: {  	[tilespmem:s16], [sflag:$0x3] =	stream.indirect.gather [hbm4b:s7+s13], $0x8, s13, s13, $0xb8;
	[tilespmem:$0x15000] =	vst v63  }
0x49: {  	s9 =	simm.s32 $0x280  }
0x4a: {  	[tilespmem:s20], [sflag:$0x3] =	stream.indirect.gather [hbm4b:s8+s13], $0x20, s9, s13, $0xb8;
	[tilespmem:$0x15000] =	vst v63  }
0x4b: {  	s3 =	simm.s32 $0x100  }
0x4c: {  	[tilespmem:s22], [sflag:$0x3] =	stream.indirect.gather [hbm4b:s7+s13], $0x8, s3, s13, $0xb8;
	[tilespmem:$0x15000] =	vst v63  }
0x4d: {  	s4 =	simm.s32 $0x300  }
0x4e: {  	[tilespmem:s24], [sflag:$0x3] =	stream.indirect.gather [hbm4b:s8+s13], $0x20, s4, s13, $0xb8;
	[tilespmem:$0x15000] =	vst v63  }
0x4f: {  	s5 =	simm.s32 $0x180  }
0x50: {  	[tilespmem:s26], [sflag:$0x3] =	stream.indirect.gather [hbm4b:s7+s13], $0x8, s5, s13, $0xb8;
	[tilespmem:$0x15000] =	vst v63  }
0x51: {  	s9 =	simm.s32 $0x380  }
0x52: {  	[tilespmem:s31], [sflag:$0x3] =	stream.indirect.gather [hbm4b:s8+s13], $0x20, s9, s13, $0xb8;
	[tilespmem:$0x15000] =	vst v63  }
0x53: {  	s9 =	simm.s32 $0x0  }
.LBB2_4:
0x54: {  	_ =	swait.ge [sflag:s0], $0x200  }
0x55: {  	[sflag:s0] =	ssyncset.done $0x0  }
0x56: {  	[sflag:s0] =	ssyncadd.s32 $0xFFFFFE00  }
0x57: {  	_ =	swait.ge [sflag:s0], $0x200  }
0x58: {  	[sflag:s0] =	ssyncset.done $0x0  }
0x59: {  	[sflag:s0] =	ssyncadd.s32 $0xFFFFFE00  }
0x5a: {  	_ =	swait.ge [sflag:s0], $0x200  }
0x5b: {  	[sflag:s0] =	ssyncset.done $0x0  }
0x5c: {  	[sflag:s0] =	ssyncadd.s32 $0xFFFFFE00  }
0x5d: {  	_ =	swait.ge [sflag:s0], $0x200  }
0x5e: {  	[sflag:s0] =	ssyncset.done $0x0  }
0x5f: {  	[sflag:s0] =	ssyncadd.s32 $0xFFFFFE00  }
0x60: {  	[tilespmem:s10], [sflag:$0x4] =	stream.indirect.gather [hbm4b:s7+s13], $0x8, s6, s13, $0xb8;
	[tilespmem:$0x15000] =	vst v63  }
0x61: {  	_ = 	snop  }
0x62: {  	[tilespmem:s11], [sflag:$0x4] =	stream.indirect.gather [hbm4b:s8+s13], $0x20, s30, s13, $0xb8;
	[tilespmem:$0x15000] =	vst v63  }
0x63: {  	s1 =	simm.s32 $0x880  }
0x64: {  	[tilespmem:s19], [sflag:$0x4] =	stream.indirect.gather [hbm4b:s7+s13], $0x8, s1, s13, $0xb8;
	[tilespmem:$0x15000] =	vst v63  }
0x65: {  	s30 =	simm.s32 $0xA80  }
0x66: {  	[tilespmem:s21], [sflag:$0x4] =	stream.indirect.gather [hbm4b:s8+s13], $0x20, s30, s13, $0xb8;
	[tilespmem:$0x15000] =	vst v63  }
0x67: {  	s3 =	simm.s32 $0x900  }
0x68: {  	[tilespmem:s23], [sflag:$0x4] =	stream.indirect.gather [hbm4b:s7+s13], $0x8, s3, s13, $0xb8;
	[tilespmem:$0x15000] =	vst v63  }
0x69: {  	s4 =	simm.s32 $0xB00  }
0x6a: {  	[tilespmem:s25], [sflag:$0x4] =	stream.indirect.gather [hbm4b:s8+s13], $0x20, s4, s13, $0xb8;
	[tilespmem:$0x15000] =	vst v63  }
0x6b: {  	s5 =	simm.s32 $0x980  }
0x6c: {  	[tilespmem:s28], [sflag:$0x4] =	stream.indirect.gather [hbm4b:s7+s13], $0x8, s5, s13, $0xb8;
	[tilespmem:$0x15000] =	vst v63  }
0x6d: {  	s6 =	simm.s32 $0xB80  }
0x6e: {  	[tilespmem:s17], [sflag:$0x4] =	stream.indirect.gather [hbm4b:s8+s13], $0x20, s6, s13, $0xb8;
	[tilespmem:$0x15000] =	vst v63  }
0x6f: {  	_ =	swait.ge [sflag:s18], $0x400  }
0x70: {  	[sflag:s18] =	ssyncset.done $0x0  }
0x71: {  	[sflag:s18] =	ssyncadd.s32 $0xFFFFFC00  }
0x72: {  	_ =	swait.ge [sflag:s18], $0x1000  }
0x73: {  	[sflag:s18] =	ssyncset.done $0x0  }
0x74: {  	[sflag:s18] =	ssyncadd.s32 $0xFFFFF000  }
0x75: {  	_ =	swait.ge [sflag:s18], $0x400  }
0x76: {  	[sflag:s18] =	ssyncset.done $0x0  }
0x77: {  	[sflag:s18] =	ssyncadd.s32 $0xFFFFFC00  }
0x78: {  	_ =	swait.ge [sflag:s18], $0x1000  }
0x79: {  	[sflag:s18] =	ssyncset.done $0x0  }
0x7a: {  	[sflag:s18] =	ssyncadd.s32 $0xFFFFF000  }
0x7b: {  	_ =	swait.ge [sflag:s18], $0x400  }
0x7c: {  	[sflag:s18] =	ssyncset.done $0x0  }
0x7d: {  	[sflag:s18] =	ssyncadd.s32 $0xFFFFFC00  }
0x7e: {  	_ =	swait.ge [sflag:s18], $0x1000  }
0x7f: {  	s30 =	simm.s32 $0x0;
	[sflag:s18] =	ssyncset.done $0x0  }
0x80: {  	v2 =	vor.u32 s30, v0;
	[sflag:s18] =	ssyncadd.s32 $0xFFFFF000  }
0x81: {  	v7 =	vshll.u32 v2, $0x5;
	_ =	swait.ge [sflag:s18], $0x400  }
0x82: {  	v3 =	vor.u32 $0x4, v7;
	[sflag:s18] =	ssyncset.done $0x0  }
0x83: {  	v2 =	vshll.u32 v2, $0x3;
	[sflag:s18] =	ssyncadd.s32 $0xFFFFFC00  }
0x84: {  	v4 =	vor.u32 $0x1, v2;
	_ =	swait.ge [sflag:s18], $0x1000  }
0x85: {  	v5 =	vor.u32 $0x2, v2;
	[sflag:s18] =	ssyncset.done $0x0  }
0x86: {  	[sflag:s18] =	ssyncadd.s32 $0xFFFFF000  }
0x87: {  	v6 =	vor.u32 $0x1, v7;
	v8 =	vld.idx.msk [tilespmem:v3+s15+$0x0], $0xffff  }
0x88: {  	v10 =	vor.u32 $0x2, v7;
	v9 =	vld.idx.msk [tilespmem:v2+s14+$0x0], $0xffff  }
0x89: {  	v11 =	vor.u32 $0x4, v2;
	v4 =	vld.idx.msk [tilespmem:v4+s14+$0x0], $0xffff  }
0x8a: {  	v12 =	vor.u32 $0x5, v7;
	v5 =	vld.idx.msk [tilespmem:v5+s14+$0x0], $0xffff  }
0x8b: {  	v3 =	vor.u32 $0x5, v2;
	v13 =	vld.idx.msk [tilespmem:v7+s15+$0x0], $0xffff  }
0x8c: {  	v14 =	vor.u32 $0x6, v7;
	v6 =	vld.idx.msk [tilespmem:v6+s15+$0x0], $0xffff  }
0x8d: {  	v2 =	vor.u32 $0x6, v2;
	v10 =	vld.idx.msk [tilespmem:v10+s15+$0x0], $0xffff  }
0x8e: {  	v11 =	vld.idx.msk [tilespmem:v11+s14+$0x0], $0xffff  }
0x8f: {  	v12 =	vld.idx.msk [tilespmem:v12+s15+$0x0], $0xffff  }
0x90: {  	v15 =	vld.idx.msk [tilespmem:v3+s14+$0x0], $0xffff  }
0x91: {  	v14 =	vld.idx.msk [tilespmem:v14+s15+$0x0], $0xffff  }
0x92: {  	v3 =	vsub.f32 v9, v13;
	v2 =	vld.idx.msk [tilespmem:v2+s14+$0x0], $0xffff;
	v4 =	vsub.f32 v4, v6;
	_ =	sdelay $0x1  }
0x93: {  	v5 =	vsub.f32 v5, v10;
	v6 =	vmul.f32 v3, v3;
	v9 =	vmul.f32 v4, v4  }
0x94: {  	v8 =	vsub.f32 v11, v8;
	v10 =	vsub.f32 v15, v12  }
0x95: {  	v6 =	vadd.f32 v9, v6;
	v9 =	vmul.f32 v5, v5  }
0x96: {  	v8 =	vmul.f32 v8, v8;
	v2 =	vsub.f32 v2, v14;
	v10 =	vmul.f32 v10, v10  }
0x97: {  	v6 =	vadd.f32 v9, v6  }
0x98: {  	v9 =	vmul.f32 v2, v2;
	v8 =	vadd.f32 v10, v8  }
0x99: {  	v2 =	vadd.f32 $9.999999930e-09, v6  }
0x9a: {  	s4 =	simm.s32 $0x400;
	v6 =	vadd.f32 v9, v8  }
0x9b: {  	v11 =	vld [tilespmem:s4+$0x0];
	v10 =	vmul.f32 $5.000000000e-01, v2;
	v8 =	vshra.s32 v2, $0x1  }
0x9c: {  	v8 =	vsub.s32 $0x5F3759DF, v8;
	v6 =	vadd.f32 $9.999999930e-09, v6  }
0x9d: {  	s3 =	simm.s32 $0x600;
	v12 =	vmul.f32 v8, v10  }
0x9e: {  	v9 =	vld [tilespmem:s3+$0x0];
	v13 =	vshra.s32 v6, $0x1;
	v14 =	vmul.f32 $5.000000000e-01, v6  }
0x9f: {  	v12 =	vmul.f32 v8, v12;
	v13 =	vsub.s32 $0x5F3759DF, v13  }
0xa0: {  	v17 =	vand.u32 $0xFFFFFFF8, v11;
	v18 =	vadd.s32 $0xD, v11;
	v15 =	vmul.f32 v13, v14  }
0xa1: {  	v11 =	vand.u32 $0x7, v11;
	v17 =	vadd.s32 v7, v17;
	v12 =	vsub.f32 $1.500000000e+00, v12  }
0xa2: {  	v11 =	vor.u32 v11, v17;
	v15 =	vmul.f32 v13, v15  }
0xa3: {  	v16 =	vadd.s32 $0x12, v9;
	v9 =	vadd.s32 $0x17, v9;
	v8 =	vmul.f32 v8, v12  }
0xa4: {  	v11 =	vadd.s32 $0x8, v11;
	v19 =	vand.u32 $0xFFFFFFF8, v9;
	v15 =	vsub.f32 $1.500000000e+00, v15  }
0xa5: {  	v19 =	vadd.s32 v7, v19;
	v12 =	vand.u32 $0xFFFFFFF8, v18;
	v59 =	vmul.f32 v8, v10  }
0xa6: {  	v18 =	vand.u32 $0x7, v18;
	v12 =	vadd.s32 v7, v12;
	v13 =	vmul.f32 v13, v15  }
0xa7: {  	v12 =	vor.u32 v18, v12;
	v15 =	vand.u32 $0xFFFFFFF8, v16;
	v17 =	vmul.f32 v59, v8  }
0xa8: {  	v16 =	vand.u32 $0x7, v16;
	v7 =	vadd.s32 v7, v15;
	v60 =	vmul.f32 v13, v14  }
0xa9: {  	v9 =	vand.u32 $0x7, v9;
	v15 =	vor.u32 v16, v7  }
0xaa: {  	v62 =	vor.u32 v9, v19;
	v7 =	vsub.f32 $1.500000000e+00, v17;
	v61 =	vmul.f32 v60, v13;
	_ =	sdelay $0x1  }
0xab: {  	v9 =	vld.idx.msk [tilespmem:v12+s15+$0x0], $0xffff;
	v7 =	vmul.f32 v7, v8;
	v16 =	vsub.f32 $1.500000000e+00, v61  }
0xac: {  	v8 =	vld.idx.msk [tilespmem:v11+s15+$0x0], $0xffff  }
0xad: {  	v63 =	vmul.f32 v7, v10;
	v11 =	vld.idx.msk [tilespmem:v15+s15+$0x0], $0xffff;
	v10 =	vmul.f32 v16, v13  }
0xae: {  	v12 =	vld.idx.msk [tilespmem:v62+s15+$0x0], $0xffff  }
0xaf: {  	s1 =	simm.s32 $0x0;
	s5 =	simm.s32 $0x0;
	s6 =	simm.s32 $0x10;
	v13 =	vmul.f32 v63, v7;
	v14 =	vmul.f32 v10, v14  }
.LBB2_5:
0xb0: {  	s4 =	sadd.s32 $0x10, s4;
	s3 =	sadd.s32 $0x10, s3;
	s1 =	sadd.s32 $0x10, s1  }
0xb1: {  	p0 =	sne.s32 s6, $0x70;
	s30 =	smov.u32 s6;
	s6 =	sadd.s32 $0x10, s6;
	v14 =	vmul.f32 v14, v10  }
0xb2: {  	v13 =	vsub.f32 $1.500000000e+00, v13;
	v8 =	vadd.f32 v11, v8  }
0xb3: {  	v9 =	vadd.f32 v12, v9;
	v11 =	vsub.f32 $1.500000000e+00, v14  }
0xb4: {  	v12 =	vor.u32 s30, v0;
	v13 =	vmul.f32 v13, v7  }
0xb5: {  	v14 =	vshll.u32 v12, $0x3;
	v7 =	vshll.u32 v12, $0x5;
	v10 =	vmul.f32 v11, v10  }
0xb6: {  	v12 =	vor.u32 $0x4, v14;
	v2 =	vmul.f32 v13, v2;
	v11 =	vor.u32 $0x1, v14  }
0xb7: {  	v15 =	vor.u32 $0x5, v14;
	v16 =	vor.u32 $0x1, v7;
	v17 =	vld [tilespmem:s5+$0x0];
	v6 =	vmul.f32 v10, v6;
	s5 =	smov.u32 s1  }
0xb8: {  	v18 =	vor.u32 $0x6, v7;
	v2 =	vmul.f32 v2, v8;
	v10 =	vor.u32 $0x6, v14  }
0xb9: {  	v8 =	vor.u32 $0x2, v7;
	v6 =	vmul.f32 v6, v9;
	_ =	sdelay $0x1  }
0xba: {  	v9 =	vor.u32 $0x5, v7;
	v2 =	vadd.f32 v6, v2  }
0xbb: {  	v6 =	vor.u32 $0x4, v7;
	v17 =	vshll.u32 v17, $0x2  }
0xbc: {  	v2 =	vmul.f32 v2, v13;
	v13 =	vor.u32 $0x1, v17  }
0xbd: {  	v19 =	vor.u32 $0x2, v17  }
0xbe: {  	v3 =	vmul.f32 v2, v3;
	v4 =	vmul.f32 v2, v4  }
0xbf: {  	v2 =	vmul.f32 v2, v5  }
0xc0: {  	[tilespmem:v17+s29+$0x0] =	vst.idx.add.f32.msk $0xffff, v3  }
0xc1: {  	v3 =	vor.u32 $0x2, v14;
	[tilespmem:v13+s29+$0x0] =	vst.idx.add.f32.msk $0xffff, v4  }
0xc2: {  	[tilespmem:v19+s29+$0x0] =	vst.idx.add.f32.msk $0xffff, v2  }
0xc3: {  	v2 =	vld.idx.msk [tilespmem:v6+s15+$0x0], $0xffff  }
0xc4: {  	v4 =	vld.idx.msk [tilespmem:v14+s14+$0x0], $0xffff  }
0xc5: {  	v5 =	vld.idx.msk [tilespmem:v11+s14+$0x0], $0xffff  }
0xc6: {  	v6 =	vld.idx.msk [tilespmem:v3+s14+$0x0], $0xffff  }
0xc7: {  	v3 =	vld.idx.msk [tilespmem:v7+s15+$0x0], $0xffff  }
0xc8: {  	v11 =	vld.idx.msk [tilespmem:v16+s15+$0x0], $0xffff  }
0xc9: {  	v13 =	vld.idx.msk [tilespmem:v15+s14+$0x0], $0xffff  }
0xca: {  	v8 =	vld.idx.msk [tilespmem:v8+s15+$0x0], $0xffff  }
0xcb: {  	v12 =	vld.idx.msk [tilespmem:v12+s14+$0x0], $0xffff  }
0xcc: {  	v9 =	vld.idx.msk [tilespmem:v9+s15+$0x0], $0xffff  }
0xcd: {  	v3 =	vsub.f32 v4, v3;
	v14 =	vld.idx.msk [tilespmem:v18+s15+$0x0], $0xffff  }
0xce: {  	v4 =	vsub.f32 v5, v11;
	v10 =	vld.idx.msk [tilespmem:v10+s14+$0x0], $0xffff;
	_ =	sdelay $0x1  }
0xcf: {  	v5 =	vsub.f32 v6, v8;
	v6 =	vmul.f32 v3, v3;
	v8 =	vmul.f32 v4, v4  }
0xd0: {  	v2 =	vsub.f32 v12, v2  }
0xd1: {  	v6 =	vadd.f32 v8, v6;
	v8 =	vmul.f32 v5, v5;
	v9 =	vsub.f32 v13, v9  }
0xd2: {  	v11 =	vmul.f32 v2, v2  }
0xd3: {  	v2 =	vadd.f32 v8, v6;
	v6 =	vsub.f32 v10, v14;
	v8 =	vmul.f32 v9, v9;
	_ =	sdelay $0x1  }
0xd4: {  	v2 =	vadd.f32 $9.999999930e-09, v2;
	v8 =	vadd.f32 v8, v11;
	v6 =	vmul.f32 v6, v6;
	_ =	sdelay $0x1  }
0xd5: {  	v9 =	vshra.s32 v2, $0x1;
	v10 =	vmul.f32 $5.000000000e-01, v2;
	v6 =	vadd.f32 v6, v8  }
0xd6: {  	v9 =	vsub.s32 $0x5F3759DF, v9;
	v8 =	vld [tilespmem:s3+$0x0]  }
0xd7: {  	v12 =	vmul.f32 v9, v10;
	v6 =	vadd.f32 $9.999999930e-09, v6;
	v11 =	vld [tilespmem:s4+$0x0];
	_ =	sdelay $0x1  }
0xd8: {  	v12 =	vmul.f32 v9, v12;
	v13 =	vshra.s32 v6, $0x1;
	v14 =	vmul.f32 $5.000000000e-01, v6  }
0xd9: {  	v13 =	vsub.s32 $0x5F3759DF, v13  }
0xda: {  	v12 =	vsub.f32 $1.500000000e+00, v12;
	v15 =	vadd.s32 $0x12, v8;
	v8 =	vadd.s32 $0x17, v8  }
0xdb: {  	v18 =	vmul.f32 v13, v14;
	v16 =	vand.u32 $0xFFFFFFF8, v11;
	v17 =	vand.u32 $0xFFFFFFF8, v8  }
0xdc: {  	v19 =	vadd.s32 $0xD, v11;
	v9 =	vmul.f32 v9, v12;
	v16 =	vadd.s32 v7, v16  }
0xdd: {  	v11 =	vand.u32 $0x7, v11;
	v18 =	vmul.f32 v13, v18;
	v12 =	vand.u32 $0xFFFFFFF8, v19  }
0xde: {  	v11 =	vor.u32 v11, v16;
	v12 =	vadd.s32 v7, v12;
	v16 =	vmul.f32 v9, v10  }
0xdf: {  	v19 =	vand.u32 $0x7, v19;
	v18 =	vsub.f32 $1.500000000e+00, v18;
	v11 =	vadd.s32 $0x8, v11  }
0xe0: {  	v8 =	vand.u32 $0x7, v8;
	v17 =	vadd.s32 v7, v17;
	v12 =	vor.u32 v19, v12  }
0xe1: {  	v17 =	vor.u32 v8, v17;
	v19 =	vand.u32 $0xFFFFFFF8, v15;
	v13 =	vmul.f32 v13, v18  }
0xe2: {  	v8 =	vand.u32 $0x7, v15;
	v7 =	vadd.s32 v7, v19;
	v15 =	vmul.f32 v16, v9  }
0xe3: {  	v16 =	vor.u32 v8, v7;
	v7 =	vmul.f32 v13, v14  }
0xe4: {  	v8 =	vld.idx.msk [tilespmem:v11+s15+$0x0], $0xffff;
	v11 =	vsub.f32 $1.500000000e+00, v15  }
0xe5: {  	v15 =	vmul.f32 v7, v13  }
0xe6: {  	v7 =	vmul.f32 v11, v9  }
.Ltmp1:
0xe7: {  	v15 =	vsub.f32 $1.500000000e+00, v15;
	v9 =	vld.idx.msk [tilespmem:v12+s15+$0x0], $0xffff;
	(pc) =	sbr.rel @p0 .LBB2_5-.Ltmp1, $4  }
0xe8: {  	v11 =	vld.idx.msk [tilespmem:v16+s15+$0x0], $0xffff;
	v16 =	vmul.f32 v7, v10  }
0xe9: {  	v10 =	vmul.f32 v15, v13;
	v12 =	vld.idx.msk [tilespmem:v17+s15+$0x0], $0xffff  }
0xea: {  	v13 =	vmul.f32 v16, v7  }
0xeb: {  	v14 =	vmul.f32 v10, v14  }
0xec: {  	_ = 	snop  }
0xed: {  	v14 =	vmul.f32 v14, v10;
	_ =	sdelay $0x1  }
0xee: {  	v13 =	vsub.f32 $1.500000000e+00, v13;
	v14 =	vsub.f32 $1.500000000e+00, v14;
	_ =	sdelay $0x1  }
0xef: {  	v7 =	vmul.f32 v13, v7;
	v10 =	vmul.f32 v14, v10  }
0xf0: {  	v8 =	vadd.f32 v11, v8  }
0xf1: {  	v11 =	vld [tilespmem:s5+$0x0];
	v9 =	vadd.f32 v12, v9;
	v2 =	vmul.f32 v7, v2;
	v6 =	vmul.f32 v10, v6;
	_ =	sdelay $0x1  }
0xf2: {  	v2 =	vmul.f32 v2, v8;
	v6 =	vmul.f32 v6, v9;
	_ =	sdelay $0x1  }
0xf3: {  	v2 =	vadd.f32 v6, v2  }
0xf4: {  	s1 =	simm.s32 $0x0;
	v6 =	vshll.u32 v11, $0x2  }
0xf5: {  	v9 =	vor.u32 s1, v0;
	v8 =	vor.u32 $0x1, v6;
	v7 =	vmul.f32 v2, v7  }
0xf6: {  	v10 =	vor.u32 $0x2, v6;
	v2 =	vshll.u32 v9, $0x5  }
0xf7: {  	v11 =	vmul.f32 v7, v3;
	v3 =	vor.u32 $0x4, v2  }
0xf8: {  	v12 =	vmul.f32 v7, v4;
	v4 =	vshll.u32 v9, $0x3  }
0xf9: {  	v9 =	vmul.f32 v7, v5;
	[tilespmem:v6+s29+$0x0] =	vst.idx.add.f32.msk $0xffff, v11  }
0xfa: {  	v13 =	vor.u32 $0x6, v2;
	[tilespmem:v8+s29+$0x0] =	vst.idx.add.f32.msk $0xffff, v12  }
0xfb: {  	v5 =	vor.u32 $0x1, v4;
	[tilespmem:v10+s29+$0x0] =	vst.idx.add.f32.msk $0xffff, v9  }
0xfc: {  	v7 =	vor.u32 $0x2, v4;
	v17 =	vld.idx.msk [tilespmem:v3+s20+$0x0], $0xffff  }
0xfd: {  	v6 =	vor.u32 $0x1, v2;
	v14 =	vld.idx.msk [tilespmem:v4+s16+$0x0], $0xffff  }
0xfe: {  	v11 =	vor.u32 $0x5, v2;
	v18 =	vld.idx.msk [tilespmem:v2+s20+$0x0], $0xffff  }
0xff: {  	v8 =	vor.u32 $0x5, v4;
	v24 =	vld.idx.msk [tilespmem:v13+s20+$0x0], $0xffff  }
0x100: {  	v9 =	vor.u32 $0x2, v2;
	v15 =	vld.idx.msk [tilespmem:v5+s16+$0x0], $0xffff  }
0x101: {  	v10 =	vor.u32 $0x4, v4;
	v16 =	vld.idx.msk [tilespmem:v7+s16+$0x0], $0xffff  }
0x102: {  	v12 =	vor.u32 $0x6, v4;
	v19 =	vld.idx.msk [tilespmem:v6+s20+$0x0], $0xffff  }
0x103: {  	v23 =	vld.idx.msk [tilespmem:v11+s20+$0x0], $0xffff  }
0x104: {  	v20 =	vld.idx.msk [tilespmem:v8+s16+$0x0], $0xffff  }
0x105: {  	v21 =	vld.idx.msk [tilespmem:v9+s20+$0x0], $0xffff  }
0x106: {  	v22 =	vld.idx.msk [tilespmem:v10+s16+$0x0], $0xffff  }
0x107: {  	v14 =	vsub.f32 v14, v18;
	v18 =	vld.idx.msk [tilespmem:v12+s16+$0x0], $0xffff;
	_ =	sdelay $0x1  }
0x108: {  	v15 =	vsub.f32 v15, v19  }
0x109: {  	v19 =	vmul.f32 v14, v14;
	v20 =	vsub.f32 v20, v23  }
0x10a: {  	v16 =	vsub.f32 v16, v21;
	v21 =	vmul.f32 v15, v15;
	v17 =	vsub.f32 v22, v17  }
0x10b: {  	v18 =	vsub.f32 v18, v24;
	v20 =	vmul.f32 v20, v20  }
0x10c: {  	v19 =	vadd.f32 v21, v19;
	v21 =	vmul.f32 v16, v16;
	v17 =	vmul.f32 v17, v17;
	_ =	sdelay $0x1  }
0x10d: {  	v18 =	vmul.f32 v18, v18;
	v19 =	vadd.f32 v21, v19;
	v20 =	vadd.f32 v20, v17;
	_ =	sdelay $0x1  }
0x10e: {  	v17 =	vadd.f32 $9.999999930e-09, v19;
	v18 =	vadd.f32 v18, v20  }
0x10f: {  	s4 =	simm.s32 $0x480  }
0x110: {  	v21 =	vld [tilespmem:s4+$0x0];
	v19 =	vshra.s32 v17, $0x1;
	v22 =	vmul.f32 $5.000000000e-01, v17;
	v18 =	vadd.f32 $9.999999930e-09, v18  }
0x111: {  	s3 =	simm.s32 $0x680;
	v19 =	vsub.s32 $0x5F3759DF, v19  }
0x112: {  	v20 =	vld [tilespmem:s3+$0x0];
	v23 =	vmul.f32 v19, v22;
	v24 =	vshra.s32 v18, $0x1;
	v26 =	vmul.f32 $5.000000000e-01, v18  }
0x113: {  	v24 =	vsub.s32 $0x5F3759DF, v24  }
0x114: {  	v23 =	vmul.f32 v19, v23;
	v25 =	vmul.f32 v24, v26  }
0x115: {  	v28 =	vand.u32 $0xFFFFFFF8, v21;
	v29 =	vadd.s32 $0xD, v21;
	v21 =	vand.u32 $0x7, v21  }
0x116: {  	v28 =	vadd.s32 v2, v28;
	v23 =	vsub.f32 $1.500000000e+00, v23;
	v25 =	vmul.f32 v24, v25  }
0x117: {  	v27 =	vadd.s32 $0x12, v20;
	v20 =	vadd.s32 $0x17, v20;
	v21 =	vor.u32 v21, v28  }
0x118: {  	v30 =	vand.u32 $0xFFFFFFF8, v20;
	v19 =	vmul.f32 v19, v23;
	v25 =	vsub.f32 $1.500000000e+00, v25  }
0x119: {  	v21 =	vadd.s32 $0x8, v21;
	v23 =	vand.u32 $0xFFFFFFF8, v29;
	v29 =	vand.u32 $0x7, v29  }
0x11a: {  	v23 =	vadd.s32 v2, v23;
	v59 =	vmul.f32 v19, v22;
	v24 =	vmul.f32 v24, v25  }
0x11b: {  	v23 =	vor.u32 v29, v23;
	v25 =	vand.u32 $0xFFFFFFF8, v27;
	v27 =	vand.u32 $0x7, v27  }
0x11c: {  	v25 =	vadd.s32 v2, v25;
	v28 =	vmul.f32 v59, v19;
	v60 =	vmul.f32 v24, v26  }
0x11d: {  	v20 =	vand.u32 $0x7, v20;
	v30 =	vadd.s32 v2, v30;
	v25 =	vor.u32 v27, v25  }
0x11e: {  	v62 =	vor.u32 v20, v30;
	v27 =	vsub.f32 $1.500000000e+00, v28;
	v61 =	vmul.f32 v60, v24;
	_ =	sdelay $0x1  }
0x11f: {  	v20 =	vld.idx.msk [tilespmem:v21+s20+$0x0], $0xffff;
	v19 =	vmul.f32 v27, v19;
	v27 =	vsub.f32 $1.500000000e+00, v61  }
0x120: {  	v21 =	vld.idx.msk [tilespmem:v23+s20+$0x0], $0xffff  }
0x121: {  	v23 =	vld.idx.msk [tilespmem:v25+s20+$0x0], $0xffff;
	v63 =	vmul.f32 v19, v22;
	v22 =	vmul.f32 v27, v24  }
0x122: {  	v24 =	vld.idx.msk [tilespmem:v62+s20+$0x0], $0xffff  }
0x123: {  	s6 =	simm.s32 $0x80;
	s5 =	simm.s32 $0x80;
	s1 =	simm.s32 $0x10;
	v25 =	vmul.f32 v63, v19;
	v26 =	vmul.f32 v22, v26  }
.LBB2_7:
0x124: {  	s6 =	sadd.s32 $0x10, s6;
	s3 =	sadd.s32 $0x10, s3;
	s4 =	sadd.s32 $0x10, s4  }
0x125: {  	p0 =	sne.s32 s1, $0x70;
	s30 =	smov.u32 s1;
	s1 =	sadd.s32 $0x10, s1;
	v26 =	vmul.f32 v26, v22  }
0x126: {  	v25 =	vsub.f32 $1.500000000e+00, v25;
	v20 =	vadd.f32 v23, v20  }
0x127: {  	v21 =	vadd.f32 v24, v21;
	v23 =	vsub.f32 $1.500000000e+00, v26  }
0x128: {  	v24 =	vor.u32 s30, v0;
	v25 =	vmul.f32 v25, v19  }
0x129: {  	v26 =	vshll.u32 v24, $0x3;
	v19 =	vshll.u32 v24, $0x5;
	v22 =	vmul.f32 v23, v22  }
0x12a: {  	v24 =	vor.u32 $0x4, v26;
	v17 =	vmul.f32 v25, v17;
	v23 =	vor.u32 $0x1, v26  }
0x12b: {  	v27 =	vor.u32 $0x5, v26;
	v28 =	vor.u32 $0x1, v19;
	v29 =	vld [tilespmem:s5+$0x0];
	v18 =	vmul.f32 v22, v18;
	s5 =	smov.u32 s6  }
0x12c: {  	v30 =	vor.u32 $0x6, v19;
	v17 =	vmul.f32 v17, v20;
	v22 =	vor.u32 $0x6, v26  }
0x12d: {  	v20 =	vor.u32 $0x2, v19;
	v18 =	vmul.f32 v18, v21;
	_ =	sdelay $0x1  }
0x12e: {  	v21 =	vor.u32 $0x5, v19;
	v17 =	vadd.f32 v18, v17  }
0x12f: {  	v18 =	vor.u32 $0x4, v19;
	v29 =	vshll.u32 v29, $0x2  }
0x130: {  	v17 =	vmul.f32 v17, v25;
	v25 =	vor.u32 $0x1, v29  }
0x131: {  	v31 =	vor.u32 $0x2, v29  }
0x132: {  	v14 =	vmul.f32 v17, v14;
	v15 =	vmul.f32 v17, v15  }
0x133: {  	v16 =	vmul.f32 v17, v16  }
0x134: {  	[tilespmem:v29+s29+$0x0] =	vst.idx.add.f32.msk $0xffff, v14  }
0x135: {  	v14 =	vor.u32 $0x2, v26;
	[tilespmem:v25+s29+$0x0] =	vst.idx.add.f32.msk $0xffff, v15  }
0x136: {  	[tilespmem:v31+s29+$0x0] =	vst.idx.add.f32.msk $0xffff, v16  }
0x137: {  	v17 =	vld.idx.msk [tilespmem:v18+s20+$0x0], $0xffff  }
0x138: {  	v15 =	vld.idx.msk [tilespmem:v26+s16+$0x0], $0xffff  }
0x139: {  	v16 =	vld.idx.msk [tilespmem:v23+s16+$0x0], $0xffff  }
0x13a: {  	v18 =	vld.idx.msk [tilespmem:v14+s16+$0x0], $0xffff  }
0x13b: {  	v14 =	vld.idx.msk [tilespmem:v19+s20+$0x0], $0xffff  }
0x13c: {  	v23 =	vld.idx.msk [tilespmem:v28+s20+$0x0], $0xffff  }
0x13d: {  	v25 =	vld.idx.msk [tilespmem:v27+s16+$0x0], $0xffff  }
0x13e: {  	v20 =	vld.idx.msk [tilespmem:v20+s20+$0x0], $0xffff  }
0x13f: {  	v24 =	vld.idx.msk [tilespmem:v24+s16+$0x0], $0xffff  }
0x140: {  	v21 =	vld.idx.msk [tilespmem:v21+s20+$0x0], $0xffff  }
0x141: {  	v14 =	vsub.f32 v15, v14;
	v26 =	vld.idx.msk [tilespmem:v30+s20+$0x0], $0xffff  }
0x142: {  	v15 =	vsub.f32 v16, v23;
	v22 =	vld.idx.msk [tilespmem:v22+s16+$0x0], $0xffff;
	_ =	sdelay $0x1  }
0x143: {  	v16 =	vsub.f32 v18, v20;
	v18 =	vmul.f32 v14, v14;
	v20 =	vmul.f32 v15, v15  }
0x144: {  	v17 =	vsub.f32 v24, v17  }
0x145: {  	v18 =	vadd.f32 v20, v18;
	v20 =	vmul.f32 v16, v16;
	v21 =	vsub.f32 v25, v21  }
0x146: {  	v23 =	vmul.f32 v17, v17  }
0x147: {  	v17 =	vadd.f32 v20, v18;
	v18 =	vsub.f32 v22, v26;
	v20 =	vmul.f32 v21, v21;
	_ =	sdelay $0x1  }
0x148: {  	v17 =	vadd.f32 $9.999999930e-09, v17;
	v20 =	vadd.f32 v20, v23;
	v18 =	vmul.f32 v18, v18;
	_ =	sdelay $0x1  }
0x149: {  	v21 =	vshra.s32 v17, $0x1;
	v22 =	vmul.f32 $5.000000000e-01, v17;
	v18 =	vadd.f32 v18, v20  }
0x14a: {  	v21 =	vsub.s32 $0x5F3759DF, v21;
	v20 =	vld [tilespmem:s3+$0x0]  }
0x14b: {  	v24 =	vmul.f32 v21, v22;
	v18 =	vadd.f32 $9.999999930e-09, v18;
	v23 =	vld [tilespmem:s4+$0x0];
	_ =	sdelay $0x1  }
0x14c: {  	v24 =	vmul.f32 v21, v24;
	v25 =	vshra.s32 v18, $0x1;
	v26 =	vmul.f32 $5.000000000e-01, v18  }
0x14d: {  	v25 =	vsub.s32 $0x5F3759DF, v25  }
0x14e: {  	v24 =	vsub.f32 $1.500000000e+00, v24;
	v27 =	vadd.s32 $0x12, v20;
	v20 =	vadd.s32 $0x17, v20  }
0x14f: {  	v30 =	vmul.f32 v25, v26;
	v28 =	vand.u32 $0xFFFFFFF8, v23;
	v29 =	vand.u32 $0xFFFFFFF8, v20  }
0x150: {  	v31 =	vadd.s32 $0xD, v23;
	v21 =	vmul.f32 v21, v24;
	v28 =	vadd.s32 v19, v28  }
0x151: {  	v23 =	vand.u32 $0x7, v23;
	v30 =	vmul.f32 v25, v30;
	v24 =	vand.u32 $0xFFFFFFF8, v31  }
0x152: {  	v23 =	vor.u32 v23, v28;
	v24 =	vadd.s32 v19, v24;
	v28 =	vmul.f32 v21, v22  }
0x153: {  	v31 =	vand.u32 $0x7, v31;
	v30 =	vsub.f32 $1.500000000e+00, v30;
	v23 =	vadd.s32 $0x8, v23  }
0x154: {  	v20 =	vand.u32 $0x7, v20;
	v29 =	vadd.s32 v19, v29;
	v24 =	vor.u32 v31, v24  }
0x155: {  	v29 =	vor.u32 v20, v29;
	v31 =	vand.u32 $0xFFFFFFF8, v27;
	v25 =	vmul.f32 v25, v30  }
0x156: {  	v20 =	vand.u32 $0x7, v27;
	v19 =	vadd.s32 v19, v31;
	v27 =	vmul.f32 v28, v21  }
0x157: {  	v28 =	vor.u32 v20, v19;
	v19 =	vmul.f32 v25, v26  }
0x158: {  	v20 =	vld.idx.msk [tilespmem:v23+s20+$0x0], $0xffff;
	v23 =	vsub.f32 $1.500000000e+00, v27  }
0x159: {  	v27 =	vmul.f32 v19, v25  }
0x15a: {  	v19 =	vmul.f32 v23, v21  }
.Ltmp2:
0x15b: {  	v27 =	vsub.f32 $1.500000000e+00, v27;
	v21 =	vld.idx.msk [tilespmem:v24+s20+$0x0], $0xffff;
	(pc) =	sbr.rel @p0 .LBB2_7-.Ltmp2, $4  }
0x15c: {  	v23 =	vld.idx.msk [tilespmem:v28+s20+$0x0], $0xffff;
	v28 =	vmul.f32 v19, v22  }
0x15d: {  	v22 =	vmul.f32 v27, v25;
	v24 =	vld.idx.msk [tilespmem:v29+s20+$0x0], $0xffff  }
0x15e: {  	v25 =	vmul.f32 v28, v19  }
0x15f: {  	v26 =	vmul.f32 v22, v26  }
0x160: {  	_ = 	snop  }
0x161: {  	v26 =	vmul.f32 v26, v22;
	_ =	sdelay $0x1  }
0x162: {  	v25 =	vsub.f32 $1.500000000e+00, v25;
	v26 =	vsub.f32 $1.500000000e+00, v26;
	_ =	sdelay $0x1  }
0x163: {  	v19 =	vmul.f32 v25, v19;
	v50 =	vmul.f32 v26, v22  }
0x164: {  	v20 =	vadd.f32 v23, v20  }
0x165: {  	v51 =	vld [tilespmem:s5+$0x0];
	v21 =	vadd.f32 v24, v21;
	v17 =	vmul.f32 v19, v17;
	v18 =	vmul.f32 v50, v18;
	_ =	sdelay $0x1  }
0x166: {  	v17 =	vmul.f32 v17, v20;
	v18 =	vmul.f32 v18, v21;
	_ =	sdelay $0x1  }
0x167: {  	v17 =	vadd.f32 v18, v17  }
0x168: {  	v52 =	vshll.u32 v51, $0x2  }
0x169: {  	v53 =	vor.u32 $0x1, v52;
	v17 =	vmul.f32 v17, v19  }
0x16a: {  	v54 =	vor.u32 $0x2, v52  }
0x16b: {  	v14 =	vmul.f32 v17, v14  }
0x16c: {  	v15 =	vmul.f32 v17, v15  }
0x16d: {  	v16 =	vmul.f32 v17, v16;
	[tilespmem:v52+s29+$0x0] =	vst.idx.add.f32.msk $0xffff, v14  }
0x16e: {  	[tilespmem:v53+s29+$0x0] =	vst.idx.add.f32.msk $0xffff, v15  }
0x16f: {  	[tilespmem:v54+s29+$0x0] =	vst.idx.add.f32.msk $0xffff, v16  }
0x170: {  	v14 =	vld.idx.msk [tilespmem:v3+s24+$0x0], $0xffff  }
0x171: {  	v3 =	vld.idx.msk [tilespmem:v4+s22+$0x0], $0xffff  }
0x172: {  	v4 =	vld.idx.msk [tilespmem:v5+s22+$0x0], $0xffff  }
0x173: {  	v5 =	vld.idx.msk [tilespmem:v7+s22+$0x0], $0xffff  }
0x174: {  	v7 =	vld.idx.msk [tilespmem:v2+s24+$0x0], $0xffff  }
0x175: {  	v6 =	vld.idx.msk [tilespmem:v6+s24+$0x0], $0xffff  }
0x176: {  	v8 =	vld.idx.msk [tilespmem:v8+s22+$0x0], $0xffff  }
0x177: {  	v10 =	vld.idx.msk [tilespmem:v10+s22+$0x0], $0xffff  }
0x178: {  	v11 =	vld.idx.msk [tilespmem:v11+s24+$0x0], $0xffff  }
0x179: {  	v9 =	vld.idx.msk [tilespmem:v9+s24+$0x0], $0xffff  }
0x17a: {  	v13 =	vld.idx.msk [tilespmem:v13+s24+$0x0], $0xffff  }
0x17b: {  	v3 =	vsub.f32 v3, v7;
	v7 =	vld.idx.msk [tilespmem:v12+s22+$0x0], $0xffff  }
0x17c: {  	v4 =	vsub.f32 v4, v6  }
0x17d: {  	v10 =	vsub.f32 v10, v14;
	v8 =	vsub.f32 v8, v11  }
0x17e: {  	v5 =	vsub.f32 v5, v9;
	v6 =	vmul.f32 v3, v3;
	v9 =	vmul.f32 v4, v4  }
0x17f: {  	v10 =	vmul.f32 v10, v10;
	v8 =	vmul.f32 v8, v8  }
0x180: {  	v6 =	vadd.f32 v9, v6;
	v9 =	vmul.f32 v5, v5;
	v7 =	vsub.f32 v7, v13;
	_ =	sdelay $0x1  }
0x181: {  	v8 =	vadd.f32 v8, v10;
	v6 =	vadd.f32 v9, v6;
	v7 =	vmul.f32 v7, v7;
	_ =	sdelay $0x1  }
0x182: {  	s4 =	simm.s32 $0x500;
	v6 =	vadd.f32 $9.999999930e-09, v6;
	v7 =	vadd.f32 v7, v8  }
0x183: {  	v11 =	vld [tilespmem:s4+$0x0]  }
0x184: {  	v8 =	vshra.s32 v6, $0x1;
	v10 =	vmul.f32 $5.000000000e-01, v6;
	v7 =	vadd.f32 $9.999999930e-09, v7  }
0x185: {  	s3 =	simm.s32 $0x700;
	v8 =	vsub.s32 $0x5F3759DF, v8  }
0x186: {  	v9 =	vld [tilespmem:s3+$0x0];
	v12 =	vmul.f32 v8, v10;
	v13 =	vshra.s32 v7, $0x1;
	v14 =	vmul.f32 $5.000000000e-01, v7  }
0x187: {  	v13 =	vsub.s32 $0x5F3759DF, v13  }
0x188: {  	v56 =	vand.u32 $0xFFFFFFF8, v11;
	v12 =	vmul.f32 v8, v12;
	v15 =	vmul.f32 v13, v14  }
0x189: {  	v57 =	vadd.s32 $0xD, v11;
	v11 =	vand.u32 $0x7, v11;
	v17 =	vadd.s32 v2, v56  }
0x18a: {  	v11 =	vor.u32 v11, v17;
	v12 =	vsub.f32 $1.500000000e+00, v12;
	v15 =	vmul.f32 v13, v15  }
0x18b: {  	v18 =	vand.u32 $0x7, v57;
	v11 =	vadd.s32 $0x8, v11;
	v55 =	vadd.s32 $0x12, v9  }
0x18c: {  	v9 =	vadd.s32 $0x17, v9;
	v8 =	vmul.f32 v8, v12;
	v15 =	vsub.f32 $1.500000000e+00, v15  }
0x18d: {  	v58 =	vand.u32 $0xFFFFFFF8, v9;
	v16 =	vand.u32 $0x7, v55;
	v12 =	vand.u32 $0xFFFFFFF8, v57  }
0x18e: {  	v12 =	vadd.s32 v2, v12;
	v59 =	vmul.f32 v8, v10;
	v13 =	vmul.f32 v13, v15  }
0x18f: {  	v19 =	vadd.s32 v2, v58;
	v12 =	vor.u32 v18, v12;
	v15 =	vand.u32 $0xFFFFFFF8, v55  }
0x190: {  	v17 =	vmul.f32 v59, v8;
	v2 =	vadd.s32 v2, v15;
	v60 =	vmul.f32 v13, v14  }
0x191: {  	v9 =	vand.u32 $0x7, v9;
	v15 =	vor.u32 v16, v2  }
0x192: {  	v62 =	vor.u32 v9, v19;
	v2 =	vsub.f32 $1.500000000e+00, v17;
	v61 =	vmul.f32 v60, v13;
	_ =	sdelay $0x1  }
0x193: {  	v9 =	vld.idx.msk [tilespmem:v12+s24+$0x0], $0xffff;
	v2 =	vmul.f32 v2, v8;
	v16 =	vsub.f32 $1.500000000e+00, v61  }
0x194: {  	v8 =	vld.idx.msk [tilespmem:v11+s24+$0x0], $0xffff  }
0x195: {  	v63 =	vmul.f32 v2, v10;
	v11 =	vld.idx.msk [tilespmem:v15+s24+$0x0], $0xffff;
	v10 =	vmul.f32 v16, v13  }
0x196: {  	v12 =	vld.idx.msk [tilespmem:v62+s24+$0x0], $0xffff  }
0x197: {  	s6 =	simm.s32 $0x100;
	s1 =	simm.s32 $0x10;
	s5 =	simm.s32 $0x100;
	v13 =	vmul.f32 v63, v2;
	v14 =	vmul.f32 v10, v14  }
.LBB2_9:
0x198: {  	s6 =	sadd.s32 $0x10, s6;
	s3 =	sadd.s32 $0x10, s3;
	s4 =	sadd.s32 $0x10, s4  }
0x199: {  	p0 =	sne.s32 s1, $0x70;
	s30 =	smov.u32 s1;
	s1 =	sadd.s32 $0x10, s1;
	v14 =	vmul.f32 v14, v10  }
0x19a: {  	v13 =	vsub.f32 $1.500000000e+00, v13;
	v8 =	vadd.f32 v11, v8  }
0x19b: {  	v9 =	vadd.f32 v12, v9;
	v11 =	vsub.f32 $1.500000000e+00, v14  }
0x19c: {  	v12 =	vor.u32 s30, v0;
	v13 =	vmul.f32 v13, v2  }
0x19d: {  	v14 =	vshll.u32 v12, $0x3;
	v2 =	vshll.u32 v12, $0x5;
	v10 =	vmul.f32 v11, v10  }
0x19e: {  	v12 =	vor.u32 $0x4, v14;
	v6 =	vmul.f32 v13, v6;
	v11 =	vor.u32 $0x1, v14  }
0x19f: {  	v15 =	vor.u32 $0x5, v14;
	v16 =	vor.u32 $0x1, v2;
	v17 =	vld [tilespmem:s5+$0x0];
	v7 =	vmul.f32 v10, v7;
	s5 =	smov.u32 s6  }
0x1a0: {  	v18 =	vor.u32 $0x6, v2;
	v6 =	vmul.f32 v6, v8;
	v10 =	vor.u32 $0x6, v14  }
0x1a1: {  	v8 =	vor.u32 $0x2, v2;
	v7 =	vmul.f32 v7, v9;
	_ =	sdelay $0x1  }
0x1a2: {  	v9 =	vor.u32 $0x5, v2;
	v6 =	vadd.f32 v7, v6  }
0x1a3: {  	v7 =	vor.u32 $0x4, v2;
	v17 =	vshll.u32 v17, $0x2  }
0x1a4: {  	v6 =	vmul.f32 v6, v13;
	v13 =	vor.u32 $0x1, v17  }
0x1a5: {  	v19 =	vor.u32 $0x2, v17  }
0x1a6: {  	v3 =	vmul.f32 v6, v3;
	v4 =	vmul.f32 v6, v4  }
0x1a7: {  	v5 =	vmul.f32 v6, v5  }
0x1a8: {  	[tilespmem:v17+s29+$0x0] =	vst.idx.add.f32.msk $0xffff, v3  }
0x1a9: {  	v3 =	vor.u32 $0x2, v14;
	[tilespmem:v13+s29+$0x0] =	vst.idx.add.f32.msk $0xffff, v4  }
0x1aa: {  	[tilespmem:v19+s29+$0x0] =	vst.idx.add.f32.msk $0xffff, v5  }
0x1ab: {  	v6 =	vld.idx.msk [tilespmem:v7+s24+$0x0], $0xffff  }
0x1ac: {  	v4 =	vld.idx.msk [tilespmem:v14+s22+$0x0], $0xffff  }
0x1ad: {  	v5 =	vld.idx.msk [tilespmem:v11+s22+$0x0], $0xffff  }
0x1ae: {  	v7 =	vld.idx.msk [tilespmem:v3+s22+$0x0], $0xffff  }
0x1af: {  	v3 =	vld.idx.msk [tilespmem:v2+s24+$0x0], $0xffff  }
0x1b0: {  	v11 =	vld.idx.msk [tilespmem:v16+s24+$0x0], $0xffff  }
0x1b1: {  	v13 =	vld.idx.msk [tilespmem:v15+s22+$0x0], $0xffff  }
0x1b2: {  	v8 =	vld.idx.msk [tilespmem:v8+s24+$0x0], $0xffff  }
0x1b3: {  	v12 =	vld.idx.msk [tilespmem:v12+s22+$0x0], $0xffff  }
0x1b4: {  	v9 =	vld.idx.msk [tilespmem:v9+s24+$0x0], $0xffff  }
0x1b5: {  	v3 =	vsub.f32 v4, v3;
	v14 =	vld.idx.msk [tilespmem:v18+s24+$0x0], $0xffff  }
0x1b6: {  	v4 =	vsub.f32 v5, v11;
	v10 =	vld.idx.msk [tilespmem:v10+s22+$0x0], $0xffff;
	_ =	sdelay $0x1  }
0x1b7: {  	v5 =	vsub.f32 v7, v8;
	v7 =	vmul.f32 v3, v3;
	v8 =	vmul.f32 v4, v4  }
0x1b8: {  	v6 =	vsub.f32 v12, v6  }
0x1b9: {  	v7 =	vadd.f32 v8, v7;
	v8 =	vmul.f32 v5, v5;
	v9 =	vsub.f32 v13, v9  }
0x1ba: {  	v11 =	vmul.f32 v6, v6  }
0x1bb: {  	v6 =	vadd.f32 v8, v7;
	v7 =	vsub.f32 v10, v14;
	v8 =	vmul.f32 v9, v9;
	_ =	sdelay $0x1  }
0x1bc: {  	v6 =	vadd.f32 $9.999999930e-09, v6;
	v8 =	vadd.f32 v8, v11;
	v7 =	vmul.f32 v7, v7;
	_ =	sdelay $0x1  }
0x1bd: {  	v9 =	vshra.s32 v6, $0x1;
	v10 =	vmul.f32 $5.000000000e-01, v6;
	v7 =	vadd.f32 v7, v8  }
0x1be: {  	v9 =	vsub.s32 $0x5F3759DF, v9;
	v8 =	vld [tilespmem:s3+$0x0]  }
0x1bf: {  	v12 =	vmul.f32 v9, v10;
	v7 =	vadd.f32 $9.999999930e-09, v7;
	v11 =	vld [tilespmem:s4+$0x0];
	_ =	sdelay $0x1  }
0x1c0: {  	v12 =	vmul.f32 v9, v12;
	v13 =	vshra.s32 v7, $0x1;
	v14 =	vmul.f32 $5.000000000e-01, v7  }
0x1c1: {  	v13 =	vsub.s32 $0x5F3759DF, v13  }
0x1c2: {  	v12 =	vsub.f32 $1.500000000e+00, v12;
	v15 =	vadd.s32 $0x12, v8;
	v8 =	vadd.s32 $0x17, v8  }
0x1c3: {  	v18 =	vmul.f32 v13, v14;
	v16 =	vand.u32 $0xFFFFFFF8, v11;
	v17 =	vand.u32 $0xFFFFFFF8, v8  }
0x1c4: {  	v19 =	vadd.s32 $0xD, v11;
	v9 =	vmul.f32 v9, v12;
	v16 =	vadd.s32 v2, v16  }
0x1c5: {  	v11 =	vand.u32 $0x7, v11;
	v18 =	vmul.f32 v13, v18;
	v12 =	vand.u32 $0xFFFFFFF8, v19  }
0x1c6: {  	v11 =	vor.u32 v11, v16;
	v12 =	vadd.s32 v2, v12;
	v16 =	vmul.f32 v9, v10  }
0x1c7: {  	v19 =	vand.u32 $0x7, v19;
	v18 =	vsub.f32 $1.500000000e+00, v18;
	v11 =	vadd.s32 $0x8, v11  }
0x1c8: {  	v8 =	vand.u32 $0x7, v8;
	v17 =	vadd.s32 v2, v17;
	v12 =	vor.u32 v19, v12  }
0x1c9: {  	v17 =	vor.u32 v8, v17;
	v19 =	vand.u32 $0xFFFFFFF8, v15;
	v13 =	vmul.f32 v13, v18  }
0x1ca: {  	v8 =	vand.u32 $0x7, v15;
	v2 =	vadd.s32 v2, v19;
	v15 =	vmul.f32 v16, v9  }
0x1cb: {  	v16 =	vor.u32 v8, v2;
	v2 =	vmul.f32 v13, v14  }
0x1cc: {  	v8 =	vld.idx.msk [tilespmem:v11+s24+$0x0], $0xffff;
	v11 =	vsub.f32 $1.500000000e+00, v15  }
0x1cd: {  	v15 =	vmul.f32 v2, v13  }
0x1ce: {  	v2 =	vmul.f32 v11, v9  }
.Ltmp3:
0x1cf: {  	v15 =	vsub.f32 $1.500000000e+00, v15;
	v9 =	vld.idx.msk [tilespmem:v12+s24+$0x0], $0xffff;
	(pc) =	sbr.rel @p0 .LBB2_9-.Ltmp3, $4  }
0x1d0: {  	v11 =	vld.idx.msk [tilespmem:v16+s24+$0x0], $0xffff;
	v16 =	vmul.f32 v2, v10  }
0x1d1: {  	v10 =	vmul.f32 v15, v13;
	v12 =	vld.idx.msk [tilespmem:v17+s24+$0x0], $0xffff  }
0x1d2: {  	v13 =	vmul.f32 v16, v2  }
0x1d3: {  	v14 =	vmul.f32 v10, v14  }
0x1d4: {  	_ = 	snop  }
0x1d5: {  	v14 =	vmul.f32 v14, v10;
	_ =	sdelay $0x1  }
0x1d6: {  	v13 =	vsub.f32 $1.500000000e+00, v13;
	v14 =	vsub.f32 $1.500000000e+00, v14;
	_ =	sdelay $0x1  }
0x1d7: {  	v2 =	vmul.f32 v13, v2;
	v10 =	vmul.f32 v14, v10  }
0x1d8: {  	v8 =	vadd.f32 v11, v8  }
0x1d9: {  	v11 =	vld [tilespmem:s5+$0x0];
	v9 =	vadd.f32 v12, v9;
	v6 =	vmul.f32 v2, v6;
	v7 =	vmul.f32 v10, v7;
	_ =	sdelay $0x1  }
0x1da: {  	v6 =	vmul.f32 v6, v8;
	v7 =	vmul.f32 v7, v9;
	_ =	sdelay $0x1  }
0x1db: {  	v6 =	vadd.f32 v7, v6  }
0x1dc: {  	s1 =	simm.s32 $0x0;
	v7 =	vshll.u32 v11, $0x2  }
0x1dd: {  	v8 =	vor.u32 s1, v0;
	v2 =	vmul.f32 v6, v2;
	v6 =	vor.u32 $0x1, v7  }
0x1de: {  	v10 =	vshll.u32 v8, $0x5;
	v9 =	vor.u32 $0x2, v7  }
0x1df: {  	v11 =	vor.u32 $0x4, v10;
	v3 =	vmul.f32 v2, v3  }
0x1e0: {  	v8 =	vshll.u32 v8, $0x3;
	v4 =	vmul.f32 v2, v4  }
0x1e1: {  	v2 =	vmul.f32 v2, v5;
	[tilespmem:v7+s29+$0x0] =	vst.idx.add.f32.msk $0xffff, v3  }
0x1e2: {  	v12 =	vor.u32 $0x5, v10;
	[tilespmem:v6+s29+$0x0] =	vst.idx.add.f32.msk $0xffff, v4  }
0x1e3: {  	v14 =	vor.u32 $0x6, v10;
	[tilespmem:v9+s29+$0x0] =	vst.idx.add.f32.msk $0xffff, v2  }
0x1e4: {  	v3 =	vor.u32 $0x1, v8;
	v5 =	vld.idx.msk [tilespmem:v11+s31+$0x0], $0xffff  }
0x1e5: {  	v4 =	vor.u32 $0x2, v8;
	v7 =	vld.idx.msk [tilespmem:v8+s26+$0x0], $0xffff  }
0x1e6: {  	v6 =	vor.u32 $0x5, v8;
	v13 =	vld.idx.msk [tilespmem:v10+s31+$0x0], $0xffff  }
0x1e7: {  	v2 =	vor.u32 $0x1, v10;
	v12 =	vld.idx.msk [tilespmem:v12+s31+$0x0], $0xffff  }
0x1e8: {  	v9 =	vor.u32 $0x2, v10;
	v14 =	vld.idx.msk [tilespmem:v14+s31+$0x0], $0xffff  }
0x1e9: {  	v11 =	vor.u32 $0x4, v8;
	v3 =	vld.idx.msk [tilespmem:v3+s26+$0x0], $0xffff  }
0x1ea: {  	v8 =	vor.u32 $0x6, v8;
	v4 =	vld.idx.msk [tilespmem:v4+s26+$0x0], $0xffff  }
0x1eb: {  	v6 =	vld.idx.msk [tilespmem:v6+s26+$0x0], $0xffff  }
0x1ec: {  	v15 =	vld.idx.msk [tilespmem:v2+s31+$0x0], $0xffff  }
0x1ed: {  	v9 =	vld.idx.msk [tilespmem:v9+s31+$0x0], $0xffff  }
0x1ee: {  	v11 =	vld.idx.msk [tilespmem:v11+s26+$0x0], $0xffff  }
0x1ef: {  	v2 =	vsub.f32 v7, v13;
	v7 =	vld.idx.msk [tilespmem:v8+s26+$0x0], $0xffff;
	_ =	sdelay $0x1  }
0x1f0: {  	v3 =	vsub.f32 v3, v15  }
0x1f1: {  	v8 =	vmul.f32 v2, v2;
	v6 =	vsub.f32 v6, v12  }
0x1f2: {  	v4 =	vsub.f32 v4, v9;
	v5 =	vsub.f32 v11, v5;
	v9 =	vmul.f32 v3, v3  }
0x1f3: {  	v7 =	vsub.f32 v7, v14;
	v6 =	vmul.f32 v6, v6  }
0x1f4: {  	v5 =	vmul.f32 v5, v5;
	v8 =	vadd.f32 v9, v8;
	v9 =	vmul.f32 v4, v4;
	_ =	sdelay $0x1  }
0x1f5: {  	v7 =	vmul.f32 v7, v7;
	v6 =	vadd.f32 v6, v5;
	v8 =	vadd.f32 v9, v8  }
0x1f6: {  	s3 =	simm.s32 $0x580  }
0x1f7: {  	v9 =	vld [tilespmem:s3+$0x0];
	v6 =	vadd.f32 v7, v6;
	v5 =	vadd.f32 $9.999999930e-09, v8  }
0x1f8: {  	s30 =	simm.s32 $0x780  }
0x1f9: {  	v8 =	vld [tilespmem:s30+$0x0];
	v6 =	vadd.f32 $9.999999930e-09, v6;
	v7 =	vshra.s32 v5, $0x1;
	v11 =	vmul.f32 $5.000000000e-01, v5  }
0x1fa: {  	v7 =	vsub.s32 $0x5F3759DF, v7  }
0x1fb: {  	v13 =	vshra.s32 v6, $0x1;
	v14 =	vmul.f32 $5.000000000e-01, v6;
	v12 =	vmul.f32 v7, v11  }
0x1fc: {  	v17 =	vand.u32 $0xFFFFFFF8, v9;
	v13 =	vsub.s32 $0x5F3759DF, v13  }
0x1fd: {  	v18 =	vadd.s32 $0xD, v9;
	v15 =	vmul.f32 v13, v14;
	v12 =	vmul.f32 v7, v12  }
0x1fe: {  	v9 =	vand.u32 $0x7, v9;
	v17 =	vadd.s32 v10, v17;
	v16 =	vadd.s32 $0x12, v8  }
0x1ff: {  	v8 =	vadd.s32 $0x17, v8;
	v15 =	vmul.f32 v13, v15;
	v12 =	vsub.f32 $1.500000000e+00, v12  }
0x200: {  	v9 =	vor.u32 v9, v17;
	v19 =	vand.u32 $0xFFFFFFF8, v8  }
0x201: {  	v9 =	vadd.s32 $0x8, v9;
	v15 =	vsub.f32 $1.500000000e+00, v15;
	v7 =	vmul.f32 v7, v12  }
0x202: {  	v19 =	vadd.s32 v10, v19;
	v12 =	vand.u32 $0xFFFFFFF8, v18;
	v18 =	vand.u32 $0x7, v18  }
0x203: {  	v12 =	vadd.s32 v10, v12;
	v13 =	vmul.f32 v13, v15;
	v59 =	vmul.f32 v7, v11  }
0x204: {  	v15 =	vand.u32 $0xFFFFFFF8, v16;
	v16 =	vand.u32 $0x7, v16;
	v12 =	vor.u32 v18, v12  }
0x205: {  	v10 =	vadd.s32 v10, v15;
	v60 =	vmul.f32 v13, v14;
	v17 =	vmul.f32 v59, v7  }
0x206: {  	v8 =	vand.u32 $0x7, v8;
	v15 =	vor.u32 v16, v10  }
0x207: {  	v62 =	vor.u32 v8, v19;
	v61 =	vmul.f32 v60, v13;
	v10 =	vsub.f32 $1.500000000e+00, v17;
	_ =	sdelay $0x1  }
0x208: {  	v8 =	vld.idx.msk [tilespmem:v9+s31+$0x0], $0xffff;
	v7 =	vmul.f32 v10, v7;
	v10 =	vsub.f32 $1.500000000e+00, v61  }
0x209: {  	v9 =	vld.idx.msk [tilespmem:v12+s31+$0x0], $0xffff  }
0x20a: {  	v63 =	vmul.f32 v7, v11;
	v10 =	vmul.f32 v10, v13;
	v11 =	vld.idx.msk [tilespmem:v15+s31+$0x0], $0xffff  }
0x20b: {  	v12 =	vld.idx.msk [tilespmem:v62+s31+$0x0], $0xffff  }
0x20c: {  	s6 =	simm.s32 $0x10;
	s4 =	simm.s32 $0x180;
	s5 =	simm.s32 $0x180;
	v13 =	vmul.f32 v63, v7;
	v14 =	vmul.f32 v10, v14  }
.LBB2_11:
0x20d: {  	s5 =	sadd.s32 $0x10, s5;
	s30 =	sadd.s32 $0x10, s30;
	s3 =	sadd.s32 $0x10, s3  }
0x20e: {  	p0 =	sne.s32 s6, $0x70;
	s1 =	smov.u32 s6;
	s6 =	sadd.s32 $0x10, s6;
	v14 =	vmul.f32 v14, v10  }
0x20f: {  	v13 =	vsub.f32 $1.500000000e+00, v13;
	v8 =	vadd.f32 v11, v8  }
0x210: {  	v9 =	vadd.f32 v12, v9;
	v11 =	vsub.f32 $1.500000000e+00, v14  }
0x211: {  	v12 =	vor.u32 s1, v0;
	v13 =	vmul.f32 v13, v7  }
0x212: {  	v14 =	vshll.u32 v12, $0x3;
	v7 =	vshll.u32 v12, $0x5;
	v10 =	vmul.f32 v11, v10  }
0x213: {  	v12 =	vor.u32 $0x4, v14;
	v5 =	vmul.f32 v13, v5;
	v11 =	vor.u32 $0x1, v14  }
0x214: {  	v15 =	vor.u32 $0x5, v14;
	v16 =	vor.u32 $0x1, v7;
	v17 =	vld [tilespmem:s4+$0x0];
	v6 =	vmul.f32 v10, v6;
	s4 =	smov.u32 s5  }
0x215: {  	v18 =	vor.u32 $0x6, v7;
	v5 =	vmul.f32 v5, v8;
	v10 =	vor.u32 $0x6, v14  }
0x216: {  	v8 =	vor.u32 $0x2, v7;
	v6 =	vmul.f32 v6, v9;
	_ =	sdelay $0x1  }
0x217: {  	v9 =	vor.u32 $0x5, v7;
	v5 =	vadd.f32 v6, v5  }
0x218: {  	v6 =	vor.u32 $0x4, v7;
	v17 =	vshll.u32 v17, $0x2  }
0x219: {  	v5 =	vmul.f32 v5, v13;
	v13 =	vor.u32 $0x1, v17  }
0x21a: {  	v19 =	vor.u32 $0x2, v17  }
0x21b: {  	v2 =	vmul.f32 v5, v2;
	v3 =	vmul.f32 v5, v3  }
0x21c: {  	v4 =	vmul.f32 v5, v4  }
0x21d: {  	[tilespmem:v17+s29+$0x0] =	vst.idx.add.f32.msk $0xffff, v2  }
0x21e: {  	v2 =	vor.u32 $0x2, v14;
	[tilespmem:v13+s29+$0x0] =	vst.idx.add.f32.msk $0xffff, v3  }
0x21f: {  	[tilespmem:v19+s29+$0x0] =	vst.idx.add.f32.msk $0xffff, v4  }
0x220: {  	v5 =	vld.idx.msk [tilespmem:v6+s31+$0x0], $0xffff  }
0x221: {  	v3 =	vld.idx.msk [tilespmem:v14+s26+$0x0], $0xffff  }
0x222: {  	v4 =	vld.idx.msk [tilespmem:v11+s26+$0x0], $0xffff  }
0x223: {  	v6 =	vld.idx.msk [tilespmem:v2+s26+$0x0], $0xffff  }
0x224: {  	v2 =	vld.idx.msk [tilespmem:v7+s31+$0x0], $0xffff  }
0x225: {  	v11 =	vld.idx.msk [tilespmem:v16+s31+$0x0], $0xffff  }
0x226: {  	v13 =	vld.idx.msk [tilespmem:v15+s26+$0x0], $0xffff  }
0x227: {  	v8 =	vld.idx.msk [tilespmem:v8+s31+$0x0], $0xffff  }
0x228: {  	v12 =	vld.idx.msk [tilespmem:v12+s26+$0x0], $0xffff  }
0x229: {  	v9 =	vld.idx.msk [tilespmem:v9+s31+$0x0], $0xffff  }
0x22a: {  	v2 =	vsub.f32 v3, v2;
	v14 =	vld.idx.msk [tilespmem:v18+s31+$0x0], $0xffff  }
0x22b: {  	v3 =	vsub.f32 v4, v11;
	v10 =	vld.idx.msk [tilespmem:v10+s26+$0x0], $0xffff;
	_ =	sdelay $0x1  }
0x22c: {  	v4 =	vsub.f32 v6, v8;
	v6 =	vmul.f32 v2, v2;
	v8 =	vmul.f32 v3, v3  }
0x22d: {  	v5 =	vsub.f32 v12, v5  }
0x22e: {  	v6 =	vadd.f32 v8, v6;
	v8 =	vmul.f32 v4, v4;
	v9 =	vsub.f32 v13, v9  }
0x22f: {  	v11 =	vmul.f32 v5, v5  }
0x230: {  	v5 =	vadd.f32 v8, v6;
	v6 =	vsub.f32 v10, v14;
	v8 =	vmul.f32 v9, v9;
	_ =	sdelay $0x1  }
0x231: {  	v5 =	vadd.f32 $9.999999930e-09, v5;
	v8 =	vadd.f32 v8, v11;
	v6 =	vmul.f32 v6, v6;
	_ =	sdelay $0x1  }
0x232: {  	v9 =	vshra.s32 v5, $0x1;
	v10 =	vmul.f32 $5.000000000e-01, v5;
	v6 =	vadd.f32 v6, v8  }
0x233: {  	v9 =	vsub.s32 $0x5F3759DF, v9;
	v8 =	vld [tilespmem:s30+$0x0]  }
0x234: {  	v12 =	vmul.f32 v9, v10;
	v6 =	vadd.f32 $9.999999930e-09, v6;
	v11 =	vld [tilespmem:s3+$0x0];
	_ =	sdelay $0x1  }
0x235: {  	v12 =	vmul.f32 v9, v12;
	v13 =	vshra.s32 v6, $0x1;
	v14 =	vmul.f32 $5.000000000e-01, v6  }
0x236: {  	v13 =	vsub.s32 $0x5F3759DF, v13  }
0x237: {  	v12 =	vsub.f32 $1.500000000e+00, v12;
	v15 =	vadd.s32 $0x12, v8;
	v8 =	vadd.s32 $0x17, v8  }
0x238: {  	v18 =	vmul.f32 v13, v14;
	v16 =	vand.u32 $0xFFFFFFF8, v11;
	v17 =	vand.u32 $0xFFFFFFF8, v8  }
0x239: {  	v19 =	vadd.s32 $0xD, v11;
	v9 =	vmul.f32 v9, v12;
	v16 =	vadd.s32 v7, v16  }
0x23a: {  	v11 =	vand.u32 $0x7, v11;
	v18 =	vmul.f32 v13, v18;
	v12 =	vand.u32 $0xFFFFFFF8, v19  }
0x23b: {  	v11 =	vor.u32 v11, v16;
	v12 =	vadd.s32 v7, v12;
	v16 =	vmul.f32 v9, v10  }
0x23c: {  	v19 =	vand.u32 $0x7, v19;
	v18 =	vsub.f32 $1.500000000e+00, v18;
	v11 =	vadd.s32 $0x8, v11  }
0x23d: {  	v8 =	vand.u32 $0x7, v8;
	v17 =	vadd.s32 v7, v17;
	v12 =	vor.u32 v19, v12  }
0x23e: {  	v17 =	vor.u32 v8, v17;
	v19 =	vand.u32 $0xFFFFFFF8, v15;
	v13 =	vmul.f32 v13, v18  }
0x23f: {  	v8 =	vand.u32 $0x7, v15;
	v7 =	vadd.s32 v7, v19;
	v15 =	vmul.f32 v16, v9  }
0x240: {  	v16 =	vor.u32 v8, v7;
	v7 =	vmul.f32 v13, v14  }
0x241: {  	v8 =	vld.idx.msk [tilespmem:v11+s31+$0x0], $0xffff;
	v11 =	vsub.f32 $1.500000000e+00, v15  }
0x242: {  	v15 =	vmul.f32 v7, v13  }
0x243: {  	v7 =	vmul.f32 v11, v9  }
.Ltmp4:
0x244: {  	v15 =	vsub.f32 $1.500000000e+00, v15;
	v9 =	vld.idx.msk [tilespmem:v12+s31+$0x0], $0xffff;
	(pc) =	sbr.rel @p0 .LBB2_11-.Ltmp4, $4  }
0x245: {  	v11 =	vld.idx.msk [tilespmem:v16+s31+$0x0], $0xffff;
	v16 =	vmul.f32 v7, v10  }
0x246: {  	v10 =	vmul.f32 v15, v13;
	v12 =	vld.idx.msk [tilespmem:v17+s31+$0x0], $0xffff  }
0x247: {  	v13 =	vmul.f32 v16, v7  }
0x248: {  	v14 =	vmul.f32 v10, v14  }
0x249: {  	_ = 	snop  }
0x24a: {  	v14 =	vmul.f32 v14, v10;
	_ =	sdelay $0x1  }
0x24b: {  	v13 =	vsub.f32 $1.500000000e+00, v13;
	v14 =	vsub.f32 $1.500000000e+00, v14;
	_ =	sdelay $0x1  }
0x24c: {  	v7 =	vmul.f32 v13, v7;
	v10 =	vmul.f32 v14, v10  }
0x24d: {  	v8 =	vadd.f32 v11, v8  }
0x24e: {  	v11 =	vld [tilespmem:s4+$0x0];
	v9 =	vadd.f32 v12, v9;
	v5 =	vmul.f32 v7, v5;
	v6 =	vmul.f32 v10, v6;
	_ =	sdelay $0x1  }
0x24f: {  	v5 =	vmul.f32 v5, v8;
	v6 =	vmul.f32 v6, v9;
	_ =	sdelay $0x1  }
0x250: {  	v5 =	vadd.f32 v6, v5  }
0x251: {  	v6 =	vshll.u32 v11, $0x2  }
0x252: {  	v5 =	vmul.f32 v5, v7;
	v7 =	vor.u32 $0x1, v6  }
0x253: {  	v8 =	vor.u32 $0x2, v6  }
0x254: {  	v2 =	vmul.f32 v5, v2  }
0x255: {  	s30 =	sshll.u32 s9, $0xA;
	s1 =	rddreg [dreg:$0xe];
	v3 =	vmul.f32 v5, v3  }
0x256: {  	s1 =	sadd.s32 s30, s1;
	v4 =	vmul.f32 v5, v4;
	[tilespmem:v6+s29+$0x0] =	vst.idx.add.f32.msk $0xffff, v2  }
0x257: {  	s1 =	sshrl.u32 s1, $0x3;
	[tilespmem:v7+s29+$0x0] =	vst.idx.add.f32.msk $0xffff, v3  }
0x258: {  	s6 =	rddreg [dreg:$0x3];
	s4 =	simm.s32 $0x0;
	s3 =	sadd.s32 s12, s1;
	[tilespmem:v8+s29+$0x0] =	vst.idx.add.f32.msk $0xffff, v4  }
0x259: {  	[tilespmem:s4], [sflag:$0x1] =	stream.linear.gather [hbm4b:s3+s4], $0x200, $0x38;
	[tilespmem:$0x15000] =	vst v63  }
0x25a: {  	s5 =	simm.s32 $0x200;
	s12 =	rddreg [dreg:$0x4];
	s3 =	sadd.s32 s6, s1  }
0x25b: {  	[tilespmem:s5], [sflag:$0x1] =	stream.linear.gather [hbm4b:s3+s4], $0x200, $0x38;
	[tilespmem:$0x15000] =	vst v63  }
0x25c: {  	s6 =	simm.s32 $0x400;
	s3 =	sadd.s32 s12, s1  }
0x25d: {  	[tilespmem:s6], [sflag:$0x1] =	stream.linear.gather [hbm4b:s3+s4], $0x200, $0x38;
	[tilespmem:$0x15000] =	vst v63  }
0x25e: {  	s6 =	rddreg [dreg:$0x5]  }
0x25f: {  	s12 =	simm.s32 $0x600;
	s1 =	sadd.s32 s6, s1  }
0x260: {  	[tilespmem:s12], [sflag:$0x1] =	stream.linear.gather [hbm4b:s1+s4], $0x200, $0x38;
	[tilespmem:$0x15000] =	vst v63  }
0x261: {  	_ =	swait.ge [sflag:s2], $0x400  }
0x262: {  	[sflag:s2] =	ssyncset.done $0x0  }
0x263: {  	[sflag:s2] =	ssyncadd.s32 $0xFFFFFC00  }
0x264: {  	_ =	swait.ge [sflag:s2], $0x1000  }
0x265: {  	[sflag:s2] =	ssyncset.done $0x0  }
0x266: {  	[sflag:s2] =	ssyncadd.s32 $0xFFFFF000  }
0x267: {  	_ =	swait.ge [sflag:s2], $0x400  }
0x268: {  	[sflag:s2] =	ssyncset.done $0x0  }
0x269: {  	[sflag:s2] =	ssyncadd.s32 $0xFFFFFC00  }
0x26a: {  	_ =	swait.ge [sflag:s2], $0x1000  }
0x26b: {  	[sflag:s2] =	ssyncset.done $0x0  }
0x26c: {  	[sflag:s2] =	ssyncadd.s32 $0xFFFFF000  }
0x26d: {  	_ =	swait.ge [sflag:s2], $0x400  }
0x26e: {  	[sflag:s2] =	ssyncset.done $0x0  }
0x26f: {  	[sflag:s2] =	ssyncadd.s32 $0xFFFFFC00  }
0x270: {  	_ =	swait.ge [sflag:s2], $0x1000  }
0x271: {  	[sflag:s2] =	ssyncset.done $0x0  }
0x272: {  	[sflag:s2] =	ssyncadd.s32 $0xFFFFF000  }
0x273: {  	_ =	swait.ge [sflag:s2], $0x400  }
0x274: {  	[sflag:s2] =	ssyncset.done $0x0  }
0x275: {  	[sflag:s2] =	ssyncadd.s32 $0xFFFFFC00  }
0x276: {  	_ =	swait.ge [sflag:s2], $0x1000  }
0x277: {  	[sflag:s2] =	ssyncset.done $0x0  }
0x278: {  	s6 =	simm.s32 $0x1;
	[sflag:s2] =	ssyncadd.s32 $0xFFFFF000  }
0x279: {  	_ =	swait.ge [sflag:s6], $0x200  }
0x27a: {  	[sflag:s6] =	ssyncset.done $0x0  }
0x27b: {  	[sflag:s6] =	ssyncadd.s32 $0xFFFFFE00  }
0x27c: {  	_ =	swait.ge [sflag:s6], $0x200  }
0x27d: {  	[sflag:s6] =	ssyncset.done $0x0  }
0x27e: {  	[sflag:s6] =	ssyncadd.s32 $0xFFFFFE00  }
0x27f: {  	_ =	swait.ge [sflag:s6], $0x200  }
0x280: {  	[sflag:s6] =	ssyncset.done $0x0  }
0x281: {  	[sflag:s6] =	ssyncadd.s32 $0xFFFFFE00  }
0x282: {  	_ =	swait.ge [sflag:s6], $0x200  }
0x283: {  	[sflag:s6] =	ssyncset.done $0x0  }
0x284: {  	[sflag:s6] =	ssyncadd.s32 $0xFFFFFE00  }
0x285: {  	[tilespmem:s14], [sflag:$0x3] =	stream.indirect.gather [hbm4b:s7+s13], $0x8, s4, s13, $0xb8;
	[tilespmem:$0x15000] =	vst v63  }
0x286: {  	_ = 	snop  }
0x287: {  	[tilespmem:s15], [sflag:$0x3] =	stream.indirect.gather [hbm4b:s8+s13], $0x20, s5, s13, $0xb8;
	[tilespmem:$0x15000] =	vst v63  }
0x288: {  	_ = 	snop  }
0x289: {  	[tilespmem:s16], [sflag:$0x3] =	stream.indirect.gather [hbm4b:s7+s13], $0x8, s13, s13, $0xb8;
	[tilespmem:$0x15000] =	vst v63  }
0x28a: {  	s12 =	simm.s32 $0x280  }
0x28b: {  	[tilespmem:s20], [sflag:$0x3] =	stream.indirect.gather [hbm4b:s8+s13], $0x20, s12, s13, $0xb8;
	[tilespmem:$0x15000] =	vst v63  }
0x28c: {  	s3 =	simm.s32 $0x100  }
0x28d: {  	v3 =	vor.u32 s4, v0;
	[tilespmem:s22], [sflag:$0x3] =	stream.indirect.gather [hbm4b:s7+s13], $0x8, s3, s13, $0xb8;
	[tilespmem:$0x15000] =	vst v63  }
0x28e: {  	v2 =	vshll.u32 v3, $0x5;
	s5 =	simm.s32 $0x300  }
0x28f: {  	v4 =	vor.u32 $0x4, v2;
	[tilespmem:s24], [sflag:$0x3] =	stream.indirect.gather [hbm4b:s8+s13], $0x20, s5, s13, $0xb8;
	[tilespmem:$0x15000] =	vst v63  }
0x290: {  	v3 =	vshll.u32 v3, $0x3;
	s6 =	simm.s32 $0x180  }
0x291: {  	v5 =	vor.u32 $0x1, v3;
	[tilespmem:s26], [sflag:$0x3] =	stream.indirect.gather [hbm4b:s7+s13], $0x8, s6, s13, $0xb8;
	[tilespmem:$0x15000] =	vst v63  }
0x292: {  	v7 =	vor.u32 $0x2, v3;
	s12 =	simm.s32 $0x380  }
0x293: {  	[tilespmem:s31], [sflag:$0x3] =	stream.indirect.gather [hbm4b:s8+s13], $0x20, s12, s13, $0xb8;
	[tilespmem:$0x15000] =	vst v63  }
0x294: {  	v6 =	vor.u32 $0x1, v2;
	v17 =	vld.idx.msk [tilespmem:v4+s11+$0x0], $0xffff  }
0x295: {  	v8 =	vor.u32 $0x5, v3;
	v14 =	vld.idx.msk [tilespmem:v3+s10+$0x0], $0xffff  }
0x296: {  	v10 =	vor.u32 $0x4, v3;
	v15 =	vld.idx.msk [tilespmem:v5+s10+$0x0], $0xffff  }
0x297: {  	v11 =	vor.u32 $0x5, v2;
	v16 =	vld.idx.msk [tilespmem:v7+s10+$0x0], $0xffff  }
0x298: {  	v9 =	vor.u32 $0x2, v2;
	v18 =	vld.idx.msk [tilespmem:v2+s11+$0x0], $0xffff  }
0x299: {  	v13 =	vor.u32 $0x6, v2;
	v19 =	vld.idx.msk [tilespmem:v6+s11+$0x0], $0xffff  }
0x29a: {  	v12 =	vor.u32 $0x6, v3;
	v20 =	vld.idx.msk [tilespmem:v8+s10+$0x0], $0xffff  }
0x29b: {  	v22 =	vld.idx.msk [tilespmem:v10+s10+$0x0], $0xffff  }
0x29c: {  	v23 =	vld.idx.msk [tilespmem:v11+s11+$0x0], $0xffff  }
0x29d: {  	v21 =	vld.idx.msk [tilespmem:v9+s11+$0x0], $0xffff  }
0x29e: {  	v24 =	vld.idx.msk [tilespmem:v13+s11+$0x0], $0xffff  }
0x29f: {  	v14 =	vsub.f32 v14, v18;
	v18 =	vld.idx.msk [tilespmem:v12+s10+$0x0], $0xffff  }
0x2a0: {  	v15 =	vsub.f32 v15, v19  }
0x2a1: {  	v17 =	vsub.f32 v22, v17;
	v20 =	vsub.f32 v20, v23  }
0x2a2: {  	v16 =	vsub.f32 v16, v21;
	v19 =	vmul.f32 v14, v14;
	v21 =	vmul.f32 v15, v15  }
0x2a3: {  	v17 =	vmul.f32 v17, v17;
	v20 =	vmul.f32 v20, v20  }
0x2a4: {  	v19 =	vadd.f32 v21, v19;
	v21 =	vmul.f32 v16, v16;
	v18 =	vsub.f32 v18, v24;
	_ =	sdelay $0x1  }
0x2a5: {  	v20 =	vadd.f32 v20, v17;
	v19 =	vadd.f32 v21, v19;
	v18 =	vmul.f32 v18, v18;
	_ =	sdelay $0x1  }
0x2a6: {  	v17 =	vadd.f32 $9.999999930e-09, v19;
	v18 =	vadd.f32 v18, v20  }
0x2a7: {  	s4 =	simm.s32 $0xC00  }
0x2a8: {  	v21 =	vld [tilespmem:s4+$0x0];
	v19 =	vshra.s32 v17, $0x1;
	v22 =	vmul.f32 $5.000000000e-01, v17;
	v18 =	vadd.f32 $9.999999930e-09, v18  }
0x2a9: {  	s3 =	simm.s32 $0xE00;
	v19 =	vsub.s32 $0x5F3759DF, v19  }
0x2aa: {  	v20 =	vld [tilespmem:s3+$0x0];
	v23 =	vmul.f32 v19, v22;
	v24 =	vshra.s32 v18, $0x1;
	v26 =	vmul.f32 $5.000000000e-01, v18  }
0x2ab: {  	v24 =	vsub.s32 $0x5F3759DF, v24  }
0x2ac: {  	v23 =	vmul.f32 v19, v23;
	v25 =	vmul.f32 v24, v26  }
0x2ad: {  	v28 =	vand.u32 $0xFFFFFFF8, v21;
	v29 =	vadd.s32 $0xD, v21;
	v21 =	vand.u32 $0x7, v21  }
0x2ae: {  	v28 =	vadd.s32 v2, v28;
	v23 =	vsub.f32 $1.500000000e+00, v23;
	v25 =	vmul.f32 v24, v25  }
0x2af: {  	v21 =	vor.u32 v21, v28;
	v27 =	vadd.s32 $0x12, v20;
	v20 =	vadd.s32 $0x17, v20  }
0x2b0: {  	v21 =	vadd.s32 $0x8, v21;
	v19 =	vmul.f32 v19, v23;
	v25 =	vsub.f32 $1.500000000e+00, v25  }
0x2b1: {  	v30 =	vand.u32 $0xFFFFFFF8, v20;
	v23 =	vand.u32 $0xFFFFFFF8, v29;
	v29 =	vand.u32 $0x7, v29  }
0x2b2: {  	v23 =	vadd.s32 v2, v23;
	v59 =	vmul.f32 v19, v22;
	v24 =	vmul.f32 v24, v25  }
0x2b3: {  	v23 =	vor.u32 v29, v23;
	v25 =	vand.u32 $0xFFFFFFF8, v27;
	v27 =	vand.u32 $0x7, v27  }
0x2b4: {  	v28 =	vmul.f32 v59, v19;
	v25 =	vadd.s32 v2, v25;
	v60 =	vmul.f32 v24, v26  }
0x2b5: {  	v20 =	vand.u32 $0x7, v20;
	v30 =	vadd.s32 v2, v30;
	v25 =	vor.u32 v27, v25  }
0x2b6: {  	v62 =	vor.u32 v20, v30;
	v27 =	vsub.f32 $1.500000000e+00, v28;
	v61 =	vmul.f32 v60, v24;
	_ =	sdelay $0x1  }
0x2b7: {  	v20 =	vld.idx.msk [tilespmem:v21+s11+$0x0], $0xffff;
	v19 =	vmul.f32 v27, v19;
	v27 =	vsub.f32 $1.500000000e+00, v61  }
0x2b8: {  	v21 =	vld.idx.msk [tilespmem:v23+s11+$0x0], $0xffff  }
0x2b9: {  	v63 =	vmul.f32 v19, v22;
	v23 =	vld.idx.msk [tilespmem:v25+s11+$0x0], $0xffff;
	v22 =	vmul.f32 v27, v24  }
0x2ba: {  	v24 =	vld.idx.msk [tilespmem:v62+s11+$0x0], $0xffff  }
0x2bb: {  	s1 =	simm.s32 $0x10;
	s5 =	simm.s32 $0x800;
	s6 =	simm.s32 $0x800;
	v25 =	vmul.f32 v63, v19;
	v26 =	vmul.f32 v22, v26  }
.LBB2_13:
0x2bc: {  	s4 =	sadd.s32 $0x10, s4;
	s3 =	sadd.s32 $0x10, s3;
	s6 =	sadd.s32 $0x10, s6  }
0x2bd: {  	p0 =	sne.s32 s1, $0x70;
	s12 =	smov.u32 s1;
	s1 =	sadd.s32 $0x10, s1;
	v26 =	vmul.f32 v26, v22  }
0x2be: {  	v25 =	vsub.f32 $1.500000000e+00, v25;
	v20 =	vadd.f32 v23, v20  }
0x2bf: {  	v21 =	vadd.f32 v24, v21;
	v23 =	vsub.f32 $1.500000000e+00, v26  }
0x2c0: {  	v24 =	vor.u32 s12, v0;
	v25 =	vmul.f32 v25, v19  }
0x2c1: {  	v26 =	vshll.u32 v24, $0x3;
	v19 =	vshll.u32 v24, $0x5;
	v22 =	vmul.f32 v23, v22  }
0x2c2: {  	v24 =	vor.u32 $0x4, v26;
	v17 =	vmul.f32 v25, v17;
	v23 =	vor.u32 $0x1, v26  }
0x2c3: {  	v27 =	vor.u32 $0x5, v26;
	v28 =	vor.u32 $0x1, v19;
	v29 =	vld [tilespmem:s5+$0x0];
	v18 =	vmul.f32 v22, v18;
	s5 =	smov.u32 s6  }
0x2c4: {  	v30 =	vor.u32 $0x6, v19;
	v17 =	vmul.f32 v17, v20;
	v22 =	vor.u32 $0x6, v26  }
0x2c5: {  	v20 =	vor.u32 $0x2, v19;
	v18 =	vmul.f32 v18, v21;
	_ =	sdelay $0x1  }
0x2c6: {  	v21 =	vor.u32 $0x5, v19;
	v17 =	vadd.f32 v18, v17  }
0x2c7: {  	v18 =	vor.u32 $0x4, v19;
	v29 =	vshll.u32 v29, $0x2  }
0x2c8: {  	v17 =	vmul.f32 v17, v25;
	v25 =	vor.u32 $0x1, v29  }
0x2c9: {  	v31 =	vor.u32 $0x2, v29  }
0x2ca: {  	v14 =	vmul.f32 v17, v14;
	v15 =	vmul.f32 v17, v15  }
0x2cb: {  	v16 =	vmul.f32 v17, v16  }
0x2cc: {  	[tilespmem:v29+s29+$0x0] =	vst.idx.add.f32.msk $0xffff, v14  }
0x2cd: {  	v14 =	vor.u32 $0x2, v26;
	[tilespmem:v25+s29+$0x0] =	vst.idx.add.f32.msk $0xffff, v15  }
0x2ce: {  	[tilespmem:v31+s29+$0x0] =	vst.idx.add.f32.msk $0xffff, v16  }
0x2cf: {  	v17 =	vld.idx.msk [tilespmem:v18+s11+$0x0], $0xffff  }
0x2d0: {  	v15 =	vld.idx.msk [tilespmem:v26+s10+$0x0], $0xffff  }
0x2d1: {  	v16 =	vld.idx.msk [tilespmem:v23+s10+$0x0], $0xffff  }
0x2d2: {  	v18 =	vld.idx.msk [tilespmem:v14+s10+$0x0], $0xffff  }
0x2d3: {  	v14 =	vld.idx.msk [tilespmem:v19+s11+$0x0], $0xffff  }
0x2d4: {  	v23 =	vld.idx.msk [tilespmem:v28+s11+$0x0], $0xffff  }
0x2d5: {  	v25 =	vld.idx.msk [tilespmem:v27+s10+$0x0], $0xffff  }
0x2d6: {  	v20 =	vld.idx.msk [tilespmem:v20+s11+$0x0], $0xffff  }
0x2d7: {  	v24 =	vld.idx.msk [tilespmem:v24+s10+$0x0], $0xffff  }
0x2d8: {  	v21 =	vld.idx.msk [tilespmem:v21+s11+$0x0], $0xffff  }
0x2d9: {  	v14 =	vsub.f32 v15, v14;
	v26 =	vld.idx.msk [tilespmem:v30+s11+$0x0], $0xffff  }
0x2da: {  	v15 =	vsub.f32 v16, v23;
	v22 =	vld.idx.msk [tilespmem:v22+s10+$0x0], $0xffff;
	_ =	sdelay $0x1  }
0x2db: {  	v16 =	vsub.f32 v18, v20;
	v18 =	vmul.f32 v14, v14;
	v20 =	vmul.f32 v15, v15  }
0x2dc: {  	v17 =	vsub.f32 v24, v17  }
0x2dd: {  	v18 =	vadd.f32 v20, v18;
	v20 =	vmul.f32 v16, v16;
	v21 =	vsub.f32 v25, v21  }
0x2de: {  	v23 =	vmul.f32 v17, v17  }
0x2df: {  	v17 =	vadd.f32 v20, v18;
	v18 =	vsub.f32 v22, v26;
	v20 =	vmul.f32 v21, v21;
	_ =	sdelay $0x1  }
0x2e0: {  	v17 =	vadd.f32 $9.999999930e-09, v17;
	v20 =	vadd.f32 v20, v23;
	v18 =	vmul.f32 v18, v18;
	_ =	sdelay $0x1  }
0x2e1: {  	v21 =	vshra.s32 v17, $0x1;
	v22 =	vmul.f32 $5.000000000e-01, v17;
	v18 =	vadd.f32 v18, v20  }
0x2e2: {  	v21 =	vsub.s32 $0x5F3759DF, v21;
	v20 =	vld [tilespmem:s3+$0x0]  }
0x2e3: {  	v24 =	vmul.f32 v21, v22;
	v18 =	vadd.f32 $9.999999930e-09, v18;
	v23 =	vld [tilespmem:s4+$0x0];
	_ =	sdelay $0x1  }
0x2e4: {  	v24 =	vmul.f32 v21, v24;
	v25 =	vshra.s32 v18, $0x1;
	v26 =	vmul.f32 $5.000000000e-01, v18  }
0x2e5: {  	v25 =	vsub.s32 $0x5F3759DF, v25  }
0x2e6: {  	v24 =	vsub.f32 $1.500000000e+00, v24;
	v27 =	vadd.s32 $0x12, v20;
	v20 =	vadd.s32 $0x17, v20  }
0x2e7: {  	v30 =	vmul.f32 v25, v26;
	v28 =	vand.u32 $0xFFFFFFF8, v23;
	v29 =	vand.u32 $0xFFFFFFF8, v20  }
0x2e8: {  	v31 =	vadd.s32 $0xD, v23;
	v21 =	vmul.f32 v21, v24;
	v28 =	vadd.s32 v19, v28  }
0x2e9: {  	v23 =	vand.u32 $0x7, v23;
	v30 =	vmul.f32 v25, v30;
	v24 =	vand.u32 $0xFFFFFFF8, v31  }
0x2ea: {  	v23 =	vor.u32 v23, v28;
	v24 =	vadd.s32 v19, v24;
	v28 =	vmul.f32 v21, v22  }
0x2eb: {  	v31 =	vand.u32 $0x7, v31;
	v30 =	vsub.f32 $1.500000000e+00, v30;
	v23 =	vadd.s32 $0x8, v23  }
0x2ec: {  	v20 =	vand.u32 $0x7, v20;
	v29 =	vadd.s32 v19, v29;
	v24 =	vor.u32 v31, v24  }
0x2ed: {  	v29 =	vor.u32 v20, v29;
	v31 =	vand.u32 $0xFFFFFFF8, v27;
	v25 =	vmul.f32 v25, v30  }
0x2ee: {  	v20 =	vand.u32 $0x7, v27;
	v19 =	vadd.s32 v19, v31;
	v27 =	vmul.f32 v28, v21  }
0x2ef: {  	v28 =	vor.u32 v20, v19;
	v19 =	vmul.f32 v25, v26  }
0x2f0: {  	v20 =	vld.idx.msk [tilespmem:v23+s11+$0x0], $0xffff;
	v23 =	vsub.f32 $1.500000000e+00, v27  }
0x2f1: {  	v27 =	vmul.f32 v19, v25  }
0x2f2: {  	v19 =	vmul.f32 v23, v21  }
.Ltmp5:
0x2f3: {  	v27 =	vsub.f32 $1.500000000e+00, v27;
	v21 =	vld.idx.msk [tilespmem:v24+s11+$0x0], $0xffff;
	(pc) =	sbr.rel @p0 .LBB2_13-.Ltmp5, $4  }
0x2f4: {  	v23 =	vld.idx.msk [tilespmem:v28+s11+$0x0], $0xffff;
	v28 =	vmul.f32 v19, v22  }
0x2f5: {  	v22 =	vmul.f32 v27, v25;
	v24 =	vld.idx.msk [tilespmem:v29+s11+$0x0], $0xffff  }
0x2f6: {  	v25 =	vmul.f32 v28, v19  }
0x2f7: {  	v26 =	vmul.f32 v22, v26  }
0x2f8: {  	_ = 	snop  }
0x2f9: {  	v26 =	vmul.f32 v26, v22;
	_ =	sdelay $0x1  }
0x2fa: {  	v25 =	vsub.f32 $1.500000000e+00, v25;
	v26 =	vsub.f32 $1.500000000e+00, v26;
	_ =	sdelay $0x1  }
0x2fb: {  	v19 =	vmul.f32 v25, v19;
	v50 =	vmul.f32 v26, v22  }
0x2fc: {  	v20 =	vadd.f32 v23, v20  }
0x2fd: {  	v51 =	vld [tilespmem:s5+$0x0];
	v21 =	vadd.f32 v24, v21;
	v17 =	vmul.f32 v19, v17;
	v18 =	vmul.f32 v50, v18;
	_ =	sdelay $0x1  }
0x2fe: {  	v17 =	vmul.f32 v17, v20;
	v18 =	vmul.f32 v18, v21;
	_ =	sdelay $0x1  }
0x2ff: {  	v17 =	vadd.f32 v18, v17  }
0x300: {  	v52 =	vshll.u32 v51, $0x2  }
0x301: {  	v53 =	vor.u32 $0x1, v52;
	v17 =	vmul.f32 v17, v19  }
0x302: {  	v54 =	vor.u32 $0x2, v52  }
0x303: {  	v14 =	vmul.f32 v17, v14  }
0x304: {  	v15 =	vmul.f32 v17, v15  }
0x305: {  	v16 =	vmul.f32 v17, v16;
	[tilespmem:v52+s29+$0x0] =	vst.idx.add.f32.msk $0xffff, v14  }
0x306: {  	[tilespmem:v53+s29+$0x0] =	vst.idx.add.f32.msk $0xffff, v15  }
0x307: {  	[tilespmem:v54+s29+$0x0] =	vst.idx.add.f32.msk $0xffff, v16  }
0x308: {  	v14 =	vld.idx.msk [tilespmem:v4+s21+$0x0], $0xffff  }
0x309: {  	v3 =	vld.idx.msk [tilespmem:v3+s19+$0x0], $0xffff  }
0x30a: {  	v4 =	vld.idx.msk [tilespmem:v5+s19+$0x0], $0xffff  }
0x30b: {  	v5 =	vld.idx.msk [tilespmem:v7+s19+$0x0], $0xffff  }
0x30c: {  	v7 =	vld.idx.msk [tilespmem:v2+s21+$0x0], $0xffff  }
0x30d: {  	v6 =	vld.idx.msk [tilespmem:v6+s21+$0x0], $0xffff  }
0x30e: {  	v8 =	vld.idx.msk [tilespmem:v8+s19+$0x0], $0xffff  }
0x30f: {  	v10 =	vld.idx.msk [tilespmem:v10+s19+$0x0], $0xffff  }
0x310: {  	v11 =	vld.idx.msk [tilespmem:v11+s21+$0x0], $0xffff  }
0x311: {  	v9 =	vld.idx.msk [tilespmem:v9+s21+$0x0], $0xffff  }
0x312: {  	v13 =	vld.idx.msk [tilespmem:v13+s21+$0x0], $0xffff  }
0x313: {  	v3 =	vsub.f32 v3, v7;
	v7 =	vld.idx.msk [tilespmem:v12+s19+$0x0], $0xffff  }
0x314: {  	v4 =	vsub.f32 v4, v6  }
0x315: {  	v10 =	vsub.f32 v10, v14;
	v8 =	vsub.f32 v8, v11  }
0x316: {  	v5 =	vsub.f32 v5, v9;
	v6 =	vmul.f32 v3, v3;
	v9 =	vmul.f32 v4, v4  }
0x317: {  	v10 =	vmul.f32 v10, v10;
	v8 =	vmul.f32 v8, v8  }
0x318: {  	v6 =	vadd.f32 v9, v6;
	v9 =	vmul.f32 v5, v5;
	v7 =	vsub.f32 v7, v13;
	_ =	sdelay $0x1  }
0x319: {  	v8 =	vadd.f32 v8, v10;
	v6 =	vadd.f32 v9, v6;
	v7 =	vmul.f32 v7, v7;
	_ =	sdelay $0x1  }
0x31a: {  	s4 =	simm.s32 $0xC80;
	v6 =	vadd.f32 $9.999999930e-09, v6;
	v7 =	vadd.f32 v7, v8  }
0x31b: {  	v11 =	vld [tilespmem:s4+$0x0]  }
0x31c: {  	v8 =	vshra.s32 v6, $0x1;
	v10 =	vmul.f32 $5.000000000e-01, v6;
	v7 =	vadd.f32 $9.999999930e-09, v7  }
0x31d: {  	s3 =	simm.s32 $0xE80;
	v8 =	vsub.s32 $0x5F3759DF, v8  }
0x31e: {  	v9 =	vld [tilespmem:s3+$0x0];
	v12 =	vmul.f32 v8, v10;
	v13 =	vshra.s32 v7, $0x1;
	v14 =	vmul.f32 $5.000000000e-01, v7  }
0x31f: {  	v13 =	vsub.s32 $0x5F3759DF, v13  }
0x320: {  	v56 =	vand.u32 $0xFFFFFFF8, v11;
	v12 =	vmul.f32 v8, v12;
	v15 =	vmul.f32 v13, v14  }
0x321: {  	v57 =	vadd.s32 $0xD, v11;
	v11 =	vand.u32 $0x7, v11;
	v17 =	vadd.s32 v2, v56  }
0x322: {  	v11 =	vor.u32 v11, v17;
	v12 =	vsub.f32 $1.500000000e+00, v12;
	v15 =	vmul.f32 v13, v15  }
0x323: {  	v18 =	vand.u32 $0x7, v57;
	v11 =	vadd.s32 $0x8, v11;
	v55 =	vadd.s32 $0x12, v9  }
0x324: {  	v9 =	vadd.s32 $0x17, v9;
	v8 =	vmul.f32 v8, v12;
	v15 =	vsub.f32 $1.500000000e+00, v15  }
0x325: {  	v58 =	vand.u32 $0xFFFFFFF8, v9;
	v16 =	vand.u32 $0x7, v55;
	v12 =	vand.u32 $0xFFFFFFF8, v57  }
0x326: {  	v12 =	vadd.s32 v2, v12;
	v59 =	vmul.f32 v8, v10;
	v13 =	vmul.f32 v13, v15  }
0x327: {  	v19 =	vadd.s32 v2, v58;
	v12 =	vor.u32 v18, v12;
	v15 =	vand.u32 $0xFFFFFFF8, v55  }
0x328: {  	v17 =	vmul.f32 v59, v8;
	v2 =	vadd.s32 v2, v15;
	v60 =	vmul.f32 v13, v14  }
0x329: {  	v9 =	vand.u32 $0x7, v9;
	v15 =	vor.u32 v16, v2  }
0x32a: {  	v62 =	vor.u32 v9, v19;
	v2 =	vsub.f32 $1.500000000e+00, v17;
	v61 =	vmul.f32 v60, v13;
	_ =	sdelay $0x1  }
0x32b: {  	v9 =	vld.idx.msk [tilespmem:v12+s21+$0x0], $0xffff;
	v2 =	vmul.f32 v2, v8;
	v16 =	vsub.f32 $1.500000000e+00, v61  }
0x32c: {  	v8 =	vld.idx.msk [tilespmem:v11+s21+$0x0], $0xffff  }
0x32d: {  	v63 =	vmul.f32 v2, v10;
	v11 =	vld.idx.msk [tilespmem:v15+s21+$0x0], $0xffff;
	v10 =	vmul.f32 v16, v13  }
0x32e: {  	v12 =	vld.idx.msk [tilespmem:v62+s21+$0x0], $0xffff  }
0x32f: {  	s6 =	simm.s32 $0x880;
	s1 =	simm.s32 $0x10;
	s5 =	simm.s32 $0x880;
	v13 =	vmul.f32 v63, v2;
	v14 =	vmul.f32 v10, v14  }
.LBB2_15:
0x330: {  	s6 =	sadd.s32 $0x10, s6;
	s3 =	sadd.s32 $0x10, s3;
	s4 =	sadd.s32 $0x10, s4  }
0x331: {  	p0 =	sne.s32 s1, $0x70;
	s12 =	smov.u32 s1;
	s1 =	sadd.s32 $0x10, s1;
	v14 =	vmul.f32 v14, v10  }
0x332: {  	v13 =	vsub.f32 $1.500000000e+00, v13;
	v8 =	vadd.f32 v11, v8  }
0x333: {  	v9 =	vadd.f32 v12, v9;
	v11 =	vsub.f32 $1.500000000e+00, v14  }
0x334: {  	v12 =	vor.u32 s12, v0;
	v13 =	vmul.f32 v13, v2  }
0x335: {  	v14 =	vshll.u32 v12, $0x3;
	v2 =	vshll.u32 v12, $0x5;
	v10 =	vmul.f32 v11, v10  }
0x336: {  	v12 =	vor.u32 $0x4, v14;
	v6 =	vmul.f32 v13, v6;
	v11 =	vor.u32 $0x1, v14  }
0x337: {  	v15 =	vor.u32 $0x5, v14;
	v16 =	vor.u32 $0x1, v2;
	v17 =	vld [tilespmem:s5+$0x0];
	v7 =	vmul.f32 v10, v7;
	s5 =	smov.u32 s6  }
0x338: {  	v18 =	vor.u32 $0x6, v2;
	v6 =	vmul.f32 v6, v8;
	v10 =	vor.u32 $0x6, v14  }
0x339: {  	v8 =	vor.u32 $0x2, v2;
	v7 =	vmul.f32 v7, v9;
	_ =	sdelay $0x1  }
0x33a: {  	v9 =	vor.u32 $0x5, v2;
	v6 =	vadd.f32 v7, v6  }
0x33b: {  	v7 =	vor.u32 $0x4, v2;
	v17 =	vshll.u32 v17, $0x2  }
0x33c: {  	v6 =	vmul.f32 v6, v13;
	v13 =	vor.u32 $0x1, v17  }
0x33d: {  	v19 =	vor.u32 $0x2, v17  }
0x33e: {  	v3 =	vmul.f32 v6, v3;
	v4 =	vmul.f32 v6, v4  }
0x33f: {  	v5 =	vmul.f32 v6, v5  }
0x340: {  	[tilespmem:v17+s29+$0x0] =	vst.idx.add.f32.msk $0xffff, v3  }
0x341: {  	v3 =	vor.u32 $0x2, v14;
	[tilespmem:v13+s29+$0x0] =	vst.idx.add.f32.msk $0xffff, v4  }
0x342: {  	[tilespmem:v19+s29+$0x0] =	vst.idx.add.f32.msk $0xffff, v5  }
0x343: {  	v6 =	vld.idx.msk [tilespmem:v7+s21+$0x0], $0xffff  }
0x344: {  	v4 =	vld.idx.msk [tilespmem:v14+s19+$0x0], $0xffff  }
0x345: {  	v5 =	vld.idx.msk [tilespmem:v11+s19+$0x0], $0xffff  }
0x346: {  	v7 =	vld.idx.msk [tilespmem:v3+s19+$0x0], $0xffff  }
0x347: {  	v3 =	vld.idx.msk [tilespmem:v2+s21+$0x0], $0xffff  }
0x348: {  	v11 =	vld.idx.msk [tilespmem:v16+s21+$0x0], $0xffff  }
0x349: {  	v13 =	vld.idx.msk [tilespmem:v15+s19+$0x0], $0xffff  }
0x34a: {  	v8 =	vld.idx.msk [tilespmem:v8+s21+$0x0], $0xffff  }
0x34b: {  	v12 =	vld.idx.msk [tilespmem:v12+s19+$0x0], $0xffff  }
0x34c: {  	v9 =	vld.idx.msk [tilespmem:v9+s21+$0x0], $0xffff  }
0x34d: {  	v3 =	vsub.f32 v4, v3;
	v14 =	vld.idx.msk [tilespmem:v18+s21+$0x0], $0xffff  }
0x34e: {  	v4 =	vsub.f32 v5, v11;
	v10 =	vld.idx.msk [tilespmem:v10+s19+$0x0], $0xffff;
	_ =	sdelay $0x1  }
0x34f: {  	v5 =	vsub.f32 v7, v8;
	v7 =	vmul.f32 v3, v3;
	v8 =	vmul.f32 v4, v4  }
0x350: {  	v6 =	vsub.f32 v12, v6  }
0x351: {  	v7 =	vadd.f32 v8, v7;
	v8 =	vmul.f32 v5, v5;
	v9 =	vsub.f32 v13, v9  }
0x352: {  	v11 =	vmul.f32 v6, v6  }
0x353: {  	v6 =	vadd.f32 v8, v7;
	v7 =	vsub.f32 v10, v14;
	v8 =	vmul.f32 v9, v9;
	_ =	sdelay $0x1  }
0x354: {  	v6 =	vadd.f32 $9.999999930e-09, v6;
	v8 =	vadd.f32 v8, v11;
	v7 =	vmul.f32 v7, v7;
	_ =	sdelay $0x1  }
0x355: {  	v9 =	vshra.s32 v6, $0x1;
	v10 =	vmul.f32 $5.000000000e-01, v6;
	v7 =	vadd.f32 v7, v8  }
0x356: {  	v9 =	vsub.s32 $0x5F3759DF, v9;
	v8 =	vld [tilespmem:s3+$0x0]  }
0x357: {  	v12 =	vmul.f32 v9, v10;
	v7 =	vadd.f32 $9.999999930e-09, v7;
	v11 =	vld [tilespmem:s4+$0x0];
	_ =	sdelay $0x1  }
0x358: {  	v12 =	vmul.f32 v9, v12;
	v13 =	vshra.s32 v7, $0x1;
	v14 =	vmul.f32 $5.000000000e-01, v7  }
0x359: {  	v13 =	vsub.s32 $0x5F3759DF, v13  }
0x35a: {  	v12 =	vsub.f32 $1.500000000e+00, v12;
	v15 =	vadd.s32 $0x12, v8;
	v8 =	vadd.s32 $0x17, v8  }
0x35b: {  	v18 =	vmul.f32 v13, v14;
	v16 =	vand.u32 $0xFFFFFFF8, v11;
	v17 =	vand.u32 $0xFFFFFFF8, v8  }
0x35c: {  	v19 =	vadd.s32 $0xD, v11;
	v9 =	vmul.f32 v9, v12;
	v16 =	vadd.s32 v2, v16  }
0x35d: {  	v11 =	vand.u32 $0x7, v11;
	v18 =	vmul.f32 v13, v18;
	v12 =	vand.u32 $0xFFFFFFF8, v19  }
0x35e: {  	v11 =	vor.u32 v11, v16;
	v12 =	vadd.s32 v2, v12;
	v16 =	vmul.f32 v9, v10  }
0x35f: {  	v19 =	vand.u32 $0x7, v19;
	v18 =	vsub.f32 $1.500000000e+00, v18;
	v11 =	vadd.s32 $0x8, v11  }
0x360: {  	v8 =	vand.u32 $0x7, v8;
	v17 =	vadd.s32 v2, v17;
	v12 =	vor.u32 v19, v12  }
0x361: {  	v17 =	vor.u32 v8, v17;
	v19 =	vand.u32 $0xFFFFFFF8, v15;
	v13 =	vmul.f32 v13, v18  }
0x362: {  	v8 =	vand.u32 $0x7, v15;
	v2 =	vadd.s32 v2, v19;
	v15 =	vmul.f32 v16, v9  }
0x363: {  	v16 =	vor.u32 v8, v2;
	v2 =	vmul.f32 v13, v14  }
0x364: {  	v8 =	vld.idx.msk [tilespmem:v11+s21+$0x0], $0xffff;
	v11 =	vsub.f32 $1.500000000e+00, v15  }
0x365: {  	v15 =	vmul.f32 v2, v13  }
0x366: {  	v2 =	vmul.f32 v11, v9  }
.Ltmp6:
0x367: {  	v15 =	vsub.f32 $1.500000000e+00, v15;
	v9 =	vld.idx.msk [tilespmem:v12+s21+$0x0], $0xffff;
	(pc) =	sbr.rel @p0 .LBB2_15-.Ltmp6, $4  }
0x368: {  	v11 =	vld.idx.msk [tilespmem:v16+s21+$0x0], $0xffff;
	v16 =	vmul.f32 v2, v10  }
0x369: {  	v10 =	vmul.f32 v15, v13;
	v12 =	vld.idx.msk [tilespmem:v17+s21+$0x0], $0xffff  }
0x36a: {  	v13 =	vmul.f32 v16, v2  }
0x36b: {  	v14 =	vmul.f32 v10, v14  }
0x36c: {  	_ = 	snop  }
0x36d: {  	v14 =	vmul.f32 v14, v10;
	_ =	sdelay $0x1  }
0x36e: {  	v13 =	vsub.f32 $1.500000000e+00, v13;
	v14 =	vsub.f32 $1.500000000e+00, v14;
	_ =	sdelay $0x1  }
0x36f: {  	v2 =	vmul.f32 v13, v2;
	v10 =	vmul.f32 v14, v10  }
0x370: {  	v8 =	vadd.f32 v11, v8  }
0x371: {  	v11 =	vld [tilespmem:s5+$0x0];
	v9 =	vadd.f32 v12, v9;
	v6 =	vmul.f32 v2, v6;
	v7 =	vmul.f32 v10, v7;
	_ =	sdelay $0x1  }
0x372: {  	v6 =	vmul.f32 v6, v8;
	v7 =	vmul.f32 v7, v9;
	_ =	sdelay $0x1  }
0x373: {  	v6 =	vadd.f32 v7, v6  }
0x374: {  	s1 =	simm.s32 $0x0;
	v7 =	vshll.u32 v11, $0x2  }
0x375: {  	v9 =	vor.u32 s1, v0;
	v8 =	vor.u32 $0x1, v7;
	v6 =	vmul.f32 v6, v2  }
0x376: {  	v10 =	vor.u32 $0x2, v7;
	v2 =	vshll.u32 v9, $0x5  }
0x377: {  	v11 =	vmul.f32 v6, v3;
	v3 =	vor.u32 $0x4, v2  }
0x378: {  	v12 =	vmul.f32 v6, v4;
	v4 =	vshll.u32 v9, $0x3  }
0x379: {  	v6 =	vmul.f32 v6, v5;
	[tilespmem:v7+s29+$0x0] =	vst.idx.add.f32.msk $0xffff, v11  }
0x37a: {  	v9 =	vor.u32 $0x2, v2;
	[tilespmem:v8+s29+$0x0] =	vst.idx.add.f32.msk $0xffff, v12  }
0x37b: {  	v13 =	vor.u32 $0x6, v2;
	[tilespmem:v10+s29+$0x0] =	vst.idx.add.f32.msk $0xffff, v6  }
0x37c: {  	v5 =	vor.u32 $0x1, v4;
	v17 =	vld.idx.msk [tilespmem:v3+s25+$0x0], $0xffff  }
0x37d: {  	v7 =	vor.u32 $0x2, v4;
	v14 =	vld.idx.msk [tilespmem:v4+s23+$0x0], $0xffff  }
0x37e: {  	v11 =	vor.u32 $0x5, v2;
	v18 =	vld.idx.msk [tilespmem:v2+s25+$0x0], $0xffff  }
0x37f: {  	v6 =	vor.u32 $0x1, v2;
	v21 =	vld.idx.msk [tilespmem:v9+s25+$0x0], $0xffff  }
0x380: {  	v8 =	vor.u32 $0x5, v4;
	v24 =	vld.idx.msk [tilespmem:v13+s25+$0x0], $0xffff  }
0x381: {  	v10 =	vor.u32 $0x4, v4;
	v15 =	vld.idx.msk [tilespmem:v5+s23+$0x0], $0xffff  }
0x382: {  	v12 =	vor.u32 $0x6, v4;
	v16 =	vld.idx.msk [tilespmem:v7+s23+$0x0], $0xffff  }
0x383: {  	v23 =	vld.idx.msk [tilespmem:v11+s25+$0x0], $0xffff  }
0x384: {  	v19 =	vld.idx.msk [tilespmem:v6+s25+$0x0], $0xffff  }
0x385: {  	v20 =	vld.idx.msk [tilespmem:v8+s23+$0x0], $0xffff  }
0x386: {  	v22 =	vld.idx.msk [tilespmem:v10+s23+$0x0], $0xffff  }
0x387: {  	v14 =	vsub.f32 v14, v18;
	v18 =	vld.idx.msk [tilespmem:v12+s23+$0x0], $0xffff;
	_ =	sdelay $0x1  }
0x388: {  	v15 =	vsub.f32 v15, v19  }
0x389: {  	v16 =	vsub.f32 v16, v21;
	v20 =	vsub.f32 v20, v23  }
0x38a: {  	v19 =	vmul.f32 v14, v14;
	v17 =	vsub.f32 v22, v17;
	v21 =	vmul.f32 v15, v15  }
0x38b: {  	v18 =	vsub.f32 v18, v24;
	v20 =	vmul.f32 v20, v20  }
0x38c: {  	v17 =	vmul.f32 v17, v17;
	v19 =	vadd.f32 v21, v19;
	v21 =	vmul.f32 v16, v16;
	_ =	sdelay $0x1  }
0x38d: {  	v18 =	vmul.f32 v18, v18;
	v20 =	vadd.f32 v20, v17;
	v19 =	vadd.f32 v21, v19;
	_ =	sdelay $0x1  }
0x38e: {  	s3 =	simm.s32 $0xF00;
	v18 =	vadd.f32 v18, v20;
	v17 =	vadd.f32 $9.999999930e-09, v19  }
0x38f: {  	s4 =	simm.s32 $0xD00;
	v20 =	vld [tilespmem:s3+$0x0]  }
0x390: {  	v21 =	vld [tilespmem:s4+$0x0];
	v18 =	vadd.f32 $9.999999930e-09, v18;
	v19 =	vshra.s32 v17, $0x1;
	v22 =	vmul.f32 $5.000000000e-01, v17  }
0x391: {  	v19 =	vsub.s32 $0x5F3759DF, v19  }
0x392: {  	v24 =	vshra.s32 v18, $0x1;
	v26 =	vmul.f32 $5.000000000e-01, v18;
	v23 =	vmul.f32 v19, v22  }
0x393: {  	v24 =	vsub.s32 $0x5F3759DF, v24  }
0x394: {  	v25 =	vmul.f32 v24, v26;
	v23 =	vmul.f32 v19, v23  }
0x395: {  	v27 =	vadd.s32 $0x12, v20;
	v20 =	vadd.s32 $0x17, v20;
	v28 =	vand.u32 $0xFFFFFFF8, v21  }
0x396: {  	v29 =	vadd.s32 $0xD, v21;
	v25 =	vmul.f32 v24, v25;
	v23 =	vsub.f32 $1.500000000e+00, v23  }
0x397: {  	v21 =	vand.u32 $0x7, v21;
	v28 =	vadd.s32 v2, v28;
	v30 =	vand.u32 $0xFFFFFFF8, v20  }
0x398: {  	v21 =	vor.u32 v21, v28;
	v25 =	vsub.f32 $1.500000000e+00, v25;
	v19 =	vmul.f32 v19, v23  }
0x399: {  	v21 =	vadd.s32 $0x8, v21;
	v23 =	vand.u32 $0xFFFFFFF8, v29;
	v29 =	vand.u32 $0x7, v29  }
0x39a: {  	v24 =	vmul.f32 v24, v25;
	v25 =	vand.u32 $0xFFFFFFF8, v27;
	v59 =	vmul.f32 v19, v22  }
0x39b: {  	v27 =	vand.u32 $0x7, v27;
	v23 =	vadd.s32 v2, v23;
	v25 =	vadd.s32 v2, v25  }
0x39c: {  	v23 =	vor.u32 v29, v23;
	v60 =	vmul.f32 v24, v26;
	v28 =	vmul.f32 v59, v19  }
0x39d: {  	v20 =	vand.u32 $0x7, v20;
	v30 =	vadd.s32 v2, v30;
	v25 =	vor.u32 v27, v25  }
0x39e: {  	v62 =	vor.u32 v20, v30;
	v61 =	vmul.f32 v60, v24;
	v27 =	vsub.f32 $1.500000000e+00, v28;
	_ =	sdelay $0x1  }
0x39f: {  	v20 =	vld.idx.msk [tilespmem:v21+s25+$0x0], $0xffff;
	v19 =	vmul.f32 v27, v19;
	v27 =	vsub.f32 $1.500000000e+00, v61  }
0x3a0: {  	v21 =	vld.idx.msk [tilespmem:v23+s25+$0x0], $0xffff  }
0x3a1: {  	v23 =	vld.idx.msk [tilespmem:v25+s25+$0x0], $0xffff;
	v63 =	vmul.f32 v19, v22;
	v22 =	vmul.f32 v27, v24  }
0x3a2: {  	v24 =	vld.idx.msk [tilespmem:v62+s25+$0x0], $0xffff  }
0x3a3: {  	s6 =	simm.s32 $0x900;
	s5 =	simm.s32 $0x900;
	s1 =	simm.s32 $0x10;
	v25 =	vmul.f32 v63, v19;
	v26 =	vmul.f32 v22, v26  }
.LBB2_17:
0x3a4: {  	s6 =	sadd.s32 $0x10, s6;
	s3 =	sadd.s32 $0x10, s3;
	s4 =	sadd.s32 $0x10, s4  }
0x3a5: {  	p0 =	sne.s32 s1, $0x70;
	s12 =	smov.u32 s1;
	s1 =	sadd.s32 $0x10, s1;
	v26 =	vmul.f32 v26, v22  }
0x3a6: {  	v25 =	vsub.f32 $1.500000000e+00, v25;
	v20 =	vadd.f32 v23, v20  }
0x3a7: {  	v21 =	vadd.f32 v24, v21;
	v23 =	vsub.f32 $1.500000000e+00, v26  }
0x3a8: {  	v24 =	vor.u32 s12, v0;
	v25 =	vmul.f32 v25, v19  }
0x3a9: {  	v26 =	vshll.u32 v24, $0x3;
	v19 =	vshll.u32 v24, $0x5;
	v22 =	vmul.f32 v23, v22  }
0x3aa: {  	v24 =	vor.u32 $0x4, v26;
	v17 =	vmul.f32 v25, v17;
	v23 =	vor.u32 $0x1, v26  }
0x3ab: {  	v27 =	vor.u32 $0x5, v26;
	v28 =	vor.u32 $0x1, v19;
	v29 =	vld [tilespmem:s5+$0x0];
	v18 =	vmul.f32 v22, v18;
	s5 =	smov.u32 s6  }
0x3ac: {  	v30 =	vor.u32 $0x6, v19;
	v17 =	vmul.f32 v17, v20;
	v22 =	vor.u32 $0x6, v26  }
0x3ad: {  	v20 =	vor.u32 $0x2, v19;
	v18 =	vmul.f32 v18, v21;
	_ =	sdelay $0x1  }
0x3ae: {  	v21 =	vor.u32 $0x5, v19;
	v17 =	vadd.f32 v18, v17  }
0x3af: {  	v18 =	vor.u32 $0x4, v19;
	v29 =	vshll.u32 v29, $0x2  }
0x3b0: {  	v17 =	vmul.f32 v17, v25;
	v25 =	vor.u32 $0x1, v29  }
0x3b1: {  	v31 =	vor.u32 $0x2, v29  }
0x3b2: {  	v14 =	vmul.f32 v17, v14;
	v15 =	vmul.f32 v17, v15  }
0x3b3: {  	v16 =	vmul.f32 v17, v16  }
0x3b4: {  	[tilespmem:v29+s29+$0x0] =	vst.idx.add.f32.msk $0xffff, v14  }
0x3b5: {  	v14 =	vor.u32 $0x2, v26;
	[tilespmem:v25+s29+$0x0] =	vst.idx.add.f32.msk $0xffff, v15  }
0x3b6: {  	[tilespmem:v31+s29+$0x0] =	vst.idx.add.f32.msk $0xffff, v16  }
0x3b7: {  	v17 =	vld.idx.msk [tilespmem:v18+s25+$0x0], $0xffff  }
0x3b8: {  	v15 =	vld.idx.msk [tilespmem:v26+s23+$0x0], $0xffff  }
0x3b9: {  	v16 =	vld.idx.msk [tilespmem:v23+s23+$0x0], $0xffff  }
0x3ba: {  	v18 =	vld.idx.msk [tilespmem:v14+s23+$0x0], $0xffff  }
0x3bb: {  	v14 =	vld.idx.msk [tilespmem:v19+s25+$0x0], $0xffff  }
0x3bc: {  	v23 =	vld.idx.msk [tilespmem:v28+s25+$0x0], $0xffff  }
0x3bd: {  	v25 =	vld.idx.msk [tilespmem:v27+s23+$0x0], $0xffff  }
0x3be: {  	v20 =	vld.idx.msk [tilespmem:v20+s25+$0x0], $0xffff  }
0x3bf: {  	v24 =	vld.idx.msk [tilespmem:v24+s23+$0x0], $0xffff  }
0x3c0: {  	v21 =	vld.idx.msk [tilespmem:v21+s25+$0x0], $0xffff  }
0x3c1: {  	v14 =	vsub.f32 v15, v14;
	v26 =	vld.idx.msk [tilespmem:v30+s25+$0x0], $0xffff  }
0x3c2: {  	v15 =	vsub.f32 v16, v23;
	v22 =	vld.idx.msk [tilespmem:v22+s23+$0x0], $0xffff;
	_ =	sdelay $0x1  }
0x3c3: {  	v16 =	vsub.f32 v18, v20;
	v18 =	vmul.f32 v14, v14;
	v20 =	vmul.f32 v15, v15  }
0x3c4: {  	v17 =	vsub.f32 v24, v17  }
0x3c5: {  	v18 =	vadd.f32 v20, v18;
	v20 =	vmul.f32 v16, v16;
	v21 =	vsub.f32 v25, v21  }
0x3c6: {  	v23 =	vmul.f32 v17, v17  }
0x3c7: {  	v17 =	vadd.f32 v20, v18;
	v18 =	vsub.f32 v22, v26;
	v20 =	vmul.f32 v21, v21;
	_ =	sdelay $0x1  }
0x3c8: {  	v17 =	vadd.f32 $9.999999930e-09, v17;
	v20 =	vadd.f32 v20, v23;
	v18 =	vmul.f32 v18, v18;
	_ =	sdelay $0x1  }
0x3c9: {  	v21 =	vshra.s32 v17, $0x1;
	v22 =	vmul.f32 $5.000000000e-01, v17;
	v18 =	vadd.f32 v18, v20  }
0x3ca: {  	v21 =	vsub.s32 $0x5F3759DF, v21;
	v20 =	vld [tilespmem:s3+$0x0]  }
0x3cb: {  	v24 =	vmul.f32 v21, v22;
	v18 =	vadd.f32 $9.999999930e-09, v18;
	v23 =	vld [tilespmem:s4+$0x0];
	_ =	sdelay $0x1  }
0x3cc: {  	v24 =	vmul.f32 v21, v24;
	v25 =	vshra.s32 v18, $0x1;
	v26 =	vmul.f32 $5.000000000e-01, v18  }
0x3cd: {  	v25 =	vsub.s32 $0x5F3759DF, v25  }
0x3ce: {  	v24 =	vsub.f32 $1.500000000e+00, v24;
	v27 =	vadd.s32 $0x12, v20;
	v20 =	vadd.s32 $0x17, v20  }
0x3cf: {  	v30 =	vmul.f32 v25, v26;
	v28 =	vand.u32 $0xFFFFFFF8, v23;
	v29 =	vand.u32 $0xFFFFFFF8, v20  }
0x3d0: {  	v31 =	vadd.s32 $0xD, v23;
	v21 =	vmul.f32 v21, v24;
	v28 =	vadd.s32 v19, v28  }
0x3d1: {  	v23 =	vand.u32 $0x7, v23;
	v30 =	vmul.f32 v25, v30;
	v24 =	vand.u32 $0xFFFFFFF8, v31  }
0x3d2: {  	v23 =	vor.u32 v23, v28;
	v24 =	vadd.s32 v19, v24;
	v28 =	vmul.f32 v21, v22  }
0x3d3: {  	v31 =	vand.u32 $0x7, v31;
	v30 =	vsub.f32 $1.500000000e+00, v30;
	v23 =	vadd.s32 $0x8, v23  }
0x3d4: {  	v20 =	vand.u32 $0x7, v20;
	v29 =	vadd.s32 v19, v29;
	v24 =	vor.u32 v31, v24  }
0x3d5: {  	v29 =	vor.u32 v20, v29;
	v31 =	vand.u32 $0xFFFFFFF8, v27;
	v25 =	vmul.f32 v25, v30  }
0x3d6: {  	v20 =	vand.u32 $0x7, v27;
	v19 =	vadd.s32 v19, v31;
	v27 =	vmul.f32 v28, v21  }
0x3d7: {  	v28 =	vor.u32 v20, v19;
	v19 =	vmul.f32 v25, v26  }
0x3d8: {  	v20 =	vld.idx.msk [tilespmem:v23+s25+$0x0], $0xffff;
	v23 =	vsub.f32 $1.500000000e+00, v27  }
0x3d9: {  	v27 =	vmul.f32 v19, v25  }
0x3da: {  	v19 =	vmul.f32 v23, v21  }
.Ltmp7:
0x3db: {  	v27 =	vsub.f32 $1.500000000e+00, v27;
	v21 =	vld.idx.msk [tilespmem:v24+s25+$0x0], $0xffff;
	(pc) =	sbr.rel @p0 .LBB2_17-.Ltmp7, $4  }
0x3dc: {  	v23 =	vld.idx.msk [tilespmem:v28+s25+$0x0], $0xffff;
	v28 =	vmul.f32 v19, v22  }
0x3dd: {  	v22 =	vmul.f32 v27, v25;
	v24 =	vld.idx.msk [tilespmem:v29+s25+$0x0], $0xffff  }
0x3de: {  	v25 =	vmul.f32 v28, v19  }
0x3df: {  	v26 =	vmul.f32 v22, v26  }
0x3e0: {  	_ = 	snop  }
0x3e1: {  	v26 =	vmul.f32 v26, v22;
	_ =	sdelay $0x1  }
0x3e2: {  	v25 =	vsub.f32 $1.500000000e+00, v25;
	v26 =	vsub.f32 $1.500000000e+00, v26;
	_ =	sdelay $0x1  }
0x3e3: {  	v19 =	vmul.f32 v25, v19;
	v50 =	vmul.f32 v26, v22  }
0x3e4: {  	v20 =	vadd.f32 v23, v20  }
0x3e5: {  	v51 =	vld [tilespmem:s5+$0x0];
	v21 =	vadd.f32 v24, v21;
	v17 =	vmul.f32 v19, v17;
	v18 =	vmul.f32 v50, v18;
	_ =	sdelay $0x1  }
0x3e6: {  	v17 =	vmul.f32 v17, v20;
	v18 =	vmul.f32 v18, v21;
	_ =	sdelay $0x1  }
0x3e7: {  	v17 =	vadd.f32 v18, v17  }
0x3e8: {  	v52 =	vshll.u32 v51, $0x2  }
0x3e9: {  	v53 =	vor.u32 $0x1, v52;
	v17 =	vmul.f32 v17, v19  }
0x3ea: {  	v54 =	vor.u32 $0x2, v52  }
0x3eb: {  	v14 =	vmul.f32 v17, v14  }
0x3ec: {  	v15 =	vmul.f32 v17, v15  }
0x3ed: {  	v16 =	vmul.f32 v17, v16;
	[tilespmem:v52+s29+$0x0] =	vst.idx.add.f32.msk $0xffff, v14  }
0x3ee: {  	[tilespmem:v53+s29+$0x0] =	vst.idx.add.f32.msk $0xffff, v15  }
0x3ef: {  	[tilespmem:v54+s29+$0x0] =	vst.idx.add.f32.msk $0xffff, v16  }
0x3f0: {  	v14 =	vld.idx.msk [tilespmem:v3+s17+$0x0], $0xffff  }
0x3f1: {  	v3 =	vld.idx.msk [tilespmem:v4+s28+$0x0], $0xffff  }
0x3f2: {  	v4 =	vld.idx.msk [tilespmem:v5+s28+$0x0], $0xffff  }
0x3f3: {  	v5 =	vld.idx.msk [tilespmem:v7+s28+$0x0], $0xffff  }
0x3f4: {  	v7 =	vld.idx.msk [tilespmem:v2+s17+$0x0], $0xffff  }
0x3f5: {  	v6 =	vld.idx.msk [tilespmem:v6+s17+$0x0], $0xffff  }
0x3f6: {  	v8 =	vld.idx.msk [tilespmem:v8+s28+$0x0], $0xffff  }
0x3f7: {  	v10 =	vld.idx.msk [tilespmem:v10+s28+$0x0], $0xffff  }
0x3f8: {  	v11 =	vld.idx.msk [tilespmem:v11+s17+$0x0], $0xffff  }
0x3f9: {  	v9 =	vld.idx.msk [tilespmem:v9+s17+$0x0], $0xffff  }
0x3fa: {  	v13 =	vld.idx.msk [tilespmem:v13+s17+$0x0], $0xffff  }
0x3fb: {  	v3 =	vsub.f32 v3, v7;
	v7 =	vld.idx.msk [tilespmem:v12+s28+$0x0], $0xffff  }
0x3fc: {  	v4 =	vsub.f32 v4, v6  }
0x3fd: {  	v10 =	vsub.f32 v10, v14;
	v8 =	vsub.f32 v8, v11  }
0x3fe: {  	v5 =	vsub.f32 v5, v9;
	v6 =	vmul.f32 v3, v3;
	v9 =	vmul.f32 v4, v4  }
0x3ff: {  	v10 =	vmul.f32 v10, v10;
	v8 =	vmul.f32 v8, v8  }
0x400: {  	v6 =	vadd.f32 v9, v6;
	v9 =	vmul.f32 v5, v5;
	v7 =	vsub.f32 v7, v13;
	_ =	sdelay $0x1  }
0x401: {  	v8 =	vadd.f32 v8, v10;
	v6 =	vadd.f32 v9, v6;
	v7 =	vmul.f32 v7, v7;
	_ =	sdelay $0x1  }
0x402: {  	s4 =	simm.s32 $0xD80;
	v6 =	vadd.f32 $9.999999930e-09, v6;
	v7 =	vadd.f32 v7, v8  }
0x403: {  	v11 =	vld [tilespmem:s4+$0x0]  }
0x404: {  	v8 =	vshra.s32 v6, $0x1;
	v10 =	vmul.f32 $5.000000000e-01, v6;
	v7 =	vadd.f32 $9.999999930e-09, v7  }
0x405: {  	s3 =	simm.s32 $0xF80;
	v8 =	vsub.s32 $0x5F3759DF, v8  }
0x406: {  	v9 =	vld [tilespmem:s3+$0x0];
	v12 =	vmul.f32 v8, v10;
	v13 =	vshra.s32 v7, $0x1;
	v14 =	vmul.f32 $5.000000000e-01, v7  }
0x407: {  	v13 =	vsub.s32 $0x5F3759DF, v13  }
0x408: {  	v56 =	vand.u32 $0xFFFFFFF8, v11;
	v12 =	vmul.f32 v8, v12;
	v15 =	vmul.f32 v13, v14  }
0x409: {  	v57 =	vadd.s32 $0xD, v11;
	v11 =	vand.u32 $0x7, v11;
	v17 =	vadd.s32 v2, v56  }
0x40a: {  	v11 =	vor.u32 v11, v17;
	v12 =	vsub.f32 $1.500000000e+00, v12;
	v15 =	vmul.f32 v13, v15  }
0x40b: {  	v18 =	vand.u32 $0x7, v57;
	v11 =	vadd.s32 $0x8, v11;
	v55 =	vadd.s32 $0x12, v9  }
0x40c: {  	v9 =	vadd.s32 $0x17, v9;
	v8 =	vmul.f32 v8, v12;
	v15 =	vsub.f32 $1.500000000e+00, v15  }
0x40d: {  	v58 =	vand.u32 $0xFFFFFFF8, v9;
	v16 =	vand.u32 $0x7, v55;
	v12 =	vand.u32 $0xFFFFFFF8, v57  }
0x40e: {  	v12 =	vadd.s32 v2, v12;
	v59 =	vmul.f32 v8, v10;
	v13 =	vmul.f32 v13, v15  }
0x40f: {  	v19 =	vadd.s32 v2, v58;
	v12 =	vor.u32 v18, v12;
	v15 =	vand.u32 $0xFFFFFFF8, v55  }
0x410: {  	v17 =	vmul.f32 v59, v8;
	v2 =	vadd.s32 v2, v15;
	v60 =	vmul.f32 v13, v14  }
0x411: {  	v9 =	vand.u32 $0x7, v9;
	v15 =	vor.u32 v16, v2  }
0x412: {  	v62 =	vor.u32 v9, v19;
	v2 =	vsub.f32 $1.500000000e+00, v17;
	v61 =	vmul.f32 v60, v13;
	_ =	sdelay $0x1  }
0x413: {  	v9 =	vld.idx.msk [tilespmem:v12+s17+$0x0], $0xffff;
	v2 =	vmul.f32 v2, v8;
	v16 =	vsub.f32 $1.500000000e+00, v61  }
0x414: {  	v8 =	vld.idx.msk [tilespmem:v11+s17+$0x0], $0xffff  }
0x415: {  	v63 =	vmul.f32 v2, v10;
	v11 =	vld.idx.msk [tilespmem:v15+s17+$0x0], $0xffff;
	v10 =	vmul.f32 v16, v13  }
0x416: {  	v12 =	vld.idx.msk [tilespmem:v62+s17+$0x0], $0xffff  }
0x417: {  	s6 =	simm.s32 $0x980;
	s1 =	simm.s32 $0x10;
	s5 =	simm.s32 $0x980;
	v13 =	vmul.f32 v63, v2;
	v14 =	vmul.f32 v10, v14  }
.LBB2_19:
0x418: {  	s6 =	sadd.s32 $0x10, s6;
	s3 =	sadd.s32 $0x10, s3;
	s4 =	sadd.s32 $0x10, s4  }
0x419: {  	p0 =	sne.s32 s1, $0x70;
	s12 =	smov.u32 s1;
	s1 =	sadd.s32 $0x10, s1;
	v14 =	vmul.f32 v14, v10  }
0x41a: {  	v13 =	vsub.f32 $1.500000000e+00, v13;
	v8 =	vadd.f32 v11, v8  }
0x41b: {  	v9 =	vadd.f32 v12, v9;
	v11 =	vsub.f32 $1.500000000e+00, v14  }
0x41c: {  	v12 =	vor.u32 s12, v0;
	v13 =	vmul.f32 v13, v2  }
0x41d: {  	v14 =	vshll.u32 v12, $0x3;
	v2 =	vshll.u32 v12, $0x5;
	v10 =	vmul.f32 v11, v10  }
0x41e: {  	v12 =	vor.u32 $0x4, v14;
	v6 =	vmul.f32 v13, v6;
	v11 =	vor.u32 $0x1, v14  }
0x41f: {  	v15 =	vor.u32 $0x5, v14;
	v16 =	vor.u32 $0x1, v2;
	v17 =	vld [tilespmem:s5+$0x0];
	v7 =	vmul.f32 v10, v7;
	s5 =	smov.u32 s6  }
0x420: {  	v18 =	vor.u32 $0x6, v2;
	v6 =	vmul.f32 v6, v8;
	v10 =	vor.u32 $0x6, v14  }
0x421: {  	v8 =	vor.u32 $0x2, v2;
	v7 =	vmul.f32 v7, v9;
	_ =	sdelay $0x1  }
0x422: {  	v9 =	vor.u32 $0x5, v2;
	v6 =	vadd.f32 v7, v6  }
0x423: {  	v7 =	vor.u32 $0x4, v2;
	v17 =	vshll.u32 v17, $0x2  }
0x424: {  	v6 =	vmul.f32 v6, v13;
	v13 =	vor.u32 $0x1, v17  }
0x425: {  	v19 =	vor.u32 $0x2, v17  }
0x426: {  	v3 =	vmul.f32 v6, v3;
	v4 =	vmul.f32 v6, v4  }
0x427: {  	v5 =	vmul.f32 v6, v5  }
0x428: {  	[tilespmem:v17+s29+$0x0] =	vst.idx.add.f32.msk $0xffff, v3  }
0x429: {  	v3 =	vor.u32 $0x2, v14;
	[tilespmem:v13+s29+$0x0] =	vst.idx.add.f32.msk $0xffff, v4  }
0x42a: {  	[tilespmem:v19+s29+$0x0] =	vst.idx.add.f32.msk $0xffff, v5  }
0x42b: {  	v6 =	vld.idx.msk [tilespmem:v7+s17+$0x0], $0xffff  }
0x42c: {  	v4 =	vld.idx.msk [tilespmem:v14+s28+$0x0], $0xffff  }
0x42d: {  	v5 =	vld.idx.msk [tilespmem:v11+s28+$0x0], $0xffff  }
0x42e: {  	v7 =	vld.idx.msk [tilespmem:v3+s28+$0x0], $0xffff  }
0x42f: {  	v3 =	vld.idx.msk [tilespmem:v2+s17+$0x0], $0xffff  }
0x430: {  	v11 =	vld.idx.msk [tilespmem:v16+s17+$0x0], $0xffff  }
0x431: {  	v13 =	vld.idx.msk [tilespmem:v15+s28+$0x0], $0xffff  }
0x432: {  	v8 =	vld.idx.msk [tilespmem:v8+s17+$0x0], $0xffff  }
0x433: {  	v12 =	vld.idx.msk [tilespmem:v12+s28+$0x0], $0xffff  }
0x434: {  	v9 =	vld.idx.msk [tilespmem:v9+s17+$0x0], $0xffff  }
0x435: {  	v3 =	vsub.f32 v4, v3;
	v14 =	vld.idx.msk [tilespmem:v18+s17+$0x0], $0xffff  }
0x436: {  	v4 =	vsub.f32 v5, v11;
	v10 =	vld.idx.msk [tilespmem:v10+s28+$0x0], $0xffff;
	_ =	sdelay $0x1  }
0x437: {  	v5 =	vsub.f32 v7, v8;
	v7 =	vmul.f32 v3, v3;
	v8 =	vmul.f32 v4, v4  }
0x438: {  	v6 =	vsub.f32 v12, v6  }
0x439: {  	v7 =	vadd.f32 v8, v7;
	v8 =	vmul.f32 v5, v5;
	v9 =	vsub.f32 v13, v9  }
0x43a: {  	v11 =	vmul.f32 v6, v6  }
0x43b: {  	v6 =	vadd.f32 v8, v7;
	v7 =	vsub.f32 v10, v14;
	v8 =	vmul.f32 v9, v9;
	_ =	sdelay $0x1  }
0x43c: {  	v6 =	vadd.f32 $9.999999930e-09, v6;
	v8 =	vadd.f32 v8, v11;
	v7 =	vmul.f32 v7, v7;
	_ =	sdelay $0x1  }
0x43d: {  	v9 =	vshra.s32 v6, $0x1;
	v10 =	vmul.f32 $5.000000000e-01, v6;
	v7 =	vadd.f32 v7, v8  }
0x43e: {  	v9 =	vsub.s32 $0x5F3759DF, v9;
	v8 =	vld [tilespmem:s3+$0x0]  }
0x43f: {  	v12 =	vmul.f32 v9, v10;
	v7 =	vadd.f32 $9.999999930e-09, v7;
	v11 =	vld [tilespmem:s4+$0x0];
	_ =	sdelay $0x1  }
0x440: {  	v12 =	vmul.f32 v9, v12;
	v13 =	vshra.s32 v7, $0x1;
	v14 =	vmul.f32 $5.000000000e-01, v7  }
0x441: {  	v13 =	vsub.s32 $0x5F3759DF, v13  }
0x442: {  	v12 =	vsub.f32 $1.500000000e+00, v12;
	v15 =	vadd.s32 $0x12, v8;
	v8 =	vadd.s32 $0x17, v8  }
0x443: {  	v18 =	vmul.f32 v13, v14;
	v16 =	vand.u32 $0xFFFFFFF8, v11;
	v17 =	vand.u32 $0xFFFFFFF8, v8  }
0x444: {  	v19 =	vadd.s32 $0xD, v11;
	v9 =	vmul.f32 v9, v12;
	v16 =	vadd.s32 v2, v16  }
0x445: {  	v11 =	vand.u32 $0x7, v11;
	v18 =	vmul.f32 v13, v18;
	v12 =	vand.u32 $0xFFFFFFF8, v19  }
0x446: {  	v11 =	vor.u32 v11, v16;
	v12 =	vadd.s32 v2, v12;
	v16 =	vmul.f32 v9, v10  }
0x447: {  	v19 =	vand.u32 $0x7, v19;
	v18 =	vsub.f32 $1.500000000e+00, v18;
	v11 =	vadd.s32 $0x8, v11  }
0x448: {  	v8 =	vand.u32 $0x7, v8;
	v17 =	vadd.s32 v2, v17;
	v12 =	vor.u32 v19, v12  }
0x449: {  	v17 =	vor.u32 v8, v17;
	v19 =	vand.u32 $0xFFFFFFF8, v15;
	v13 =	vmul.f32 v13, v18  }
0x44a: {  	v8 =	vand.u32 $0x7, v15;
	v2 =	vadd.s32 v2, v19;
	v15 =	vmul.f32 v16, v9  }
0x44b: {  	v16 =	vor.u32 v8, v2;
	v2 =	vmul.f32 v13, v14  }
0x44c: {  	v8 =	vld.idx.msk [tilespmem:v11+s17+$0x0], $0xffff;
	v11 =	vsub.f32 $1.500000000e+00, v15  }
0x44d: {  	v15 =	vmul.f32 v2, v13  }
0x44e: {  	v2 =	vmul.f32 v11, v9  }
.Ltmp8:
0x44f: {  	v15 =	vsub.f32 $1.500000000e+00, v15;
	v9 =	vld.idx.msk [tilespmem:v12+s17+$0x0], $0xffff;
	(pc) =	sbr.rel @p0 .LBB2_19-.Ltmp8, $4  }
0x450: {  	v11 =	vld.idx.msk [tilespmem:v16+s17+$0x0], $0xffff;
	v16 =	vmul.f32 v2, v10  }
0x451: {  	v10 =	vmul.f32 v15, v13;
	v12 =	vld.idx.msk [tilespmem:v17+s17+$0x0], $0xffff  }
0x452: {  	v13 =	vmul.f32 v16, v2  }
0x453: {  	v14 =	vmul.f32 v10, v14  }
0x454: {  	_ = 	snop  }
0x455: {  	v14 =	vmul.f32 v14, v10;
	_ =	sdelay $0x1  }
0x456: {  	v13 =	vsub.f32 $1.500000000e+00, v13;
	v14 =	vsub.f32 $1.500000000e+00, v14;
	_ =	sdelay $0x1  }
0x457: {  	v2 =	vmul.f32 v13, v2;
	v59 =	vmul.f32 v14, v10  }
0x458: {  	v8 =	vadd.f32 v11, v8  }
0x459: {  	v60 =	vld [tilespmem:s5+$0x0];
	v9 =	vadd.f32 v12, v9;
	v6 =	vmul.f32 v2, v6;
	v7 =	vmul.f32 v59, v7;
	_ =	sdelay $0x1  }
0x45a: {  	v6 =	vmul.f32 v6, v8;
	v7 =	vmul.f32 v7, v9;
	_ =	sdelay $0x1  }
0x45b: {  	v6 =	vadd.f32 v7, v6  }
0x45c: {  	v61 =	vshll.u32 v60, $0x2  }
0x45d: {  	v62 =	vor.u32 $0x1, v61;
	v2 =	vmul.f32 v6, v2  }
0x45e: {  	v63 =	vor.u32 $0x2, v61  }
0x45f: {  	v3 =	vmul.f32 v2, v3  }
0x460: {  	s1 =	rddreg [dreg:$0xf];
	v4 =	vmul.f32 v2, v4  }
0x461: {  	s12 =	rddreg [dreg:$0x2];
	s5 =	simm.s32 $0x0;
	s1 =	sadd.s32 s30, s1;
	v2 =	vmul.f32 v2, v5;
	[tilespmem:v61+s29+$0x0] =	vst.idx.add.f32.msk $0xffff, v3  }
0x462: {  	s6 =	simm.s32 $0x800;
	s4 =	rddreg [dreg:$0x3];
	s1 =	sshrl.u32 s1, $0x3;
	[tilespmem:v62+s29+$0x0] =	vst.idx.add.f32.msk $0xffff, v4  }
0x463: {  	s9 =	sadd.s32 $0x1, s9;
	s30 =	simm.s32 $0xA00;
	s3 =	sadd.s32 s12, s1;
	[tilespmem:v63+s29+$0x0] =	vst.idx.add.f32.msk $0xffff, v2  }
0x464: {  	[tilespmem:s6], [sflag:$0x2] =	stream.linear.gather [hbm4b:s3+s5], $0x200, $0x38;
	[tilespmem:$0x15000] =	vst v63  }
0x465: {  	p0 =	sne.s32 s9, $0xA;
	s3 =	sadd.s32 s4, s1;
	s4 =	rddreg [dreg:$0x4]  }
0x466: {  	[tilespmem:s30], [sflag:$0x2] =	stream.linear.gather [hbm4b:s3+s5], $0x200, $0x38;
	[tilespmem:$0x15000] =	vst v63  }
.Ltmp9:
0x467: {  	s3 =	sadd.s32 s4, s1;
	s4 =	simm.s32 $0xC00;
	(pc) =	sbr.rel @p0 .LBB2_4-.Ltmp9, $4  }
0x468: {  	[tilespmem:s4], [sflag:$0x2] =	stream.linear.gather [hbm4b:s3+s5], $0x200, $0x38;
	[tilespmem:$0x15000] =	vst v63  }
0x469: {  	s4 =	rddreg [dreg:$0x5]  }
0x46a: {  	s1 =	sadd.s32 s4, s1;
	s4 =	simm.s32 $0xE00  }
0x46b: {  	[tilespmem:s4], [sflag:$0x2] =	stream.linear.gather [hbm4b:s1+s5], $0x200, $0x38;
	[tilespmem:$0x15000] =	vst v63  }
0x46c: {  	_ =	swait.ge [sflag:s18], $0x400  }
0x46d: {  	[sflag:s18] =	ssyncset.done $0x0  }
0x46e: {  	[sflag:s18] =	ssyncadd.s32 $0xFFFFFC00  }
0x46f: {  	_ =	swait.ge [sflag:s18], $0x1000  }
0x470: {  	[sflag:s18] =	ssyncset.done $0x0  }
0x471: {  	[sflag:s18] =	ssyncadd.s32 $0xFFFFF000  }
0x472: {  	_ =	swait.ge [sflag:s18], $0x400  }
0x473: {  	[sflag:s18] =	ssyncset.done $0x0  }
0x474: {  	[sflag:s18] =	ssyncadd.s32 $0xFFFFFC00  }
0x475: {  	_ =	swait.ge [sflag:s18], $0x1000  }
0x476: {  	[sflag:s18] =	ssyncset.done $0x0  }
0x477: {  	[sflag:s18] =	ssyncadd.s32 $0xFFFFF000  }
0x478: {  	_ =	swait.ge [sflag:s18], $0x400  }
0x479: {  	[sflag:s18] =	ssyncset.done $0x0  }
0x47a: {  	[sflag:s18] =	ssyncadd.s32 $0xFFFFFC00  }
0x47b: {  	_ =	swait.ge [sflag:s18], $0x1000  }
0x47c: {  	[sflag:s18] =	ssyncset.done $0x0  }
0x47d: {  	[sflag:s18] =	ssyncadd.s32 $0xFFFFF000  }
0x47e: {  	_ =	swait.ge [sflag:s18], $0x400  }
0x47f: {  	[sflag:s18] =	ssyncset.done $0x0  }
0x480: {  	[sflag:s18] =	ssyncadd.s32 $0xFFFFFC00  }
0x481: {  	_ =	swait.ge [sflag:s18], $0x1000  }
0x482: {  	[sflag:s18] =	ssyncset.done $0x0  }
0x483: {  	[sflag:s18] =	ssyncadd.s32 $0xFFFFF000  }
0x484: {  	_ =	swait.ge [sflag:s0], $0x200  }
0x485: {  	[sflag:s0] =	ssyncset.done $0x0  }
0x486: {  	[sflag:s0] =	ssyncadd.s32 $0xFFFFFE00  }
0x487: {  	_ =	swait.ge [sflag:s0], $0x200  }
0x488: {  	[sflag:s0] =	ssyncset.done $0x0  }
0x489: {  	[sflag:s0] =	ssyncadd.s32 $0xFFFFFE00  }
0x48a: {  	_ =	swait.ge [sflag:s0], $0x200  }
0x48b: {  	[sflag:s0] =	ssyncset.done $0x0  }
0x48c: {  	[sflag:s0] =	ssyncadd.s32 $0xFFFFFE00  }
0x48d: {  	_ =	swait.ge [sflag:s0], $0x200  }
0x48e: {  	[sflag:s0] =	ssyncset.done $0x0  }
0x48f: {  	s3 =	simm.s32 $0x5;
	s1 =	rddreg [dreg:$0x10];
	[sflag:s0] =	ssyncadd.s32 $0xFFFFFE00  }
0x490: {  	[hbm4b:s1+s5] =	stream.linear.scatter [tilespmem:s29], [sflag:$0x5], $0x1400, $0x38;
	[tilespmem:$0x15000] =	vst v63  }
0x491: {  	_ =	swait.ge [sflag:s3], $0x1400  }
0x492: {  	[sflag:s3] =	ssyncset.done $0x0  }
0x493: {  	s4 =	simm.s32 $0xC400;
	s9 =	rddreg [dreg:$0x11];
	[sflag:s3] =	ssyncadd.s32 $0xFFFFEC00  }
0x494: {  	[hbm4b:s9+s5] =	stream.linear.scatter [tilespmem:s4], [sflag:$0x5], $0x1400, $0x38;
	[tilespmem:$0x15000] =	vst v63  }
0x495: {  	_ =	swait.ge [sflag:s3], $0x1400  }
0x496: {  	[sflag:s3] =	ssyncset.done $0x0  }
0x497: {  	s9 =	simm.s32 $0xD800;
	s4 =	rddreg [dreg:$0x12];
	[sflag:s3] =	ssyncadd.s32 $0xFFFFEC00  }
0x498: {  	[hbm4b:s4+s5] =	stream.linear.scatter [tilespmem:s9], [sflag:$0x5], $0x1400, $0x38;
	[tilespmem:$0x15000] =	vst v63  }
0x499: {  	_ =	swait.ge [sflag:s3], $0x1400  }
0x49a: {  	[sflag:s3] =	ssyncset.done $0x0  }
0x49b: {  	s9 =	simm.s32 $0xEC00;
	s4 =	rddreg [dreg:$0x13];
	[sflag:s3] =	ssyncadd.s32 $0xFFFFEC00  }
0x49c: {  	[hbm4b:s4+s5] =	stream.linear.scatter [tilespmem:s9], [sflag:$0x5], $0x1400, $0x38;
	[tilespmem:$0x15000] =	vst v63  }
0x49d: {  	_ =	swait.ge [sflag:s3], $0x1400  }
0x49e: {  	[sflag:s3] =	ssyncset.done $0x0  }
0x49f: {  	s9 =	simm.s32 $0x10000;
	s4 =	rddreg [dreg:$0x14];
	[sflag:s3] =	ssyncadd.s32 $0xFFFFEC00  }
0x4a0: {  	[hbm4b:s4+s5] =	stream.linear.scatter [tilespmem:s9], [sflag:$0x5], $0x1400, $0x38;
	[tilespmem:$0x15000] =	vst v63  }
0x4a1: {  	_ =	swait.ge [sflag:s3], $0x1400  }
0x4a2: {  	[sflag:s3] =	ssyncset.done $0x0  }
0x4a3: {  	s9 =	simm.s32 $0x11400;
	s4 =	rddreg [dreg:$0x15];
	[sflag:s3] =	ssyncadd.s32 $0xFFFFEC00  }
0x4a4: {  	[hbm4b:s4+s5] =	stream.linear.scatter [tilespmem:s9], [sflag:$0x5], $0x1400, $0x38;
	[tilespmem:$0x15000] =	vst v63  }
0x4a5: {  	_ =	swait.ge [sflag:s3], $0x1400  }
0x4a6: {  	[sflag:s3] =	ssyncset.done $0x0  }
0x4a7: {  	s9 =	simm.s32 $0x12800;
	s4 =	rddreg [dreg:$0x16];
	[sflag:s3] =	ssyncadd.s32 $0xFFFFEC00  }
0x4a8: {  	[hbm4b:s4+s5] =	stream.linear.scatter [tilespmem:s9], [sflag:$0x5], $0x1400, $0x38;
	[tilespmem:$0x15000] =	vst v63  }
0x4a9: {  	_ =	swait.ge [sflag:s3], $0x1400  }
0x4aa: {  	[sflag:s3] =	ssyncset.done $0x0  }
0x4ab: {  	s9 =	simm.s32 $0x13C00;
	s4 =	rddreg [dreg:$0x17];
	[sflag:s3] =	ssyncadd.s32 $0xFFFFEC00  }
0x4ac: {  	[hbm4b:s4+s5] =	stream.linear.scatter [tilespmem:s9], [sflag:$0x5], $0x1400, $0x38;
	[tilespmem:$0x15000] =	vst v63  }
0x4ad: {  	_ =	swait.ge [sflag:s3], $0x1400  }
0x4ae: {  	s1 =	rddreg [dreg:$0x19]  }
0x4af: {  	s9 =	rddreg [dreg:$0x18];
	s4 =	sadd.s32 $0x1, s1  }
0x4b0: {  	p0 =	sne.s32 s4, s9  }
.Ltmp10:
0x4b1: {  	_ = 	snop;
	(pc) =	sbr.rel @p0 .LBB2_1-.Ltmp10, $3  }
0x4b2: {  	_ =	sdelay $0x1  }
0x4b3: {  	[sflag:s3] =	ssyncset.done $0x0  }
0x4b4: {  	[sflag:s3] =	ssyncadd.s32 $0xFFFFEC00  }
0x4b5: {  	_ =	sfence.sel $0x180000  }
0x4b6: {  	[bflag:$0x0] =	sbarrier.arrive $0xFFFF  }
0x4b7: {  	_ =	strace $0x90000047  }
0x4b8: {  	s0 =	stileid.u32;
	[bflag:$0x2] =	sbarrier.arrive $0xFFFF  }
0x4b9: {  	p0 =	sne.s32 s0, $0x0;
	s0 =	rddreg [dreg:$0x1]  }
0x4ba: {  	s0 =	sadd.s32 @!p0 $0x100000, s0  }
0x4bb: {  	[sflag:s0] =	ssyncadd.tile.s32 @!p0 $0x1;
	_ =	shalt  }
.Lfunc_end2:
_tile_overlayer_lowered:
.L_overlay_start_2:
0x4bc: {  	(tag) =	ssettag $0x2  }
0x4bd: {  	s0 =	rddreg [dreg:$0x0];
	s2 =	stileid.u32  }
0x4be: {  	s1 =	rddreg [dreg:$0x1];
	p0 =	sne.s32 s2, $0x0  }
0x4bf: {  	s3 =	rddreg [dreg:$0x2];
	[bflag:$0x3] =	sbarrier.arrive $0xFFFF;
	s2 =	simm.s32 @!p0 $0x1C05  }
0x4c0: {  	[timem:s3], [sflag:s2] =	dma.local @!p0 [hbm:s0], s1  }
0x4c1: {  	s0 =	simm.s32 @!p0 $0x5  }
0x4c2: {  	_ =	swait.ge @!p0 [sflag:s0], s1  }
0x4c3: {  	s1 =	ssub.s32 @!p0 $0x0, s1;
	[sflag:s0] =	ssyncset.done @!p0 $0x0  }
0x4c4: {  	[sflag:s0] =	ssyncadd.s32 @!p0 s1  }
0x4c5: {  	[bflag:$0x3] =	sbarrier.arrive $0xFFFF  }
0x4c6: {  	_ =	shalt  }

// kernel: kernel.8.cloned.1.call-start
scs
__scs_entry_jumppad:
0x0: {  	(pc) =	sbr.rel $0x88, $3  }
0x1: {  	(tag) =	ssettag $0x0;
	lr =	simm.s32 $0x1  }
0x2: {  	[smem:$0x3F8F] =	sst lr;
	_ =	strace $0xD0000000  }
0x3: {  	_ = 	snop  }
0x4: {  	_ = 	snop  }
0x5: {  	_ = 	snop  }
0x6: {  	_ = 	snop  }
0x7: {  	_ = 	snop  }
__scs_overlays_trampoline_lowered:
0x8: {  	[smem:$0x3F9E] =	sst s0  }
0x9: {  	[smem:$0x3F9F] =	sst s1  }
0xa: {  	[smem:$0x3FA0] =	sst s2  }
0xb: {  	[smem:$0x3FA1] =	sst s3  }
0xc: {  	[smem:$0x3FA2] =	sst s4  }
0xd: {  	[smem:$0x3FA3] =	sst s5  }
0xe: {  	[smem:$0x3FA4] =	sst s6  }
0xf: {  	[smem:$0x3FA5] =	sst s7  }
0x10: {  	[smem:$0x3FA6] =	sst s8  }
0x11: {  	[smem:$0x3FA7] =	sst s9;
	s0 =	simm.s32 @!p0 $0x0  }
0x12: {  	s1 =	sld [smem:$0x3F8D];
	s0 =	simm.s32 @p0 $0x1  }
0x13: {  	[smem:$0x3FA8] =	sst s0;
	s0 =	simm.s32 @!p1 $0x0  }
0x14: {  	s2 =	sld [smem:$0x3F8C];
	s0 =	simm.s32 @p1 $0x1  }
0x15: {  	[smem:$0x3FA9] =	sst s0;
	s0 =	simm.s32 @!p2 $0x0  }
0x16: {  	s3 =	sld [smem:$0x3FDB];
	s0 =	simm.s32 @p2 $0x1  }
0x17: {  	s4 =	simm.s32 $0x1BF5;
	[smem:$0x3FAB] =	sst s0  }
0x18: {  	s0 =	sld [smem:$0x3F8E];
	_ =	swait.ge [sflag:s4], $0x0  }
0x19: {  	s7 =	sld [smem:$0x3F8F]  }
0x1a: {  	s8 =	sadd.s32 $0xFFFFE003, lr  }
0x1b: {  	s9 =	sadd.s32 $0xFFFFFEF7, lr;
	s5 =	simm.s32 $0xFFFFFFFF;
	p2 =	slt.u32 s8, $0xFFFFF086  }
0x1c: {  	p1 =	slt.u32 s9, $0xF7A;
	s5 =	simm.s32 @!p2 $0x0  }
0x1d: {  	s5 =	simm.s32 @p1 $0x1;
	p0 =	seq.s32 s7, s2  }
0x1e: {  	s7 =	smul.u32 @!p0 $0xF7A, s2;
	p2 =	seq.s32 @!p0 s5, $0x0  }
0x1f: {  	s9 =	smul.u32 $0xF7A, s1;
	s8 =	simm.s32 @!p0 $0x1BF5;
	p2 =	por !p2, p0  }
0x20: {  	[sflag:s8] =	ssyncset.s32 @!p0 $0xFFFFF086;
	s6 =	sadd.s32 @!p0 s3, s7;
	s7 =	simm.s32 @!p0 $0x108  }
0x21: {  	s3 =	sadd.s32 s3, s9;
	s6 =	sadd.s32 @!p0 $0x88, s6;
	s7 =	simm.s32 @p2 $0x1082  }
0x22: {  	[simem:s7], [sflag:s8] =	dma.local @!p0 [hbm:s6], $0xF7A  }
0x23: {  	s9 =	sor.u32 $0xD0000000, s2;
	s6 =	simm.s32 $0x108;
	_ =	swait.ge @!p0 [sflag:s8], $0x0  }
0x24: {  	s3 =	sadd.s32 $0x88, s3;
	s6 =	simm.s32 @!p1 $0x1082;
	[sflag:s4] =	ssyncset.s32 $0xFFFFF086  }
0x25: {  	[simem:s6], [sflag:s4] =	dma.local [hbm:s3], $0xF7A  }
0x26: {  	[smem:$0x3F8F] =	sst s1;
	(tag) =	ssettag s2;
	_ =	strace s9  }
0x27: {  	s1 =	sld [smem:$0x3F9F]  }
0x28: {  	s2 =	sld [smem:$0x3FA0]  }
0x29: {  	s4 =	sld [smem:$0x3FA2]  }
0x2a: {  	p0 =	seq.s32 s5, $0x0;
	s5 =	sld [smem:$0x3FA3]  }
0x2b: {  	s6 =	sld [smem:$0x3FA4]  }
0x2c: {  	s7 =	sld [smem:$0x3FA5]  }
0x2d: {  	s3 =	simm.s32 $0x108;
	s8 =	sld [smem:$0x3FA6]  }
0x2e: {  	s3 =	simm.s32 @!p0 $0x1082;
	s9 =	sld [smem:$0x3FA7]  }
0x2f: {  	lr =	sadd.s32 s0, s3;
	s0 =	sld [smem:$0x3F9E]  }
0x30: {  	s3 =	sld [smem:$0x3FA1]  }
0x31: {  	[smem:$0x3FAA] =	sst s10  }
0x32: {  	s10 =	sld [smem:$0x3FA8];
	_ =	sdelay $0x3  }
0x33: {  	p0 =	seq.s32 s10, $0x1;
	s10 =	sld [smem:$0x3FAA];
	_ =	sdelay $0x3  }
0x34: {  	[smem:$0x3FAA] =	sst s10  }
0x35: {  	s10 =	sld [smem:$0x3FA9];
	_ =	sdelay $0x3  }
0x36: {  	p1 =	seq.s32 s10, $0x1;
	s10 =	sld [smem:$0x3FAA];
	_ =	sdelay $0x3  }
0x37: {  	[smem:$0x3FAA] =	sst s10  }
0x38: {  	s10 =	sld [smem:$0x3FAB]  }
0x39: {  	_ = 	snop;
	(pc) =	sbr.ind lr, $3  }
0x3a: {  	_ = 	snop  }
0x3b: {  	_ = 	snop  }
0x3c: {  	p2 =	seq.s32 s10, $0x1;
	s10 =	sld [smem:$0x3FAA]  }
0x3d: {  	_ =	shalt  }
0x3e: {  	_ =	shalt  }
0x3f: {  	_ =	shalt  }
0x40: {  	_ =	shalt  }
0x41: {  	_ =	shalt  }
0x42: {  	_ =	shalt  }
0x43: {  	_ =	shalt  }
0x44: {  	_ =	shalt  }
0x45: {  	_ =	shalt  }
0x46: {  	_ =	shalt  }
0x47: {  	_ =	shalt  }
0x48: {  	_ =	shalt  }
0x49: {  	_ =	shalt  }
0x4a: {  	_ =	shalt  }
0x4b: {  	_ =	shalt  }
0x4c: {  	_ =	shalt  }
0x4d: {  	_ =	shalt  }
0x4e: {  	_ =	shalt  }
0x4f: {  	_ =	shalt  }
0x50: {  	_ =	shalt  }
0x51: {  	_ =	shalt  }
0x52: {  	_ =	shalt  }
0x53: {  	_ =	shalt  }
0x54: {  	_ =	shalt  }
0x55: {  	_ =	shalt  }
0x56: {  	_ =	shalt  }
0x57: {  	_ =	shalt  }
0x58: {  	_ =	shalt  }
0x59: {  	_ =	shalt  }
0x5a: {  	_ =	shalt  }
0x5b: {  	_ =	shalt  }
0x5c: {  	_ =	shalt  }
0x5d: {  	_ =	shalt  }
0x5e: {  	_ =	shalt  }
0x5f: {  	_ =	shalt  }
0x60: {  	_ =	shalt  }
0x61: {  	_ =	shalt  }
0x62: {  	_ =	shalt  }
0x63: {  	_ =	shalt  }
0x64: {  	_ =	shalt  }
0x65: {  	_ =	shalt  }
0x66: {  	_ =	shalt  }
0x67: {  	_ =	shalt  }
0x68: {  	_ =	shalt  }
0x69: {  	_ =	shalt  }
0x6a: {  	_ =	shalt  }
0x6b: {  	_ =	shalt  }
0x6c: {  	_ =	shalt  }
0x6d: {  	_ =	shalt  }
0x6e: {  	_ =	shalt  }
0x6f: {  	_ =	shalt  }
0x70: {  	_ =	shalt  }
0x71: {  	_ =	shalt  }
0x72: {  	_ =	shalt  }
0x73: {  	_ =	shalt  }
0x74: {  	_ =	shalt  }
0x75: {  	_ =	shalt  }
0x76: {  	_ =	shalt  }
0x77: {  	_ =	shalt  }
0x78: {  	_ =	shalt  }
0x79: {  	_ =	shalt  }
0x7a: {  	_ =	shalt  }
0x7b: {  	_ =	shalt  }
0x7c: {  	_ =	shalt  }
0x7d: {  	_ =	shalt  }
0x7e: {  	_ =	shalt  }
0x7f: {  	_ =	shalt  }
0x80: {  	_ =	shalt  }
0x81: {  	_ =	shalt  }
0x82: {  	_ =	shalt  }
0x83: {  	_ =	shalt  }
0x84: {  	_ =	shalt  }
0x85: {  	_ =	shalt  }
0x86: {  	_ =	shalt  }
0x87: {  	_ =	shalt  }
.Lfunc_end0:
.L_simem_size_0:
called_computation.1_lowered:
.L_overlay_start_0:
0x88: {  	s2 =	sld [smem:$0x3FD9]  }
0x89: {  	s3 =	sld [smem:$0x3FFE];
	_ =	sdelay $0x1  }
0x8a: {  	s1 =	srdreg.scid  }
0x8b: {  	s0 =	sand.u32 $0x1, s1  }
0x8c: {  	s16 =	sshll.u32 s0, $0xA;
	s2 =	sadd.s32 s3, s2  }
0x8d: {  	s2 =	sadd.s32 s2, s16  }
0x8e: {  	[smem:$0x3FB6] =	sst s2  }
0x8f: {  	_ = 	snop  }
0x90: {  	(tm) =	ssettm $0x1  }
0x91: {  	s17 =	sld [smem:$0x3FFB];
	_ =	sdelay $0x3  }
0x92: {  	_ =	strace s17  }
0x93: {  	s2 =	sld [smem:$0x3FFC];
	_ =	sdelay $0x3  }
0x94: {  	_ =	strace s2  }
0x95: {  	s2 =	sld [smem:$0x3FFD];
	_ =	sdelay $0x3  }
0x96: {  	_ =	strace s2  }
0x97: {  	_ =	strace $0x8FFFFFFF  }
0x98: {  	s18 =	sld [smem:$0x3FDB];
	_ =	sdelay $0x1  }
0x99: {  	s19 =	simm.s32 $_scs_section_size  }
0x9a: {  	s4 =	simm.s32 $_size__tile_overlayer_lowered;
	s5 =	simm.s32 $_tile_overlayer_lowered  }
0x9b: {  	s22 =	simm.s32 $0x1BFF;
	s21 =	sshll.u32 s5, $0x1;
	s2 =	sadd.s32 s19, s18  }
0x9c: {  	s6 =	simm.s32 $0x0;
	s20 =	sshll.u32 s4, $0x1;
	s4 =	sadd.s32 s21, s2  }
0x9d: {  	[timem:s6], [sflag:s22] =	dma.local [hbm:s4], s20  }
0x9e: {  	_ =	swait.ge [sflag:s22], s20  }
0x9f: {  	s3 =	ssub.s32 $0x0, s20;
	[sflag:s22] =	ssyncset.done $0x0  }
0xa0: {  	[sflag:s22] =	ssyncadd.s32 s3;
	_ =	sdelay $0x1  }
0xa1: {  	s23 =	simm.s32 $0x1B8B  }
0xa2: {  	_ =	swait.ge [sflag:s23], $0x1  }
0xa3: {  	[sflag:s23] =	ssyncset.done $0x0  }
0xa4: {  	s25 =	simm.s32 $0x1B8E;
	s24 =	sld [smem:$0x3FFE];
	[sflag:s23] =	ssyncadd.s32 $0xFFFFFFFF  }
0xa5: {  	s26 =	simm.s32 $execute0_lowered;
	[smem:$0x3FD2] =	sst s25  }
0xa6: {  	s4 =	sshll.u32 s26, $0x1;
	_ =	strace $0x80000049;
	[dreg:$0x1] =	wrdreg $0xFFFFFFFF  }
0xa7: {  	s28 =	simm.s32 $_size_execute0_lowered;
	s2 =	sadd.s32 s2, s4;
	[dreg:$0x0] =	wrdreg $0x0  }
0xa8: {  	s4 =	sshll.u32 s28, $0x1;
	[dreg:$0x2] =	wrdreg s2  }
0xa9: {  	[dreg:$0x3] =	wrdreg s4  }
0xaa: {  	[dreg:$0x4] =	wrdreg $0xC0  }
0xab: {  	_ =	task [dreg:s6], $0x5FFFF  }
0xac: {  	[dreg:$0x1] =	wrdreg $0xFFFFFFFF  }
0xad: {  	[dreg:$0x0] =	wrdreg $0x60  }
0xae: {  	[dreg:$0x2] =	wrdreg s24  }
0xaf: {  	[dreg:$0x3] =	wrdreg $0x9  }
0xb0: {  	_ =	task.clear_ibuf [dreg:s6], $0x4FFFF;
	_ =	strace $0x90000049  }
0xb1: {  	s29 =	simm.s32 $0x9;
	_ =	strace $0x8000004B  }
0xb2: {  	_ =	swait.ge [sflag:s29], $0x1  }
0xb3: {  	[sflag:s29] =	ssyncadd.s32 $0xFFFFFFFF  }
0xb4: {  	_ =	strace $0x9000004B  }
0xb5: {  	_ =	sfence  }
0xb6: {  	s30 =	sld [smem:$0x0];
	_ =	sdelay $0x2  }
0xb7: {  	s31 =	sshll.u32 s1, $0xD;
	s1 =	sshrl.u32 s1, $0x2  }
0xb8: {  	s3 =	sand.u32 $0x4000, s31;
	s1 =	sadd.s32 s1, s30  }
0xb9: {  	s0 =	sor.u32 s3, s0;
	s1 =	sshll.u32 s1, $0x11  }
0xba: {  	s0 =	sor.u32 s1, s0  }
0xbb: {  	s0 =	sadd.s32 $0x8F2B, s0  }
0xbc: {  	[sflag:s0] =	ssyncadd.remote.s32 $0x1  }
0xbd: {  	_ =	sfence.sel $0xFFFF  }
0xbe: {  	[dreg:$0x0] =	wrdreg $0xFFFFFFFF;
	(pc) =	sbr.abs _section_cstart, $3  }
0xbf: {  	[dreg:$0x1] =	wrdreg $0xFFFFFFFF  }
0xc0: {  	_ =	task.clear_ibuf [dreg:s6], $0x2FFFF;
	_ =	strace $0x9FFFFFFF  }
0xc1: {  	(tm) =	ssettm $0x7FFFFFFF  }
tec
execute0_lowered:
.L_overlay_start_1:
0x0: {  	(tag) =	ssettag $0x1  }
0x1: {  	s0 =	srdreg.scid  }
0x2: {  	s0 =	sand.u32 $0x1, s0  }
0x3: {  	s2 =	stileid.u32;
	s1 =	sshll.u32 s0, $0x4  }
0x4: {  	s3 =	rddreg [dreg:$0x0];
	s1 =	sor.u32 s2, s1  }
0x5: {  	s7 =	simm.s32 $0x1;
	s8 =	simm.s32 $0xA000;
	s1 =	smul.u32 $0x500, s1  }
0x6: {  	s9 =	simm.s32 $0x2;
	s10 =	simm.s32 $0x0;
	s0 =	ssub.s32 $0x2, s0  }
0x7: {  	s2 =	simm.s32 $0x0;
	s4 =	sshrl.u32 s0, $0x1;
	s1 =	sshrl.u32 s1, $0x3  }
0x8: {  	[smem:$0x7FF] =	sst s2;
	s6 =	ssub.s32 s0, s4;
	s5 =	sadd.s32 s1, s3  }
0x9: {  	_ =	strace $0x8000004A;
	s6 =	smax.u32 s6, $0x1;
	s17 =	sadd.s32 $0x37000, s5  }
0xa: {  	s18 =	sadd.s32 $0x38400, s5;
	s19 =	sadd.s32 $0x39800, s5;
	s20 =	sadd.s32 $0x3AC00, s5  }
0xb: {  	s21 =	sadd.s32 $0x3C000, s5;
	s22 =	sadd.s32 $0x3D400, s5;
	[dreg:$0x2] =	wrdreg s17  }
0xc: {  	v0 =	vlaneseq.u32;
	s23 =	sadd.s32 $0x3E800, s5;
	s24 =	sadd.s32 $0x3FC00, s5;
	[dreg:$0x3] =	wrdreg s18  }
0xd: {  	v1 =	vor.u32 $0x500, v0;
	s25 =	sadd.s32 $0x41000, s5;
	s26 =	sadd.s32 $0x42400, s5;
	[dreg:$0x4] =	wrdreg s19  }
0xe: {  	v2 =	vor.u32 $0xA00, v0;
	v3 =	vor.u32 $0xF00, v0;
	v4 =	vor.u32 $0x1400, v0;
	s13 =	sadd.s32 $0x43800, s5;
	s14 =	sadd.s32 $0x44C00, s5;
	[dreg:$0x5] =	wrdreg s20  }
0xf: {  	v5 =	vor.u32 $0x1900, v0;
	v6 =	vor.u32 $0x1E00, v0;
	v7 =	vor.u32 $0x2300, v0;
	s15 =	sadd.s32 $0x46000, s5;
	s16 =	sadd.s32 $0x47400, s5;
	[dreg:$0x6] =	wrdreg s21  }
0x10: {  	v8 =	vor.u32 $0x2800, v0;
	v9 =	vor.u32 $0x2D00, v0;
	v10 =	vor.u32 $0x3200, v0;
	s28 =	sadd.s32 $0x55000, s5;
	s29 =	sadd.s32 $0x56400, s5;
	[dreg:$0x7] =	wrdreg s22  }
0x11: {  	v11 =	vor.u32 $0x3700, v0;
	v12 =	vor.u32 $0x3C00, v0;
	v13 =	vor.u32 $0x4100, v0;
	s30 =	sadd.s32 $0x57800, s5;
	s31 =	sadd.s32 $0x58C00, s5;
	[dreg:$0x8] =	wrdreg s23  }
0x12: {  	v14 =	vor.u32 $0x4600, v0;
	v15 =	vor.u32 $0x4B00, v0;
	v16 =	vor.u32 $0x5000, v0;
	s1 =	sadd.s32 $0x5A000, s5;
	s0 =	sadd.s32 $0x5B400, s5;
	[dreg:$0x9] =	wrdreg s24  }
0x13: {  	v17 =	vor.u32 $0x5500, v0;
	v18 =	vor.u32 $0x5A00, v0;
	v19 =	vor.u32 $0x5F00, v0;
	s3 =	sadd.s32 $0x5C800, s5;
	s4 =	sadd.s32 $0x5DC00, s5;
	[dreg:$0xa] =	wrdreg s25  }
0x14: {  	v20 =	vor.u32 $0x6400, v0;
	v21 =	vor.u32 $0x6900, v0;
	v22 =	vor.u32 $0x6E00, v0;
	[dreg:$0xb] =	wrdreg s26;
	s17 =	sadd.s32 $0x48800, s5;
	s18 =	sadd.s32 $0x49C00, s5  }
0x15: {  	v23 =	vor.u32 $0x7300, v0;
	v24 =	vor.u32 $0x7800, v0;
	v25 =	vor.u32 $0x7D00, v0;
	s19 =	sadd.s32 $0x4B000, s5;
	s20 =	sadd.s32 $0x4C400, s5;
	s21 =	sadd.s32 $0x4D800, s5  }
0x16: {  	v26 =	vor.u32 $0x8200, v0;
	v27 =	vor.u32 $0x8700, v0;
	v28 =	vor.u32 $0x8C00, v0;
	s22 =	sadd.s32 $0x4EC00, s5;
	s23 =	sadd.s32 $0x50000, s5;
	s24 =	sadd.s32 $0x51400, s5  }
0x17: {  	v29 =	vor.u32 $0x9100, v0;
	v30 =	vor.u32 $0x9600, v0;
	v31 =	vor.u32 $0x9B00, v0;
	s25 =	sadd.s32 $0x52800, s5;
	s26 =	sadd.s32 $0x53C00, s5;
	s5 =	sadd.s32 $0x2000, s5  }
.LBB2_1:
0x18: {  	s11 =	rddreg [dreg:$0x2]  }
0x19: {  	[tilespmem:s2], [sflag:$0x1] =	stream.linear.gather [hbm4b:s11+s2], $0x500, $0x38;
	[tilespmem:$0xA500] =	vst v63  }
0x1a: {  	s12 =	simm.s32 $0x500;
	s11 =	rddreg [dreg:$0x3]  }
0x1b: {  	[tilespmem:s12], [sflag:$0x1] =	stream.linear.gather [hbm4b:s11+s2], $0x500, $0x38;
	[tilespmem:$0xA500] =	vst v63  }
0x1c: {  	s11 =	rddreg [dreg:$0x4];
	s12 =	simm.s32 $0xA00  }
0x1d: {  	[tilespmem:s12], [sflag:$0x1] =	stream.linear.gather [hbm4b:s11+s2], $0x500, $0x38;
	[tilespmem:$0xA500] =	vst v63  }
0x1e: {  	s11 =	rddreg [dreg:$0x5];
	s12 =	simm.s32 $0xF00  }
0x1f: {  	[tilespmem:s12], [sflag:$0x1] =	stream.linear.gather [hbm4b:s11+s2], $0x500, $0x38;
	[tilespmem:$0xA500] =	vst v63  }
0x20: {  	s11 =	rddreg [dreg:$0x6];
	s12 =	simm.s32 $0x1400  }
0x21: {  	[tilespmem:s12], [sflag:$0x1] =	stream.linear.gather [hbm4b:s11+s2], $0x500, $0x38;
	[tilespmem:$0xA500] =	vst v63  }
0x22: {  	s11 =	rddreg [dreg:$0x7];
	s12 =	simm.s32 $0x1900  }
0x23: {  	[tilespmem:s12], [sflag:$0x1] =	stream.linear.gather [hbm4b:s11+s2], $0x500, $0x38;
	[tilespmem:$0xA500] =	vst v63  }
0x24: {  	s11 =	rddreg [dreg:$0x8];
	s12 =	simm.s32 $0x1E00  }
0x25: {  	[tilespmem:s12], [sflag:$0x1] =	stream.linear.gather [hbm4b:s11+s2], $0x500, $0x38;
	[tilespmem:$0xA500] =	vst v63  }
0x26: {  	s11 =	rddreg [dreg:$0x9];
	s12 =	simm.s32 $0x2300  }
0x27: {  	[tilespmem:s12], [sflag:$0x1] =	stream.linear.gather [hbm4b:s11+s2], $0x500, $0x38;
	[tilespmem:$0xA500] =	vst v63  }
0x28: {  	s11 =	rddreg [dreg:$0xa];
	s12 =	simm.s32 $0x2800  }
0x29: {  	[tilespmem:s12], [sflag:$0x1] =	stream.linear.gather [hbm4b:s11+s2], $0x500, $0x38;
	[tilespmem:$0xA500] =	vst v63  }
0x2a: {  	s11 =	rddreg [dreg:$0xb];
	s12 =	simm.s32 $0x2D00  }
0x2b: {  	[tilespmem:s12], [sflag:$0x1] =	stream.linear.gather [hbm4b:s11+s2], $0x500, $0x38;
	[tilespmem:$0xA500] =	vst v63  }
0x2c: {  	s12 =	simm.s32 $0x3200  }
0x2d: {  	[tilespmem:s12], [sflag:$0x1] =	stream.linear.gather [hbm4b:s13+s2], $0x500, $0x38;
	[tilespmem:$0xA500] =	vst v63  }
0x2e: {  	s12 =	simm.s32 $0x3700  }
0x2f: {  	[tilespmem:s12], [sflag:$0x1] =	stream.linear.gather [hbm4b:s14+s2], $0x500, $0x38;
	[tilespmem:$0xA500] =	vst v63  }
0x30: {  	s12 =	simm.s32 $0x3C00  }
0x31: {  	[tilespmem:s12], [sflag:$0x1] =	stream.linear.gather [hbm4b:s15+s2], $0x500, $0x38;
	[tilespmem:$0xA500] =	vst v63  }
0x32: {  	s12 =	simm.s32 $0x4100  }
0x33: {  	[tilespmem:s12], [sflag:$0x1] =	stream.linear.gather [hbm4b:s16+s2], $0x500, $0x38;
	[tilespmem:$0xA500] =	vst v63  }
0x34: {  	s12 =	simm.s32 $0x4600  }
0x35: {  	[tilespmem:s12], [sflag:$0x1] =	stream.linear.gather [hbm4b:s17+s2], $0x500, $0x38;
	[tilespmem:$0xA500] =	vst v63  }
0x36: {  	s12 =	simm.s32 $0x4B00  }
0x37: {  	[tilespmem:s12], [sflag:$0x1] =	stream.linear.gather [hbm4b:s18+s2], $0x500, $0x38;
	[tilespmem:$0xA500] =	vst v63  }
0x38: {  	s12 =	simm.s32 $0x5000  }
0x39: {  	[tilespmem:s12], [sflag:$0x1] =	stream.linear.gather [hbm4b:s19+s2], $0x500, $0x38;
	[tilespmem:$0xA500] =	vst v63  }
0x3a: {  	s12 =	simm.s32 $0x5500  }
0x3b: {  	[tilespmem:s12], [sflag:$0x1] =	stream.linear.gather [hbm4b:s20+s2], $0x500, $0x38;
	[tilespmem:$0xA500] =	vst v63  }
0x3c: {  	s12 =	simm.s32 $0x5A00  }
0x3d: {  	[tilespmem:s12], [sflag:$0x1] =	stream.linear.gather [hbm4b:s21+s2], $0x500, $0x38;
	[tilespmem:$0xA500] =	vst v63  }
0x3e: {  	s12 =	simm.s32 $0x5F00  }
0x3f: {  	[tilespmem:s12], [sflag:$0x1] =	stream.linear.gather [hbm4b:s22+s2], $0x500, $0x38;
	[tilespmem:$0xA500] =	vst v63  }
0x40: {  	s12 =	simm.s32 $0x6400  }
0x41: {  	[tilespmem:s12], [sflag:$0x1] =	stream.linear.gather [hbm4b:s23+s2], $0x500, $0x38;
	[tilespmem:$0xA500] =	vst v63  }
0x42: {  	s12 =	simm.s32 $0x6900  }
0x43: {  	[tilespmem:s12], [sflag:$0x1] =	stream.linear.gather [hbm4b:s24+s2], $0x500, $0x38;
	[tilespmem:$0xA500] =	vst v63  }
0x44: {  	s12 =	simm.s32 $0x6E00  }
0x45: {  	[tilespmem:s12], [sflag:$0x1] =	stream.linear.gather [hbm4b:s25+s2], $0x500, $0x38;
	[tilespmem:$0xA500] =	vst v63  }
0x46: {  	s12 =	simm.s32 $0x7300  }
0x47: {  	[tilespmem:s12], [sflag:$0x1] =	stream.linear.gather [hbm4b:s26+s2], $0x500, $0x38;
	[tilespmem:$0xA500] =	vst v63  }
0x48: {  	s12 =	simm.s32 $0x7800  }
0x49: {  	[tilespmem:s12], [sflag:$0x1] =	stream.linear.gather [hbm4b:s28+s2], $0x500, $0x38;
	[tilespmem:$0xA500] =	vst v63  }
0x4a: {  	s12 =	simm.s32 $0x7D00  }
0x4b: {  	[tilespmem:s12], [sflag:$0x1] =	stream.linear.gather [hbm4b:s29+s2], $0x500, $0x38;
	[tilespmem:$0xA500] =	vst v63  }
0x4c: {  	s12 =	simm.s32 $0x8200  }
0x4d: {  	[tilespmem:s12], [sflag:$0x1] =	stream.linear.gather [hbm4b:s30+s2], $0x500, $0x38;
	[tilespmem:$0xA500] =	vst v63  }
0x4e: {  	s12 =	simm.s32 $0x8700  }
0x4f: {  	[tilespmem:s12], [sflag:$0x1] =	stream.linear.gather [hbm4b:s31+s2], $0x500, $0x38;
	[tilespmem:$0xA500] =	vst v63  }
0x50: {  	s12 =	simm.s32 $0x8C00  }
0x51: {  	[tilespmem:s12], [sflag:$0x1] =	stream.linear.gather [hbm4b:s1+s2], $0x500, $0x38;
	[tilespmem:$0xA500] =	vst v63  }
0x52: {  	s12 =	simm.s32 $0x9100  }
0x53: {  	[tilespmem:s12], [sflag:$0x1] =	stream.linear.gather [hbm4b:s0+s2], $0x500, $0x38;
	[tilespmem:$0xA500] =	vst v63  }
0x54: {  	s12 =	simm.s32 $0x9600  }
0x55: {  	[tilespmem:s12], [sflag:$0x1] =	stream.linear.gather [hbm4b:s3+s2], $0x500, $0x38;
	[tilespmem:$0xA500] =	vst v63  }
0x56: {  	s12 =	simm.s32 $0x9B00  }
0x57: {  	[tilespmem:s12], [sflag:$0x1] =	stream.linear.gather [hbm4b:s4+s2], $0x500, $0x38;
	[tilespmem:$0xA500] =	vst v63  }
0x58: {  	_ =	swait.ge [sflag:s7], $0x500  }
0x59: {  	[sflag:s7] =	ssyncset.done $0x0  }
0x5a: {  	[sflag:s7] =	ssyncadd.s32 $0xFFFFFB00  }
0x5b: {  	_ =	swait.ge [sflag:s7], $0x500  }
0x5c: {  	[sflag:s7] =	ssyncset.done $0x0  }
0x5d: {  	[sflag:s7] =	ssyncadd.s32 $0xFFFFFB00  }
0x5e: {  	_ =	swait.ge [sflag:s7], $0x500  }
0x5f: {  	[sflag:s7] =	ssyncset.done $0x0  }
0x60: {  	[sflag:s7] =	ssyncadd.s32 $0xFFFFFB00  }
0x61: {  	_ =	swait.ge [sflag:s7], $0x500  }
0x62: {  	[sflag:s7] =	ssyncset.done $0x0  }
0x63: {  	[sflag:s7] =	ssyncadd.s32 $0xFFFFFB00  }
0x64: {  	_ =	swait.ge [sflag:s7], $0x500  }
0x65: {  	[sflag:s7] =	ssyncset.done $0x0  }
0x66: {  	[sflag:s7] =	ssyncadd.s32 $0xFFFFFB00  }
0x67: {  	_ =	swait.ge [sflag:s7], $0x500  }
0x68: {  	[sflag:s7] =	ssyncset.done $0x0  }
0x69: {  	[sflag:s7] =	ssyncadd.s32 $0xFFFFFB00  }
0x6a: {  	_ =	swait.ge [sflag:s7], $0x500  }
0x6b: {  	[sflag:s7] =	ssyncset.done $0x0  }
0x6c: {  	[sflag:s7] =	ssyncadd.s32 $0xFFFFFB00  }
0x6d: {  	_ =	swait.ge [sflag:s7], $0x500  }
0x6e: {  	[sflag:s7] =	ssyncset.done $0x0  }
0x6f: {  	[sflag:s7] =	ssyncadd.s32 $0xFFFFFB00  }
0x70: {  	_ =	swait.ge [sflag:s7], $0x500  }
0x71: {  	[sflag:s7] =	ssyncset.done $0x0  }
0x72: {  	[sflag:s7] =	ssyncadd.s32 $0xFFFFFB00  }
0x73: {  	_ =	swait.ge [sflag:s7], $0x500  }
0x74: {  	[sflag:s7] =	ssyncset.done $0x0  }
0x75: {  	[sflag:s7] =	ssyncadd.s32 $0xFFFFFB00  }
0x76: {  	_ =	swait.ge [sflag:s7], $0x500  }
0x77: {  	[sflag:s7] =	ssyncset.done $0x0  }
0x78: {  	[sflag:s7] =	ssyncadd.s32 $0xFFFFFB00  }
0x79: {  	_ =	swait.ge [sflag:s7], $0x500  }
0x7a: {  	[sflag:s7] =	ssyncset.done $0x0  }
0x7b: {  	[sflag:s7] =	ssyncadd.s32 $0xFFFFFB00  }
0x7c: {  	_ =	swait.ge [sflag:s7], $0x500  }
0x7d: {  	[sflag:s7] =	ssyncset.done $0x0  }
0x7e: {  	[sflag:s7] =	ssyncadd.s32 $0xFFFFFB00  }
0x7f: {  	_ =	swait.ge [sflag:s7], $0x500  }
0x80: {  	[sflag:s7] =	ssyncset.done $0x0  }
0x81: {  	[sflag:s7] =	ssyncadd.s32 $0xFFFFFB00  }
0x82: {  	_ =	swait.ge [sflag:s7], $0x500  }
0x83: {  	[sflag:s7] =	ssyncset.done $0x0  }
0x84: {  	[sflag:s7] =	ssyncadd.s32 $0xFFFFFB00  }
0x85: {  	_ =	swait.ge [sflag:s7], $0x500  }
0x86: {  	[sflag:s7] =	ssyncset.done $0x0  }
0x87: {  	[sflag:s7] =	ssyncadd.s32 $0xFFFFFB00  }
0x88: {  	_ =	swait.ge [sflag:s7], $0x500  }
0x89: {  	[sflag:s7] =	ssyncset.done $0x0  }
0x8a: {  	[sflag:s7] =	ssyncadd.s32 $0xFFFFFB00  }
0x8b: {  	_ =	swait.ge [sflag:s7], $0x500  }
0x8c: {  	[sflag:s7] =	ssyncset.done $0x0  }
0x8d: {  	[sflag:s7] =	ssyncadd.s32 $0xFFFFFB00  }
0x8e: {  	_ =	swait.ge [sflag:s7], $0x500  }
0x8f: {  	[sflag:s7] =	ssyncset.done $0x0  }
0x90: {  	[sflag:s7] =	ssyncadd.s32 $0xFFFFFB00  }
0x91: {  	_ =	swait.ge [sflag:s7], $0x500  }
0x92: {  	[sflag:s7] =	ssyncset.done $0x0  }
0x93: {  	[sflag:s7] =	ssyncadd.s32 $0xFFFFFB00  }
0x94: {  	_ =	swait.ge [sflag:s7], $0x500  }
0x95: {  	[sflag:s7] =	ssyncset.done $0x0  }
0x96: {  	[sflag:s7] =	ssyncadd.s32 $0xFFFFFB00  }
0x97: {  	_ =	swait.ge [sflag:s7], $0x500  }
0x98: {  	[sflag:s7] =	ssyncset.done $0x0  }
0x99: {  	[sflag:s7] =	ssyncadd.s32 $0xFFFFFB00  }
0x9a: {  	_ =	swait.ge [sflag:s7], $0x500  }
0x9b: {  	[sflag:s7] =	ssyncset.done $0x0  }
0x9c: {  	[sflag:s7] =	ssyncadd.s32 $0xFFFFFB00  }
0x9d: {  	_ =	swait.ge [sflag:s7], $0x500  }
0x9e: {  	[sflag:s7] =	ssyncset.done $0x0  }
0x9f: {  	[sflag:s7] =	ssyncadd.s32 $0xFFFFFB00  }
0xa0: {  	_ =	swait.ge [sflag:s7], $0x500  }
0xa1: {  	[sflag:s7] =	ssyncset.done $0x0  }
0xa2: {  	[sflag:s7] =	ssyncadd.s32 $0xFFFFFB00  }
0xa3: {  	_ =	swait.ge [sflag:s7], $0x500  }
0xa4: {  	[sflag:s7] =	ssyncset.done $0x0  }
0xa5: {  	[sflag:s7] =	ssyncadd.s32 $0xFFFFFB00  }
0xa6: {  	_ =	swait.ge [sflag:s7], $0x500  }
0xa7: {  	[sflag:s7] =	ssyncset.done $0x0  }
0xa8: {  	[sflag:s7] =	ssyncadd.s32 $0xFFFFFB00  }
0xa9: {  	_ =	swait.ge [sflag:s7], $0x500  }
0xaa: {  	[sflag:s7] =	ssyncset.done $0x0  }
0xab: {  	[sflag:s7] =	ssyncadd.s32 $0xFFFFFB00  }
0xac: {  	_ =	swait.ge [sflag:s7], $0x500  }
0xad: {  	[sflag:s7] =	ssyncset.done $0x0  }
0xae: {  	[sflag:s7] =	ssyncadd.s32 $0xFFFFFB00  }
0xaf: {  	_ =	swait.ge [sflag:s7], $0x500  }
0xb0: {  	[sflag:s7] =	ssyncset.done $0x0  }
0xb1: {  	[sflag:s7] =	ssyncadd.s32 $0xFFFFFB00  }
0xb2: {  	_ =	swait.ge [sflag:s7], $0x500  }
0xb3: {  	v33 =	vadd.s32 s2, v1;
	[sflag:s7] =	ssyncset.done $0x0  }
0xb4: {  	v32 =	vor.u32 s2, v0;
	[sflag:s7] =	ssyncadd.s32 $0xFFFFFB00  }
0xb5: {  	_ =	swait.ge [sflag:s7], $0x500  }
0xb6: {  	v34 =	vadd.s32 s2, v2;
	[sflag:s7] =	ssyncset.done $0x0  }
0xb7: {  	[sflag:s7] =	ssyncadd.s32 $0xFFFFFB00  }
0xb8: {  	v35 =	vadd.s32 s2, v3;
	v33 =	vld.idx.msk [tilespmem:v33+s2+$0x0], $0xffff  }
0xb9: {  	v36 =	vld.idx.msk [tilespmem:v32+s2+$0x0], $0xffff  }
0xba: {  	v37 =	vadd.s32 s2, v4  }
0xbb: {  	v34 =	vld.idx.msk [tilespmem:v34+s2+$0x0], $0xffff  }
0xbc: {  	v38 =	vadd.s32 s2, v5  }
0xbd: {  	v35 =	vld.idx.msk [tilespmem:v35+s2+$0x0], $0xffff  }
0xbe: {  	v39 =	vadd.s32 s2, v6;
	v33 =	vadd.f32 v33, v36  }
0xbf: {  	v56 =	vld.idx.msk [tilespmem:v37+s2+$0x0], $0xffff  }
0xc0: {  	v57 =	vadd.s32 s2, v7;
	v33 =	vadd.f32 v34, v33  }
0xc1: {  	v58 =	vld.idx.msk [tilespmem:v38+s2+$0x0], $0xffff  }
0xc2: {  	v59 =	vor.u32 s2, v8;
	v33 =	vadd.f32 v35, v33  }
0xc3: {  	v60 =	vld.idx.msk [tilespmem:v39+s2+$0x0], $0xffff  }
0xc4: {  	v61 =	vadd.s32 s2, v9;
	v33 =	vadd.f32 v56, v33  }
0xc5: {  	v62 =	vld.idx.msk [tilespmem:v57+s2+$0x0], $0xffff  }
0xc6: {  	v63 =	vadd.s32 s2, v10;
	v33 =	vadd.f32 v58, v33  }
0xc7: {  	v42 =	vld.idx.msk [tilespmem:v59+s2+$0x0], $0xffff  }
0xc8: {  	v43 =	vadd.s32 s2, v11;
	v33 =	vadd.f32 v60, v33  }
0xc9: {  	v44 =	vld.idx.msk [tilespmem:v61+s2+$0x0], $0xffff  }
0xca: {  	v45 =	vadd.s32 s2, v12;
	v33 =	vadd.f32 v62, v33  }
0xcb: {  	v46 =	vld.idx.msk [tilespmem:v63+s2+$0x0], $0xffff  }
0xcc: {  	v47 =	vadd.s32 s2, v13;
	v33 =	vadd.f32 v42, v33  }
0xcd: {  	v48 =	vld.idx.msk [tilespmem:v43+s2+$0x0], $0xffff  }
0xce: {  	v49 =	vadd.s32 s2, v14;
	v33 =	vadd.f32 v44, v33  }
0xcf: {  	v50 =	vld.idx.msk [tilespmem:v45+s2+$0x0], $0xffff  }
0xd0: {  	v51 =	vadd.s32 s2, v15;
	v33 =	vadd.f32 v46, v33  }
0xd1: {  	v52 =	vld.idx.msk [tilespmem:v47+s2+$0x0], $0xffff  }
0xd2: {  	v53 =	vor.u32 s2, v16;
	v33 =	vadd.f32 v48, v33  }
0xd3: {  	v54 =	vld.idx.msk [tilespmem:v49+s2+$0x0], $0xffff  }
0xd4: {  	v55 =	vadd.s32 s2, v17;
	v33 =	vadd.f32 v50, v33  }
0xd5: {  	v56 =	vld.idx.msk [tilespmem:v51+s2+$0x0], $0xffff  }
0xd6: {  	v57 =	vadd.s32 s2, v18;
	v33 =	vadd.f32 v52, v33  }
0xd7: {  	v58 =	vld.idx.msk [tilespmem:v53+s2+$0x0], $0xffff  }
0xd8: {  	v59 =	vadd.s32 s2, v19;
	v33 =	vadd.f32 v54, v33  }
0xd9: {  	v60 =	vld.idx.msk [tilespmem:v55+s2+$0x0], $0xffff  }
0xda: {  	v61 =	vadd.s32 s2, v20;
	v33 =	vadd.f32 v56, v33  }
0xdb: {  	v62 =	vld.idx.msk [tilespmem:v57+s2+$0x0], $0xffff  }
0xdc: {  	v63 =	vadd.s32 s2, v21;
	v33 =	vadd.f32 v58, v33  }
0xdd: {  	v42 =	vld.idx.msk [tilespmem:v59+s2+$0x0], $0xffff  }
0xde: {  	v43 =	vadd.s32 s2, v22;
	v33 =	vadd.f32 v60, v33  }
0xdf: {  	v44 =	vld.idx.msk [tilespmem:v61+s2+$0x0], $0xffff  }
0xe0: {  	v45 =	vadd.s32 s2, v23;
	v33 =	vadd.f32 v62, v33  }
0xe1: {  	v46 =	vld.idx.msk [tilespmem:v63+s2+$0x0], $0xffff  }
0xe2: {  	v47 =	vor.u32 s2, v24;
	v33 =	vadd.f32 v42, v33  }
0xe3: {  	v48 =	vld.idx.msk [tilespmem:v43+s2+$0x0], $0xffff  }
0xe4: {  	v49 =	vadd.s32 s2, v25;
	v33 =	vadd.f32 v44, v33  }
0xe5: {  	v50 =	vld.idx.msk [tilespmem:v45+s2+$0x0], $0xffff  }
0xe6: {  	v51 =	vadd.s32 s2, v26;
	v33 =	vadd.f32 v46, v33  }
0xe7: {  	v52 =	vld.idx.msk [tilespmem:v47+s2+$0x0], $0xffff  }
0xe8: {  	v53 =	vadd.s32 s2, v27;
	v33 =	vadd.f32 v48, v33  }
0xe9: {  	v54 =	vld.idx.msk [tilespmem:v49+s2+$0x0], $0xffff  }
0xea: {  	v55 =	vadd.s32 s2, v28;
	v33 =	vadd.f32 v50, v33  }
0xeb: {  	v56 =	vld.idx.msk [tilespmem:v51+s2+$0x0], $0xffff  }
0xec: {  	v57 =	vadd.s32 s2, v29;
	v33 =	vadd.f32 v52, v33  }
0xed: {  	v58 =	vld.idx.msk [tilespmem:v53+s2+$0x0], $0xffff  }
0xee: {  	v59 =	vadd.s32 s2, v30;
	v33 =	vadd.f32 v54, v33  }
0xef: {  	v60 =	vld.idx.msk [tilespmem:v55+s2+$0x0], $0xffff  }
0xf0: {  	v62 =	vadd.s32 s2, v31;
	v33 =	vadd.f32 v56, v33  }
0xf1: {  	v61 =	vld.idx.msk [tilespmem:v57+s2+$0x0], $0xffff  }
0xf2: {  	v33 =	vadd.f32 v58, v33  }
0xf3: {  	v63 =	vld.idx.msk [tilespmem:v59+s2+$0x0], $0xffff  }
0xf4: {  	v33 =	vadd.f32 v60, v33  }
0xf5: {  	v35 =	vld.idx.msk [tilespmem:v62+s2+$0x0], $0xffff  }
0xf6: {  	v33 =	vadd.f32 v61, v33  }
0xf7: {  	s11 =	simm.s32 $0x10  }
0xf8: {  	v34 =	vadd.s32 s11, v1;
	v36 =	vadd.f32 v63, v33  }
0xf9: {  	s12 =	simm.s32 $0x20;
	v33 =	vor.u32 s11, v0  }
.LBB2_2:
0xfa: {  	p0 =	sne.s32 s12, $0x4F0;
	v35 =	vadd.f32 v35, v36  }
0xfb: {  	v36 =	vadd.s32 s11, v2  }
0xfc: {  	[tilespmem:v32+s8+$0x0] =	vst.idx.msk $0xffff, v35;
	v32 =	vmov v33  }
0xfd: {  	v35 =	vadd.s32 s11, v3;
	v34 =	vld.idx.msk [tilespmem:v34+s2+$0x0], $0xffff  }
0xfe: {  	v33 =	vld.idx.msk [tilespmem:v33+s2+$0x0], $0xffff  }
0xff: {  	v37 =	vadd.s32 s11, v4  }
0x100: {  	v36 =	vld.idx.msk [tilespmem:v36+s2+$0x0], $0xffff  }
0x101: {  	v38 =	vadd.s32 s11, v5  }
0x102: {  	v35 =	vld.idx.msk [tilespmem:v35+s2+$0x0], $0xffff  }
0x103: {  	v39 =	vadd.s32 s11, v6  }
0x104: {  	v33 =	vadd.f32 v34, v33;
	v34 =	vld.idx.msk [tilespmem:v37+s2+$0x0], $0xffff  }
0x105: {  	v37 =	vadd.s32 s11, v7  }
0x106: {  	v33 =	vadd.f32 v36, v33;
	v36 =	vld.idx.msk [tilespmem:v38+s2+$0x0], $0xffff  }
0x107: {  	v38 =	vor.u32 s11, v8  }
0x108: {  	v33 =	vadd.f32 v35, v33;
	v35 =	vld.idx.msk [tilespmem:v39+s2+$0x0], $0xffff  }
0x109: {  	v39 =	vadd.s32 s11, v9  }
0x10a: {  	v33 =	vadd.f32 v34, v33;
	v34 =	vld.idx.msk [tilespmem:v37+s2+$0x0], $0xffff  }
0x10b: {  	v37 =	vadd.s32 s11, v10  }
0x10c: {  	v33 =	vadd.f32 v36, v33;
	v36 =	vld.idx.msk [tilespmem:v38+s2+$0x0], $0xffff  }
0x10d: {  	v38 =	vadd.s32 s11, v11  }
0x10e: {  	v33 =	vadd.f32 v35, v33;
	v35 =	vld.idx.msk [tilespmem:v39+s2+$0x0], $0xffff  }
0x10f: {  	v39 =	vadd.s32 s11, v12  }
0x110: {  	v33 =	vadd.f32 v34, v33;
	v34 =	vld.idx.msk [tilespmem:v37+s2+$0x0], $0xffff  }
0x111: {  	v37 =	vadd.s32 s11, v13  }
0x112: {  	v33 =	vadd.f32 v36, v33;
	v36 =	vld.idx.msk [tilespmem:v38+s2+$0x0], $0xffff  }
0x113: {  	v38 =	vadd.s32 s11, v14  }
0x114: {  	v33 =	vadd.f32 v35, v33;
	v35 =	vld.idx.msk [tilespmem:v39+s2+$0x0], $0xffff  }
0x115: {  	v39 =	vadd.s32 s11, v15  }
0x116: {  	v33 =	vadd.f32 v34, v33;
	v34 =	vld.idx.msk [tilespmem:v37+s2+$0x0], $0xffff  }
0x117: {  	v37 =	vor.u32 s11, v16  }
0x118: {  	v33 =	vadd.f32 v36, v33;
	v36 =	vld.idx.msk [tilespmem:v38+s2+$0x0], $0xffff  }
0x119: {  	v38 =	vadd.s32 s11, v17  }
0x11a: {  	v33 =	vadd.f32 v35, v33;
	v35 =	vld.idx.msk [tilespmem:v39+s2+$0x0], $0xffff  }
0x11b: {  	v39 =	vadd.s32 s11, v18  }
0x11c: {  	v33 =	vadd.f32 v34, v33;
	v34 =	vld.idx.msk [tilespmem:v37+s2+$0x0], $0xffff  }
0x11d: {  	v37 =	vadd.s32 s11, v19  }
0x11e: {  	v33 =	vadd.f32 v36, v33;
	v36 =	vld.idx.msk [tilespmem:v38+s2+$0x0], $0xffff  }
0x11f: {  	v38 =	vadd.s32 s11, v20  }
0x120: {  	v33 =	vadd.f32 v35, v33;
	v35 =	vld.idx.msk [tilespmem:v39+s2+$0x0], $0xffff  }
0x121: {  	v39 =	vadd.s32 s11, v21  }
0x122: {  	v33 =	vadd.f32 v34, v33;
	v34 =	vld.idx.msk [tilespmem:v37+s2+$0x0], $0xffff  }
0x123: {  	v37 =	vadd.s32 s11, v22  }
0x124: {  	v33 =	vadd.f32 v36, v33;
	v36 =	vld.idx.msk [tilespmem:v38+s2+$0x0], $0xffff  }
0x125: {  	v38 =	vadd.s32 s11, v23  }
0x126: {  	v33 =	vadd.f32 v35, v33;
	v35 =	vld.idx.msk [tilespmem:v39+s2+$0x0], $0xffff  }
0x127: {  	v39 =	vor.u32 s11, v24  }
0x128: {  	v33 =	vadd.f32 v34, v33;
	v34 =	vld.idx.msk [tilespmem:v37+s2+$0x0], $0xffff  }
0x129: {  	v37 =	vadd.s32 s11, v25  }
0x12a: {  	v33 =	vadd.f32 v36, v33;
	v36 =	vld.idx.msk [tilespmem:v38+s2+$0x0], $0xffff  }
0x12b: {  	v38 =	vadd.s32 s11, v26  }
0x12c: {  	v33 =	vadd.f32 v35, v33;
	v35 =	vld.idx.msk [tilespmem:v39+s2+$0x0], $0xffff  }
0x12d: {  	v39 =	vadd.s32 s11, v27  }
0x12e: {  	v33 =	vadd.f32 v34, v33;
	v34 =	vld.idx.msk [tilespmem:v37+s2+$0x0], $0xffff  }
0x12f: {  	v37 =	vadd.s32 s11, v28  }
0x130: {  	v33 =	vadd.f32 v36, v33;
	v36 =	vld.idx.msk [tilespmem:v38+s2+$0x0], $0xffff  }
0x131: {  	v38 =	vadd.s32 s11, v29  }
0x132: {  	v33 =	vadd.f32 v35, v33;
	v35 =	vld.idx.msk [tilespmem:v39+s2+$0x0], $0xffff  }
0x133: {  	v39 =	vadd.s32 s11, v30  }
0x134: {  	v33 =	vadd.f32 v34, v33;
	v34 =	vld.idx.msk [tilespmem:v37+s2+$0x0], $0xffff  }
0x135: {  	v37 =	vadd.s32 s11, v31;
	s11 =	smov.u32 s12  }
0x136: {  	v33 =	vadd.f32 v36, v33;
	v36 =	vld.idx.msk [tilespmem:v38+s2+$0x0], $0xffff;
	_ =	sdelay $0x1  }
0x137: {  	v33 =	vadd.f32 v35, v33;
	v38 =	vld.idx.msk [tilespmem:v39+s2+$0x0], $0xffff;
	_ =	sdelay $0x1  }
0x138: {  	v33 =	vadd.f32 v34, v33;
	v35 =	vld.idx.msk [tilespmem:v37+s2+$0x0], $0xffff  }
.Ltmp0:
0x139: {  	(pc) =	sbr.rel @p0 .LBB2_2-.Ltmp0, $3  }
0x13a: {  	v33 =	vadd.f32 v36, v33;
	_ =	sdelay $0x1  }
0x13b: {  	v34 =	vadd.s32 s12, v1;
	v36 =	vadd.f32 v38, v33  }
0x13c: {  	s12 =	sadd.s32 $0x10, s12;
	v33 =	vor.u32 s11, v0  }
0x13d: {  	_ =	sdelay $0x1  }
0x13e: {  	v35 =	vadd.f32 v35, v36  }
0x13f: {  	v53 =	vadd.s32 s11, v2  }
0x140: {  	[tilespmem:v32+s8+$0x0] =	vst.idx.msk $0xffff, v35  }
0x141: {  	v54 =	vadd.s32 s11, v3;
	v32 =	vld.idx.msk [tilespmem:v34+s2+$0x0], $0xffff  }
0x142: {  	v35 =	vld.idx.msk [tilespmem:v33+s2+$0x0], $0xffff  }
0x143: {  	v37 =	vadd.s32 s11, v4  }
0x144: {  	v36 =	vld.idx.msk [tilespmem:v53+s2+$0x0], $0xffff  }
0x145: {  	v38 =	vadd.s32 s11, v5  }
0x146: {  	v34 =	vld.idx.msk [tilespmem:v54+s2+$0x0], $0xffff  }
0x147: {  	v39 =	vadd.s32 s11, v6;
	v32 =	vadd.f32 v32, v35  }
0x148: {  	v55 =	vld.idx.msk [tilespmem:v37+s2+$0x0], $0xffff  }
0x149: {  	v56 =	vadd.s32 s11, v7;
	v32 =	vadd.f32 v36, v32  }
0x14a: {  	v57 =	vld.idx.msk [tilespmem:v38+s2+$0x0], $0xffff  }
0x14b: {  	v58 =	vor.u32 s11, v8;
	v32 =	vadd.f32 v34, v32  }
0x14c: {  	v59 =	vld.idx.msk [tilespmem:v39+s2+$0x0], $0xffff  }
0x14d: {  	v60 =	vadd.s32 s11, v9;
	v32 =	vadd.f32 v55, v32  }
0x14e: {  	v61 =	vld.idx.msk [tilespmem:v56+s2+$0x0], $0xffff  }
0x14f: {  	v62 =	vadd.s32 s11, v10;
	v32 =	vadd.f32 v57, v32  }
0x150: {  	v63 =	vld.idx.msk [tilespmem:v58+s2+$0x0], $0xffff  }
0x151: {  	v42 =	vadd.s32 s11, v11;
	v32 =	vadd.f32 v59, v32  }
0x152: {  	v43 =	vld.idx.msk [tilespmem:v60+s2+$0x0], $0xffff  }
0x153: {  	v44 =	vadd.s32 s11, v12;
	v32 =	vadd.f32 v61, v32  }
0x154: {  	v45 =	vld.idx.msk [tilespmem:v62+s2+$0x0], $0xffff  }
0x155: {  	v46 =	vadd.s32 s11, v13;
	v32 =	vadd.f32 v63, v32  }
0x156: {  	v47 =	vld.idx.msk [tilespmem:v42+s2+$0x0], $0xffff  }
0x157: {  	v48 =	vadd.s32 s11, v14;
	v32 =	vadd.f32 v43, v32  }
0x158: {  	v49 =	vld.idx.msk [tilespmem:v44+s2+$0x0], $0xffff  }
0x159: {  	v50 =	vadd.s32 s11, v15;
	v32 =	vadd.f32 v45, v32  }
0x15a: {  	v51 =	vld.idx.msk [tilespmem:v46+s2+$0x0], $0xffff  }
0x15b: {  	v52 =	vor.u32 s11, v16;
	v32 =	vadd.f32 v47, v32  }
0x15c: {  	v53 =	vld.idx.msk [tilespmem:v48+s2+$0x0], $0xffff  }
0x15d: {  	v54 =	vadd.s32 s11, v17;
	v32 =	vadd.f32 v49, v32  }
0x15e: {  	v55 =	vld.idx.msk [tilespmem:v50+s2+$0x0], $0xffff  }
0x15f: {  	v56 =	vadd.s32 s11, v18;
	v32 =	vadd.f32 v51, v32  }
0x160: {  	v57 =	vld.idx.msk [tilespmem:v52+s2+$0x0], $0xffff  }
0x161: {  	v58 =	vadd.s32 s11, v19;
	v32 =	vadd.f32 v53, v32  }
0x162: {  	v59 =	vld.idx.msk [tilespmem:v54+s2+$0x0], $0xffff  }
0x163: {  	v60 =	vadd.s32 s11, v20;
	v32 =	vadd.f32 v55, v32  }
0x164: {  	v61 =	vld.idx.msk [tilespmem:v56+s2+$0x0], $0xffff  }
0x165: {  	v62 =	vadd.s32 s11, v21;
	v32 =	vadd.f32 v57, v32  }
0x166: {  	v63 =	vld.idx.msk [tilespmem:v58+s2+$0x0], $0xffff  }
0x167: {  	v42 =	vadd.s32 s11, v22;
	v32 =	vadd.f32 v59, v32  }
0x168: {  	v43 =	vld.idx.msk [tilespmem:v60+s2+$0x0], $0xffff  }
0x169: {  	v44 =	vadd.s32 s11, v23;
	v32 =	vadd.f32 v61, v32  }
0x16a: {  	v45 =	vld.idx.msk [tilespmem:v62+s2+$0x0], $0xffff  }
0x16b: {  	v46 =	vor.u32 s11, v24;
	v32 =	vadd.f32 v63, v32  }
0x16c: {  	v47 =	vld.idx.msk [tilespmem:v42+s2+$0x0], $0xffff  }
0x16d: {  	v48 =	vadd.s32 s11, v25;
	v32 =	vadd.f32 v43, v32  }
0x16e: {  	v49 =	vld.idx.msk [tilespmem:v44+s2+$0x0], $0xffff  }
0x16f: {  	v50 =	vadd.s32 s11, v26;
	v32 =	vadd.f32 v45, v32  }
0x170: {  	v51 =	vld.idx.msk [tilespmem:v46+s2+$0x0], $0xffff  }
0x171: {  	v52 =	vadd.s32 s11, v27;
	v32 =	vadd.f32 v47, v32  }
0x172: {  	v53 =	vld.idx.msk [tilespmem:v48+s2+$0x0], $0xffff  }
0x173: {  	v54 =	vadd.s32 s11, v28;
	v32 =	vadd.f32 v49, v32  }
0x174: {  	v55 =	vld.idx.msk [tilespmem:v50+s2+$0x0], $0xffff  }
0x175: {  	v56 =	vadd.s32 s11, v29;
	v32 =	vadd.f32 v51, v32  }
0x176: {  	v57 =	vld.idx.msk [tilespmem:v52+s2+$0x0], $0xffff  }
0x177: {  	v58 =	vadd.s32 s11, v30;
	v32 =	vadd.f32 v53, v32  }
0x178: {  	v59 =	vld.idx.msk [tilespmem:v54+s2+$0x0], $0xffff  }
0x179: {  	v60 =	vadd.s32 s11, v31;
	v32 =	vadd.f32 v55, v32  }
0x17a: {  	v61 =	vld.idx.msk [tilespmem:v56+s2+$0x0], $0xffff  }
0x17b: {  	v32 =	vadd.f32 v57, v32  }
0x17c: {  	v62 =	vld.idx.msk [tilespmem:v58+s2+$0x0], $0xffff  }
0x17d: {  	v32 =	vadd.f32 v59, v32  }
0x17e: {  	v63 =	vld.idx.msk [tilespmem:v60+s2+$0x0], $0xffff  }
0x17f: {  	v32 =	vadd.f32 v61, v32;
	_ =	sdelay $0x1  }
0x180: {  	v32 =	vadd.f32 v62, v32;
	_ =	sdelay $0x1  }
0x181: {  	s10 =	sadd.s32 $0x1, s10;
	v32 =	vadd.f32 v63, v32  }
0x182: {  	p0 =	sne.s32 s10, s6  }
.Ltmp1:
0x183: {  	[tilespmem:v33+s8+$0x0] =	vst.idx.msk $0xffff, v32;
	(pc) =	sbr.rel @p0 .LBB2_1-.Ltmp1, $4  }
0x184: {  	[hbm4b:s5+s2] =	stream.linear.scatter [tilespmem:s8], [sflag:$0x2], $0x500, $0x38;
	[tilespmem:$0xA500] =	vst v63  }
0x185: {  	_ =	swait.ge [sflag:s9], $0x500  }
0x186: {  	[sflag:s9] =	ssyncset.done $0x0  }
0x187: {  	[sflag:s9] =	ssyncadd.s32 $0xFFFFFB00  }
0x188: {  	_ =	sfence.sel $0x180000  }
0x189: {  	[bflag:$0x0] =	sbarrier.arrive $0xFFFF  }
0x18a: {  	_ =	strace $0x9000004A  }
0x18b: {  	s0 =	stileid.u32;
	[bflag:$0x2] =	sbarrier.arrive $0xFFFF  }
0x18c: {  	p0 =	sne.s32 s0, $0x0;
	s0 =	rddreg [dreg:$0x1]  }
0x18d: {  	s0 =	sadd.s32 @!p0 $0x100000, s0  }
0x18e: {  	[sflag:s0] =	ssyncadd.tile.s32 @!p0 $0x1;
	_ =	shalt  }
.Lfunc_end2:
_tile_overlayer_lowered:
.L_overlay_start_2:
0x18f: {  	(tag) =	ssettag $0x2  }
0x190: {  	s0 =	rddreg [dreg:$0x0];
	s2 =	stileid.u32  }
0x191: {  	s1 =	rddreg [dreg:$0x1];
	p0 =	sne.s32 s2, $0x0  }
0x192: {  	s3 =	rddreg [dreg:$0x2];
	[bflag:$0x3] =	sbarrier.arrive $0xFFFF;
	s2 =	simm.s32 @!p0 $0x1C02  }
0x193: {  	[timem:s3], [sflag:s2] =	dma.local @!p0 [hbm:s0], s1  }
0x194: {  	s0 =	simm.s32 @!p0 $0x2  }
0x195: {  	_ =	swait.ge @!p0 [sflag:s0], s1  }
0x196: {  	s1 =	ssub.s32 @!p0 $0x0, s1;
	[sflag:s0] =	ssyncset.done @!p0 $0x0  }
0x197: {  	[sflag:s0] =	ssyncadd.s32 @!p0 s1  }
0x198: {  	[bflag:$0x3] =	sbarrier.arrive $0xFFFF  }
0x199: {  	_ =	shalt  }

</sc_bundles>
